<compile_context>
chip_gen: v7x
topology: tpu7x:2x2x1
jax: 0.10.2.dev20260603
libtpu: 0.0.44.dev20260713+nightly
codegen_flags: <defaults>
</compile_context>

<pallas_src>
import functools

import jax
import jax.numpy as jnp
from jax import lax
from jax.experimental import pallas as pl
from jax.experimental.pallas import tpu as pltpu, tpu_sc as plsc

N = 10000
D = 128
E = 320000
R = 4
H = 8
O = 16
SEM_HID = 256

NC = 2
NS = 16
NW = NC * NS
PER_TILE = E // NW
C = 80
CHUNKS = PER_TILE // C
NPAD = N + 1
DROWS = N // 16 + 1
ACCR = NPAD + DROWS


def _prep_body(x_ref, wt_ref, mst_ref, mdt_ref, h_out, as_out, ad_out):
    xb = x_ref[...]
    for r in range(R):
        hr = jnp.dot(xb, wt_ref[r], preferred_element_type=jnp.float32)
        h_out[r] = hr
        as_out[r] = jnp.dot(hr, mst_ref[r], preferred_element_type=jnp.float32)
        ad_out[r] = jnp.dot(hr, mdt_ref[r], preferred_element_type=jnp.float32)


def _sc_body(rel, src_hbm, dst_hbm, typ_hbm, as_hbm, ad_hbm, h_hbm, pat_hbm,
             z_hbm, acc_out, src_v, dst_v, typ_v, deff_v, deni_v, rowp_v,
             as_v, ad_v, h_v, w_v, acc_sh, sem):
    cid = lax.axis_index("c")
    sid = lax.axis_index("s")
    wid = sid * NC + cid

    @pl.when(sid == 0)
    def _():
        pltpu.sync_copy(z_hbm, acc_sh)

    plsc.subcore_barrier()

    def chunk(k, carry):
        base = wid * PER_TILE + k * C
        pltpu.sync_copy(src_hbm.at[pl.ds(base, C)], src_v)
        pltpu.sync_copy(dst_hbm.at[pl.ds(base, C)], dst_v)
        pltpu.sync_copy(typ_hbm.at[pl.ds(base, C)], typ_v)
        pltpu.async_copy(as_hbm.at[src_v], as_v, sem).wait()
        pltpu.async_copy(ad_hbm.at[dst_v], ad_v, sem).wait()
        pltpu.async_copy(h_hbm.at[src_v], h_v, sem).wait()

        for i in range(C // 16):
            sl = pl.ds(i * 16, 16)
            de = jnp.where(typ_v[sl] == rel, dst_v[sl], N)
            deff_v[sl] = de
            deni_v[sl] = NPAD + lax.shift_right_logical(de, 4)
            rowp_v[sl] = jnp.bitwise_and(de, 15)

        def wbody(c, c2):
            al = as_v[c, pl.ds(0, 16)] + ad_v[c, pl.ds(0, 16)]
            al = jnp.where(al > 0, al, al * 0.2)
            w_v[c] = jnp.exp(al)
            return c2

        lax.fori_loop(0, C, wbody, 0)

        pltpu.async_copy(pat_hbm.at[rowp_v], ad_v, sem).wait()

        def gbody(c, c2):
            w = w_v[c]
            for g8 in range(H):
                sl2 = pl.ds(g8 * 16, 16)
                as_v[c, sl2] = h_v[c, sl2] * w
                ad_v[c, sl2] = ad_v[c, sl2] * w
            return c2

        lax.fori_loop(0, C, gbody, 0)
        pltpu.sync_copy(as_v, acc_sh.at[deff_v], add=True)
        pltpu.sync_copy(ad_v, acc_sh.at[deni_v], add=True)
        return carry

    lax.fori_loop(0, CHUNKS, chunk, 0)
    plsc.subcore_barrier()

    @pl.when(sid == 0)
    def _():
        pltpu.sync_copy(acc_sh, acc_out.at[cid])


def _combine_body(a00, a01, a02, a03, a10, a11, a12, a13, d0, d1, d2, d3,
                  h_ref, as_ref, ad_ref, typ_ref, exp_ref, perm_ref, w1t_ref,
                  b1_ref, w2_ref, bias_ref, out_ref):
    accs0 = (a00, a01, a02, a03)
    accs1 = (a10, a11, a12, a13)
    dens = (d0, d1, d2, d3)
    types = typ_ref[...]
    expand = exp_ref[...]
    zs = []
    scores = []
    for r in range(R):
        num = accs0[r][...] + accs1[r][...]
        den8 = jnp.sum(dens[r][...], axis=0)
        aself = as_ref[r][:, :16] + ad_ref[r][:, :16]
        aself = jnp.where(aself > 0, aself, aself * 0.2)
        wself = jnp.exp(aself)[:, :H]
        w128 = jnp.dot(wself, expand, preferred_element_type=jnp.float32)
        den128 = jnp.dot(den8 + wself, expand,
                         preferred_element_type=jnp.float32)
        outr_t = (num + w128 * h_ref[r]) / (den128 + 1e-16)
        outr = (jnp.dot(outr_t, perm_ref[...],
                        preferred_element_type=jnp.float32)
                + bias_ref[r][None, :])
        cnt = jnp.sum(jnp.where(types == r, 1, 0))
        zr = jnp.where(cnt > 0, outr, 0.0)
        sr = jnp.sum(
            jnp.tanh(jnp.dot(zr, w1t_ref[...],
                             preferred_element_type=jnp.float32) + b1_ref[...])
            * w2_ref[...], axis=1, keepdims=True)
        zs.append(zr)
        scores.append(sr)
    m = jnp.maximum(jnp.maximum(scores[0], scores[1]),
                    jnp.maximum(scores[2], scores[3]))
    es = [jnp.exp(s - m) for s in scores]
    se = es[0] + es[1] + es[2] + es[3]
    out_ref[...] = (es[0] * zs[0] + es[1] * zs[1] + es[2] * zs[2]
                    + es[3] * zs[3]) / se


def kernel(x, edge_indices, edge_types, W, att_src, att_dst, bias, sem_W1,
           sem_b1, sem_W2):
    f32 = jnp.float32
    WT = jnp.transpose(W, (0, 2, 1))
    P = jnp.concatenate([jnp.eye(H, dtype=f32), jnp.eye(H, dtype=f32)], axis=1)
    MsT = jnp.pad(jnp.einsum('rhj,hl->rhjl', att_src, P).reshape(R, D, 16),
                  ((0, 0), (0, 0), (0, D - 16)))
    MdT = jnp.pad(jnp.einsum('rhj,hl->rhjl', att_dst, P).reshape(R, D, 16),
                  ((0, 0), (0, 0), (0, D - 16)))
    li = jnp.arange(D)
    cmap = (li % H) * O + li // H
    WT = WT[:, :, cmap]
    MsT = MsT[:, cmap, :]
    MdT = MdT[:, cmap, :]
    PERM = jax.nn.one_hot(cmap, D, dtype=f32)
    expand = jnp.tile(jnp.eye(H, dtype=f32), (1, O))
    den_pat = (li[None, :] // H == jnp.arange(16)[:, None]).astype(f32)
    src = edge_indices[0]
    dst = edge_indices[1]
    typ = edge_types
    zeros = jnp.zeros((ACCR, D), f32)
    typm = edge_types.reshape(E // D, D)
    W1T = sem_W1.T
    b1r = sem_b1.reshape(1, SEM_HID)
    w2r = sem_W2.reshape(1, SEM_HID)

    grid = 10
    blk = N // grid
    h4, as_t, ad_t = pl.pallas_call(
        _prep_body,
        grid=(grid,),
        in_specs=[
            pl.BlockSpec((blk, D), lambda i: (i, 0)),
            pl.BlockSpec((R, D, D), lambda i: (0, 0, 0)),
            pl.BlockSpec((R, D, D), lambda i: (0, 0, 0)),
            pl.BlockSpec((R, D, D), lambda i: (0, 0, 0)),
        ],
        out_specs=[
            pl.BlockSpec((R, blk, D), lambda i: (0, i, 0)),
            pl.BlockSpec((R, blk, D), lambda i: (0, i, 0)),
            pl.BlockSpec((R, blk, D), lambda i: (0, i, 0)),
        ],
        out_shape=[
            jax.ShapeDtypeStruct((R, N, D), f32),
            jax.ShapeDtypeStruct((R, N, D), f32),
            jax.ShapeDtypeStruct((R, N, D), f32),
        ],
    )(x, WT, MsT, MdT)

    mesh = plsc.VectorSubcoreMesh(core_axis_name="c", subcore_axis_name="s")
    accs = []
    for r in range(R):
        sc = functools.partial(
            pl.kernel,
            mesh=mesh,
            out_type=jax.ShapeDtypeStruct((NC, ACCR, D), f32),
            scratch_types=[
                pltpu.VMEM((C,), jnp.int32),
                pltpu.VMEM((C,), jnp.int32),
                pltpu.VMEM((C,), jnp.int32),
                pltpu.VMEM((C,), jnp.int32),
                pltpu.VMEM((C,), jnp.int32),
                pltpu.VMEM((C,), jnp.int32),
                pltpu.VMEM((C, D), f32),
                pltpu.VMEM((C, D), f32),
                pltpu.VMEM((C, D), f32),
                pltpu.VMEM((C, 16), f32),
                pltpu.VMEM_SHARED((ACCR, D), f32),
                pltpu.SemaphoreType.DMA,
            ],
        )(functools.partial(_sc_body, r))
        accs.append(sc(src, dst, typ, as_t[r], ad_t[r], h4[r], den_pat,
                       zeros))

    a0 = [a[0, :N] for a in accs]
    a1 = [a[1, :N] for a in accs]
    d4 = [a[:, NPAD:NPAD + N // 16, :].reshape(NC, N, H) for a in accs]

    full = lambda shape: pl.BlockSpec(shape, lambda i: tuple(0 for _ in shape))
    out = pl.pallas_call(
        _combine_body,
        grid=(grid,),
        in_specs=(
            [pl.BlockSpec((blk, D), lambda i: (i, 0))] * 8
            + [pl.BlockSpec((NC, blk, H), lambda i: (0, i, 0))] * 4
            + [
                pl.BlockSpec((R, blk, D), lambda i: (0, i, 0)),
                pl.BlockSpec((R, blk, D), lambda i: (0, i, 0)),
                pl.BlockSpec((R, blk, D), lambda i: (0, i, 0)),
                full((E // D, D)),
                full((H, D)),
                full((D, D)),
                full((D, SEM_HID)),
                full((1, SEM_HID)),
                full((1, SEM_HID)),
                full((R, D)),
            ]
        ),
        out_specs=pl.BlockSpec((blk, D), lambda i: (i, 0)),
        out_shape=jax.ShapeDtypeStruct((N, D), f32),
    )(*a0, *a1, *d4, h4, as_t, ad_t, typm, expand, PERM, W1T, b1r, w2r, bias)
    return out

# --- scband reference (transcript-rebuilt; emitter-appended) ---
"""Pipeline reference for scband-hanlayer-31250182046568 (READ-ONLY COPY).

The authoritative reference and input builder live on the scoring server;
editing this copy changes nothing except your own understanding.
"""

import jax, jax.numpy as jnp
import numpy as np

N = 10000
D = 128
E = 320000
R = 4
HEADS = 8
OUT = D // HEADS  # 16, concat -> 128
SEM_HID = 256


def setup_inputs(seed: int = 0) -> dict:
    key = jax.random.key(seed)
    ks = jax.random.split(key, 12)
    x = jax.random.normal(ks[0], (N, D), dtype=jnp.float32)
    edge_indices = jax.random.randint(ks[1], (2, E), 0, N, dtype=jnp.int32)
    edge_types = jax.random.randint(ks[2], (E,), 0, R, dtype=jnp.int32)
    # per-relation GATConv parameters (stacked over relations)
    W = jax.random.normal(ks[3], (R, HEADS * OUT, D), dtype=jnp.float32) * 0.05
    att_src = jax.random.normal(ks[4], (R, HEADS, OUT), dtype=jnp.float32) * 0.05
    att_dst = jax.random.normal(ks[5], (R, HEADS, OUT), dtype=jnp.float32) * 0.05
    bias = jnp.zeros((R, HEADS * OUT), dtype=jnp.float32)
    # semantic attention params: Linear(D, 256) -> tanh -> Linear(256, 1, bias=False)
    sem_W1 = jax.random.normal(ks[6], (SEM_HID, D), dtype=jnp.float32) * 0.05
    sem_b1 = jnp.zeros((SEM_HID,), dtype=jnp.float32)
    sem_W2 = jax.random.normal(ks[7], (1, SEM_HID), dtype=jnp.float32) * 0.05
    return {"x": x, "edge_indices": edge_indices, "edge_types": edge_types,
            "W": W, "att_src": att_src, "att_dst": att_dst, "bias": bias,
            "sem_W1": sem_W1, "sem_b1": sem_b1, "sem_W2": sem_W2}


def gat_conv(x, ei, emask, W_r, a_src, a_dst, b_r):
    # PyG GATConv (eval mode: dropout disabled), add_self_loops=True, concat=True
    h = (x @ W_r.T).reshape(N, HEADS, OUT)
    loop = jnp.arange(N, dtype=ei.dtype)
    src = jnp.concatenate([ei[0], loop])
    dst = jnp.concatenate([ei[1], loop])
    fmask = jnp.concatenate([emask, jnp.ones((N,), dtype=bool)])[:, None]
    alpha_src = (h * a_src[None]).sum(-1)  # [N, HEADS]
    alpha_dst = (h * a_dst[None]).sum(-1)
    alpha = alpha_src[src] + alpha_dst[dst]  # [E+N, HEADS]
    alpha = jax.nn.leaky_relu(alpha, negative_slope=0.2)
    amax = jax.ops.segment_max(jnp.where(fmask, alpha, -jnp.inf), dst, num_segments=N)
    amax = jnp.where(jnp.isfinite(amax), amax, 0.0)
    ex = jnp.where(fmask, jnp.exp(alpha - amax[dst]), 0.0)
    denom = jax.ops.segment_sum(ex, dst, num_segments=N)
    alpha = ex / (denom[dst] + 1e-16)
    msg = h[src] * alpha[:, :, None]  # [E+N, HEADS, OUT]
    out = jax.ops.segment_sum(msg, dst, num_segments=N)
    return out.reshape(N, HEADS * OUT) + b_r


def semantic_attention(z, sem_W1, sem_b1, sem_W2):
    # z: [R, N, D]
    w = jnp.tanh(z @ sem_W1.T + sem_b1) @ sem_W2.T  # [R, N, 1]
    beta = jax.nn.softmax(w, axis=0)
    return (beta * z).sum(0)


def reference(x, edge_indices, edge_types, W, att_src, att_dst, bias, sem_W1, sem_b1, sem_W2):
    semantic_embeddings = []
    for r in range(R):
        m = edge_types == r
        out = gat_conv(x, edge_indices, m, W[r], att_src[r], att_dst[r], bias[r])
        semantic_embeddings.append(jnp.where(m.any(), out, jnp.zeros_like(x)))
    z = jnp.stack(semantic_embeddings, axis=0)  # [R, N, D]
    return semantic_attention(z, sem_W1, sem_b1, sem_W2)

if __name__ == "__main__":
    import jax
    _d = setup_inputs()
    print(jax.jit(kernel)(*tuple(_d.values())))

</pallas_src>

<mosaic_0001>
#map = affine_map<(d0, d1) -> (0)>
#map1 = affine_map<(d0, d1) -> (0, 0)>
#map2 = affine_map<(d0, d1) -> (0, 0, 0)>
module attributes {stable_mosaic.version = 14 : i64} {
  func.func @_sc_body(%arg0: i32, %arg1: i32, %arg2: memref<320000xi32, #tpu.memory_space<hbm>>, %arg3: memref<320000xi32, #tpu.memory_space<hbm>>, %arg4: memref<320000xi32, #tpu.memory_space<hbm>>, %arg5: memref<10000x128xf32, #tpu.memory_space<hbm>>, %arg6: memref<10000x128xf32, #tpu.memory_space<hbm>>, %arg7: memref<10000x128xf32, #tpu.memory_space<hbm>>, %arg8: memref<16x128xf32, #tpu.memory_space<hbm>>, %arg9: memref<10627x128xf32, #tpu.memory_space<hbm>>, %arg10: memref<2x10627x128xf32, #tpu.memory_space<hbm>>, %arg11: memref<80xi32, #tpu.memory_space<vmem>>, %arg12: memref<80xi32, #tpu.memory_space<vmem>>, %arg13: memref<80xi32, #tpu.memory_space<vmem>>, %arg14: memref<80xi32, #tpu.memory_space<vmem>>, %arg15: memref<80xi32, #tpu.memory_space<vmem>>, %arg16: memref<80xi32, #tpu.memory_space<vmem>>, %arg17: memref<80x128xf32, #tpu.memory_space<vmem>>, %arg18: memref<80x128xf32, #tpu.memory_space<vmem>>, %arg19: memref<80x128xf32, #tpu.memory_space<vmem>>, %arg20: memref<80x16xf32, #tpu.memory_space<vmem>>, %arg21: memref<10627x128xf32, #tpu.memory_space<vmem_shared>>, %arg22: memref<!tpu.dma_semaphore, #tpu.memory_space<semaphore_mem>>) attributes {dimension_semantics = [#tpu.dimension_semantics<core_parallel>, #tpu.dimension_semantics<subcore_parallel>], iteration_bounds = array<i64: 2, 16>, scalar_prefetch = 0 : i64, scratch_operands = 12 : i64, tpu.core_type = #tpu.core_type<sc_vector_subcore>, window_params = [{transform_indices = #map}, {transform_indices = #map}, {transform_indices = #map}, {transform_indices = #map1}, {transform_indices = #map1}, {transform_indices = #map1}, {transform_indices = #map1}, {transform_indices = #map1}, {transform_indices = #map2}]} {
    %mul3A = arith.constant 2 : i32
    %mul3A_0 = arith.muli %arg1, %mul3A : i32
    %add3A = arith.addi %mul3A_0, %arg0 : i32
    %eq3A = arith.constant 0 : i32
    %eq3A_1 = arith.cmpi eq, %arg1, %eq3A : i32
    %convert_element_type3A = arith.extui %eq3A_1 : i1 to i32
    %cond3A = arith.constant 0 : i32
    %cond3A_2 = arith.cmpi ne, %convert_element_type3A, %cond3A : i32
    scf.if %cond3A_2 {
      "tpu.region"() ({
        %run_scoped3A = tpu.sem_alloc : memref<!tpu.dma_semaphore, #tpu.memory_space<semaphore_mem>>
        tpu.enqueue_dma source(%arg9 : memref<10627x128xf32, #tpu.memory_space<hbm>>) target(%arg21 : memref<10627x128xf32, #tpu.memory_space<vmem_shared>>) target_semaphore(%run_scoped3A : memref<!tpu.dma_semaphore, #tpu.memory_space<semaphore_mem>>)
        tpu.wait_dma2 semaphore(%run_scoped3A : memref<!tpu.dma_semaphore, #tpu.memory_space<semaphore_mem>>) src(%arg9 : memref<10627x128xf32, #tpu.memory_space<hbm>>) dst(%arg21 : memref<10627x128xf32, #tpu.memory_space<vmem_shared>>)
        tpu.yield
      }) : () -> ()
    } else {
    }
    %barrier3A = arith.constant 0 : index
    tpu.barrier barrier_id(%barrier3A)
    %scan3A = arith.constant 0 : i32
    %scan3A_3 = arith.constant 0 : i32
    %scan3A_4 = arith.constant 125 : i32
    %scan3A_5 = arith.addi %scan3A_3, %scan3A_4 : i32
    %scan3A_6 = arith.constant 1 : i32
    scf.for %scan3A_14 = %scan3A_3 to %scan3A_5 step %scan3A_6  : i32 {
      %mul3A_15 = arith.constant 10000 : i32
      %mul3A_16 = arith.muli %add3A, %mul3A_15 : i32
      %mul3A_17 = arith.constant 80 : i32
      %mul3A_18 = arith.muli %scan3A_14, %mul3A_17 : i32
      %add3A_19 = arith.addi %mul3A_16, %mul3A_18 : i32
      "tpu.region"() ({
        %run_scoped3A = tpu.sem_alloc : memref<!tpu.dma_semaphore, #tpu.memory_space<semaphore_mem>>
        %dma_start3A_212 = tpu.memref_slice %arg2[%add3A_19] : memref<320000xi32, #tpu.memory_space<hbm>> -> memref<80xi32, #tpu.memory_space<hbm>>
        %dma_start3A_213 = tpu.memref_slice %arg2[%add3A_19] : memref<320000xi32, #tpu.memory_space<hbm>> -> memref<80xi32, #tpu.memory_space<hbm>>
        tpu.enqueue_dma source(%dma_start3A_213 : memref<80xi32, #tpu.memory_space<hbm>>) target(%arg11 : memref<80xi32, #tpu.memory_space<vmem>>) target_semaphore(%run_scoped3A : memref<!tpu.dma_semaphore, #tpu.memory_space<semaphore_mem>>)
        %dma_wait3A_214 = tpu.memref_slice %arg2[%add3A_19] : memref<320000xi32, #tpu.memory_space<hbm>> -> memref<80xi32, #tpu.memory_space<hbm>>
        %dma_wait3A_215 = tpu.memref_slice %arg2[%add3A_19] : memref<320000xi32, #tpu.memory_space<hbm>> -> memref<80xi32, #tpu.memory_space<hbm>>
        tpu.wait_dma2 semaphore(%run_scoped3A : memref<!tpu.dma_semaphore, #tpu.memory_space<semaphore_mem>>) src(%dma_wait3A_215 : memref<80xi32, #tpu.memory_space<hbm>>) dst(%arg11 : memref<80xi32, #tpu.memory_space<vmem>>)
        tpu.yield
      }) : () -> ()
      "tpu.region"() ({
        %run_scoped3A = tpu.sem_alloc : memref<!tpu.dma_semaphore, #tpu.memory_space<semaphore_mem>>
        %dma_start3A_212 = tpu.memref_slice %arg3[%add3A_19] : memref<320000xi32, #tpu.memory_space<hbm>> -> memref<80xi32, #tpu.memory_space<hbm>>
        %dma_start3A_213 = tpu.memref_slice %arg3[%add3A_19] : memref<320000xi32, #tpu.memory_space<hbm>> -> memref<80xi32, #tpu.memory_space<hbm>>
        tpu.enqueue_dma source(%dma_start3A_213 : memref<80xi32, #tpu.memory_space<hbm>>) target(%arg12 : memref<80xi32, #tpu.memory_space<vmem>>) target_semaphore(%run_scoped3A : memref<!tpu.dma_semaphore, #tpu.memory_space<semaphore_mem>>)
        %dma_wait3A_214 = tpu.memref_slice %arg3[%add3A_19] : memref<320000xi32, #tpu.memory_space<hbm>> -> memref<80xi32, #tpu.memory_space<hbm>>
        %dma_wait3A_215 = tpu.memref_slice %arg3[%add3A_19] : memref<320000xi32, #tpu.memory_space<hbm>> -> memref<80xi32, #tpu.memory_space<hbm>>
        tpu.wait_dma2 semaphore(%run_scoped3A : memref<!tpu.dma_semaphore, #tpu.memory_space<semaphore_mem>>) src(%dma_wait3A_215 : memref<80xi32, #tpu.memory_space<hbm>>) dst(%arg12 : memref<80xi32, #tpu.memory_space<vmem>>)
        tpu.yield
      }) : () -> ()
      "tpu.region"() ({
        %run_scoped3A = tpu.sem_alloc : memref<!tpu.dma_semaphore, #tpu.memory_space<semaphore_mem>>
        %dma_start3A_212 = tpu.memref_slice %arg4[%add3A_19] : memref<320000xi32, #tpu.memory_space<hbm>> -> memref<80xi32, #tpu.memory_space<hbm>>
        %dma_start3A_213 = tpu.memref_slice %arg4[%add3A_19] : memref<320000xi32, #tpu.memory_space<hbm>> -> memref<80xi32, #tpu.memory_space<hbm>>
        tpu.enqueue_dma source(%dma_start3A_213 : memref<80xi32, #tpu.memory_space<hbm>>) target(%arg13 : memref<80xi32, #tpu.memory_space<vmem>>) target_semaphore(%run_scoped3A : memref<!tpu.dma_semaphore, #tpu.memory_space<semaphore_mem>>)
        %dma_wait3A_214 = tpu.memref_slice %arg4[%add3A_19] : memref<320000xi32, #tpu.memory_space<hbm>> -> memref<80xi32, #tpu.memory_space<hbm>>
        %dma_wait3A_215 = tpu.memref_slice %arg4[%add3A_19] : memref<320000xi32, #tpu.memory_space<hbm>> -> memref<80xi32, #tpu.memory_space<hbm>>
        tpu.wait_dma2 semaphore(%run_scoped3A : memref<!tpu.dma_semaphore, #tpu.memory_space<semaphore_mem>>) src(%dma_wait3A_215 : memref<80xi32, #tpu.memory_space<hbm>>) dst(%arg13 : memref<80xi32, #tpu.memory_space<vmem>>)
        tpu.yield
      }) : () -> ()
      %dma_start3A = arith.constant 0 : i32
      %dma_start3A_20 = arith.constant 0 : i32
      %dma_start3A_21 = tpu.memref_slice %arg5[%dma_start3A, %dma_start3A_20] : memref<10000x128xf32, #tpu.memory_space<hbm>> -> memref<10000x128xf32, #tpu.memory_space<hbm>>
      tpu.enqueue_indirect_dma source(%dma_start3A_21 : memref<10000x128xf32, #tpu.memory_space<hbm>>) target(%arg17 : memref<80x128xf32, #tpu.memory_space<vmem>>) offsets(%arg11 : memref<80xi32, #tpu.memory_space<vmem>>) semaphore(%arg22 : memref<!tpu.dma_semaphore, #tpu.memory_space<semaphore_mem>>)
      %dma_wait3A = arith.constant 0 : i32
      %dma_wait3A_22 = arith.constant 0 : i32
      %dma_wait3A_23 = tpu.memref_slice %arg5[%dma_wait3A, %dma_wait3A_22] : memref<10000x128xf32, #tpu.memory_space<hbm>> -> memref<10000x128xf32, #tpu.memory_space<hbm>>
      tpu.wait_indirect_dma semaphore(%arg22 : memref<!tpu.dma_semaphore, #tpu.memory_space<semaphore_mem>>) src(%dma_wait3A_23 : memref<10000x128xf32, #tpu.memory_space<hbm>>) dst(%arg17 : memref<80x128xf32, #tpu.memory_space<vmem>>)
      %dma_start3A_24 = arith.constant 0 : i32
      %dma_start3A_25 = arith.constant 0 : i32
      %dma_start3A_26 = tpu.memref_slice %arg6[%dma_start3A_24, %dma_start3A_25] : memref<10000x128xf32, #tpu.memory_space<hbm>> -> memref<10000x128xf32, #tpu.memory_space<hbm>>
      tpu.enqueue_indirect_dma source(%dma_start3A_26 : memref<10000x128xf32, #tpu.memory_space<hbm>>) target(%arg18 : memref<80x128xf32, #tpu.memory_space<vmem>>) offsets(%arg12 : memref<80xi32, #tpu.memory_space<vmem>>) semaphore(%arg22 : memref<!tpu.dma_semaphore, #tpu.memory_space<semaphore_mem>>)
      %dma_wait3A_27 = arith.constant 0 : i32
      %dma_wait3A_28 = arith.constant 0 : i32
      %dma_wait3A_29 = tpu.memref_slice %arg6[%dma_wait3A_27, %dma_wait3A_28] : memref<10000x128xf32, #tpu.memory_space<hbm>> -> memref<10000x128xf32, #tpu.memory_space<hbm>>
      tpu.wait_indirect_dma semaphore(%arg22 : memref<!tpu.dma_semaphore, #tpu.memory_space<semaphore_mem>>) src(%dma_wait3A_29 : memref<10000x128xf32, #tpu.memory_space<hbm>>) dst(%arg18 : memref<80x128xf32, #tpu.memory_space<vmem>>)
      %dma_start3A_30 = arith.constant 0 : i32
      %dma_start3A_31 = arith.constant 0 : i32
      %dma_start3A_32 = tpu.memref_slice %arg7[%dma_start3A_30, %dma_start3A_31] : memref<10000x128xf32, #tpu.memory_space<hbm>> -> memref<10000x128xf32, #tpu.memory_space<hbm>>
      tpu.enqueue_indirect_dma source(%dma_start3A_32 : memref<10000x128xf32, #tpu.memory_space<hbm>>) target(%arg19 : memref<80x128xf32, #tpu.memory_space<vmem>>) offsets(%arg11 : memref<80xi32, #tpu.memory_space<vmem>>) semaphore(%arg22 : memref<!tpu.dma_semaphore, #tpu.memory_space<semaphore_mem>>)
      %dma_wait3A_33 = arith.constant 0 : i32
      %dma_wait3A_34 = arith.constant 0 : i32
      %dma_wait3A_35 = tpu.memref_slice %arg7[%dma_wait3A_33, %dma_wait3A_34] : memref<10000x128xf32, #tpu.memory_space<hbm>> -> memref<10000x128xf32, #tpu.memory_space<hbm>>
      tpu.wait_indirect_dma semaphore(%arg22 : memref<!tpu.dma_semaphore, #tpu.memory_space<semaphore_mem>>) src(%dma_wait3A_35 : memref<10000x128xf32, #tpu.memory_space<hbm>>) dst(%arg19 : memref<80x128xf32, #tpu.memory_space<vmem>>)
      %get3A = arith.constant 0 : index
      %get3A_36 = tpu.vector_load %arg13[%get3A] {strides = array<i32>} : memref<80xi32, #tpu.memory_space<vmem>>, vector<16xi32>,
      %get3A_37 = vector.shape_cast %get3A_36 : vector<16xi32> to vector<16xi32>
      %eq3A_38 = arith.constant 1 : i32
      %eq3A_39 = vector.broadcast %eq3A_38 : i32 to vector<16xi32>
      %eq3A_40 = arith.cmpi eq, %get3A_37, %eq3A_39 : vector<16xi32>
      %get3A_41 = arith.constant 0 : index
      %get3A_42 = tpu.vector_load %arg12[%get3A_41] {strides = array<i32>} : memref<80xi32, #tpu.memory_space<vmem>>, vector<16xi32>,
      %get3A_43 = vector.shape_cast %get3A_42 : vector<16xi32> to vector<16xi32>
      %jit3A = arith.constant 10000 : i32
      %broadcast_in_dim3A = vector.broadcast %jit3A : i32 to vector<16xi32>
      %select_n3A = arith.select %eq3A_40, %get3A_43, %broadcast_in_dim3A : vector<16xi1>, vector<16xi32>
      %swap3A = arith.constant 0 : index
      %swap3A_44 = tpu.vector_load %arg14[%swap3A] {strides = array<i32>} : memref<80xi32, #tpu.memory_space<vmem>>, vector<16xi32>,
      %swap3A_45 = vector.shape_cast %swap3A_44 : vector<16xi32> to vector<16xi32>
      %swap3A_46 = vector.shape_cast %select_n3A : vector<16xi32> to vector<16xi32>
      tpu.vector_store %arg14[%swap3A], %swap3A_46 {strides = array<i32>} : memref<80xi32, #tpu.memory_space<vmem>>, vector<16xi32>,
      %shift_right_logical3A = arith.constant 4 : i32
      %shift_right_logical3A_47 = vector.broadcast %shift_right_logical3A : i32 to vector<16xi32>
      %shift_right_logical3A_48 = arith.shrui %select_n3A, %shift_right_logical3A_47 : vector<16xi32>
      %add3A_49 = arith.constant 10001 : i32
      %add3A_50 = vector.broadcast %add3A_49 : i32 to vector<16xi32>
      %add3A_51 = arith.addi %add3A_50, %shift_right_logical3A_48 : vector<16xi32>
      %swap3A_52 = arith.constant 0 : index
      %swap3A_53 = tpu.vector_load %arg15[%swap3A_52] {strides = array<i32>} : memref<80xi32, #tpu.memory_space<vmem>>, vector<16xi32>,
      %swap3A_54 = vector.shape_cast %swap3A_53 : vector<16xi32> to vector<16xi32>
      %swap3A_55 = vector.shape_cast %add3A_51 : vector<16xi32> to vector<16xi32>
      tpu.vector_store %arg15[%swap3A_52], %swap3A_55 {strides = array<i32>} : memref<80xi32, #tpu.memory_space<vmem>>, vector<16xi32>,
      %and3A = arith.constant 15 : i32
      %and3A_56 = vector.broadcast %and3A : i32 to vector<16xi32>
      %and3A_57 = arith.andi %select_n3A, %and3A_56 : vector<16xi32>
      %swap3A_58 = arith.constant 0 : index
      %swap3A_59 = tpu.vector_load %arg16[%swap3A_58] {strides = array<i32>} : memref<80xi32, #tpu.memory_space<vmem>>, vector<16xi32>,
      %swap3A_60 = vector.shape_cast %swap3A_59 : vector<16xi32> to vector<16xi32>
      %swap3A_61 = vector.shape_cast %and3A_57 : vector<16xi32> to vector<16xi32>
      tpu.vector_store %arg16[%swap3A_58], %swap3A_61 {strides = array<i32>} : memref<80xi32, #tpu.memory_space<vmem>>, vector<16xi32>,
      %get3A_62 = arith.constant 16 : index
      %get3A_63 = tpu.vector_load %arg13[%get3A_62] {strides = array<i32>} : memref<80xi32, #tpu.memory_space<vmem>>, vector<16xi32>,
      %get3A_64 = vector.shape_cast %get3A_63 : vector<16xi32> to vector<16xi32>
      %eq3A_65 = arith.constant 1 : i32
      %eq3A_66 = vector.broadcast %eq3A_65 : i32 to vector<16xi32>
      %eq3A_67 = arith.cmpi eq, %get3A_64, %eq3A_66 : vector<16xi32>
      %get3A_68 = arith.constant 16 : index
      %get3A_69 = tpu.vector_load %arg12[%get3A_68] {strides = array<i32>} : memref<80xi32, #tpu.memory_space<vmem>>, vector<16xi32>,
      %get3A_70 = vector.shape_cast %get3A_69 : vector<16xi32> to vector<16xi32>
      %jit3A_71 = arith.constant 10000 : i32
      %broadcast_in_dim3A_72 = vector.broadcast %jit3A_71 : i32 to vector<16xi32>
      %select_n3A_73 = arith.select %eq3A_67, %get3A_70, %broadcast_in_dim3A_72 : vector<16xi1>, vector<16xi32>
      %swap3A_74 = arith.constant 16 : index
      %swap3A_75 = tpu.vector_load %arg14[%swap3A_74] {strides = array<i32>} : memref<80xi32, #tpu.memory_space<vmem>>, vector<16xi32>,
      %swap3A_76 = vector.shape_cast %swap3A_75 : vector<16xi32> to vector<16xi32>
      %swap3A_77 = vector.shape_cast %select_n3A_73 : vector<16xi32> to vector<16xi32>
      tpu.vector_store %arg14[%swap3A_74], %swap3A_77 {strides = array<i32>} : memref<80xi32, #tpu.memory_space<vmem>>, vector<16xi32>,
      %shift_right_logical3A_78 = arith.constant 4 : i32
      %shift_right_logical3A_79 = vector.broadcast %shift_right_logical3A_78 : i32 to vector<16xi32>
      %shift_right_logical3A_80 = arith.shrui %select_n3A_73, %shift_right_logical3A_79 : vector<16xi32>
      %add3A_81 = arith.constant 10001 : i32
      %add3A_82 = vector.broadcast %add3A_81 : i32 to vector<16xi32>
      %add3A_83 = arith.addi %add3A_82, %shift_right_logical3A_80 : vector<16xi32>
      %swap3A_84 = arith.constant 16 : index
      %swap3A_85 = tpu.vector_load %arg15[%swap3A_84] {strides = array<i32>} : memref<80xi32, #tpu.memory_space<vmem>>, vector<16xi32>,
      %swap3A_86 = vector.shape_cast %swap3A_85 : vector<16xi32> to vector<16xi32>
      %swap3A_87 = vector.shape_cast %add3A_83 : vector<16xi32> to vector<16xi32>
      tpu.vector_store %arg15[%swap3A_84], %swap3A_87 {strides = array<i32>} : memref<80xi32, #tpu.memory_space<vmem>>, vector<16xi32>,
      %and3A_88 = arith.constant 15 : i32
      %and3A_89 = vector.broadcast %and3A_88 : i32 to vector<16xi32>
      %and3A_90 = arith.andi %select_n3A_73, %and3A_89 : vector<16xi32>
      %swap3A_91 = arith.constant 16 : index
      %swap3A_92 = tpu.vector_load %arg16[%swap3A_91] {strides = array<i32>} : memref<80xi32, #tpu.memory_space<vmem>>, vector<16xi32>,
      %swap3A_93 = vector.shape_cast %swap3A_92 : vector<16xi32> to vector<16xi32>
      %swap3A_94 = vector.shape_cast %and3A_90 : vector<16xi32> to vector<16xi32>
      tpu.vector_store %arg16[%swap3A_91], %swap3A_94 {strides = array<i32>} : memref<80xi32, #tpu.memory_space<vmem>>, vector<16xi32>,
      %get3A_95 = arith.constant 32 : index
      %get3A_96 = tpu.vector_load %arg13[%get3A_95] {strides = array<i32>} : memref<80xi32, #tpu.memory_space<vmem>>, vector<16xi32>,
      %get3A_97 = vector.shape_cast %get3A_96 : vector<16xi32> to vector<16xi32>
      %eq3A_98 = arith.constant 1 : i32
      %eq3A_99 = vector.broadcast %eq3A_98 : i32 to vector<16xi32>
      %eq3A_100 = arith.cmpi eq, %get3A_97, %eq3A_99 : vector<16xi32>
      %get3A_101 = arith.constant 32 : index
      %get3A_102 = tpu.vector_load %arg12[%get3A_101] {strides = array<i32>} : memref<80xi32, #tpu.memory_space<vmem>>, vector<16xi32>,
      %get3A_103 = vector.shape_cast %get3A_102 : vector<16xi32> to vector<16xi32>
      %jit3A_104 = arith.constant 10000 : i32
      %broadcast_in_dim3A_105 = vector.broadcast %jit3A_104 : i32 to vector<16xi32>
      %select_n3A_106 = arith.select %eq3A_100, %get3A_103, %broadcast_in_dim3A_105 : vector<16xi1>, vector<16xi32>
      %swap3A_107 = arith.constant 32 : index
      %swap3A_108 = tpu.vector_load %arg14[%swap3A_107] {strides = array<i32>} : memref<80xi32, #tpu.memory_space<vmem>>, vector<16xi32>,
      %swap3A_109 = vector.shape_cast %swap3A_108 : vector<16xi32> to vector<16xi32>
      %swap3A_110 = vector.shape_cast %select_n3A_106 : vector<16xi32> to vector<16xi32>
      tpu.vector_store %arg14[%swap3A_107], %swap3A_110 {strides = array<i32>} : memref<80xi32, #tpu.memory_space<vmem>>, vector<16xi32>,
      %shift_right_logical3A_111 = arith.constant 4 : i32
      %shift_right_logical3A_112 = vector.broadcast %shift_right_logical3A_111 : i32 to vector<16xi32>
      %shift_right_logical3A_113 = arith.shrui %select_n3A_106, %shift_right_logical3A_112 : vector<16xi32>
      %add3A_114 = arith.constant 10001 : i32
      %add3A_115 = vector.broadcast %add3A_114 : i32 to vector<16xi32>
      %add3A_116 = arith.addi %add3A_115, %shift_right_logical3A_113 : vector<16xi32>
      %swap3A_117 = arith.constant 32 : index
      %swap3A_118 = tpu.vector_load %arg15[%swap3A_117] {strides = array<i32>} : memref<80xi32, #tpu.memory_space<vmem>>, vector<16xi32>,
      %swap3A_119 = vector.shape_cast %swap3A_118 : vector<16xi32> to vector<16xi32>
      %swap3A_120 = vector.shape_cast %add3A_116 : vector<16xi32> to vector<16xi32>
      tpu.vector_store %arg15[%swap3A_117], %swap3A_120 {strides = array<i32>} : memref<80xi32, #tpu.memory_space<vmem>>, vector<16xi32>,
      %and3A_121 = arith.constant 15 : i32
      %and3A_122 = vector.broadcast %and3A_121 : i32 to vector<16xi32>
      %and3A_123 = arith.andi %select_n3A_106, %and3A_122 : vector<16xi32>
      %swap3A_124 = arith.constant 32 : index
      %swap3A_125 = tpu.vector_load %arg16[%swap3A_124] {strides = array<i32>} : memref<80xi32, #tpu.memory_space<vmem>>, vector<16xi32>,
      %swap3A_126 = vector.shape_cast %swap3A_125 : vector<16xi32> to vector<16xi32>
      %swap3A_127 = vector.shape_cast %and3A_123 : vector<16xi32> to vector<16xi32>
      tpu.vector_store %arg16[%swap3A_124], %swap3A_127 {strides = array<i32>} : memref<80xi32, #tpu.memory_space<vmem>>, vector<16xi32>,
      %get3A_128 = arith.constant 48 : index
      %get3A_129 = tpu.vector_load %arg13[%get3A_128] {strides = array<i32>} : memref<80xi32, #tpu.memory_space<vmem>>, vector<16xi32>,
      %get3A_130 = vector.shape_cast %get3A_129 : vector<16xi32> to vector<16xi32>
      %eq3A_131 = arith.constant 1 : i32
      %eq3A_132 = vector.broadcast %eq3A_131 : i32 to vector<16xi32>
      %eq3A_133 = arith.cmpi eq, %get3A_130, %eq3A_132 : vector<16xi32>
      %get3A_134 = arith.constant 48 : index
      %get3A_135 = tpu.vector_load %arg12[%get3A_134] {strides = array<i32>} : memref<80xi32, #tpu.memory_space<vmem>>, vector<16xi32>,
      %get3A_136 = vector.shape_cast %get3A_135 : vector<16xi32> to vector<16xi32>
      %jit3A_137 = arith.constant 10000 : i32
      %broadcast_in_dim3A_138 = vector.broadcast %jit3A_137 : i32 to vector<16xi32>
      %select_n3A_139 = arith.select %eq3A_133, %get3A_136, %broadcast_in_dim3A_138 : vector<16xi1>, vector<16xi32>
      %swap3A_140 = arith.constant 48 : index
      %swap3A_141 = tpu.vector_load %arg14[%swap3A_140] {strides = array<i32>} : memref<80xi32, #tpu.memory_space<vmem>>, vector<16xi32>,
      %swap3A_142 = vector.shape_cast %swap3A_141 : vector<16xi32> to vector<16xi32>
      %swap3A_143 = vector.shape_cast %select_n3A_139 : vector<16xi32> to vector<16xi32>
      tpu.vector_store %arg14[%swap3A_140], %swap3A_143 {strides = array<i32>} : memref<80xi32, #tpu.memory_space<vmem>>, vector<16xi32>,
      %shift_right_logical3A_144 = arith.constant 4 : i32
      %shift_right_logical3A_145 = vector.broadcast %shift_right_logical3A_144 : i32 to vector<16xi32>
      %shift_right_logical3A_146 = arith.shrui %select_n3A_139, %shift_right_logical3A_145 : vector<16xi32>
      %add3A_147 = arith.constant 10001 : i32
      %add3A_148 = vector.broadcast %add3A_147 : i32 to vector<16xi32>
      %add3A_149 = arith.addi %add3A_148, %shift_right_logical3A_146 : vector<16xi32>
      %swap3A_150 = arith.constant 48 : index
      %swap3A_151 = tpu.vector_load %arg15[%swap3A_150] {strides = array<i32>} : memref<80xi32, #tpu.memory_space<vmem>>, vector<16xi32>,
      %swap3A_152 = vector.shape_cast %swap3A_151 : vector<16xi32> to vector<16xi32>
      %swap3A_153 = vector.shape_cast %add3A_149 : vector<16xi32> to vector<16xi32>
      tpu.vector_store %arg15[%swap3A_150], %swap3A_153 {strides = array<i32>} : memref<80xi32, #tpu.memory_space<vmem>>, vector<16xi32>,
      %and3A_154 = arith.constant 15 : i32
      %and3A_155 = vector.broadcast %and3A_154 : i32 to vector<16xi32>
      %and3A_156 = arith.andi %select_n3A_139, %and3A_155 : vector<16xi32>
      %swap3A_157 = arith.constant 48 : index
      %swap3A_158 = tpu.vector_load %arg16[%swap3A_157] {strides = array<i32>} : memref<80xi32, #tpu.memory_space<vmem>>, vector<16xi32>,
      %swap3A_159 = vector.shape_cast %swap3A_158 : vector<16xi32> to vector<16xi32>
      %swap3A_160 = vector.shape_cast %and3A_156 : vector<16xi32> to vector<16xi32>
      tpu.vector_store %arg16[%swap3A_157], %swap3A_160 {strides = array<i32>} : memref<80xi32, #tpu.memory_space<vmem>>, vector<16xi32>,
      %get3A_161 = arith.constant 64 : index
      %get3A_162 = tpu.vector_load %arg13[%get3A_161] {strides = array<i32>} : memref<80xi32, #tpu.memory_space<vmem>>, vector<16xi32>,
      %get3A_163 = vector.shape_cast %get3A_162 : vector<16xi32> to vector<16xi32>
      %eq3A_164 = arith.constant 1 : i32
      %eq3A_165 = vector.broadcast %eq3A_164 : i32 to vector<16xi32>
      %eq3A_166 = arith.cmpi eq, %get3A_163, %eq3A_165 : vector<16xi32>
      %get3A_167 = arith.constant 64 : index
      %get3A_168 = tpu.vector_load %arg12[%get3A_167] {strides = array<i32>} : memref<80xi32, #tpu.memory_space<vmem>>, vector<16xi32>,
      %get3A_169 = vector.shape_cast %get3A_168 : vector<16xi32> to vector<16xi32>
      %jit3A_170 = arith.constant 10000 : i32
      %broadcast_in_dim3A_171 = vector.broadcast %jit3A_170 : i32 to vector<16xi32>
      %select_n3A_172 = arith.select %eq3A_166, %get3A_169, %broadcast_in_dim3A_171 : vector<16xi1>, vector<16xi32>
      %swap3A_173 = arith.constant 64 : index
      %swap3A_174 = tpu.vector_load %arg14[%swap3A_173] {strides = array<i32>} : memref<80xi32, #tpu.memory_space<vmem>>, vector<16xi32>,
      %swap3A_175 = vector.shape_cast %swap3A_174 : vector<16xi32> to vector<16xi32>
      %swap3A_176 = vector.shape_cast %select_n3A_172 : vector<16xi32> to vector<16xi32>
      tpu.vector_store %arg14[%swap3A_173], %swap3A_176 {strides = array<i32>} : memref<80xi32, #tpu.memory_space<vmem>>, vector<16xi32>,
      %shift_right_logical3A_177 = arith.constant 4 : i32
      %shift_right_logical3A_178 = vector.broadcast %shift_right_logical3A_177 : i32 to vector<16xi32>
      %shift_right_logical3A_179 = arith.shrui %select_n3A_172, %shift_right_logical3A_178 : vector<16xi32>
      %add3A_180 = arith.constant 10001 : i32
      %add3A_181 = vector.broadcast %add3A_180 : i32 to vector<16xi32>
      %add3A_182 = arith.addi %add3A_181, %shift_right_logical3A_179 : vector<16xi32>
      %swap3A_183 = arith.constant 64 : index
      %swap3A_184 = tpu.vector_load %arg15[%swap3A_183] {strides = array<i32>} : memref<80xi32, #tpu.memory_space<vmem>>, vector<16xi32>,
      %swap3A_185 = vector.shape_cast %swap3A_184 : vector<16xi32> to vector<16xi32>
      %swap3A_186 = vector.shape_cast %add3A_182 : vector<16xi32> to vector<16xi32>
      tpu.vector_store %arg15[%swap3A_183], %swap3A_186 {strides = array<i32>} : memref<80xi32, #tpu.memory_space<vmem>>, vector<16xi32>,
      %and3A_187 = arith.constant 15 : i32
      %and3A_188 = vector.broadcast %and3A_187 : i32 to vector<16xi32>
      %and3A_189 = arith.andi %select_n3A_172, %and3A_188 : vector<16xi32>
      %swap3A_190 = arith.constant 64 : index
      %swap3A_191 = tpu.vector_load %arg16[%swap3A_190] {strides = array<i32>} : memref<80xi32, #tpu.memory_space<vmem>>, vector<16xi32>,
      %swap3A_192 = vector.shape_cast %swap3A_191 : vector<16xi32> to vector<16xi32>
      %swap3A_193 = vector.shape_cast %and3A_189 : vector<16xi32> to vector<16xi32>
      tpu.vector_store %arg16[%swap3A_190], %swap3A_193 {strides = array<i32>} : memref<80xi32, #tpu.memory_space<vmem>>, vector<16xi32>,
      %scan3A_194 = arith.constant 0 : i32
      %scan3A_195 = arith.constant 0 : i32
      %scan3A_196 = arith.constant 80 : i32
      %scan3A_197 = arith.addi %scan3A_195, %scan3A_196 : i32
      %scan3A_198 = arith.constant 1 : i32
      scf.for %scan3A_212 = %scan3A_195 to %scan3A_197 step %scan3A_198  : i32 {
        %get3A_213 = arith.index_cast %scan3A_212 : i32 to index
        %get3A_214 = arith.constant 0 : index
        %get3A_215 = tpu.vector_load %arg17[%get3A_213, %get3A_214] {strides = array<i32>} : memref<80x128xf32, #tpu.memory_space<vmem>>, vector<1x16xf32>,
        %get3A_216 = vector.shape_cast %get3A_215 : vector<1x16xf32> to vector<16xf32>
        %get3A_217 = arith.index_cast %scan3A_212 : i32 to index
        %get3A_218 = arith.constant 0 : index
        %get3A_219 = tpu.vector_load %arg18[%get3A_217, %get3A_218] {strides = array<i32>} : memref<80x128xf32, #tpu.memory_space<vmem>>, vector<1x16xf32>,
        %get3A_220 = vector.shape_cast %get3A_219 : vector<1x16xf32> to vector<16xf32>
        %add3A_221 = arith.addf %get3A_216, %get3A_220 : vector<16xf32>
        %gt3A = arith.constant 0.000000e+00 : f32
        %gt3A_222 = vector.broadcast %gt3A : f32 to vector<16xf32>
        %gt3A_223 = arith.cmpf ogt, %add3A_221, %gt3A_222 : vector<16xf32>
        %mul3A_224 = arith.constant 2.000000e-01 : f32
        %mul3A_225 = vector.broadcast %mul3A_224 : f32 to vector<16xf32>
        %mul3A_226 = arith.mulf %add3A_221, %mul3A_225 : vector<16xf32>
        %select_n3A_227 = arith.select %gt3A_223, %add3A_221, %mul3A_226 : vector<16xi1>, vector<16xf32>
        %exp3A = math.exp %select_n3A_227 : vector<16xf32>
        %swap3A_228 = arith.index_cast %scan3A_212 : i32 to index
        %swap3A_229 = arith.constant 0 : index
        %swap3A_230 = tpu.vector_load %arg20[%swap3A_228, %swap3A_229] {strides = array<i32>} : memref<80x16xf32, #tpu.memory_space<vmem>>, vector<1x16xf32>,
        %swap3A_231 = vector.shape_cast %swap3A_230 : vector<1x16xf32> to vector<16xf32>
        %swap3A_232 = vector.shape_cast %exp3A : vector<16xf32> to vector<1x16xf32>
        tpu.vector_store %arg20[%swap3A_228, %swap3A_229], %swap3A_232 {strides = array<i32>} : memref<80x16xf32, #tpu.memory_space<vmem>>, vector<1x16xf32>,
      }
      %scan3A_199 = arith.constant 80 : i32
      %dma_start3A_200 = arith.constant 0 : i32
      %dma_start3A_201 = arith.constant 0 : i32
      %dma_start3A_202 = tpu.memref_slice %arg8[%dma_start3A_200, %dma_start3A_201] : memref<16x128xf32, #tpu.memory_space<hbm>> -> memref<16x128xf32, #tpu.memory_space<hbm>>
      tpu.enqueue_indirect_dma source(%dma_start3A_202 : memref<16x128xf32, #tpu.memory_space<hbm>>) target(%arg18 : memref<80x128xf32, #tpu.memory_space<vmem>>) offsets(%arg16 : memref<80xi32, #tpu.memory_space<vmem>>) semaphore(%arg22 : memref<!tpu.dma_semaphore, #tpu.memory_space<semaphore_mem>>)
      %dma_wait3A_203 = arith.constant 0 : i32
      %dma_wait3A_204 = arith.constant 0 : i32
      %dma_wait3A_205 = tpu.memref_slice %arg8[%dma_wait3A_203, %dma_wait3A_204] : memref<16x128xf32, #tpu.memory_space<hbm>> -> memref<16x128xf32, #tpu.memory_space<hbm>>
      tpu.wait_indirect_dma semaphore(%arg22 : memref<!tpu.dma_semaphore, #tpu.memory_space<semaphore_mem>>) src(%dma_wait3A_205 : memref<16x128xf32, #tpu.memory_space<hbm>>) dst(%arg18 : memref<80x128xf32, #tpu.memory_space<vmem>>)
      %scan3A_206 = arith.constant 0 : i32
      %scan3A_207 = arith.constant 0 : i32
      %scan3A_208 = arith.constant 80 : i32
      %scan3A_209 = arith.addi %scan3A_207, %scan3A_208 : i32
      %scan3A_210 = arith.constant 1 : i32
      scf.for %scan3A_212 = %scan3A_207 to %scan3A_209 step %scan3A_210  : i32 {
        %get3A_213 = arith.index_cast %scan3A_212 : i32 to index
        %get3A_214 = arith.constant 0 : index
        %get3A_215 = tpu.vector_load %arg20[%get3A_213, %get3A_214] {strides = array<i32>} : memref<80x16xf32, #tpu.memory_space<vmem>>, vector<1x16xf32>,
        %get3A_216 = vector.shape_cast %get3A_215 : vector<1x16xf32> to vector<16xf32>
        %get3A_217 = arith.index_cast %scan3A_212 : i32 to index
        %get3A_218 = arith.constant 0 : index
        %get3A_219 = tpu.vector_load %arg19[%get3A_217, %get3A_218] {strides = array<i32>} : memref<80x128xf32, #tpu.memory_space<vmem>>, vector<1x16xf32>,
        %get3A_220 = vector.shape_cast %get3A_219 : vector<1x16xf32> to vector<16xf32>
        %mul3A_221 = arith.mulf %get3A_220, %get3A_216 : vector<16xf32>
        %swap3A_222 = arith.index_cast %scan3A_212 : i32 to index
        %swap3A_223 = arith.constant 0 : index
        %swap3A_224 = tpu.vector_load %arg17[%swap3A_222, %swap3A_223] {strides = array<i32>} : memref<80x128xf32, #tpu.memory_space<vmem>>, vector<1x16xf32>,
        %swap3A_225 = vector.shape_cast %swap3A_224 : vector<1x16xf32> to vector<16xf32>
        %swap3A_226 = vector.shape_cast %mul3A_221 : vector<16xf32> to vector<1x16xf32>
        tpu.vector_store %arg17[%swap3A_222, %swap3A_223], %swap3A_226 {strides = array<i32>} : memref<80x128xf32, #tpu.memory_space<vmem>>, vector<1x16xf32>,
        %get3A_227 = arith.index_cast %scan3A_212 : i32 to index
        %get3A_228 = arith.constant 0 : index
        %get3A_229 = tpu.vector_load %arg18[%get3A_227, %get3A_228] {strides = array<i32>} : memref<80x128xf32, #tpu.memory_space<vmem>>, vector<1x16xf32>,
        %get3A_230 = vector.shape_cast %get3A_229 : vector<1x16xf32> to vector<16xf32>
        %mul3A_231 = arith.mulf %get3A_230, %get3A_216 : vector<16xf32>
        %swap3A_232 = arith.index_cast %scan3A_212 : i32 to index
        %swap3A_233 = arith.constant 0 : index
        %swap3A_234 = tpu.vector_load %arg18[%swap3A_232, %swap3A_233] {strides = array<i32>} : memref<80x128xf32, #tpu.memory_space<vmem>>, vector<1x16xf32>,
        %swap3A_235 = vector.shape_cast %swap3A_234 : vector<1x16xf32> to vector<16xf32>
        %swap3A_236 = vector.shape_cast %mul3A_231 : vector<16xf32> to vector<1x16xf32>
        tpu.vector_store %arg18[%swap3A_232, %swap3A_233], %swap3A_236 {strides = array<i32>} : memref<80x128xf32, #tpu.memory_space<vmem>>, vector<1x16xf32>,
        %get3A_237 = arith.index_cast %scan3A_212 : i32 to index
        %get3A_238 = arith.constant 16 : index
        %get3A_239 = tpu.vector_load %arg19[%get3A_237, %get3A_238] {strides = array<i32>} : memref<80x128xf32, #tpu.memory_space<vmem>>, vector<1x16xf32>,
        %get3A_240 = vector.shape_cast %get3A_239 : vector<1x16xf32> to vector<16xf32>
        %mul3A_241 = arith.mulf %get3A_240, %get3A_216 : vector<16xf32>
        %swap3A_242 = arith.index_cast %scan3A_212 : i32 to index
        %swap3A_243 = arith.constant 16 : index
        %swap3A_244 = tpu.vector_load %arg17[%swap3A_242, %swap3A_243] {strides = array<i32>} : memref<80x128xf32, #tpu.memory_space<vmem>>, vector<1x16xf32>,
        %swap3A_245 = vector.shape_cast %swap3A_244 : vector<1x16xf32> to vector<16xf32>
        %swap3A_246 = vector.shape_cast %mul3A_241 : vector<16xf32> to vector<1x16xf32>
        tpu.vector_store %arg17[%swap3A_242, %swap3A_243], %swap3A_246 {strides = array<i32>} : memref<80x128xf32, #tpu.memory_space<vmem>>, vector<1x16xf32>,
        %get3A_247 = arith.index_cast %scan3A_212 : i32 to index
        %get3A_248 = arith.constant 16 : index
        %get3A_249 = tpu.vector_load %arg18[%get3A_247, %get3A_248] {strides = array<i32>} : memref<80x128xf32, #tpu.memory_space<vmem>>, vector<1x16xf32>,
        %get3A_250 = vector.shape_cast %get3A_249 : vector<1x16xf32> to vector<16xf32>
        %mul3A_251 = arith.mulf %get3A_250, %get3A_216 : vector<16xf32>
        %swap3A_252 = arith.index_cast %scan3A_212 : i32 to index
        %swap3A_253 = arith.constant 16 : index
        %swap3A_254 = tpu.vector_load %arg18[%swap3A_252, %swap3A_253] {strides = array<i32>} : memref<80x128xf32, #tpu.memory_space<vmem>>, vector<1x16xf32>,
        %swap3A_255 = vector.shape_cast %swap3A_254 : vector<1x16xf32> to vector<16xf32>
        %swap3A_256 = vector.shape_cast %mul3A_251 : vector<16xf32> to vector<1x16xf32>
        tpu.vector_store %arg18[%swap3A_252, %swap3A_253], %swap3A_256 {strides = array<i32>} : memref<80x128xf32, #tpu.memory_space<vmem>>, vector<1x16xf32>,
        %get3A_257 = arith.index_cast %scan3A_212 : i32 to index
        %get3A_258 = arith.constant 32 : index
        %get3A_259 = tpu.vector_load %arg19[%get3A_257, %get3A_258] {strides = array<i32>} : memref<80x128xf32, #tpu.memory_space<vmem>>, vector<1x16xf32>,
        %get3A_260 = vector.shape_cast %get3A_259 : vector<1x16xf32> to vector<16xf32>
        %mul3A_261 = arith.mulf %get3A_260, %get3A_216 : vector<16xf32>
        %swap3A_262 = arith.index_cast %scan3A_212 : i32 to index
        %swap3A_263 = arith.constant 32 : index
        %swap3A_264 = tpu.vector_load %arg17[%swap3A_262, %swap3A_263] {strides = array<i32>} : memref<80x128xf32, #tpu.memory_space<vmem>>, vector<1x16xf32>,
        %swap3A_265 = vector.shape_cast %swap3A_264 : vector<1x16xf32> to vector<16xf32>
        %swap3A_266 = vector.shape_cast %mul3A_261 : vector<16xf32> to vector<1x16xf32>
        tpu.vector_store %arg17[%swap3A_262, %swap3A_263], %swap3A_266 {strides = array<i32>} : memref<80x128xf32, #tpu.memory_space<vmem>>, vector<1x16xf32>,
        %get3A_267 = arith.index_cast %scan3A_212 : i32 to index
        %get3A_268 = arith.constant 32 : index
        %get3A_269 = tpu.vector_load %arg18[%get3A_267, %get3A_268] {strides = array<i32>} : memref<80x128xf32, #tpu.memory_space<vmem>>, vector<1x16xf32>,
        %get3A_270 = vector.shape_cast %get3A_269 : vector<1x16xf32> to vector<16xf32>
        %mul3A_271 = arith.mulf %get3A_270, %get3A_216 : vector<16xf32>
        %swap3A_272 = arith.index_cast %scan3A_212 : i32 to index
        %swap3A_273 = arith.constant 32 : index
        %swap3A_274 = tpu.vector_load %arg18[%swap3A_272, %swap3A_273] {strides = array<i32>} : memref<80x128xf32, #tpu.memory_space<vmem>>, vector<1x16xf32>,
        %swap3A_275 = vector.shape_cast %swap3A_274 : vector<1x16xf32> to vector<16xf32>
        %swap3A_276 = vector.shape_cast %mul3A_271 : vector<16xf32> to vector<1x16xf32>
        tpu.vector_store %arg18[%swap3A_272, %swap3A_273], %swap3A_276 {strides = array<i32>} : memref<80x128xf32, #tpu.memory_space<vmem>>, vector<1x16xf32>,
        %get3A_277 = arith.index_cast %scan3A_212 : i32 to index
        %get3A_278 = arith.constant 48 : index
        %get3A_279 = tpu.vector_load %arg19[%get3A_277, %get3A_278] {strides = array<i32>} : memref<80x128xf32, #tpu.memory_space<vmem>>, vector<1x16xf32>,
        %get3A_280 = vector.shape_cast %get3A_279 : vector<1x16xf32> to vector<16xf32>
        %mul3A_281 = arith.mulf %get3A_280, %get3A_216 : vector<16xf32>
        %swap3A_282 = arith.index_cast %scan3A_212 : i32 to index
        %swap3A_283 = arith.constant 48 : index
        %swap3A_284 = tpu.vector_load %arg17[%swap3A_282, %swap3A_283] {strides = array<i32>} : memref<80x128xf32, #tpu.memory_space<vmem>>, vector<1x16xf32>,
        %swap3A_285 = vector.shape_cast %swap3A_284 : vector<1x16xf32> to vector<16xf32>
        %swap3A_286 = vector.shape_cast %mul3A_281 : vector<16xf32> to vector<1x16xf32>
        tpu.vector_store %arg17[%swap3A_282, %swap3A_283], %swap3A_286 {strides = array<i32>} : memref<80x128xf32, #tpu.memory_space<vmem>>, vector<1x16xf32>,
        %get3A_287 = arith.index_cast %scan3A_212 : i32 to index
        %get3A_288 = arith.constant 48 : index
        %get3A_289 = tpu.vector_load %arg18[%get3A_287, %get3A_288] {strides = array<i32>} : memref<80x128xf32, #tpu.memory_space<vmem>>, vector<1x16xf32>,
        %get3A_290 = vector.shape_cast %get3A_289 : vector<1x16xf32> to vector<16xf32>
        %mul3A_291 = arith.mulf %get3A_290, %get3A_216 : vector<16xf32>
        %swap3A_292 = arith.index_cast %scan3A_212 : i32 to index
        %swap3A_293 = arith.constant 48 : index
        %swap3A_294 = tpu.vector_load %arg18[%swap3A_292, %swap3A_293] {strides = array<i32>} : memref<80x128xf32, #tpu.memory_space<vmem>>, vector<1x16xf32>,
        %swap3A_295 = vector.shape_cast %swap3A_294 : vector<1x16xf32> to vector<16xf32>
        %swap3A_296 = vector.shape_cast %mul3A_291 : vector<16xf32> to vector<1x16xf32>
        tpu.vector_store %arg18[%swap3A_292, %swap3A_293], %swap3A_296 {strides = array<i32>} : memref<80x128xf32, #tpu.memory_space<vmem>>, vector<1x16xf32>,
        %get3A_297 = arith.index_cast %scan3A_212 : i32 to index
        %get3A_298 = arith.constant 64 : index
        %get3A_299 = tpu.vector_load %arg19[%get3A_297, %get3A_298] {strides = array<i32>} : memref<80x128xf32, #tpu.memory_space<vmem>>, vector<1x16xf32>,
        %get3A_300 = vector.shape_cast %get3A_299 : vector<1x16xf32> to vector<16xf32>
        %mul3A_301 = arith.mulf %get3A_300, %get3A_216 : vector<16xf32>
        %swap3A_302 = arith.index_cast %scan3A_212 : i32 to index
        %swap3A_303 = arith.constant 64 : index
        %swap3A_304 = tpu.vector_load %arg17[%swap3A_302, %swap3A_303] {strides = array<i32>} : memref<80x128xf32, #tpu.memory_space<vmem>>, vector<1x16xf32>,
        %swap3A_305 = vector.shape_cast %swap3A_304 : vector<1x16xf32> to vector<16xf32>
        %swap3A_306 = vector.shape_cast %mul3A_301 : vector<16xf32> to vector<1x16xf32>
        tpu.vector_store %arg17[%swap3A_302, %swap3A_303], %swap3A_306 {strides = array<i32>} : memref<80x128xf32, #tpu.memory_space<vmem>>, vector<1x16xf32>,
        %get3A_307 = arith.index_cast %scan3A_212 : i32 to index
        %get3A_308 = arith.constant 64 : index
        %get3A_309 = tpu.vector_load %arg18[%get3A_307, %get3A_308] {strides = array<i32>} : memref<80x128xf32, #tpu.memory_space<vmem>>, vector<1x16xf32>,
        %get3A_310 = vector.shape_cast %get3A_309 : vector<1x16xf32> to vector<16xf32>
        %mul3A_311 = arith.mulf %get3A_310, %get3A_216 : vector<16xf32>
        %swap3A_312 = arith.index_cast %scan3A_212 : i32 to index
        %swap3A_313 = arith.constant 64 : index
        %swap3A_314 = tpu.vector_load %arg18[%swap3A_312, %swap3A_313] {strides = array<i32>} : memref<80x128xf32, #tpu.memory_space<vmem>>, vector<1x16xf32>,
        %swap3A_315 = vector.shape_cast %swap3A_314 : vector<1x16xf32> to vector<16xf32>
        %swap3A_316 = vector.shape_cast %mul3A_311 : vector<16xf32> to vector<1x16xf32>
        tpu.vector_store %arg18[%swap3A_312, %swap3A_313], %swap3A_316 {strides = array<i32>} : memref<80x128xf32, #tpu.memory_space<vmem>>, vector<1x16xf32>,
        %get3A_317 = arith.index_cast %scan3A_212 : i32 to index
        %get3A_318 = arith.constant 80 : index
        %get3A_319 = tpu.vector_load %arg19[%get3A_317, %get3A_318] {strides = array<i32>} : memref<80x128xf32, #tpu.memory_space<vmem>>, vector<1x16xf32>,
        %get3A_320 = vector.shape_cast %get3A_319 : vector<1x16xf32> to vector<16xf32>
        %mul3A_321 = arith.mulf %get3A_320, %get3A_216 : vector<16xf32>
        %swap3A_322 = arith.index_cast %scan3A_212 : i32 to index
        %swap3A_323 = arith.constant 80 : index
        %swap3A_324 = tpu.vector_load %arg17[%swap3A_322, %swap3A_323] {strides = array<i32>} : memref<80x128xf32, #tpu.memory_space<vmem>>, vector<1x16xf32>,
        %swap3A_325 = vector.shape_cast %swap3A_324 : vector<1x16xf32> to vector<16xf32>
        %swap3A_326 = vector.shape_cast %mul3A_321 : vector<16xf32> to vector<1x16xf32>
        tpu.vector_store %arg17[%swap3A_322, %swap3A_323], %swap3A_326 {strides = array<i32>} : memref<80x128xf32, #tpu.memory_space<vmem>>, vector<1x16xf32>,
        %get3A_327 = arith.index_cast %scan3A_212 : i32 to index
        %get3A_328 = arith.constant 80 : index
        %get3A_329 = tpu.vector_load %arg18[%get3A_327, %get3A_328] {strides = array<i32>} : memref<80x128xf32, #tpu.memory_space<vmem>>, vector<1x16xf32>,
        %get3A_330 = vector.shape_cast %get3A_329 : vector<1x16xf32> to vector<16xf32>
        %mul3A_331 = arith.mulf %get3A_330, %get3A_216 : vector<16xf32>
        %swap3A_332 = arith.index_cast %scan3A_212 : i32 to index
        %swap3A_333 = arith.constant 80 : index
        %swap3A_334 = tpu.vector_load %arg18[%swap3A_332, %swap3A_333] {strides = array<i32>} : memref<80x128xf32, #tpu.memory_space<vmem>>, vector<1x16xf32>,
        %swap3A_335 = vector.shape_cast %swap3A_334 : vector<1x16xf32> to vector<16xf32>
        %swap3A_336 = vector.shape_cast %mul3A_331 : vector<16xf32> to vector<1x16xf32>
        tpu.vector_store %arg18[%swap3A_332, %swap3A_333], %swap3A_336 {strides = array<i32>} : memref<80x128xf32, #tpu.memory_space<vmem>>, vector<1x16xf32>,
        %get3A_337 = arith.index_cast %scan3A_212 : i32 to index
        %get3A_338 = arith.constant 96 : index
        %get3A_339 = tpu.vector_load %arg19[%get3A_337, %get3A_338] {strides = array<i32>} : memref<80x128xf32, #tpu.memory_space<vmem>>, vector<1x16xf32>,
        %get3A_340 = vector.shape_cast %get3A_339 : vector<1x16xf32> to vector<16xf32>
        %mul3A_341 = arith.mulf %get3A_340, %get3A_216 : vector<16xf32>
        %swap3A_342 = arith.index_cast %scan3A_212 : i32 to index
        %swap3A_343 = arith.constant 96 : index
        %swap3A_344 = tpu.vector_load %arg17[%swap3A_342, %swap3A_343] {strides = array<i32>} : memref<80x128xf32, #tpu.memory_space<vmem>>, vector<1x16xf32>,
        %swap3A_345 = vector.shape_cast %swap3A_344 : vector<1x16xf32> to vector<16xf32>
        %swap3A_346 = vector.shape_cast %mul3A_341 : vector<16xf32> to vector<1x16xf32>
        tpu.vector_store %arg17[%swap3A_342, %swap3A_343], %swap3A_346 {strides = array<i32>} : memref<80x128xf32, #tpu.memory_space<vmem>>, vector<1x16xf32>,
        %get3A_347 = arith.index_cast %scan3A_212 : i32 to index
        %get3A_348 = arith.constant 96 : index
        %get3A_349 = tpu.vector_load %arg18[%get3A_347, %get3A_348] {strides = array<i32>} : memref<80x128xf32, #tpu.memory_space<vmem>>, vector<1x16xf32>,
        %get3A_350 = vector.shape_cast %get3A_349 : vector<1x16xf32> to vector<16xf32>
        %mul3A_351 = arith.mulf %get3A_350, %get3A_216 : vector<16xf32>
        %swap3A_352 = arith.index_cast %scan3A_212 : i32 to index
        %swap3A_353 = arith.constant 96 : index
        %swap3A_354 = tpu.vector_load %arg18[%swap3A_352, %swap3A_353] {strides = array<i32>} : memref<80x128xf32, #tpu.memory_space<vmem>>, vector<1x16xf32>,
        %swap3A_355 = vector.shape_cast %swap3A_354 : vector<1x16xf32> to vector<16xf32>
        %swap3A_356 = vector.shape_cast %mul3A_351 : vector<16xf32> to vector<1x16xf32>
        tpu.vector_store %arg18[%swap3A_352, %swap3A_353], %swap3A_356 {strides = array<i32>} : memref<80x128xf32, #tpu.memory_space<vmem>>, vector<1x16xf32>,
        %get3A_357 = arith.index_cast %scan3A_212 : i32 to index
        %get3A_358 = arith.constant 112 : index
        %get3A_359 = tpu.vector_load %arg19[%get3A_357, %get3A_358] {strides = array<i32>} : memref<80x128xf32, #tpu.memory_space<vmem>>, vector<1x16xf32>,
        %get3A_360 = vector.shape_cast %get3A_359 : vector<1x16xf32> to vector<16xf32>
        %mul3A_361 = arith.mulf %get3A_360, %get3A_216 : vector<16xf32>
        %swap3A_362 = arith.index_cast %scan3A_212 : i32 to index
        %swap3A_363 = arith.constant 112 : index
        %swap3A_364 = tpu.vector_load %arg17[%swap3A_362, %swap3A_363] {strides = array<i32>} : memref<80x128xf32, #tpu.memory_space<vmem>>, vector<1x16xf32>,
        %swap3A_365 = vector.shape_cast %swap3A_364 : vector<1x16xf32> to vector<16xf32>
        %swap3A_366 = vector.shape_cast %mul3A_361 : vector<16xf32> to vector<1x16xf32>
        tpu.vector_store %arg17[%swap3A_362, %swap3A_363], %swap3A_366 {strides = array<i32>} : memref<80x128xf32, #tpu.memory_space<vmem>>, vector<1x16xf32>,
        %get3A_367 = arith.index_cast %scan3A_212 : i32 to index
        %get3A_368 = arith.constant 112 : index
        %get3A_369 = tpu.vector_load %arg18[%get3A_367, %get3A_368] {strides = array<i32>} : memref<80x128xf32, #tpu.memory_space<vmem>>, vector<1x16xf32>,
        %get3A_370 = vector.shape_cast %get3A_369 : vector<1x16xf32> to vector<16xf32>
        %mul3A_371 = arith.mulf %get3A_370, %get3A_216 : vector<16xf32>
        %swap3A_372 = arith.index_cast %scan3A_212 : i32 to index
        %swap3A_373 = arith.constant 112 : index
        %swap3A_374 = tpu.vector_load %arg18[%swap3A_372, %swap3A_373] {strides = array<i32>} : memref<80x128xf32, #tpu.memory_space<vmem>>, vector<1x16xf32>,
        %swap3A_375 = vector.shape_cast %swap3A_374 : vector<1x16xf32> to vector<16xf32>
        %swap3A_376 = vector.shape_cast %mul3A_371 : vector<16xf32> to vector<1x16xf32>
        tpu.vector_store %arg18[%swap3A_372, %swap3A_373], %swap3A_376 {strides = array<i32>} : memref<80x128xf32, #tpu.memory_space<vmem>>, vector<1x16xf32>,
      }
      %scan3A_211 = arith.constant 80 : i32
      "tpu.region"() ({
        %run_scoped3A = tpu.sem_alloc : memref<!tpu.dma_semaphore, #tpu.memory_space<semaphore_mem>>
        %dma_start3A_212 = arith.constant 0 : i32
        %dma_start3A_213 = arith.constant 0 : i32
        %dma_start3A_214 = tpu.memref_slice %arg21[%dma_start3A_212, %dma_start3A_213] : memref<10627x128xf32, #tpu.memory_space<vmem_shared>> -> memref<10627x128xf32, #tpu.memory_space<vmem_shared>>
        tpu.enqueue_indirect_dma source(%arg17 : memref<80x128xf32, #tpu.memory_space<vmem>>) target(%dma_start3A_214 : memref<10627x128xf32, #tpu.memory_space<vmem_shared>>) offsets(%arg14 : memref<80xi32, #tpu.memory_space<vmem>>) semaphore(%run_scoped3A : memref<!tpu.dma_semaphore, #tpu.memory_space<semaphore_mem>>) {add = true}
        %dma_wait3A_215 = arith.constant 0 : i32
        %dma_wait3A_216 = arith.constant 0 : i32
        %dma_wait3A_217 = tpu.memref_slice %arg21[%dma_wait3A_215, %dma_wait3A_216] : memref<10627x128xf32, #tpu.memory_space<vmem_shared>> -> memref<10627x128xf32, #tpu.memory_space<vmem_shared>>
        tpu.wait_indirect_dma semaphore(%run_scoped3A : memref<!tpu.dma_semaphore, #tpu.memory_space<semaphore_mem>>) src(%arg17 : memref<80x128xf32, #tpu.memory_space<vmem>>) dst(%dma_wait3A_217 : memref<10627x128xf32, #tpu.memory_space<vmem_shared>>)
        tpu.yield
      }) : () -> ()
      "tpu.region"() ({
        %run_scoped3A = tpu.sem_alloc : memref<!tpu.dma_semaphore, #tpu.memory_space<semaphore_mem>>
        %dma_start3A_212 = arith.constant 0 : i32
        %dma_start3A_213 = arith.constant 0 : i32
        %dma_start3A_214 = tpu.memref_slice %arg21[%dma_start3A_212, %dma_start3A_213] : memref<10627x128xf32, #tpu.memory_space<vmem_shared>> -> memref<10627x128xf32, #tpu.memory_space<vmem_shared>>
        tpu.enqueue_indirect_dma source(%arg18 : memref<80x128xf32, #tpu.memory_space<vmem>>) target(%dma_start3A_214 : memref<10627x128xf32, #tpu.memory_space<vmem_shared>>) offsets(%arg15 : memref<80xi32, #tpu.memory_space<vmem>>) semaphore(%run_scoped3A : memref<!tpu.dma_semaphore, #tpu.memory_space<semaphore_mem>>) {add = true}
        %dma_wait3A_215 = arith.constant 0 : i32
        %dma_wait3A_216 = arith.constant 0 : i32
        %dma_wait3A_217 = tpu.memref_slice %arg21[%dma_wait3A_215, %dma_wait3A_216] : memref<10627x128xf32, #tpu.memory_space<vmem_shared>> -> memref<10627x128xf32, #tpu.memory_space<vmem_shared>>
        tpu.wait_indirect_dma semaphore(%run_scoped3A : memref<!tpu.dma_semaphore, #tpu.memory_space<semaphore_mem>>) src(%arg18 : memref<80x128xf32, #tpu.memory_space<vmem>>) dst(%dma_wait3A_217 : memref<10627x128xf32, #tpu.memory_space<vmem_shared>>)
        tpu.yield
      }) : () -> ()
    }
    %scan3A_7 = arith.constant 125 : i32
    %barrier3A_8 = arith.constant 0 : index
    tpu.barrier barrier_id(%barrier3A_8)
    %eq3A_9 = arith.constant 0 : i32
    %eq3A_10 = arith.cmpi eq, %arg1, %eq3A_9 : i32
    %convert_element_type3A_11 = arith.extui %eq3A_10 : i1 to i32
    %cond3A_12 = arith.constant 0 : i32
    %cond3A_13 = arith.cmpi ne, %convert_element_type3A_11, %cond3A_12 : i32
    scf.if %cond3A_13 {
      "tpu.region"() ({
        %run_scoped3A = tpu.sem_alloc : memref<!tpu.dma_semaphore, #tpu.memory_space<semaphore_mem>>
        %dma_start3A = arith.constant 0 : i32
        %dma_start3A_14 = arith.constant 0 : i32
        %dma_start3A_15 = tpu.memref_slice %arg10[%arg0, %dma_start3A, %dma_start3A_14] : memref<2x10627x128xf32, #tpu.memory_space<hbm>> -> memref<1x10627x128xf32, #tpu.memory_space<hbm>>
        %dma_start3A_16 = tpu.memref_squeeze %dma_start3A_15 : memref<1x10627x128xf32, #tpu.memory_space<hbm>> -> memref<10627x128xf32, #tpu.memory_space<hbm>>
        tpu.enqueue_dma source(%arg21 : memref<10627x128xf32, #tpu.memory_space<vmem_shared>>) target(%dma_start3A_16 : memref<10627x128xf32, #tpu.memory_space<hbm>>) target_semaphore(%run_scoped3A : memref<!tpu.dma_semaphore, #tpu.memory_space<semaphore_mem>>)
        %dma_wait3A = arith.constant 0 : i32
        %dma_wait3A_17 = arith.constant 0 : i32
        %dma_wait3A_18 = tpu.memref_slice %arg10[%arg0, %dma_wait3A, %dma_wait3A_17] : memref<2x10627x128xf32, #tpu.memory_space<hbm>> -> memref<1x10627x128xf32, #tpu.memory_space<hbm>>
        %dma_wait3A_19 = tpu.memref_squeeze %dma_wait3A_18 : memref<1x10627x128xf32, #tpu.memory_space<hbm>> -> memref<10627x128xf32, #tpu.memory_space<hbm>>
        tpu.wait_dma2 semaphore(%run_scoped3A : memref<!tpu.dma_semaphore, #tpu.memory_space<semaphore_mem>>) src(%arg21 : memref<10627x128xf32, #tpu.memory_space<vmem_shared>>) dst(%dma_wait3A_19 : memref<10627x128xf32, #tpu.memory_space<hbm>>)
        tpu.yield
      }) : () -> ()
    } else {
    }
    return
  }
}

#map = affine_map<(d0, d1) -> (0)>
#map1 = affine_map<(d0, d1) -> (0, 0)>
#map2 = affine_map<(d0, d1) -> (0, 0, 0)>
module attributes {stable_mosaic.version = 14 : i64} {
  func.func @_sc_body(%arg0: i32, %arg1: i32, %arg2: memref<320000xi32, #tpu.memory_space<hbm>>, %arg3: memref<320000xi32, #tpu.memory_space<hbm>>, %arg4: memref<320000xi32, #tpu.memory_space<hbm>>, %arg5: memref<10000x128xf32, #tpu.memory_space<hbm>>, %arg6: memref<10000x128xf32, #tpu.memory_space<hbm>>, %arg7: memref<10000x128xf32, #tpu.memory_space<hbm>>, %arg8: memref<16x128xf32, #tpu.memory_space<hbm>>, %arg9: memref<10627x128xf32, #tpu.memory_space<hbm>>, %arg10: memref<2x10627x128xf32, #tpu.memory_space<hbm>>, %arg11: memref<80xi32, #tpu.memory_space<vmem>>, %arg12: memref<80xi32, #tpu.memory_space<vmem>>, %arg13: memref<80xi32, #tpu.memory_space<vmem>>, %arg14: memref<80xi32, #tpu.memory_space<vmem>>, %arg15: memref<80xi32, #tpu.memory_space<vmem>>, %arg16: memref<80xi32, #tpu.memory_space<vmem>>, %arg17: memref<80x128xf32, #tpu.memory_space<vmem>>, %arg18: memref<80x128xf32, #tpu.memory_space<vmem>>, %arg19: memref<80x128xf32, #tpu.memory_space<vmem>>, %arg20: memref<80x16xf32, #tpu.memory_space<vmem>>, %arg21: memref<10627x128xf32, #tpu.memory_space<vmem_shared>>, %arg22: memref<!tpu.dma_semaphore, #tpu.memory_space<semaphore_mem>>) attributes {dimension_semantics = [#tpu.dimension_semantics<core_parallel>, #tpu.dimension_semantics<subcore_parallel>], iteration_bounds = array<i64: 2, 16>, scalar_prefetch = 0 : i64, scratch_operands = 12 : i64, tpu.core_type = #tpu.core_type<sc_vector_subcore>, window_params = [{transform_indices = #map}, {transform_indices = #map}, {transform_indices = #map}, {transform_indices = #map1}, {transform_indices = #map1}, {transform_indices = #map1}, {transform_indices = #map1}, {transform_indices = #map1}, {transform_indices = #map2}]} {
    %mul3A = arith.constant 2 : i32
    %mul3A_0 = arith.muli %arg1, %mul3A : i32
    %add3A = arith.addi %mul3A_0, %arg0 : i32
    %eq3A = arith.constant 0 : i32
    %eq3A_1 = arith.cmpi eq, %arg1, %eq3A : i32
    %convert_element_type3A = arith.extui %eq3A_1 : i1 to i32
    %cond3A = arith.constant 0 : i32
    %cond3A_2 = arith.cmpi ne, %convert_element_type3A, %cond3A : i32
    scf.if %cond3A_2 {
      "tpu.region"() ({
        %run_scoped3A = tpu.sem_alloc : memref<!tpu.dma_semaphore, #tpu.memory_space<semaphore_mem>>
        tpu.enqueue_dma source(%arg9 : memref<10627x128xf32, #tpu.memory_space<hbm>>) target(%arg21 : memref<10627x128xf32, #tpu.memory_space<vmem_shared>>) target_semaphore(%run_scoped3A : memref<!tpu.dma_semaphore, #tpu.memory_space<semaphore_mem>>)
        tpu.wait_dma2 semaphore(%run_scoped3A : memref<!tpu.dma_semaphore, #tpu.memory_space<semaphore_mem>>) src(%arg9 : memref<10627x128xf32, #tpu.memory_space<hbm>>) dst(%arg21 : memref<10627x128xf32, #tpu.memory_space<vmem_shared>>)
        tpu.yield
      }) : () -> ()
    } else {
    }
    %barrier3A = arith.constant 0 : index
    tpu.barrier barrier_id(%barrier3A)
    %scan3A = arith.constant 0 : i32
    %scan3A_3 = arith.constant 0 : i32
    %scan3A_4 = arith.constant 125 : i32
    %scan3A_5 = arith.addi %scan3A_3, %scan3A_4 : i32
    %scan3A_6 = arith.constant 1 : i32
    scf.for %scan3A_14 = %scan3A_3 to %scan3A_5 step %scan3A_6  : i32 {
      %mul3A_15 = arith.constant 10000 : i32
      %mul3A_16 = arith.muli %add3A, %mul3A_15 : i32
      %mul3A_17 = arith.constant 80 : i32
      %mul3A_18 = arith.muli %scan3A_14, %mul3A_17 : i32
      %add3A_19 = arith.addi %mul3A_16, %mul3A_18 : i32
      "tpu.region"() ({
        %run_scoped3A = tpu.sem_alloc : memref<!tpu.dma_semaphore, #tpu.memory_space<semaphore_mem>>
        %dma_start3A_212 = tpu.memref_slice %arg2[%add3A_19] : memref<320000xi32, #tpu.memory_space<hbm>> -> memref<80xi32, #tpu.memory_space<hbm>>
        %dma_start3A_213 = tpu.memref_slice %arg2[%add3A_19] : memref<320000xi32, #tpu.memory_space<hbm>> -> memref<80xi32, #tpu.memory_space<hbm>>
        tpu.enqueue_dma source(%dma_start3A_213 : memref<80xi32, #tpu.memory_space<hbm>>) target(%arg11 : memref<80xi32, #tpu.memory_space<vmem>>) target_semaphore(%run_scoped3A : memref<!tpu.dma_semaphore, #tpu.memory_space<semaphore_mem>>)
        %dma_wait3A_214 = tpu.memref_slice %arg2[%add3A_19] : memref<320000xi32, #tpu.memory_space<hbm>> -> memref<80xi32, #tpu.memory_space<hbm>>
        %dma_wait3A_215 = tpu.memref_slice %arg2[%add3A_19] : memref<320000xi32, #tpu.memory_space<hbm>> -> memref<80xi32, #tpu.memory_space<hbm>>
        tpu.wait_dma2 semaphore(%run_scoped3A : memref<!tpu.dma_semaphore, #tpu.memory_space<semaphore_mem>>) src(%dma_wait3A_215 : memref<80xi32, #tpu.memory_space<hbm>>) dst(%arg11 : memref<80xi32, #tpu.memory_space<vmem>>)
        tpu.yield
      }) : () -> ()
      "tpu.region"() ({
        %run_scoped3A = tpu.sem_alloc : memref<!tpu.dma_semaphore, #tpu.memory_space<semaphore_mem>>
        %dma_start3A_212 = tpu.memref_slice %arg3[%add3A_19] : memref<320000xi32, #tpu.memory_space<hbm>> -> memref<80xi32, #tpu.memory_space<hbm>>
        %dma_start3A_213 = tpu.memref_slice %arg3[%add3A_19] : memref<320000xi32, #tpu.memory_space<hbm>> -> memref<80xi32, #tpu.memory_space<hbm>>
        tpu.enqueue_dma source(%dma_start3A_213 : memref<80xi32, #tpu.memory_space<hbm>>) target(%arg12 : memref<80xi32, #tpu.memory_space<vmem>>) target_semaphore(%run_scoped3A : memref<!tpu.dma_semaphore, #tpu.memory_space<semaphore_mem>>)
        %dma_wait3A_214 = tpu.memref_slice %arg3[%add3A_19] : memref<320000xi32, #tpu.memory_space<hbm>> -> memref<80xi32, #tpu.memory_space<hbm>>
        %dma_wait3A_215 = tpu.memref_slice %arg3[%add3A_19] : memref<320000xi32, #tpu.memory_space<hbm>> -> memref<80xi32, #tpu.memory_space<hbm>>
        tpu.wait_dma2 semaphore(%run_scoped3A : memref<!tpu.dma_semaphore, #tpu.memory_space<semaphore_mem>>) src(%dma_wait3A_215 : memref<80xi32, #tpu.memory_space<hbm>>) dst(%arg12 : memref<80xi32, #tpu.memory_space<vmem>>)
        tpu.yield
      }) : () -> ()
      "tpu.region"() ({
        %run_scoped3A = tpu.sem_alloc : memref<!tpu.dma_semaphore, #tpu.memory_space<semaphore_mem>>
        %dma_start3A_212 = tpu.memref_slice %arg4[%add3A_19] : memref<320000xi32, #tpu.memory_space<hbm>> -> memref<80xi32, #tpu.memory_space<hbm>>
        %dma_start3A_213 = tpu.memref_slice %arg4[%add3A_19] : memref<320000xi32, #tpu.memory_space<hbm>> -> memref<80xi32, #tpu.memory_space<hbm>>
        tpu.enqueue_dma source(%dma_start3A_213 : memref<80xi32, #tpu.memory_space<hbm>>) target(%arg13 : memref<80xi32, #tpu.memory_space<vmem>>) target_semaphore(%run_scoped3A : memref<!tpu.dma_semaphore, #tpu.memory_space<semaphore_mem>>)
        %dma_wait3A_214 = tpu.memref_slice %arg4[%add3A_19] : memref<320000xi32, #tpu.memory_space<hbm>> -> memref<80xi32, #tpu.memory_space<hbm>>
        %dma_wait3A_215 = tpu.memref_slice %arg4[%add3A_19] : memref<320000xi32, #tpu.memory_space<hbm>> -> memref<80xi32, #tpu.memory_space<hbm>>
        tpu.wait_dma2 semaphore(%run_scoped3A : memref<!tpu.dma_semaphore, #tpu.memory_space<semaphore_mem>>) src(%dma_wait3A_215 : memref<80xi32, #tpu.memory_space<hbm>>) dst(%arg13 : memref<80xi32, #tpu.memory_space<vmem>>)
        tpu.yield
      }) : () -> ()
      %dma_start3A = arith.constant 0 : i32
      %dma_start3A_20 = arith.constant 0 : i32
      %dma_start3A_21 = tpu.memref_slice %arg5[%dma_start3A, %dma_start3A_20] : memref<10000x128xf32, #tpu.memory_space<hbm>> -> memref<10000x128xf32, #tpu.memory_space<hbm>>
      tpu.enqueue_indirect_dma source(%dma_start3A_21 : memref<10000x128xf32, #tpu.memory_space<hbm>>) target(%arg17 : memref<80x128xf32, #tpu.memory_space<vmem>>) offsets(%arg11 : memref<80xi32, #tpu.memory_space<vmem>>) semaphore(%arg22 : memref<!tpu.dma_semaphore, #tpu.memory_space<semaphore_mem>>)
      %dma_wait3A = arith.constant 0 : i32
      %dma_wait3A_22 = arith.constant 0 : i32
      %dma_wait3A_23 = tpu.memref_slice %arg5[%dma_wait3A, %dma_wait3A_22] : memref<10000x128xf32, #tpu.memory_space<hbm>> -> memref<10000x128xf32, #tpu.memory_space<hbm>>
      tpu.wait_indirect_dma semaphore(%arg22 : memref<!tpu.dma_semaphore, #tpu.memory_space<semaphore_mem>>) src(%dma_wait3A_23 : memref<10000x128xf32, #tpu.memory_space<hbm>>) dst(%arg17 : memref<80x128xf32, #tpu.memory_space<vmem>>)
      %dma_start3A_24 = arith.constant 0 : i32
      %dma_start3A_25 = arith.constant 0 : i32
      %dma_start3A_26 = tpu.memref_slice %arg6[%dma_start3A_24, %dma_start3A_25] : memref<10000x128xf32, #tpu.memory_space<hbm>> -> memref<10000x128xf32, #tpu.memory_space<hbm>>
      tpu.enqueue_indirect_dma source(%dma_start3A_26 : memref<10000x128xf32, #tpu.memory_space<hbm>>) target(%arg18 : memref<80x128xf32, #tpu.memory_space<vmem>>) offsets(%arg12 : memref<80xi32, #tpu.memory_space<vmem>>) semaphore(%arg22 : memref<!tpu.dma_semaphore, #tpu.memory_space<semaphore_mem>>)
      %dma_wait3A_27 = arith.constant 0 : i32
      %dma_wait3A_28 = arith.constant 0 : i32
      %dma_wait3A_29 = tpu.memref_slice %arg6[%dma_wait3A_27, %dma_wait3A_28] : memref<10000x128xf32, #tpu.memory_space<hbm>> -> memref<10000x128xf32, #tpu.memory_space<hbm>>
      tpu.wait_indirect_dma semaphore(%arg22 : memref<!tpu.dma_semaphore, #tpu.memory_space<semaphore_mem>>) src(%dma_wait3A_29 : memref<10000x128xf32, #tpu.memory_space<hbm>>) dst(%arg18 : memref<80x128xf32, #tpu.memory_space<vmem>>)
      %dma_start3A_30 = arith.constant 0 : i32
      %dma_start3A_31 = arith.constant 0 : i32
      %dma_start3A_32 = tpu.memref_slice %arg7[%dma_start3A_30, %dma_start3A_31] : memref<10000x128xf32, #tpu.memory_space<hbm>> -> memref<10000x128xf32, #tpu.memory_space<hbm>>
      tpu.enqueue_indirect_dma source(%dma_start3A_32 : memref<10000x128xf32, #tpu.memory_space<hbm>>) target(%arg19 : memref<80x128xf32, #tpu.memory_space<vmem>>) offsets(%arg11 : memref<80xi32, #tpu.memory_space<vmem>>) semaphore(%arg22 : memref<!tpu.dma_semaphore, #tpu.memory_space<semaphore_mem>>)
      %dma_wait3A_33 = arith.constant 0 : i32
      %dma_wait3A_34 = arith.constant 0 : i32
      %dma_wait3A_35 = tpu.memref_slice %arg7[%dma_wait3A_33, %dma_wait3A_34] : memref<10000x128xf32, #tpu.memory_space<hbm>> -> memref<10000x128xf32, #tpu.memory_space<hbm>>
      tpu.wait_indirect_dma semaphore(%arg22 : memref<!tpu.dma_semaphore, #tpu.memory_space<semaphore_mem>>) src(%dma_wait3A_35 : memref<10000x128xf32, #tpu.memory_space<hbm>>) dst(%arg19 : memref<80x128xf32, #tpu.memory_space<vmem>>)
      %get3A = arith.constant 0 : index
      %get3A_36 = tpu.vector_load %arg13[%get3A] {strides = array<i32>} : memref<80xi32, #tpu.memory_space<vmem>>, vector<16xi32>,
      %get3A_37 = vector.shape_cast %get3A_36 : vector<16xi32> to vector<16xi32>
      %eq3A_38 = arith.constant 3 : i32
      %eq3A_39 = vector.broadcast %eq3A_38 : i32 to vector<16xi32>
      %eq3A_40 = arith.cmpi eq, %get3A_37, %eq3A_39 : vector<16xi32>
      %get3A_41 = arith.constant 0 : index
      %get3A_42 = tpu.vector_load %arg12[%get3A_41] {strides = array<i32>} : memref<80xi32, #tpu.memory_space<vmem>>, vector<16xi32>,
      %get3A_43 = vector.shape_cast %get3A_42 : vector<16xi32> to vector<16xi32>
      %jit3A = arith.constant 10000 : i32
      %broadcast_in_dim3A = vector.broadcast %jit3A : i32 to vector<16xi32>
      %select_n3A = arith.select %eq3A_40, %get3A_43, %broadcast_in_dim3A : vector<16xi1>, vector<16xi32>
      %swap3A = arith.constant 0 : index
      %swap3A_44 = tpu.vector_load %arg14[%swap3A] {strides = array<i32>} : memref<80xi32, #tpu.memory_space<vmem>>, vector<16xi32>,
      %swap3A_45 = vector.shape_cast %swap3A_44 : vector<16xi32> to vector<16xi32>
      %swap3A_46 = vector.shape_cast %select_n3A : vector<16xi32> to vector<16xi32>
      tpu.vector_store %arg14[%swap3A], %swap3A_46 {strides = array<i32>} : memref<80xi32, #tpu.memory_space<vmem>>, vector<16xi32>,
      %shift_right_logical3A = arith.constant 4 : i32
      %shift_right_logical3A_47 = vector.broadcast %shift_right_logical3A : i32 to vector<16xi32>
      %shift_right_logical3A_48 = arith.shrui %select_n3A, %shift_right_logical3A_47 : vector<16xi32>
      %add3A_49 = arith.constant 10001 : i32
      %add3A_50 = vector.broadcast %add3A_49 : i32 to vector<16xi32>
      %add3A_51 = arith.addi %add3A_50, %shift_right_logical3A_48 : vector<16xi32>
      %swap3A_52 = arith.constant 0 : index
      %swap3A_53 = tpu.vector_load %arg15[%swap3A_52] {strides = array<i32>} : memref<80xi32, #tpu.memory_space<vmem>>, vector<16xi32>,
      %swap3A_54 = vector.shape_cast %swap3A_53 : vector<16xi32> to vector<16xi32>
      %swap3A_55 = vector.shape_cast %add3A_51 : vector<16xi32> to vector<16xi32>
      tpu.vector_store %arg15[%swap3A_52], %swap3A_55 {strides = array<i32>} : memref<80xi32, #tpu.memory_space<vmem>>, vector<16xi32>,
      %and3A = arith.constant 15 : i32
      %and3A_56 = vector.broadcast %and3A : i32 to vector<16xi32>
      %and3A_57 = arith.andi %select_n3A, %and3A_56 : vector<16xi32>
      %swap3A_58 = arith.constant 0 : index
      %swap3A_59 = tpu.vector_load %arg16[%swap3A_58] {strides = array<i32>} : memref<80xi32, #tpu.memory_space<vmem>>, vector<16xi32>,
      %swap3A_60 = vector.shape_cast %swap3A_59 : vector<16xi32> to vector<16xi32>
      %swap3A_61 = vector.shape_cast %and3A_57 : vector<16xi32> to vector<16xi32>
      tpu.vector_store %arg16[%swap3A_58], %swap3A_61 {strides = array<i32>} : memref<80xi32, #tpu.memory_space<vmem>>, vector<16xi32>,
      %get3A_62 = arith.constant 16 : index
      %get3A_63 = tpu.vector_load %arg13[%get3A_62] {strides = array<i32>} : memref<80xi32, #tpu.memory_space<vmem>>, vector<16xi32>,
      %get3A_64 = vector.shape_cast %get3A_63 : vector<16xi32> to vector<16xi32>
      %eq3A_65 = arith.constant 3 : i32
      %eq3A_66 = vector.broadcast %eq3A_65 : i32 to vector<16xi32>
      %eq3A_67 = arith.cmpi eq, %get3A_64, %eq3A_66 : vector<16xi32>
      %get3A_68 = arith.constant 16 : index
      %get3A_69 = tpu.vector_load %arg12[%get3A_68] {strides = array<i32>} : memref<80xi32, #tpu.memory_space<vmem>>, vector<16xi32>,
      %get3A_70 = vector.shape_cast %get3A_69 : vector<16xi32> to vector<16xi32>
      %jit3A_71 = arith.constant 10000 : i32
      %broadcast_in_dim3A_72 = vector.broadcast %jit3A_71 : i32 to vector<16xi32>
      %select_n3A_73 = arith.select %eq3A_67, %get3A_70, %broadcast_in_dim3A_72 : vector<16xi1>, vector<16xi32>
      %swap3A_74 = arith.constant 16 : index
      %swap3A_75 = tpu.vector_load %arg14[%swap3A_74] {strides = array<i32>} : memref<80xi32, #tpu.memory_space<vmem>>, vector<16xi32>,
      %swap3A_76 = vector.shape_cast %swap3A_75 : vector<16xi32> to vector<16xi32>
      %swap3A_77 = vector.shape_cast %select_n3A_73 : vector<16xi32> to vector<16xi32>
      tpu.vector_store %arg14[%swap3A_74], %swap3A_77 {strides = array<i32>} : memref<80xi32, #tpu.memory_space<vmem>>, vector<16xi32>,
      %shift_right_logical3A_78 = arith.constant 4 : i32
      %shift_right_logical3A_79 = vector.broadcast %shift_right_logical3A_78 : i32 to vector<16xi32>
      %shift_right_logical3A_80 = arith.shrui %select_n3A_73, %shift_right_logical3A_79 : vector<16xi32>
      %add3A_81 = arith.constant 10001 : i32
      %add3A_82 = vector.broadcast %add3A_81 : i32 to vector<16xi32>
      %add3A_83 = arith.addi %add3A_82, %shift_right_logical3A_80 : vector<16xi32>
      %swap3A_84 = arith.constant 16 : index
      %swap3A_85 = tpu.vector_load %arg15[%swap3A_84] {strides = array<i32>} : memref<80xi32, #tpu.memory_space<vmem>>, vector<16xi32>,
      %swap3A_86 = vector.shape_cast %swap3A_85 : vector<16xi32> to vector<16xi32>
      %swap3A_87 = vector.shape_cast %add3A_83 : vector<16xi32> to vector<16xi32>
      tpu.vector_store %arg15[%swap3A_84], %swap3A_87 {strides = array<i32>} : memref<80xi32, #tpu.memory_space<vmem>>, vector<16xi32>,
      %and3A_88 = arith.constant 15 : i32
      %and3A_89 = vector.broadcast %and3A_88 : i32 to vector<16xi32>
      %and3A_90 = arith.andi %select_n3A_73, %and3A_89 : vector<16xi32>
      %swap3A_91 = arith.constant 16 : index
      %swap3A_92 = tpu.vector_load %arg16[%swap3A_91] {strides = array<i32>} : memref<80xi32, #tpu.memory_space<vmem>>, vector<16xi32>,
      %swap3A_93 = vector.shape_cast %swap3A_92 : vector<16xi32> to vector<16xi32>
      %swap3A_94 = vector.shape_cast %and3A_90 : vector<16xi32> to vector<16xi32>
      tpu.vector_store %arg16[%swap3A_91], %swap3A_94 {strides = array<i32>} : memref<80xi32, #tpu.memory_space<vmem>>, vector<16xi32>,
      %get3A_95 = arith.constant 32 : index
      %get3A_96 = tpu.vector_load %arg13[%get3A_95] {strides = array<i32>} : memref<80xi32, #tpu.memory_space<vmem>>, vector<16xi32>,
      %get3A_97 = vector.shape_cast %get3A_96 : vector<16xi32> to vector<16xi32>
      %eq3A_98 = arith.constant 3 : i32
      %eq3A_99 = vector.broadcast %eq3A_98 : i32 to vector<16xi32>
      %eq3A_100 = arith.cmpi eq, %get3A_97, %eq3A_99 : vector<16xi32>
      %get3A_101 = arith.constant 32 : index
      %get3A_102 = tpu.vector_load %arg12[%get3A_101] {strides = array<i32>} : memref<80xi32, #tpu.memory_space<vmem>>, vector<16xi32>,
      %get3A_103 = vector.shape_cast %get3A_102 : vector<16xi32> to vector<16xi32>
      %jit3A_104 = arith.constant 10000 : i32
      %broadcast_in_dim3A_105 = vector.broadcast %jit3A_104 : i32 to vector<16xi32>
      %select_n3A_106 = arith.select %eq3A_100, %get3A_103, %broadcast_in_dim3A_105 : vector<16xi1>, vector<16xi32>
      %swap3A_107 = arith.constant 32 : index
      %swap3A_108 = tpu.vector_load %arg14[%swap3A_107] {strides = array<i32>} : memref<80xi32, #tpu.memory_space<vmem>>, vector<16xi32>,
      %swap3A_109 = vector.shape_cast %swap3A_108 : vector<16xi32> to vector<16xi32>
      %swap3A_110 = vector.shape_cast %select_n3A_106 : vector<16xi32> to vector<16xi32>
      tpu.vector_store %arg14[%swap3A_107], %swap3A_110 {strides = array<i32>} : memref<80xi32, #tpu.memory_space<vmem>>, vector<16xi32>,
      %shift_right_logical3A_111 = arith.constant 4 : i32
      %shift_right_logical3A_112 = vector.broadcast %shift_right_logical3A_111 : i32 to vector<16xi32>
      %shift_right_logical3A_113 = arith.shrui %select_n3A_106, %shift_right_logical3A_112 : vector<16xi32>
      %add3A_114 = arith.constant 10001 : i32
      %add3A_115 = vector.broadcast %add3A_114 : i32 to vector<16xi32>
      %add3A_116 = arith.addi %add3A_115, %shift_right_logical3A_113 : vector<16xi32>
      %swap3A_117 = arith.constant 32 : index
      %swap3A_118 = tpu.vector_load %arg15[%swap3A_117] {strides = array<i32>} : memref<80xi32, #tpu.memory_space<vmem>>, vector<16xi32>,
      %swap3A_119 = vector.shape_cast %swap3A_118 : vector<16xi32> to vector<16xi32>
      %swap3A_120 = vector.shape_cast %add3A_116 : vector<16xi32> to vector<16xi32>
      tpu.vector_store %arg15[%swap3A_117], %swap3A_120 {strides = array<i32>} : memref<80xi32, #tpu.memory_space<vmem>>, vector<16xi32>,
      %and3A_121 = arith.constant 15 : i32
      %and3A_122 = vector.broadcast %and3A_121 : i32 to vector<16xi32>
      %and3A_123 = arith.andi %select_n3A_106, %and3A_122 : vector<16xi32>
      %swap3A_124 = arith.constant 32 : index
      %swap3A_125 = tpu.vector_load %arg16[%swap3A_124] {strides = array<i32>} : memref<80xi32, #tpu.memory_space<vmem>>, vector<16xi32>,
      %swap3A_126 = vector.shape_cast %swap3A_125 : vector<16xi32> to vector<16xi32>
      %swap3A_127 = vector.shape_cast %and3A_123 : vector<16xi32> to vector<16xi32>
      tpu.vector_store %arg16[%swap3A_124], %swap3A_127 {strides = array<i32>} : memref<80xi32, #tpu.memory_space<vmem>>, vector<16xi32>,
      %get3A_128 = arith.constant 48 : index
      %get3A_129 = tpu.vector_load %arg13[%get3A_128] {strides = array<i32>} : memref<80xi32, #tpu.memory_space<vmem>>, vector<16xi32>,
      %get3A_130 = vector.shape_cast %get3A_129 : vector<16xi32> to vector<16xi32>
      %eq3A_131 = arith.constant 3 : i32
      %eq3A_132 = vector.broadcast %eq3A_131 : i32 to vector<16xi32>
      %eq3A_133 = arith.cmpi eq, %get3A_130, %eq3A_132 : vector<16xi32>
      %get3A_134 = arith.constant 48 : index
      %get3A_135 = tpu.vector_load %arg12[%get3A_134] {strides = array<i32>} : memref<80xi32, #tpu.memory_space<vmem>>, vector<16xi32>,
      %get3A_136 = vector.shape_cast %get3A_135 : vector<16xi32> to vector<16xi32>
      %jit3A_137 = arith.constant 10000 : i32
      %broadcast_in_dim3A_138 = vector.broadcast %jit3A_137 : i32 to vector<16xi32>
      %select_n3A_139 = arith.select %eq3A_133, %get3A_136, %broadcast_in_dim3A_138 : vector<16xi1>, vector<16xi32>
      %swap3A_140 = arith.constant 48 : index
      %swap3A_141 = tpu.vector_load %arg14[%swap3A_140] {strides = array<i32>} : memref<80xi32, #tpu.memory_space<vmem>>, vector<16xi32>,
      %swap3A_142 = vector.shape_cast %swap3A_141 : vector<16xi32> to vector<16xi32>
      %swap3A_143 = vector.shape_cast %select_n3A_139 : vector<16xi32> to vector<16xi32>
      tpu.vector_store %arg14[%swap3A_140], %swap3A_143 {strides = array<i32>} : memref<80xi32, #tpu.memory_space<vmem>>, vector<16xi32>,
      %shift_right_logical3A_144 = arith.constant 4 : i32
      %shift_right_logical3A_145 = vector.broadcast %shift_right_logical3A_144 : i32 to vector<16xi32>
      %shift_right_logical3A_146 = arith.shrui %select_n3A_139, %shift_right_logical3A_145 : vector<16xi32>
      %add3A_147 = arith.constant 10001 : i32
      %add3A_148 = vector.broadcast %add3A_147 : i32 to vector<16xi32>
      %add3A_149 = arith.addi %add3A_148, %shift_right_logical3A_146 : vector<16xi32>
      %swap3A_150 = arith.constant 48 : index
      %swap3A_151 = tpu.vector_load %arg15[%swap3A_150] {strides = array<i32>} : memref<80xi32, #tpu.memory_space<vmem>>, vector<16xi32>,
      %swap3A_152 = vector.shape_cast %swap3A_151 : vector<16xi32> to vector<16xi32>
      %swap3A_153 = vector.shape_cast %add3A_149 : vector<16xi32> to vector<16xi32>
      tpu.vector_store %arg15[%swap3A_150], %swap3A_153 {strides = array<i32>} : memref<80xi32, #tpu.memory_space<vmem>>, vector<16xi32>,
      %and3A_154 = arith.constant 15 : i32
      %and3A_155 = vector.broadcast %and3A_154 : i32 to vector<16xi32>
      %and3A_156 = arith.andi %select_n3A_139, %and3A_155 : vector<16xi32>
      %swap3A_157 = arith.constant 48 : index
      %swap3A_158 = tpu.vector_load %arg16[%swap3A_157] {strides = array<i32>} : memref<80xi32, #tpu.memory_space<vmem>>, vector<16xi32>,
      %swap3A_159 = vector.shape_cast %swap3A_158 : vector<16xi32> to vector<16xi32>
      %swap3A_160 = vector.shape_cast %and3A_156 : vector<16xi32> to vector<16xi32>
      tpu.vector_store %arg16[%swap3A_157], %swap3A_160 {strides = array<i32>} : memref<80xi32, #tpu.memory_space<vmem>>, vector<16xi32>,
      %get3A_161 = arith.constant 64 : index
      %get3A_162 = tpu.vector_load %arg13[%get3A_161] {strides = array<i32>} : memref<80xi32, #tpu.memory_space<vmem>>, vector<16xi32>,
      %get3A_163 = vector.shape_cast %get3A_162 : vector<16xi32> to vector<16xi32>
      %eq3A_164 = arith.constant 3 : i32
      %eq3A_165 = vector.broadcast %eq3A_164 : i32 to vector<16xi32>
      %eq3A_166 = arith.cmpi eq, %get3A_163, %eq3A_165 : vector<16xi32>
      %get3A_167 = arith.constant 64 : index
      %get3A_168 = tpu.vector_load %arg12[%get3A_167] {strides = array<i32>} : memref<80xi32, #tpu.memory_space<vmem>>, vector<16xi32>,
      %get3A_169 = vector.shape_cast %get3A_168 : vector<16xi32> to vector<16xi32>
      %jit3A_170 = arith.constant 10000 : i32
      %broadcast_in_dim3A_171 = vector.broadcast %jit3A_170 : i32 to vector<16xi32>
      %select_n3A_172 = arith.select %eq3A_166, %get3A_169, %broadcast_in_dim3A_171 : vector<16xi1>, vector<16xi32>
      %swap3A_173 = arith.constant 64 : index
      %swap3A_174 = tpu.vector_load %arg14[%swap3A_173] {strides = array<i32>} : memref<80xi32, #tpu.memory_space<vmem>>, vector<16xi32>,
      %swap3A_175 = vector.shape_cast %swap3A_174 : vector<16xi32> to vector<16xi32>
      %swap3A_176 = vector.shape_cast %select_n3A_172 : vector<16xi32> to vector<16xi32>
      tpu.vector_store %arg14[%swap3A_173], %swap3A_176 {strides = array<i32>} : memref<80xi32, #tpu.memory_space<vmem>>, vector<16xi32>,
      %shift_right_logical3A_177 = arith.constant 4 : i32
      %shift_right_logical3A_178 = vector.broadcast %shift_right_logical3A_177 : i32 to vector<16xi32>
      %shift_right_logical3A_179 = arith.shrui %select_n3A_172, %shift_right_logical3A_178 : vector<16xi32>
      %add3A_180 = arith.constant 10001 : i32
      %add3A_181 = vector.broadcast %add3A_180 : i32 to vector<16xi32>
      %add3A_182 = arith.addi %add3A_181, %shift_right_logical3A_179 : vector<16xi32>
      %swap3A_183 = arith.constant 64 : index
      %swap3A_184 = tpu.vector_load %arg15[%swap3A_183] {strides = array<i32>} : memref<80xi32, #tpu.memory_space<vmem>>, vector<16xi32>,
      %swap3A_185 = vector.shape_cast %swap3A_184 : vector<16xi32> to vector<16xi32>
      %swap3A_186 = vector.shape_cast %add3A_182 : vector<16xi32> to vector<16xi32>
      tpu.vector_store %arg15[%swap3A_183], %swap3A_186 {strides = array<i32>} : memref<80xi32, #tpu.memory_space<vmem>>, vector<16xi32>,
      %and3A_187 = arith.constant 15 : i32
      %and3A_188 = vector.broadcast %and3A_187 : i32 to vector<16xi32>
      %and3A_189 = arith.andi %select_n3A_172, %and3A_188 : vector<16xi32>
      %swap3A_190 = arith.constant 64 : index
      %swap3A_191 = tpu.vector_load %arg16[%swap3A_190] {strides = array<i32>} : memref<80xi32, #tpu.memory_space<vmem>>, vector<16xi32>,
      %swap3A_192 = vector.shape_cast %swap3A_191 : vector<16xi32> to vector<16xi32>
      %swap3A_193 = vector.shape_cast %and3A_189 : vector<16xi32> to vector<16xi32>
      tpu.vector_store %arg16[%swap3A_190], %swap3A_193 {strides = array<i32>} : memref<80xi32, #tpu.memory_space<vmem>>, vector<16xi32>,
      %scan3A_194 = arith.constant 0 : i32
      %scan3A_195 = arith.constant 0 : i32
      %scan3A_196 = arith.constant 80 : i32
      %scan3A_197 = arith.addi %scan3A_195, %scan3A_196 : i32
      %scan3A_198 = arith.constant 1 : i32
      scf.for %scan3A_212 = %scan3A_195 to %scan3A_197 step %scan3A_198  : i32 {
        %get3A_213 = arith.index_cast %scan3A_212 : i32 to index
        %get3A_214 = arith.constant 0 : index
        %get3A_215 = tpu.vector_load %arg17[%get3A_213, %get3A_214] {strides = array<i32>} : memref<80x128xf32, #tpu.memory_space<vmem>>, vector<1x16xf32>,
        %get3A_216 = vector.shape_cast %get3A_215 : vector<1x16xf32> to vector<16xf32>
        %get3A_217 = arith.index_cast %scan3A_212 : i32 to index
        %get3A_218 = arith.constant 0 : index
        %get3A_219 = tpu.vector_load %arg18[%get3A_217, %get3A_218] {strides = array<i32>} : memref<80x128xf32, #tpu.memory_space<vmem>>, vector<1x16xf32>,
        %get3A_220 = vector.shape_cast %get3A_219 : vector<1x16xf32> to vector<16xf32>
        %add3A_221 = arith.addf %get3A_216, %get3A_220 : vector<16xf32>
        %gt3A = arith.constant 0.000000e+00 : f32
        %gt3A_222 = vector.broadcast %gt3A : f32 to vector<16xf32>
        %gt3A_223 = arith.cmpf ogt, %add3A_221, %gt3A_222 : vector<16xf32>
        %mul3A_224 = arith.constant 2.000000e-01 : f32
        %mul3A_225 = vector.broadcast %mul3A_224 : f32 to vector<16xf32>
        %mul3A_226 = arith.mulf %add3A_221, %mul3A_225 : vector<16xf32>
        %select_n3A_227 = arith.select %gt3A_223, %add3A_221, %mul3A_226 : vector<16xi1>, vector<16xf32>
        %exp3A = math.exp %select_n3A_227 : vector<16xf32>
        %swap3A_228 = arith.index_cast %scan3A_212 : i32 to index
        %swap3A_229 = arith.constant 0 : index
        %swap3A_230 = tpu.vector_load %arg20[%swap3A_228, %swap3A_229] {strides = array<i32>} : memref<80x16xf32, #tpu.memory_space<vmem>>, vector<1x16xf32>,
        %swap3A_231 = vector.shape_cast %swap3A_230 : vector<1x16xf32> to vector<16xf32>
        %swap3A_232 = vector.shape_cast %exp3A : vector<16xf32> to vector<1x16xf32>
        tpu.vector_store %arg20[%swap3A_228, %swap3A_229], %swap3A_232 {strides = array<i32>} : memref<80x16xf32, #tpu.memory_space<vmem>>, vector<1x16xf32>,
      }
      %scan3A_199 = arith.constant 80 : i32
      %dma_start3A_200 = arith.constant 0 : i32
      %dma_start3A_201 = arith.constant 0 : i32
      %dma_start3A_202 = tpu.memref_slice %arg8[%dma_start3A_200, %dma_start3A_201] : memref<16x128xf32, #tpu.memory_space<hbm>> -> memref<16x128xf32, #tpu.memory_space<hbm>>
      tpu.enqueue_indirect_dma source(%dma_start3A_202 : memref<16x128xf32, #tpu.memory_space<hbm>>) target(%arg18 : memref<80x128xf32, #tpu.memory_space<vmem>>) offsets(%arg16 : memref<80xi32, #tpu.memory_space<vmem>>) semaphore(%arg22 : memref<!tpu.dma_semaphore, #tpu.memory_space<semaphore_mem>>)
      %dma_wait3A_203 = arith.constant 0 : i32
      %dma_wait3A_204 = arith.constant 0 : i32
      %dma_wait3A_205 = tpu.memref_slice %arg8[%dma_wait3A_203, %dma_wait3A_204] : memref<16x128xf32, #tpu.memory_space<hbm>> -> memref<16x128xf32, #tpu.memory_space<hbm>>
      tpu.wait_indirect_dma semaphore(%arg22 : memref<!tpu.dma_semaphore, #tpu.memory_space<semaphore_mem>>) src(%dma_wait3A_205 : memref<16x128xf32, #tpu.memory_space<hbm>>) dst(%arg18 : memref<80x128xf32, #tpu.memory_space<vmem>>)
      %scan3A_206 = arith.constant 0 : i32
      %scan3A_207 = arith.constant 0 : i32
      %scan3A_208 = arith.constant 80 : i32
      %scan3A_209 = arith.addi %scan3A_207, %scan3A_208 : i32
      %scan3A_210 = arith.constant 1 : i32
      scf.for %scan3A_212 = %scan3A_207 to %scan3A_209 step %scan3A_210  : i32 {
        %get3A_213 = arith.index_cast %scan3A_212 : i32 to index
        %get3A_214 = arith.constant 0 : index
        %get3A_215 = tpu.vector_load %arg20[%get3A_213, %get3A_214] {strides = array<i32>} : memref<80x16xf32, #tpu.memory_space<vmem>>, vector<1x16xf32>,
        %get3A_216 = vector.shape_cast %get3A_215 : vector<1x16xf32> to vector<16xf32>
        %get3A_217 = arith.index_cast %scan3A_212 : i32 to index
        %get3A_218 = arith.constant 0 : index
        %get3A_219 = tpu.vector_load %arg19[%get3A_217, %get3A_218] {strides = array<i32>} : memref<80x128xf32, #tpu.memory_space<vmem>>, vector<1x16xf32>,
        %get3A_220 = vector.shape_cast %get3A_219 : vector<1x16xf32> to vector<16xf32>
        %mul3A_221 = arith.mulf %get3A_220, %get3A_216 : vector<16xf32>
        %swap3A_222 = arith.index_cast %scan3A_212 : i32 to index
        %swap3A_223 = arith.constant 0 : index
        %swap3A_224 = tpu.vector_load %arg17[%swap3A_222, %swap3A_223] {strides = array<i32>} : memref<80x128xf32, #tpu.memory_space<vmem>>, vector<1x16xf32>,
        %swap3A_225 = vector.shape_cast %swap3A_224 : vector<1x16xf32> to vector<16xf32>
        %swap3A_226 = vector.shape_cast %mul3A_221 : vector<16xf32> to vector<1x16xf32>
        tpu.vector_store %arg17[%swap3A_222, %swap3A_223], %swap3A_226 {strides = array<i32>} : memref<80x128xf32, #tpu.memory_space<vmem>>, vector<1x16xf32>,
        %get3A_227 = arith.index_cast %scan3A_212 : i32 to index
        %get3A_228 = arith.constant 0 : index
        %get3A_229 = tpu.vector_load %arg18[%get3A_227, %get3A_228] {strides = array<i32>} : memref<80x128xf32, #tpu.memory_space<vmem>>, vector<1x16xf32>,
        %get3A_230 = vector.shape_cast %get3A_229 : vector<1x16xf32> to vector<16xf32>
        %mul3A_231 = arith.mulf %get3A_230, %get3A_216 : vector<16xf32>
        %swap3A_232 = arith.index_cast %scan3A_212 : i32 to index
        %swap3A_233 = arith.constant 0 : index
        %swap3A_234 = tpu.vector_load %arg18[%swap3A_232, %swap3A_233] {strides = array<i32>} : memref<80x128xf32, #tpu.memory_space<vmem>>, vector<1x16xf32>,
        %swap3A_235 = vector.shape_cast %swap3A_234 : vector<1x16xf32> to vector<16xf32>
        %swap3A_236 = vector.shape_cast %mul3A_231 : vector<16xf32> to vector<1x16xf32>
        tpu.vector_store %arg18[%swap3A_232, %swap3A_233], %swap3A_236 {strides = array<i32>} : memref<80x128xf32, #tpu.memory_space<vmem>>, vector<1x16xf32>,
        %get3A_237 = arith.index_cast %scan3A_212 : i32 to index
        %get3A_238 = arith.constant 16 : index
        %get3A_239 = tpu.vector_load %arg19[%get3A_237, %get3A_238] {strides = array<i32>} : memref<80x128xf32, #tpu.memory_space<vmem>>, vector<1x16xf32>,
        %get3A_240 = vector.shape_cast %get3A_239 : vector<1x16xf32> to vector<16xf32>
        %mul3A_241 = arith.mulf %get3A_240, %get3A_216 : vector<16xf32>
        %swap3A_242 = arith.index_cast %scan3A_212 : i32 to index
        %swap3A_243 = arith.constant 16 : index
        %swap3A_244 = tpu.vector_load %arg17[%swap3A_242, %swap3A_243] {strides = array<i32>} : memref<80x128xf32, #tpu.memory_space<vmem>>, vector<1x16xf32>,
        %swap3A_245 = vector.shape_cast %swap3A_244 : vector<1x16xf32> to vector<16xf32>
        %swap3A_246 = vector.shape_cast %mul3A_241 : vector<16xf32> to vector<1x16xf32>
        tpu.vector_store %arg17[%swap3A_242, %swap3A_243], %swap3A_246 {strides = array<i32>} : memref<80x128xf32, #tpu.memory_space<vmem>>, vector<1x16xf32>,
        %get3A_247 = arith.index_cast %scan3A_212 : i32 to index
        %get3A_248 = arith.constant 16 : index
        %get3A_249 = tpu.vector_load %arg18[%get3A_247, %get3A_248] {strides = array<i32>} : memref<80x128xf32, #tpu.memory_space<vmem>>, vector<1x16xf32>,
        %get3A_250 = vector.shape_cast %get3A_249 : vector<1x16xf32> to vector<16xf32>
        %mul3A_251 = arith.mulf %get3A_250, %get3A_216 : vector<16xf32>
        %swap3A_252 = arith.index_cast %scan3A_212 : i32 to index
        %swap3A_253 = arith.constant 16 : index
        %swap3A_254 = tpu.vector_load %arg18[%swap3A_252, %swap3A_253] {strides = array<i32>} : memref<80x128xf32, #tpu.memory_space<vmem>>, vector<1x16xf32>,
        %swap3A_255 = vector.shape_cast %swap3A_254 : vector<1x16xf32> to vector<16xf32>
        %swap3A_256 = vector.shape_cast %mul3A_251 : vector<16xf32> to vector<1x16xf32>
        tpu.vector_store %arg18[%swap3A_252, %swap3A_253], %swap3A_256 {strides = array<i32>} : memref<80x128xf32, #tpu.memory_space<vmem>>, vector<1x16xf32>,
        %get3A_257 = arith.index_cast %scan3A_212 : i32 to index
        %get3A_258 = arith.constant 32 : index
        %get3A_259 = tpu.vector_load %arg19[%get3A_257, %get3A_258] {strides = array<i32>} : memref<80x128xf32, #tpu.memory_space<vmem>>, vector<1x16xf32>,
        %get3A_260 = vector.shape_cast %get3A_259 : vector<1x16xf32> to vector<16xf32>
        %mul3A_261 = arith.mulf %get3A_260, %get3A_216 : vector<16xf32>
        %swap3A_262 = arith.index_cast %scan3A_212 : i32 to index
        %swap3A_263 = arith.constant 32 : index
        %swap3A_264 = tpu.vector_load %arg17[%swap3A_262, %swap3A_263] {strides = array<i32>} : memref<80x128xf32, #tpu.memory_space<vmem>>, vector<1x16xf32>,
        %swap3A_265 = vector.shape_cast %swap3A_264 : vector<1x16xf32> to vector<16xf32>
        %swap3A_266 = vector.shape_cast %mul3A_261 : vector<16xf32> to vector<1x16xf32>
        tpu.vector_store %arg17[%swap3A_262, %swap3A_263], %swap3A_266 {strides = array<i32>} : memref<80x128xf32, #tpu.memory_space<vmem>>, vector<1x16xf32>,
        %get3A_267 = arith.index_cast %scan3A_212 : i32 to index
        %get3A_268 = arith.constant 32 : index
        %get3A_269 = tpu.vector_load %arg18[%get3A_267, %get3A_268] {strides = array<i32>} : memref<80x128xf32, #tpu.memory_space<vmem>>, vector<1x16xf32>,
        %get3A_270 = vector.shape_cast %get3A_269 : vector<1x16xf32> to vector<16xf32>
        %mul3A_271 = arith.mulf %get3A_270, %get3A_216 : vector<16xf32>
        %swap3A_272 = arith.index_cast %scan3A_212 : i32 to index
        %swap3A_273 = arith.constant 32 : index
        %swap3A_274 = tpu.vector_load %arg18[%swap3A_272, %swap3A_273] {strides = array<i32>} : memref<80x128xf32, #tpu.memory_space<vmem>>, vector<1x16xf32>,
        %swap3A_275 = vector.shape_cast %swap3A_274 : vector<1x16xf32> to vector<16xf32>
        %swap3A_276 = vector.shape_cast %mul3A_271 : vector<16xf32> to vector<1x16xf32>
        tpu.vector_store %arg18[%swap3A_272, %swap3A_273], %swap3A_276 {strides = array<i32>} : memref<80x128xf32, #tpu.memory_space<vmem>>, vector<1x16xf32>,
        %get3A_277 = arith.index_cast %scan3A_212 : i32 to index
        %get3A_278 = arith.constant 48 : index
        %get3A_279 = tpu.vector_load %arg19[%get3A_277, %get3A_278] {strides = array<i32>} : memref<80x128xf32, #tpu.memory_space<vmem>>, vector<1x16xf32>,
        %get3A_280 = vector.shape_cast %get3A_279 : vector<1x16xf32> to vector<16xf32>
        %mul3A_281 = arith.mulf %get3A_280, %get3A_216 : vector<16xf32>
        %swap3A_282 = arith.index_cast %scan3A_212 : i32 to index
        %swap3A_283 = arith.constant 48 : index
        %swap3A_284 = tpu.vector_load %arg17[%swap3A_282, %swap3A_283] {strides = array<i32>} : memref<80x128xf32, #tpu.memory_space<vmem>>, vector<1x16xf32>,
        %swap3A_285 = vector.shape_cast %swap3A_284 : vector<1x16xf32> to vector<16xf32>
        %swap3A_286 = vector.shape_cast %mul3A_281 : vector<16xf32> to vector<1x16xf32>
        tpu.vector_store %arg17[%swap3A_282, %swap3A_283], %swap3A_286 {strides = array<i32>} : memref<80x128xf32, #tpu.memory_space<vmem>>, vector<1x16xf32>,
        %get3A_287 = arith.index_cast %scan3A_212 : i32 to index
        %get3A_288 = arith.constant 48 : index
        %get3A_289 = tpu.vector_load %arg18[%get3A_287, %get3A_288] {strides = array<i32>} : memref<80x128xf32, #tpu.memory_space<vmem>>, vector<1x16xf32>,
        %get3A_290 = vector.shape_cast %get3A_289 : vector<1x16xf32> to vector<16xf32>
        %mul3A_291 = arith.mulf %get3A_290, %get3A_216 : vector<16xf32>
        %swap3A_292 = arith.index_cast %scan3A_212 : i32 to index
        %swap3A_293 = arith.constant 48 : index
        %swap3A_294 = tpu.vector_load %arg18[%swap3A_292, %swap3A_293] {strides = array<i32>} : memref<80x128xf32, #tpu.memory_space<vmem>>, vector<1x16xf32>,
        %swap3A_295 = vector.shape_cast %swap3A_294 : vector<1x16xf32> to vector<16xf32>
        %swap3A_296 = vector.shape_cast %mul3A_291 : vector<16xf32> to vector<1x16xf32>
        tpu.vector_store %arg18[%swap3A_292, %swap3A_293], %swap3A_296 {strides = array<i32>} : memref<80x128xf32, #tpu.memory_space<vmem>>, vector<1x16xf32>,
        %get3A_297 = arith.index_cast %scan3A_212 : i32 to index
        %get3A_298 = arith.constant 64 : index
        %get3A_299 = tpu.vector_load %arg19[%get3A_297, %get3A_298] {strides = array<i32>} : memref<80x128xf32, #tpu.memory_space<vmem>>, vector<1x16xf32>,
        %get3A_300 = vector.shape_cast %get3A_299 : vector<1x16xf32> to vector<16xf32>
        %mul3A_301 = arith.mulf %get3A_300, %get3A_216 : vector<16xf32>
        %swap3A_302 = arith.index_cast %scan3A_212 : i32 to index
        %swap3A_303 = arith.constant 64 : index
        %swap3A_304 = tpu.vector_load %arg17[%swap3A_302, %swap3A_303] {strides = array<i32>} : memref<80x128xf32, #tpu.memory_space<vmem>>, vector<1x16xf32>,
        %swap3A_305 = vector.shape_cast %swap3A_304 : vector<1x16xf32> to vector<16xf32>
        %swap3A_306 = vector.shape_cast %mul3A_301 : vector<16xf32> to vector<1x16xf32>
        tpu.vector_store %arg17[%swap3A_302, %swap3A_303], %swap3A_306 {strides = array<i32>} : memref<80x128xf32, #tpu.memory_space<vmem>>, vector<1x16xf32>,
        %get3A_307 = arith.index_cast %scan3A_212 : i32 to index
        %get3A_308 = arith.constant 64 : index
        %get3A_309 = tpu.vector_load %arg18[%get3A_307, %get3A_308] {strides = array<i32>} : memref<80x128xf32, #tpu.memory_space<vmem>>, vector<1x16xf32>,
        %get3A_310 = vector.shape_cast %get3A_309 : vector<1x16xf32> to vector<16xf32>
        %mul3A_311 = arith.mulf %get3A_310, %get3A_216 : vector<16xf32>
        %swap3A_312 = arith.index_cast %scan3A_212 : i32 to index
        %swap3A_313 = arith.constant 64 : index
        %swap3A_314 = tpu.vector_load %arg18[%swap3A_312, %swap3A_313] {strides = array<i32>} : memref<80x128xf32, #tpu.memory_space<vmem>>, vector<1x16xf32>,
        %swap3A_315 = vector.shape_cast %swap3A_314 : vector<1x16xf32> to vector<16xf32>
        %swap3A_316 = vector.shape_cast %mul3A_311 : vector<16xf32> to vector<1x16xf32>
        tpu.vector_store %arg18[%swap3A_312, %swap3A_313], %swap3A_316 {strides = array<i32>} : memref<80x128xf32, #tpu.memory_space<vmem>>, vector<1x16xf32>,
        %get3A_317 = arith.index_cast %scan3A_212 : i32 to index
        %get3A_318 = arith.constant 80 : index
        %get3A_319 = tpu.vector_load %arg19[%get3A_317, %get3A_318] {strides = array<i32>} : memref<80x128xf32, #tpu.memory_space<vmem>>, vector<1x16xf32>,
        %get3A_320 = vector.shape_cast %get3A_319 : vector<1x16xf32> to vector<16xf32>
        %mul3A_321 = arith.mulf %get3A_320, %get3A_216 : vector<16xf32>
        %swap3A_322 = arith.index_cast %scan3A_212 : i32 to index
        %swap3A_323 = arith.constant 80 : index
        %swap3A_324 = tpu.vector_load %arg17[%swap3A_322, %swap3A_323] {strides = array<i32>} : memref<80x128xf32, #tpu.memory_space<vmem>>, vector<1x16xf32>,
        %swap3A_325 = vector.shape_cast %swap3A_324 : vector<1x16xf32> to vector<16xf32>
        %swap3A_326 = vector.shape_cast %mul3A_321 : vector<16xf32> to vector<1x16xf32>
        tpu.vector_store %arg17[%swap3A_322, %swap3A_323], %swap3A_326 {strides = array<i32>} : memref<80x128xf32, #tpu.memory_space<vmem>>, vector<1x16xf32>,
        %get3A_327 = arith.index_cast %scan3A_212 : i32 to index
        %get3A_328 = arith.constant 80 : index
        %get3A_329 = tpu.vector_load %arg18[%get3A_327, %get3A_328] {strides = array<i32>} : memref<80x128xf32, #tpu.memory_space<vmem>>, vector<1x16xf32>,
        %get3A_330 = vector.shape_cast %get3A_329 : vector<1x16xf32> to vector<16xf32>
        %mul3A_331 = arith.mulf %get3A_330, %get3A_216 : vector<16xf32>
        %swap3A_332 = arith.index_cast %scan3A_212 : i32 to index
        %swap3A_333 = arith.constant 80 : index
        %swap3A_334 = tpu.vector_load %arg18[%swap3A_332, %swap3A_333] {strides = array<i32>} : memref<80x128xf32, #tpu.memory_space<vmem>>, vector<1x16xf32>,
        %swap3A_335 = vector.shape_cast %swap3A_334 : vector<1x16xf32> to vector<16xf32>
        %swap3A_336 = vector.shape_cast %mul3A_331 : vector<16xf32> to vector<1x16xf32>
        tpu.vector_store %arg18[%swap3A_332, %swap3A_333], %swap3A_336 {strides = array<i32>} : memref<80x128xf32, #tpu.memory_space<vmem>>, vector<1x16xf32>,
        %get3A_337 = arith.index_cast %scan3A_212 : i32 to index
        %get3A_338 = arith.constant 96 : index
        %get3A_339 = tpu.vector_load %arg19[%get3A_337, %get3A_338] {strides = array<i32>} : memref<80x128xf32, #tpu.memory_space<vmem>>, vector<1x16xf32>,
        %get3A_340 = vector.shape_cast %get3A_339 : vector<1x16xf32> to vector<16xf32>
        %mul3A_341 = arith.mulf %get3A_340, %get3A_216 : vector<16xf32>
        %swap3A_342 = arith.index_cast %scan3A_212 : i32 to index
        %swap3A_343 = arith.constant 96 : index
        %swap3A_344 = tpu.vector_load %arg17[%swap3A_342, %swap3A_343] {strides = array<i32>} : memref<80x128xf32, #tpu.memory_space<vmem>>, vector<1x16xf32>,
        %swap3A_345 = vector.shape_cast %swap3A_344 : vector<1x16xf32> to vector<16xf32>
        %swap3A_346 = vector.shape_cast %mul3A_341 : vector<16xf32> to vector<1x16xf32>
        tpu.vector_store %arg17[%swap3A_342, %swap3A_343], %swap3A_346 {strides = array<i32>} : memref<80x128xf32, #tpu.memory_space<vmem>>, vector<1x16xf32>,
        %get3A_347 = arith.index_cast %scan3A_212 : i32 to index
        %get3A_348 = arith.constant 96 : index
        %get3A_349 = tpu.vector_load %arg18[%get3A_347, %get3A_348] {strides = array<i32>} : memref<80x128xf32, #tpu.memory_space<vmem>>, vector<1x16xf32>,
        %get3A_350 = vector.shape_cast %get3A_349 : vector<1x16xf32> to vector<16xf32>
        %mul3A_351 = arith.mulf %get3A_350, %get3A_216 : vector<16xf32>
        %swap3A_352 = arith.index_cast %scan3A_212 : i32 to index
        %swap3A_353 = arith.constant 96 : index
        %swap3A_354 = tpu.vector_load %arg18[%swap3A_352, %swap3A_353] {strides = array<i32>} : memref<80x128xf32, #tpu.memory_space<vmem>>, vector<1x16xf32>,
        %swap3A_355 = vector.shape_cast %swap3A_354 : vector<1x16xf32> to vector<16xf32>
        %swap3A_356 = vector.shape_cast %mul3A_351 : vector<16xf32> to vector<1x16xf32>
        tpu.vector_store %arg18[%swap3A_352, %swap3A_353], %swap3A_356 {strides = array<i32>} : memref<80x128xf32, #tpu.memory_space<vmem>>, vector<1x16xf32>,
        %get3A_357 = arith.index_cast %scan3A_212 : i32 to index
        %get3A_358 = arith.constant 112 : index
        %get3A_359 = tpu.vector_load %arg19[%get3A_357, %get3A_358] {strides = array<i32>} : memref<80x128xf32, #tpu.memory_space<vmem>>, vector<1x16xf32>,
        %get3A_360 = vector.shape_cast %get3A_359 : vector<1x16xf32> to vector<16xf32>
        %mul3A_361 = arith.mulf %get3A_360, %get3A_216 : vector<16xf32>
        %swap3A_362 = arith.index_cast %scan3A_212 : i32 to index
        %swap3A_363 = arith.constant 112 : index
        %swap3A_364 = tpu.vector_load %arg17[%swap3A_362, %swap3A_363] {strides = array<i32>} : memref<80x128xf32, #tpu.memory_space<vmem>>, vector<1x16xf32>,
        %swap3A_365 = vector.shape_cast %swap3A_364 : vector<1x16xf32> to vector<16xf32>
        %swap3A_366 = vector.shape_cast %mul3A_361 : vector<16xf32> to vector<1x16xf32>
        tpu.vector_store %arg17[%swap3A_362, %swap3A_363], %swap3A_366 {strides = array<i32>} : memref<80x128xf32, #tpu.memory_space<vmem>>, vector<1x16xf32>,
        %get3A_367 = arith.index_cast %scan3A_212 : i32 to index
        %get3A_368 = arith.constant 112 : index
        %get3A_369 = tpu.vector_load %arg18[%get3A_367, %get3A_368] {strides = array<i32>} : memref<80x128xf32, #tpu.memory_space<vmem>>, vector<1x16xf32>,
        %get3A_370 = vector.shape_cast %get3A_369 : vector<1x16xf32> to vector<16xf32>
        %mul3A_371 = arith.mulf %get3A_370, %get3A_216 : vector<16xf32>
        %swap3A_372 = arith.index_cast %scan3A_212 : i32 to index
        %swap3A_373 = arith.constant 112 : index
        %swap3A_374 = tpu.vector_load %arg18[%swap3A_372, %swap3A_373] {strides = array<i32>} : memref<80x128xf32, #tpu.memory_space<vmem>>, vector<1x16xf32>,
        %swap3A_375 = vector.shape_cast %swap3A_374 : vector<1x16xf32> to vector<16xf32>
        %swap3A_376 = vector.shape_cast %mul3A_371 : vector<16xf32> to vector<1x16xf32>
        tpu.vector_store %arg18[%swap3A_372, %swap3A_373], %swap3A_376 {strides = array<i32>} : memref<80x128xf32, #tpu.memory_space<vmem>>, vector<1x16xf32>,
      }
      %scan3A_211 = arith.constant 80 : i32
      "tpu.region"() ({
        %run_scoped3A = tpu.sem_alloc : memref<!tpu.dma_semaphore, #tpu.memory_space<semaphore_mem>>
        %dma_start3A_212 = arith.constant 0 : i32
        %dma_start3A_213 = arith.constant 0 : i32
        %dma_start3A_214 = tpu.memref_slice %arg21[%dma_start3A_212, %dma_start3A_213] : memref<10627x128xf32, #tpu.memory_space<vmem_shared>> -> memref<10627x128xf32, #tpu.memory_space<vmem_shared>>
        tpu.enqueue_indirect_dma source(%arg17 : memref<80x128xf32, #tpu.memory_space<vmem>>) target(%dma_start3A_214 : memref<10627x128xf32, #tpu.memory_space<vmem_shared>>) offsets(%arg14 : memref<80xi32, #tpu.memory_space<vmem>>) semaphore(%run_scoped3A : memref<!tpu.dma_semaphore, #tpu.memory_space<semaphore_mem>>) {add = true}
        %dma_wait3A_215 = arith.constant 0 : i32
        %dma_wait3A_216 = arith.constant 0 : i32
        %dma_wait3A_217 = tpu.memref_slice %arg21[%dma_wait3A_215, %dma_wait3A_216] : memref<10627x128xf32, #tpu.memory_space<vmem_shared>> -> memref<10627x128xf32, #tpu.memory_space<vmem_shared>>
        tpu.wait_indirect_dma semaphore(%run_scoped3A : memref<!tpu.dma_semaphore, #tpu.memory_space<semaphore_mem>>) src(%arg17 : memref<80x128xf32, #tpu.memory_space<vmem>>) dst(%dma_wait3A_217 : memref<10627x128xf32, #tpu.memory_space<vmem_shared>>)
        tpu.yield
      }) : () -> ()
      "tpu.region"() ({
        %run_scoped3A = tpu.sem_alloc : memref<!tpu.dma_semaphore, #tpu.memory_space<semaphore_mem>>
        %dma_start3A_212 = arith.constant 0 : i32
        %dma_start3A_213 = arith.constant 0 : i32
        %dma_start3A_214 = tpu.memref_slice %arg21[%dma_start3A_212, %dma_start3A_213] : memref<10627x128xf32, #tpu.memory_space<vmem_shared>> -> memref<10627x128xf32, #tpu.memory_space<vmem_shared>>
        tpu.enqueue_indirect_dma source(%arg18 : memref<80x128xf32, #tpu.memory_space<vmem>>) target(%dma_start3A_214 : memref<10627x128xf32, #tpu.memory_space<vmem_shared>>) offsets(%arg15 : memref<80xi32, #tpu.memory_space<vmem>>) semaphore(%run_scoped3A : memref<!tpu.dma_semaphore, #tpu.memory_space<semaphore_mem>>) {add = true}
        %dma_wait3A_215 = arith.constant 0 : i32
        %dma_wait3A_216 = arith.constant 0 : i32
        %dma_wait3A_217 = tpu.memref_slice %arg21[%dma_wait3A_215, %dma_wait3A_216] : memref<10627x128xf32, #tpu.memory_space<vmem_shared>> -> memref<10627x128xf32, #tpu.memory_space<vmem_shared>>
        tpu.wait_indirect_dma semaphore(%run_scoped3A : memref<!tpu.dma_semaphore, #tpu.memory_space<semaphore_mem>>) src(%arg18 : memref<80x128xf32, #tpu.memory_space<vmem>>) dst(%dma_wait3A_217 : memref<10627x128xf32, #tpu.memory_space<vmem_shared>>)
        tpu.yield
      }) : () -> ()
    }
    %scan3A_7 = arith.constant 125 : i32
    %barrier3A_8 = arith.constant 0 : index
    tpu.barrier barrier_id(%barrier3A_8)
    %eq3A_9 = arith.constant 0 : i32
    %eq3A_10 = arith.cmpi eq, %arg1, %eq3A_9 : i32
    %convert_element_type3A_11 = arith.extui %eq3A_10 : i1 to i32
    %cond3A_12 = arith.constant 0 : i32
    %cond3A_13 = arith.cmpi ne, %convert_element_type3A_11, %cond3A_12 : i32
    scf.if %cond3A_13 {
      "tpu.region"() ({
        %run_scoped3A = tpu.sem_alloc : memref<!tpu.dma_semaphore, #tpu.memory_space<semaphore_mem>>
        %dma_start3A = arith.constant 0 : i32
        %dma_start3A_14 = arith.constant 0 : i32
        %dma_start3A_15 = tpu.memref_slice %arg10[%arg0, %dma_start3A, %dma_start3A_14] : memref<2x10627x128xf32, #tpu.memory_space<hbm>> -> memref<1x10627x128xf32, #tpu.memory_space<hbm>>
        %dma_start3A_16 = tpu.memref_squeeze %dma_start3A_15 : memref<1x10627x128xf32, #tpu.memory_space<hbm>> -> memref<10627x128xf32, #tpu.memory_space<hbm>>
        tpu.enqueue_dma source(%arg21 : memref<10627x128xf32, #tpu.memory_space<vmem_shared>>) target(%dma_start3A_16 : memref<10627x128xf32, #tpu.memory_space<hbm>>) target_semaphore(%run_scoped3A : memref<!tpu.dma_semaphore, #tpu.memory_space<semaphore_mem>>)
        %dma_wait3A = arith.constant 0 : i32
        %dma_wait3A_17 = arith.constant 0 : i32
        %dma_wait3A_18 = tpu.memref_slice %arg10[%arg0, %dma_wait3A, %dma_wait3A_17] : memref<2x10627x128xf32, #tpu.memory_space<hbm>> -> memref<1x10627x128xf32, #tpu.memory_space<hbm>>
        %dma_wait3A_19 = tpu.memref_squeeze %dma_wait3A_18 : memref<1x10627x128xf32, #tpu.memory_space<hbm>> -> memref<10627x128xf32, #tpu.memory_space<hbm>>
        tpu.wait_dma2 semaphore(%run_scoped3A : memref<!tpu.dma_semaphore, #tpu.memory_space<semaphore_mem>>) src(%arg21 : memref<10627x128xf32, #tpu.memory_space<vmem_shared>>) dst(%dma_wait3A_19 : memref<10627x128xf32, #tpu.memory_space<hbm>>)
        tpu.yield
      }) : () -> ()
    } else {
    }
    return
  }
}

#map = affine_map<(d0, d1) -> (0)>
#map1 = affine_map<(d0, d1) -> (0, 0)>
#map2 = affine_map<(d0, d1) -> (0, 0, 0)>
module attributes {stable_mosaic.version = 14 : i64} {
  func.func @_sc_body(%arg0: i32, %arg1: i32, %arg2: memref<320000xi32, #tpu.memory_space<hbm>>, %arg3: memref<320000xi32, #tpu.memory_space<hbm>>, %arg4: memref<320000xi32, #tpu.memory_space<hbm>>, %arg5: memref<10000x128xf32, #tpu.memory_space<hbm>>, %arg6: memref<10000x128xf32, #tpu.memory_space<hbm>>, %arg7: memref<10000x128xf32, #tpu.memory_space<hbm>>, %arg8: memref<16x128xf32, #tpu.memory_space<hbm>>, %arg9: memref<10627x128xf32, #tpu.memory_space<hbm>>, %arg10: memref<2x10627x128xf32, #tpu.memory_space<hbm>>, %arg11: memref<80xi32, #tpu.memory_space<vmem>>, %arg12: memref<80xi32, #tpu.memory_space<vmem>>, %arg13: memref<80xi32, #tpu.memory_space<vmem>>, %arg14: memref<80xi32, #tpu.memory_space<vmem>>, %arg15: memref<80xi32, #tpu.memory_space<vmem>>, %arg16: memref<80xi32, #tpu.memory_space<vmem>>, %arg17: memref<80x128xf32, #tpu.memory_space<vmem>>, %arg18: memref<80x128xf32, #tpu.memory_space<vmem>>, %arg19: memref<80x128xf32, #tpu.memory_space<vmem>>, %arg20: memref<80x16xf32, #tpu.memory_space<vmem>>, %arg21: memref<10627x128xf32, #tpu.memory_space<vmem_shared>>, %arg22: memref<!tpu.dma_semaphore, #tpu.memory_space<semaphore_mem>>) attributes {dimension_semantics = [#tpu.dimension_semantics<core_parallel>, #tpu.dimension_semantics<subcore_parallel>], iteration_bounds = array<i64: 2, 16>, scalar_prefetch = 0 : i64, scratch_operands = 12 : i64, tpu.core_type = #tpu.core_type<sc_vector_subcore>, window_params = [{transform_indices = #map}, {transform_indices = #map}, {transform_indices = #map}, {transform_indices = #map1}, {transform_indices = #map1}, {transform_indices = #map1}, {transform_indices = #map1}, {transform_indices = #map1}, {transform_indices = #map2}]} {
    %mul3A = arith.constant 2 : i32
    %mul3A_0 = arith.muli %arg1, %mul3A : i32
    %add3A = arith.addi %mul3A_0, %arg0 : i32
    %eq3A = arith.constant 0 : i32
    %eq3A_1 = arith.cmpi eq, %arg1, %eq3A : i32
    %convert_element_type3A = arith.extui %eq3A_1 : i1 to i32
    %cond3A = arith.constant 0 : i32
    %cond3A_2 = arith.cmpi ne, %convert_element_type3A, %cond3A : i32
    scf.if %cond3A_2 {
      "tpu.region"() ({
        %run_scoped3A = tpu.sem_alloc : memref<!tpu.dma_semaphore, #tpu.memory_space<semaphore_mem>>
        tpu.enqueue_dma source(%arg9 : memref<10627x128xf32, #tpu.memory_space<hbm>>) target(%arg21 : memref<10627x128xf32, #tpu.memory_space<vmem_shared>>) target_semaphore(%run_scoped3A : memref<!tpu.dma_semaphore, #tpu.memory_space<semaphore_mem>>)
        tpu.wait_dma2 semaphore(%run_scoped3A : memref<!tpu.dma_semaphore, #tpu.memory_space<semaphore_mem>>) src(%arg9 : memref<10627x128xf32, #tpu.memory_space<hbm>>) dst(%arg21 : memref<10627x128xf32, #tpu.memory_space<vmem_shared>>)
        tpu.yield
      }) : () -> ()
    } else {
    }
    %barrier3A = arith.constant 0 : index
    tpu.barrier barrier_id(%barrier3A)
    %scan3A = arith.constant 0 : i32
    %scan3A_3 = arith.constant 0 : i32
    %scan3A_4 = arith.constant 125 : i32
    %scan3A_5 = arith.addi %scan3A_3, %scan3A_4 : i32
    %scan3A_6 = arith.constant 1 : i32
    scf.for %scan3A_14 = %scan3A_3 to %scan3A_5 step %scan3A_6  : i32 {
      %mul3A_15 = arith.constant 10000 : i32
      %mul3A_16 = arith.muli %add3A, %mul3A_15 : i32
      %mul3A_17 = arith.constant 80 : i32
      %mul3A_18 = arith.muli %scan3A_14, %mul3A_17 : i32
      %add3A_19 = arith.addi %mul3A_16, %mul3A_18 : i32
      "tpu.region"() ({
        %run_scoped3A = tpu.sem_alloc : memref<!tpu.dma_semaphore, #tpu.memory_space<semaphore_mem>>
        %dma_start3A_212 = tpu.memref_slice %arg2[%add3A_19] : memref<320000xi32, #tpu.memory_space<hbm>> -> memref<80xi32, #tpu.memory_space<hbm>>
        %dma_start3A_213 = tpu.memref_slice %arg2[%add3A_19] : memref<320000xi32, #tpu.memory_space<hbm>> -> memref<80xi32, #tpu.memory_space<hbm>>
        tpu.enqueue_dma source(%dma_start3A_213 : memref<80xi32, #tpu.memory_space<hbm>>) target(%arg11 : memref<80xi32, #tpu.memory_space<vmem>>) target_semaphore(%run_scoped3A : memref<!tpu.dma_semaphore, #tpu.memory_space<semaphore_mem>>)
        %dma_wait3A_214 = tpu.memref_slice %arg2[%add3A_19] : memref<320000xi32, #tpu.memory_space<hbm>> -> memref<80xi32, #tpu.memory_space<hbm>>
        %dma_wait3A_215 = tpu.memref_slice %arg2[%add3A_19] : memref<320000xi32, #tpu.memory_space<hbm>> -> memref<80xi32, #tpu.memory_space<hbm>>
        tpu.wait_dma2 semaphore(%run_scoped3A : memref<!tpu.dma_semaphore, #tpu.memory_space<semaphore_mem>>) src(%dma_wait3A_215 : memref<80xi32, #tpu.memory_space<hbm>>) dst(%arg11 : memref<80xi32, #tpu.memory_space<vmem>>)
        tpu.yield
      }) : () -> ()
      "tpu.region"() ({
        %run_scoped3A = tpu.sem_alloc : memref<!tpu.dma_semaphore, #tpu.memory_space<semaphore_mem>>
        %dma_start3A_212 = tpu.memref_slice %arg3[%add3A_19] : memref<320000xi32, #tpu.memory_space<hbm>> -> memref<80xi32, #tpu.memory_space<hbm>>
        %dma_start3A_213 = tpu.memref_slice %arg3[%add3A_19] : memref<320000xi32, #tpu.memory_space<hbm>> -> memref<80xi32, #tpu.memory_space<hbm>>
        tpu.enqueue_dma source(%dma_start3A_213 : memref<80xi32, #tpu.memory_space<hbm>>) target(%arg12 : memref<80xi32, #tpu.memory_space<vmem>>) target_semaphore(%run_scoped3A : memref<!tpu.dma_semaphore, #tpu.memory_space<semaphore_mem>>)
        %dma_wait3A_214 = tpu.memref_slice %arg3[%add3A_19] : memref<320000xi32, #tpu.memory_space<hbm>> -> memref<80xi32, #tpu.memory_space<hbm>>
        %dma_wait3A_215 = tpu.memref_slice %arg3[%add3A_19] : memref<320000xi32, #tpu.memory_space<hbm>> -> memref<80xi32, #tpu.memory_space<hbm>>
        tpu.wait_dma2 semaphore(%run_scoped3A : memref<!tpu.dma_semaphore, #tpu.memory_space<semaphore_mem>>) src(%dma_wait3A_215 : memref<80xi32, #tpu.memory_space<hbm>>) dst(%arg12 : memref<80xi32, #tpu.memory_space<vmem>>)
        tpu.yield
      }) : () -> ()
      "tpu.region"() ({
        %run_scoped3A = tpu.sem_alloc : memref<!tpu.dma_semaphore, #tpu.memory_space<semaphore_mem>>
        %dma_start3A_212 = tpu.memref_slice %arg4[%add3A_19] : memref<320000xi32, #tpu.memory_space<hbm>> -> memref<80xi32, #tpu.memory_space<hbm>>
        %dma_start3A_213 = tpu.memref_slice %arg4[%add3A_19] : memref<320000xi32, #tpu.memory_space<hbm>> -> memref<80xi32, #tpu.memory_space<hbm>>
        tpu.enqueue_dma source(%dma_start3A_213 : memref<80xi32, #tpu.memory_space<hbm>>) target(%arg13 : memref<80xi32, #tpu.memory_space<vmem>>) target_semaphore(%run_scoped3A : memref<!tpu.dma_semaphore, #tpu.memory_space<semaphore_mem>>)
        %dma_wait3A_214 = tpu.memref_slice %arg4[%add3A_19] : memref<320000xi32, #tpu.memory_space<hbm>> -> memref<80xi32, #tpu.memory_space<hbm>>
        %dma_wait3A_215 = tpu.memref_slice %arg4[%add3A_19] : memref<320000xi32, #tpu.memory_space<hbm>> -> memref<80xi32, #tpu.memory_space<hbm>>
        tpu.wait_dma2 semaphore(%run_scoped3A : memref<!tpu.dma_semaphore, #tpu.memory_space<semaphore_mem>>) src(%dma_wait3A_215 : memref<80xi32, #tpu.memory_space<hbm>>) dst(%arg13 : memref<80xi32, #tpu.memory_space<vmem>>)
        tpu.yield
      }) : () -> ()
      %dma_start3A = arith.constant 0 : i32
      %dma_start3A_20 = arith.constant 0 : i32
      %dma_start3A_21 = tpu.memref_slice %arg5[%dma_start3A, %dma_start3A_20] : memref<10000x128xf32, #tpu.memory_space<hbm>> -> memref<10000x128xf32, #tpu.memory_space<hbm>>
      tpu.enqueue_indirect_dma source(%dma_start3A_21 : memref<10000x128xf32, #tpu.memory_space<hbm>>) target(%arg17 : memref<80x128xf32, #tpu.memory_space<vmem>>) offsets(%arg11 : memref<80xi32, #tpu.memory_space<vmem>>) semaphore(%arg22 : memref<!tpu.dma_semaphore, #tpu.memory_space<semaphore_mem>>)
      %dma_wait3A = arith.constant 0 : i32
      %dma_wait3A_22 = arith.constant 0 : i32
      %dma_wait3A_23 = tpu.memref_slice %arg5[%dma_wait3A, %dma_wait3A_22] : memref<10000x128xf32, #tpu.memory_space<hbm>> -> memref<10000x128xf32, #tpu.memory_space<hbm>>
      tpu.wait_indirect_dma semaphore(%arg22 : memref<!tpu.dma_semaphore, #tpu.memory_space<semaphore_mem>>) src(%dma_wait3A_23 : memref<10000x128xf32, #tpu.memory_space<hbm>>) dst(%arg17 : memref<80x128xf32, #tpu.memory_space<vmem>>)
      %dma_start3A_24 = arith.constant 0 : i32
      %dma_start3A_25 = arith.constant 0 : i32
      %dma_start3A_26 = tpu.memref_slice %arg6[%dma_start3A_24, %dma_start3A_25] : memref<10000x128xf32, #tpu.memory_space<hbm>> -> memref<10000x128xf32, #tpu.memory_space<hbm>>
      tpu.enqueue_indirect_dma source(%dma_start3A_26 : memref<10000x128xf32, #tpu.memory_space<hbm>>) target(%arg18 : memref<80x128xf32, #tpu.memory_space<vmem>>) offsets(%arg12 : memref<80xi32, #tpu.memory_space<vmem>>) semaphore(%arg22 : memref<!tpu.dma_semaphore, #tpu.memory_space<semaphore_mem>>)
      %dma_wait3A_27 = arith.constant 0 : i32
      %dma_wait3A_28 = arith.constant 0 : i32
      %dma_wait3A_29 = tpu.memref_slice %arg6[%dma_wait3A_27, %dma_wait3A_28] : memref<10000x128xf32, #tpu.memory_space<hbm>> -> memref<10000x128xf32, #tpu.memory_space<hbm>>
      tpu.wait_indirect_dma semaphore(%arg22 : memref<!tpu.dma_semaphore, #tpu.memory_space<semaphore_mem>>) src(%dma_wait3A_29 : memref<10000x128xf32, #tpu.memory_space<hbm>>) dst(%arg18 : memref<80x128xf32, #tpu.memory_space<vmem>>)
      %dma_start3A_30 = arith.constant 0 : i32
      %dma_start3A_31 = arith.constant 0 : i32
      %dma_start3A_32 = tpu.memref_slice %arg7[%dma_start3A_30, %dma_start3A_31] : memref<10000x128xf32, #tpu.memory_space<hbm>> -> memref<10000x128xf32, #tpu.memory_space<hbm>>
      tpu.enqueue_indirect_dma source(%dma_start3A_32 : memref<10000x128xf32, #tpu.memory_space<hbm>>) target(%arg19 : memref<80x128xf32, #tpu.memory_space<vmem>>) offsets(%arg11 : memref<80xi32, #tpu.memory_space<vmem>>) semaphore(%arg22 : memref<!tpu.dma_semaphore, #tpu.memory_space<semaphore_mem>>)
      %dma_wait3A_33 = arith.constant 0 : i32
      %dma_wait3A_34 = arith.constant 0 : i32
      %dma_wait3A_35 = tpu.memref_slice %arg7[%dma_wait3A_33, %dma_wait3A_34] : memref<10000x128xf32, #tpu.memory_space<hbm>> -> memref<10000x128xf32, #tpu.memory_space<hbm>>
      tpu.wait_indirect_dma semaphore(%arg22 : memref<!tpu.dma_semaphore, #tpu.memory_space<semaphore_mem>>) src(%dma_wait3A_35 : memref<10000x128xf32, #tpu.memory_space<hbm>>) dst(%arg19 : memref<80x128xf32, #tpu.memory_space<vmem>>)
      %get3A = arith.constant 0 : index
      %get3A_36 = tpu.vector_load %arg13[%get3A] {strides = array<i32>} : memref<80xi32, #tpu.memory_space<vmem>>, vector<16xi32>,
      %get3A_37 = vector.shape_cast %get3A_36 : vector<16xi32> to vector<16xi32>
      %eq3A_38 = arith.constant 2 : i32
      %eq3A_39 = vector.broadcast %eq3A_38 : i32 to vector<16xi32>
      %eq3A_40 = arith.cmpi eq, %get3A_37, %eq3A_39 : vector<16xi32>
      %get3A_41 = arith.constant 0 : index
      %get3A_42 = tpu.vector_load %arg12[%get3A_41] {strides = array<i32>} : memref<80xi32, #tpu.memory_space<vmem>>, vector<16xi32>,
      %get3A_43 = vector.shape_cast %get3A_42 : vector<16xi32> to vector<16xi32>
      %jit3A = arith.constant 10000 : i32
      %broadcast_in_dim3A = vector.broadcast %jit3A : i32 to vector<16xi32>
      %select_n3A = arith.select %eq3A_40, %get3A_43, %broadcast_in_dim3A : vector<16xi1>, vector<16xi32>
      %swap3A = arith.constant 0 : index
      %swap3A_44 = tpu.vector_load %arg14[%swap3A] {strides = array<i32>} : memref<80xi32, #tpu.memory_space<vmem>>, vector<16xi32>,
      %swap3A_45 = vector.shape_cast %swap3A_44 : vector<16xi32> to vector<16xi32>
      %swap3A_46 = vector.shape_cast %select_n3A : vector<16xi32> to vector<16xi32>
      tpu.vector_store %arg14[%swap3A], %swap3A_46 {strides = array<i32>} : memref<80xi32, #tpu.memory_space<vmem>>, vector<16xi32>,
      %shift_right_logical3A = arith.constant 4 : i32
      %shift_right_logical3A_47 = vector.broadcast %shift_right_logical3A : i32 to vector<16xi32>
      %shift_right_logical3A_48 = arith.shrui %select_n3A, %shift_right_logical3A_47 : vector<16xi32>
      %add3A_49 = arith.constant 10001 : i32
      %add3A_50 = vector.broadcast %add3A_49 : i32 to vector<16xi32>
      %add3A_51 = arith.addi %add3A_50, %shift_right_logical3A_48 : vector<16xi32>
      %swap3A_52 = arith.constant 0 : index
      %swap3A_53 = tpu.vector_load %arg15[%swap3A_52] {strides = array<i32>} : memref<80xi32, #tpu.memory_space<vmem>>, vector<16xi32>,
      %swap3A_54 = vector.shape_cast %swap3A_53 : vector<16xi32> to vector<16xi32>
      %swap3A_55 = vector.shape_cast %add3A_51 : vector<16xi32> to vector<16xi32>
      tpu.vector_store %arg15[%swap3A_52], %swap3A_55 {strides = array<i32>} : memref<80xi32, #tpu.memory_space<vmem>>, vector<16xi32>,
      %and3A = arith.constant 15 : i32
      %and3A_56 = vector.broadcast %and3A : i32 to vector<16xi32>
      %and3A_57 = arith.andi %select_n3A, %and3A_56 : vector<16xi32>
      %swap3A_58 = arith.constant 0 : index
      %swap3A_59 = tpu.vector_load %arg16[%swap3A_58] {strides = array<i32>} : memref<80xi32, #tpu.memory_space<vmem>>, vector<16xi32>,
      %swap3A_60 = vector.shape_cast %swap3A_59 : vector<16xi32> to vector<16xi32>
      %swap3A_61 = vector.shape_cast %and3A_57 : vector<16xi32> to vector<16xi32>
      tpu.vector_store %arg16[%swap3A_58], %swap3A_61 {strides = array<i32>} : memref<80xi32, #tpu.memory_space<vmem>>, vector<16xi32>,
      %get3A_62 = arith.constant 16 : index
      %get3A_63 = tpu.vector_load %arg13[%get3A_62] {strides = array<i32>} : memref<80xi32, #tpu.memory_space<vmem>>, vector<16xi32>,
      %get3A_64 = vector.shape_cast %get3A_63 : vector<16xi32> to vector<16xi32>
      %eq3A_65 = arith.constant 2 : i32
      %eq3A_66 = vector.broadcast %eq3A_65 : i32 to vector<16xi32>
      %eq3A_67 = arith.cmpi eq, %get3A_64, %eq3A_66 : vector<16xi32>
      %get3A_68 = arith.constant 16 : index
      %get3A_69 = tpu.vector_load %arg12[%get3A_68] {strides = array<i32>} : memref<80xi32, #tpu.memory_space<vmem>>, vector<16xi32>,
      %get3A_70 = vector.shape_cast %get3A_69 : vector<16xi32> to vector<16xi32>
      %jit3A_71 = arith.constant 10000 : i32
      %broadcast_in_dim3A_72 = vector.broadcast %jit3A_71 : i32 to vector<16xi32>
      %select_n3A_73 = arith.select %eq3A_67, %get3A_70, %broadcast_in_dim3A_72 : vector<16xi1>, vector<16xi32>
      %swap3A_74 = arith.constant 16 : index
      %swap3A_75 = tpu.vector_load %arg14[%swap3A_74] {strides = array<i32>} : memref<80xi32, #tpu.memory_space<vmem>>, vector<16xi32>,
      %swap3A_76 = vector.shape_cast %swap3A_75 : vector<16xi32> to vector<16xi32>
      %swap3A_77 = vector.shape_cast %select_n3A_73 : vector<16xi32> to vector<16xi32>
      tpu.vector_store %arg14[%swap3A_74], %swap3A_77 {strides = array<i32>} : memref<80xi32, #tpu.memory_space<vmem>>, vector<16xi32>,
      %shift_right_logical3A_78 = arith.constant 4 : i32
      %shift_right_logical3A_79 = vector.broadcast %shift_right_logical3A_78 : i32 to vector<16xi32>
      %shift_right_logical3A_80 = arith.shrui %select_n3A_73, %shift_right_logical3A_79 : vector<16xi32>
      %add3A_81 = arith.constant 10001 : i32
      %add3A_82 = vector.broadcast %add3A_81 : i32 to vector<16xi32>
      %add3A_83 = arith.addi %add3A_82, %shift_right_logical3A_80 : vector<16xi32>
      %swap3A_84 = arith.constant 16 : index
      %swap3A_85 = tpu.vector_load %arg15[%swap3A_84] {strides = array<i32>} : memref<80xi32, #tpu.memory_space<vmem>>, vector<16xi32>,
      %swap3A_86 = vector.shape_cast %swap3A_85 : vector<16xi32> to vector<16xi32>
      %swap3A_87 = vector.shape_cast %add3A_83 : vector<16xi32> to vector<16xi32>
      tpu.vector_store %arg15[%swap3A_84], %swap3A_87 {strides = array<i32>} : memref<80xi32, #tpu.memory_space<vmem>>, vector<16xi32>,
      %and3A_88 = arith.constant 15 : i32
      %and3A_89 = vector.broadcast %and3A_88 : i32 to vector<16xi32>
      %and3A_90 = arith.andi %select_n3A_73, %and3A_89 : vector<16xi32>
      %swap3A_91 = arith.constant 16 : index
      %swap3A_92 = tpu.vector_load %arg16[%swap3A_91] {strides = array<i32>} : memref<80xi32, #tpu.memory_space<vmem>>, vector<16xi32>,
      %swap3A_93 = vector.shape_cast %swap3A_92 : vector<16xi32> to vector<16xi32>
      %swap3A_94 = vector.shape_cast %and3A_90 : vector<16xi32> to vector<16xi32>
      tpu.vector_store %arg16[%swap3A_91], %swap3A_94 {strides = array<i32>} : memref<80xi32, #tpu.memory_space<vmem>>, vector<16xi32>,
      %get3A_95 = arith.constant 32 : index
      %get3A_96 = tpu.vector_load %arg13[%get3A_95] {strides = array<i32>} : memref<80xi32, #tpu.memory_space<vmem>>, vector<16xi32>,
      %get3A_97 = vector.shape_cast %get3A_96 : vector<16xi32> to vector<16xi32>
      %eq3A_98 = arith.constant 2 : i32
      %eq3A_99 = vector.broadcast %eq3A_98 : i32 to vector<16xi32>
      %eq3A_100 = arith.cmpi eq, %get3A_97, %eq3A_99 : vector<16xi32>
      %get3A_101 = arith.constant 32 : index
      %get3A_102 = tpu.vector_load %arg12[%get3A_101] {strides = array<i32>} : memref<80xi32, #tpu.memory_space<vmem>>, vector<16xi32>,
      %get3A_103 = vector.shape_cast %get3A_102 : vector<16xi32> to vector<16xi32>
      %jit3A_104 = arith.constant 10000 : i32
      %broadcast_in_dim3A_105 = vector.broadcast %jit3A_104 : i32 to vector<16xi32>
      %select_n3A_106 = arith.select %eq3A_100, %get3A_103, %broadcast_in_dim3A_105 : vector<16xi1>, vector<16xi32>
      %swap3A_107 = arith.constant 32 : index
      %swap3A_108 = tpu.vector_load %arg14[%swap3A_107] {strides = array<i32>} : memref<80xi32, #tpu.memory_space<vmem>>, vector<16xi32>,
      %swap3A_109 = vector.shape_cast %swap3A_108 : vector<16xi32> to vector<16xi32>
      %swap3A_110 = vector.shape_cast %select_n3A_106 : vector<16xi32> to vector<16xi32>
      tpu.vector_store %arg14[%swap3A_107], %swap3A_110 {strides = array<i32>} : memref<80xi32, #tpu.memory_space<vmem>>, vector<16xi32>,
      %shift_right_logical3A_111 = arith.constant 4 : i32
      %shift_right_logical3A_112 = vector.broadcast %shift_right_logical3A_111 : i32 to vector<16xi32>
      %shift_right_logical3A_113 = arith.shrui %select_n3A_106, %shift_right_logical3A_112 : vector<16xi32>
      %add3A_114 = arith.constant 10001 : i32
      %add3A_115 = vector.broadcast %add3A_114 : i32 to vector<16xi32>
      %add3A_116 = arith.addi %add3A_115, %shift_right_logical3A_113 : vector<16xi32>
      %swap3A_117 = arith.constant 32 : index
      %swap3A_118 = tpu.vector_load %arg15[%swap3A_117] {strides = array<i32>} : memref<80xi32, #tpu.memory_space<vmem>>, vector<16xi32>,
      %swap3A_119 = vector.shape_cast %swap3A_118 : vector<16xi32> to vector<16xi32>
      %swap3A_120 = vector.shape_cast %add3A_116 : vector<16xi32> to vector<16xi32>
      tpu.vector_store %arg15[%swap3A_117], %swap3A_120 {strides = array<i32>} : memref<80xi32, #tpu.memory_space<vmem>>, vector<16xi32>,
      %and3A_121 = arith.constant 15 : i32
      %and3A_122 = vector.broadcast %and3A_121 : i32 to vector<16xi32>
      %and3A_123 = arith.andi %select_n3A_106, %and3A_122 : vector<16xi32>
      %swap3A_124 = arith.constant 32 : index
      %swap3A_125 = tpu.vector_load %arg16[%swap3A_124] {strides = array<i32>} : memref<80xi32, #tpu.memory_space<vmem>>, vector<16xi32>,
      %swap3A_126 = vector.shape_cast %swap3A_125 : vector<16xi32> to vector<16xi32>
      %swap3A_127 = vector.shape_cast %and3A_123 : vector<16xi32> to vector<16xi32>
      tpu.vector_store %arg16[%swap3A_124], %swap3A_127 {strides = array<i32>} : memref<80xi32, #tpu.memory_space<vmem>>, vector<16xi32>,
      %get3A_128 = arith.constant 48 : index
      %get3A_129 = tpu.vector_load %arg13[%get3A_128] {strides = array<i32>} : memref<80xi32, #tpu.memory_space<vmem>>, vector<16xi32>,
      %get3A_130 = vector.shape_cast %get3A_129 : vector<16xi32> to vector<16xi32>
      %eq3A_131 = arith.constant 2 : i32
      %eq3A_132 = vector.broadcast %eq3A_131 : i32 to vector<16xi32>
      %eq3A_133 = arith.cmpi eq, %get3A_130, %eq3A_132 : vector<16xi32>
      %get3A_134 = arith.constant 48 : index
      %get3A_135 = tpu.vector_load %arg12[%get3A_134] {strides = array<i32>} : memref<80xi32, #tpu.memory_space<vmem>>, vector<16xi32>,
      %get3A_136 = vector.shape_cast %get3A_135 : vector<16xi32> to vector<16xi32>
      %jit3A_137 = arith.constant 10000 : i32
      %broadcast_in_dim3A_138 = vector.broadcast %jit3A_137 : i32 to vector<16xi32>
      %select_n3A_139 = arith.select %eq3A_133, %get3A_136, %broadcast_in_dim3A_138 : vector<16xi1>, vector<16xi32>
      %swap3A_140 = arith.constant 48 : index
      %swap3A_141 = tpu.vector_load %arg14[%swap3A_140] {strides = array<i32>} : memref<80xi32, #tpu.memory_space<vmem>>, vector<16xi32>,
      %swap3A_142 = vector.shape_cast %swap3A_141 : vector<16xi32> to vector<16xi32>
      %swap3A_143 = vector.shape_cast %select_n3A_139 : vector<16xi32> to vector<16xi32>
      tpu.vector_store %arg14[%swap3A_140], %swap3A_143 {strides = array<i32>} : memref<80xi32, #tpu.memory_space<vmem>>, vector<16xi32>,
      %shift_right_logical3A_144 = arith.constant 4 : i32
      %shift_right_logical3A_145 = vector.broadcast %shift_right_logical3A_144 : i32 to vector<16xi32>
      %shift_right_logical3A_146 = arith.shrui %select_n3A_139, %shift_right_logical3A_145 : vector<16xi32>
      %add3A_147 = arith.constant 10001 : i32
      %add3A_148 = vector.broadcast %add3A_147 : i32 to vector<16xi32>
      %add3A_149 = arith.addi %add3A_148, %shift_right_logical3A_146 : vector<16xi32>
      %swap3A_150 = arith.constant 48 : index
      %swap3A_151 = tpu.vector_load %arg15[%swap3A_150] {strides = array<i32>} : memref<80xi32, #tpu.memory_space<vmem>>, vector<16xi32>,
      %swap3A_152 = vector.shape_cast %swap3A_151 : vector<16xi32> to vector<16xi32>
      %swap3A_153 = vector.shape_cast %add3A_149 : vector<16xi32> to vector<16xi32>
      tpu.vector_store %arg15[%swap3A_150], %swap3A_153 {strides = array<i32>} : memref<80xi32, #tpu.memory_space<vmem>>, vector<16xi32>,
      %and3A_154 = arith.constant 15 : i32
      %and3A_155 = vector.broadcast %and3A_154 : i32 to vector<16xi32>
      %and3A_156 = arith.andi %select_n3A_139, %and3A_155 : vector<16xi32>
      %swap3A_157 = arith.constant 48 : index
      %swap3A_158 = tpu.vector_load %arg16[%swap3A_157] {strides = array<i32>} : memref<80xi32, #tpu.memory_space<vmem>>, vector<16xi32>,
      %swap3A_159 = vector.shape_cast %swap3A_158 : vector<16xi32> to vector<16xi32>
      %swap3A_160 = vector.shape_cast %and3A_156 : vector<16xi32> to vector<16xi32>
      tpu.vector_store %arg16[%swap3A_157], %swap3A_160 {strides = array<i32>} : memref<80xi32, #tpu.memory_space<vmem>>, vector<16xi32>,
      %get3A_161 = arith.constant 64 : index
      %get3A_162 = tpu.vector_load %arg13[%get3A_161] {strides = array<i32>} : memref<80xi32, #tpu.memory_space<vmem>>, vector<16xi32>,
      %get3A_163 = vector.shape_cast %get3A_162 : vector<16xi32> to vector<16xi32>
      %eq3A_164 = arith.constant 2 : i32
      %eq3A_165 = vector.broadcast %eq3A_164 : i32 to vector<16xi32>
      %eq3A_166 = arith.cmpi eq, %get3A_163, %eq3A_165 : vector<16xi32>
      %get3A_167 = arith.constant 64 : index
      %get3A_168 = tpu.vector_load %arg12[%get3A_167] {strides = array<i32>} : memref<80xi32, #tpu.memory_space<vmem>>, vector<16xi32>,
      %get3A_169 = vector.shape_cast %get3A_168 : vector<16xi32> to vector<16xi32>
      %jit3A_170 = arith.constant 10000 : i32
      %broadcast_in_dim3A_171 = vector.broadcast %jit3A_170 : i32 to vector<16xi32>
      %select_n3A_172 = arith.select %eq3A_166, %get3A_169, %broadcast_in_dim3A_171 : vector<16xi1>, vector<16xi32>
      %swap3A_173 = arith.constant 64 : index
      %swap3A_174 = tpu.vector_load %arg14[%swap3A_173] {strides = array<i32>} : memref<80xi32, #tpu.memory_space<vmem>>, vector<16xi32>,
      %swap3A_175 = vector.shape_cast %swap3A_174 : vector<16xi32> to vector<16xi32>
      %swap3A_176 = vector.shape_cast %select_n3A_172 : vector<16xi32> to vector<16xi32>
      tpu.vector_store %arg14[%swap3A_173], %swap3A_176 {strides = array<i32>} : memref<80xi32, #tpu.memory_space<vmem>>, vector<16xi32>,
      %shift_right_logical3A_177 = arith.constant 4 : i32
      %shift_right_logical3A_178 = vector.broadcast %shift_right_logical3A_177 : i32 to vector<16xi32>
      %shift_right_logical3A_179 = arith.shrui %select_n3A_172, %shift_right_logical3A_178 : vector<16xi32>
      %add3A_180 = arith.constant 10001 : i32
      %add3A_181 = vector.broadcast %add3A_180 : i32 to vector<16xi32>
      %add3A_182 = arith.addi %add3A_181, %shift_right_logical3A_179 : vector<16xi32>
      %swap3A_183 = arith.constant 64 : index
      %swap3A_184 = tpu.vector_load %arg15[%swap3A_183] {strides = array<i32>} : memref<80xi32, #tpu.memory_space<vmem>>, vector<16xi32>,
      %swap3A_185 = vector.shape_cast %swap3A_184 : vector<16xi32> to vector<16xi32>
      %swap3A_186 = vector.shape_cast %add3A_182 : vector<16xi32> to vector<16xi32>
      tpu.vector_store %arg15[%swap3A_183], %swap3A_186 {strides = array<i32>} : memref<80xi32, #tpu.memory_space<vmem>>, vector<16xi32>,
      %and3A_187 = arith.constant 15 : i32
      %and3A_188 = vector.broadcast %and3A_187 : i32 to vector<16xi32>
      %and3A_189 = arith.andi %select_n3A_172, %and3A_188 : vector<16xi32>
      %swap3A_190 = arith.constant 64 : index
      %swap3A_191 = tpu.vector_load %arg16[%swap3A_190] {strides = array<i32>} : memref<80xi32, #tpu.memory_space<vmem>>, vector<16xi32>,
      %swap3A_192 = vector.shape_cast %swap3A_191 : vector<16xi32> to vector<16xi32>
      %swap3A_193 = vector.shape_cast %and3A_189 : vector<16xi32> to vector<16xi32>
      tpu.vector_store %arg16[%swap3A_190], %swap3A_193 {strides = array<i32>} : memref<80xi32, #tpu.memory_space<vmem>>, vector<16xi32>,
      %scan3A_194 = arith.constant 0 : i32
      %scan3A_195 = arith.constant 0 : i32
      %scan3A_196 = arith.constant 80 : i32
      %scan3A_197 = arith.addi %scan3A_195, %scan3A_196 : i32
      %scan3A_198 = arith.constant 1 : i32
      scf.for %scan3A_212 = %scan3A_195 to %scan3A_197 step %scan3A_198  : i32 {
        %get3A_213 = arith.index_cast %scan3A_212 : i32 to index
        %get3A_214 = arith.constant 0 : index
        %get3A_215 = tpu.vector_load %arg17[%get3A_213, %get3A_214] {strides = array<i32>} : memref<80x128xf32, #tpu.memory_space<vmem>>, vector<1x16xf32>,
        %get3A_216 = vector.shape_cast %get3A_215 : vector<1x16xf32> to vector<16xf32>
        %get3A_217 = arith.index_cast %scan3A_212 : i32 to index
        %get3A_218 = arith.constant 0 : index
        %get3A_219 = tpu.vector_load %arg18[%get3A_217, %get3A_218] {strides = array<i32>} : memref<80x128xf32, #tpu.memory_space<vmem>>, vector<1x16xf32>,
        %get3A_220 = vector.shape_cast %get3A_219 : vector<1x16xf32> to vector<16xf32>
        %add3A_221 = arith.addf %get3A_216, %get3A_220 : vector<16xf32>
        %gt3A = arith.constant 0.000000e+00 : f32
        %gt3A_222 = vector.broadcast %gt3A : f32 to vector<16xf32>
        %gt3A_223 = arith.cmpf ogt, %add3A_221, %gt3A_222 : vector<16xf32>
        %mul3A_224 = arith.constant 2.000000e-01 : f32
        %mul3A_225 = vector.broadcast %mul3A_224 : f32 to vector<16xf32>
        %mul3A_226 = arith.mulf %add3A_221, %mul3A_225 : vector<16xf32>
        %select_n3A_227 = arith.select %gt3A_223, %add3A_221, %mul3A_226 : vector<16xi1>, vector<16xf32>
        %exp3A = math.exp %select_n3A_227 : vector<16xf32>
        %swap3A_228 = arith.index_cast %scan3A_212 : i32 to index
        %swap3A_229 = arith.constant 0 : index
        %swap3A_230 = tpu.vector_load %arg20[%swap3A_228, %swap3A_229] {strides = array<i32>} : memref<80x16xf32, #tpu.memory_space<vmem>>, vector<1x16xf32>,
        %swap3A_231 = vector.shape_cast %swap3A_230 : vector<1x16xf32> to vector<16xf32>
        %swap3A_232 = vector.shape_cast %exp3A : vector<16xf32> to vector<1x16xf32>
        tpu.vector_store %arg20[%swap3A_228, %swap3A_229], %swap3A_232 {strides = array<i32>} : memref<80x16xf32, #tpu.memory_space<vmem>>, vector<1x16xf32>,
      }
      %scan3A_199 = arith.constant 80 : i32
      %dma_start3A_200 = arith.constant 0 : i32
      %dma_start3A_201 = arith.constant 0 : i32
      %dma_start3A_202 = tpu.memref_slice %arg8[%dma_start3A_200, %dma_start3A_201] : memref<16x128xf32, #tpu.memory_space<hbm>> -> memref<16x128xf32, #tpu.memory_space<hbm>>
      tpu.enqueue_indirect_dma source(%dma_start3A_202 : memref<16x128xf32, #tpu.memory_space<hbm>>) target(%arg18 : memref<80x128xf32, #tpu.memory_space<vmem>>) offsets(%arg16 : memref<80xi32, #tpu.memory_space<vmem>>) semaphore(%arg22 : memref<!tpu.dma_semaphore, #tpu.memory_space<semaphore_mem>>)
      %dma_wait3A_203 = arith.constant 0 : i32
      %dma_wait3A_204 = arith.constant 0 : i32
      %dma_wait3A_205 = tpu.memref_slice %arg8[%dma_wait3A_203, %dma_wait3A_204] : memref<16x128xf32, #tpu.memory_space<hbm>> -> memref<16x128xf32, #tpu.memory_space<hbm>>
      tpu.wait_indirect_dma semaphore(%arg22 : memref<!tpu.dma_semaphore, #tpu.memory_space<semaphore_mem>>) src(%dma_wait3A_205 : memref<16x128xf32, #tpu.memory_space<hbm>>) dst(%arg18 : memref<80x128xf32, #tpu.memory_space<vmem>>)
      %scan3A_206 = arith.constant 0 : i32
      %scan3A_207 = arith.constant 0 : i32
      %scan3A_208 = arith.constant 80 : i32
      %scan3A_209 = arith.addi %scan3A_207, %scan3A_208 : i32
      %scan3A_210 = arith.constant 1 : i32
      scf.for %scan3A_212 = %scan3A_207 to %scan3A_209 step %scan3A_210  : i32 {
        %get3A_213 = arith.index_cast %scan3A_212 : i32 to index
        %get3A_214 = arith.constant 0 : index
        %get3A_215 = tpu.vector_load %arg20[%get3A_213, %get3A_214] {strides = array<i32>} : memref<80x16xf32, #tpu.memory_space<vmem>>, vector<1x16xf32>,
        %get3A_216 = vector.shape_cast %get3A_215 : vector<1x16xf32> to vector<16xf32>
        %get3A_217 = arith.index_cast %scan3A_212 : i32 to index
        %get3A_218 = arith.constant 0 : index
        %get3A_219 = tpu.vector_load %arg19[%get3A_217, %get3A_218] {strides = array<i32>} : memref<80x128xf32, #tpu.memory_space<vmem>>, vector<1x16xf32>,
        %get3A_220 = vector.shape_cast %get3A_219 : vector<1x16xf32> to vector<16xf32>
        %mul3A_221 = arith.mulf %get3A_220, %get3A_216 : vector<16xf32>
        %swap3A_222 = arith.index_cast %scan3A_212 : i32 to index
        %swap3A_223 = arith.constant 0 : index
        %swap3A_224 = tpu.vector_load %arg17[%swap3A_222, %swap3A_223] {strides = array<i32>} : memref<80x128xf32, #tpu.memory_space<vmem>>, vector<1x16xf32>,
        %swap3A_225 = vector.shape_cast %swap3A_224 : vector<1x16xf32> to vector<16xf32>
        %swap3A_226 = vector.shape_cast %mul3A_221 : vector<16xf32> to vector<1x16xf32>
        tpu.vector_store %arg17[%swap3A_222, %swap3A_223], %swap3A_226 {strides = array<i32>} : memref<80x128xf32, #tpu.memory_space<vmem>>, vector<1x16xf32>,
        %get3A_227 = arith.index_cast %scan3A_212 : i32 to index
        %get3A_228 = arith.constant 0 : index
        %get3A_229 = tpu.vector_load %arg18[%get3A_227, %get3A_228] {strides = array<i32>} : memref<80x128xf32, #tpu.memory_space<vmem>>, vector<1x16xf32>,
        %get3A_230 = vector.shape_cast %get3A_229 : vector<1x16xf32> to vector<16xf32>
        %mul3A_231 = arith.mulf %get3A_230, %get3A_216 : vector<16xf32>
        %swap3A_232 = arith.index_cast %scan3A_212 : i32 to index
        %swap3A_233 = arith.constant 0 : index
        %swap3A_234 = tpu.vector_load %arg18[%swap3A_232, %swap3A_233] {strides = array<i32>} : memref<80x128xf32, #tpu.memory_space<vmem>>, vector<1x16xf32>,
        %swap3A_235 = vector.shape_cast %swap3A_234 : vector<1x16xf32> to vector<16xf32>
        %swap3A_236 = vector.shape_cast %mul3A_231 : vector<16xf32> to vector<1x16xf32>
        tpu.vector_store %arg18[%swap3A_232, %swap3A_233], %swap3A_236 {strides = array<i32>} : memref<80x128xf32, #tpu.memory_space<vmem>>, vector<1x16xf32>,
        %get3A_237 = arith.index_cast %scan3A_212 : i32 to index
        %get3A_238 = arith.constant 16 : index
        %get3A_239 = tpu.vector_load %arg19[%get3A_237, %get3A_238] {strides = array<i32>} : memref<80x128xf32, #tpu.memory_space<vmem>>, vector<1x16xf32>,
        %get3A_240 = vector.shape_cast %get3A_239 : vector<1x16xf32> to vector<16xf32>
        %mul3A_241 = arith.mulf %get3A_240, %get3A_216 : vector<16xf32>
        %swap3A_242 = arith.index_cast %scan3A_212 : i32 to index
        %swap3A_243 = arith.constant 16 : index
        %swap3A_244 = tpu.vector_load %arg17[%swap3A_242, %swap3A_243] {strides = array<i32>} : memref<80x128xf32, #tpu.memory_space<vmem>>, vector<1x16xf32>,
        %swap3A_245 = vector.shape_cast %swap3A_244 : vector<1x16xf32> to vector<16xf32>
        %swap3A_246 = vector.shape_cast %mul3A_241 : vector<16xf32> to vector<1x16xf32>
        tpu.vector_store %arg17[%swap3A_242, %swap3A_243], %swap3A_246 {strides = array<i32>} : memref<80x128xf32, #tpu.memory_space<vmem>>, vector<1x16xf32>,
        %get3A_247 = arith.index_cast %scan3A_212 : i32 to index
        %get3A_248 = arith.constant 16 : index
        %get3A_249 = tpu.vector_load %arg18[%get3A_247, %get3A_248] {strides = array<i32>} : memref<80x128xf32, #tpu.memory_space<vmem>>, vector<1x16xf32>,
        %get3A_250 = vector.shape_cast %get3A_249 : vector<1x16xf32> to vector<16xf32>
        %mul3A_251 = arith.mulf %get3A_250, %get3A_216 : vector<16xf32>
        %swap3A_252 = arith.index_cast %scan3A_212 : i32 to index
        %swap3A_253 = arith.constant 16 : index
        %swap3A_254 = tpu.vector_load %arg18[%swap3A_252, %swap3A_253] {strides = array<i32>} : memref<80x128xf32, #tpu.memory_space<vmem>>, vector<1x16xf32>,
        %swap3A_255 = vector.shape_cast %swap3A_254 : vector<1x16xf32> to vector<16xf32>
        %swap3A_256 = vector.shape_cast %mul3A_251 : vector<16xf32> to vector<1x16xf32>
        tpu.vector_store %arg18[%swap3A_252, %swap3A_253], %swap3A_256 {strides = array<i32>} : memref<80x128xf32, #tpu.memory_space<vmem>>, vector<1x16xf32>,
        %get3A_257 = arith.index_cast %scan3A_212 : i32 to index
        %get3A_258 = arith.constant 32 : index
        %get3A_259 = tpu.vector_load %arg19[%get3A_257, %get3A_258] {strides = array<i32>} : memref<80x128xf32, #tpu.memory_space<vmem>>, vector<1x16xf32>,
        %get3A_260 = vector.shape_cast %get3A_259 : vector<1x16xf32> to vector<16xf32>
        %mul3A_261 = arith.mulf %get3A_260, %get3A_216 : vector<16xf32>
        %swap3A_262 = arith.index_cast %scan3A_212 : i32 to index
        %swap3A_263 = arith.constant 32 : index
        %swap3A_264 = tpu.vector_load %arg17[%swap3A_262, %swap3A_263] {strides = array<i32>} : memref<80x128xf32, #tpu.memory_space<vmem>>, vector<1x16xf32>,
        %swap3A_265 = vector.shape_cast %swap3A_264 : vector<1x16xf32> to vector<16xf32>
        %swap3A_266 = vector.shape_cast %mul3A_261 : vector<16xf32> to vector<1x16xf32>
        tpu.vector_store %arg17[%swap3A_262, %swap3A_263], %swap3A_266 {strides = array<i32>} : memref<80x128xf32, #tpu.memory_space<vmem>>, vector<1x16xf32>,
        %get3A_267 = arith.index_cast %scan3A_212 : i32 to index
        %get3A_268 = arith.constant 32 : index
        %get3A_269 = tpu.vector_load %arg18[%get3A_267, %get3A_268] {strides = array<i32>} : memref<80x128xf32, #tpu.memory_space<vmem>>, vector<1x16xf32>,
        %get3A_270 = vector.shape_cast %get3A_269 : vector<1x16xf32> to vector<16xf32>
        %mul3A_271 = arith.mulf %get3A_270, %get3A_216 : vector<16xf32>
        %swap3A_272 = arith.index_cast %scan3A_212 : i32 to index
        %swap3A_273 = arith.constant 32 : index
        %swap3A_274 = tpu.vector_load %arg18[%swap3A_272, %swap3A_273] {strides = array<i32>} : memref<80x128xf32, #tpu.memory_space<vmem>>, vector<1x16xf32>,
        %swap3A_275 = vector.shape_cast %swap3A_274 : vector<1x16xf32> to vector<16xf32>
        %swap3A_276 = vector.shape_cast %mul3A_271 : vector<16xf32> to vector<1x16xf32>
        tpu.vector_store %arg18[%swap3A_272, %swap3A_273], %swap3A_276 {strides = array<i32>} : memref<80x128xf32, #tpu.memory_space<vmem>>, vector<1x16xf32>,
        %get3A_277 = arith.index_cast %scan3A_212 : i32 to index
        %get3A_278 = arith.constant 48 : index
        %get3A_279 = tpu.vector_load %arg19[%get3A_277, %get3A_278] {strides = array<i32>} : memref<80x128xf32, #tpu.memory_space<vmem>>, vector<1x16xf32>,
        %get3A_280 = vector.shape_cast %get3A_279 : vector<1x16xf32> to vector<16xf32>
        %mul3A_281 = arith.mulf %get3A_280, %get3A_216 : vector<16xf32>
        %swap3A_282 = arith.index_cast %scan3A_212 : i32 to index
        %swap3A_283 = arith.constant 48 : index
        %swap3A_284 = tpu.vector_load %arg17[%swap3A_282, %swap3A_283] {strides = array<i32>} : memref<80x128xf32, #tpu.memory_space<vmem>>, vector<1x16xf32>,
        %swap3A_285 = vector.shape_cast %swap3A_284 : vector<1x16xf32> to vector<16xf32>
        %swap3A_286 = vector.shape_cast %mul3A_281 : vector<16xf32> to vector<1x16xf32>
        tpu.vector_store %arg17[%swap3A_282, %swap3A_283], %swap3A_286 {strides = array<i32>} : memref<80x128xf32, #tpu.memory_space<vmem>>, vector<1x16xf32>,
        %get3A_287 = arith.index_cast %scan3A_212 : i32 to index
        %get3A_288 = arith.constant 48 : index
        %get3A_289 = tpu.vector_load %arg18[%get3A_287, %get3A_288] {strides = array<i32>} : memref<80x128xf32, #tpu.memory_space<vmem>>, vector<1x16xf32>,
        %get3A_290 = vector.shape_cast %get3A_289 : vector<1x16xf32> to vector<16xf32>
        %mul3A_291 = arith.mulf %get3A_290, %get3A_216 : vector<16xf32>
        %swap3A_292 = arith.index_cast %scan3A_212 : i32 to index
        %swap3A_293 = arith.constant 48 : index
        %swap3A_294 = tpu.vector_load %arg18[%swap3A_292, %swap3A_293] {strides = array<i32>} : memref<80x128xf32, #tpu.memory_space<vmem>>, vector<1x16xf32>,
        %swap3A_295 = vector.shape_cast %swap3A_294 : vector<1x16xf32> to vector<16xf32>
        %swap3A_296 = vector.shape_cast %mul3A_291 : vector<16xf32> to vector<1x16xf32>
        tpu.vector_store %arg18[%swap3A_292, %swap3A_293], %swap3A_296 {strides = array<i32>} : memref<80x128xf32, #tpu.memory_space<vmem>>, vector<1x16xf32>,
        %get3A_297 = arith.index_cast %scan3A_212 : i32 to index
        %get3A_298 = arith.constant 64 : index
        %get3A_299 = tpu.vector_load %arg19[%get3A_297, %get3A_298] {strides = array<i32>} : memref<80x128xf32, #tpu.memory_space<vmem>>, vector<1x16xf32>,
        %get3A_300 = vector.shape_cast %get3A_299 : vector<1x16xf32> to vector<16xf32>
        %mul3A_301 = arith.mulf %get3A_300, %get3A_216 : vector<16xf32>
        %swap3A_302 = arith.index_cast %scan3A_212 : i32 to index
        %swap3A_303 = arith.constant 64 : index
        %swap3A_304 = tpu.vector_load %arg17[%swap3A_302, %swap3A_303] {strides = array<i32>} : memref<80x128xf32, #tpu.memory_space<vmem>>, vector<1x16xf32>,
        %swap3A_305 = vector.shape_cast %swap3A_304 : vector<1x16xf32> to vector<16xf32>
        %swap3A_306 = vector.shape_cast %mul3A_301 : vector<16xf32> to vector<1x16xf32>
        tpu.vector_store %arg17[%swap3A_302, %swap3A_303], %swap3A_306 {strides = array<i32>} : memref<80x128xf32, #tpu.memory_space<vmem>>, vector<1x16xf32>,
        %get3A_307 = arith.index_cast %scan3A_212 : i32 to index
        %get3A_308 = arith.constant 64 : index
        %get3A_309 = tpu.vector_load %arg18[%get3A_307, %get3A_308] {strides = array<i32>} : memref<80x128xf32, #tpu.memory_space<vmem>>, vector<1x16xf32>,
        %get3A_310 = vector.shape_cast %get3A_309 : vector<1x16xf32> to vector<16xf32>
        %mul3A_311 = arith.mulf %get3A_310, %get3A_216 : vector<16xf32>
        %swap3A_312 = arith.index_cast %scan3A_212 : i32 to index
        %swap3A_313 = arith.constant 64 : index
        %swap3A_314 = tpu.vector_load %arg18[%swap3A_312, %swap3A_313] {strides = array<i32>} : memref<80x128xf32, #tpu.memory_space<vmem>>, vector<1x16xf32>,
        %swap3A_315 = vector.shape_cast %swap3A_314 : vector<1x16xf32> to vector<16xf32>
        %swap3A_316 = vector.shape_cast %mul3A_311 : vector<16xf32> to vector<1x16xf32>
        tpu.vector_store %arg18[%swap3A_312, %swap3A_313], %swap3A_316 {strides = array<i32>} : memref<80x128xf32, #tpu.memory_space<vmem>>, vector<1x16xf32>,
        %get3A_317 = arith.index_cast %scan3A_212 : i32 to index
        %get3A_318 = arith.constant 80 : index
        %get3A_319 = tpu.vector_load %arg19[%get3A_317, %get3A_318] {strides = array<i32>} : memref<80x128xf32, #tpu.memory_space<vmem>>, vector<1x16xf32>,
        %get3A_320 = vector.shape_cast %get3A_319 : vector<1x16xf32> to vector<16xf32>
        %mul3A_321 = arith.mulf %get3A_320, %get3A_216 : vector<16xf32>
        %swap3A_322 = arith.index_cast %scan3A_212 : i32 to index
        %swap3A_323 = arith.constant 80 : index
        %swap3A_324 = tpu.vector_load %arg17[%swap3A_322, %swap3A_323] {strides = array<i32>} : memref<80x128xf32, #tpu.memory_space<vmem>>, vector<1x16xf32>,
        %swap3A_325 = vector.shape_cast %swap3A_324 : vector<1x16xf32> to vector<16xf32>
        %swap3A_326 = vector.shape_cast %mul3A_321 : vector<16xf32> to vector<1x16xf32>
        tpu.vector_store %arg17[%swap3A_322, %swap3A_323], %swap3A_326 {strides = array<i32>} : memref<80x128xf32, #tpu.memory_space<vmem>>, vector<1x16xf32>,
        %get3A_327 = arith.index_cast %scan3A_212 : i32 to index
        %get3A_328 = arith.constant 80 : index
        %get3A_329 = tpu.vector_load %arg18[%get3A_327, %get3A_328] {strides = array<i32>} : memref<80x128xf32, #tpu.memory_space<vmem>>, vector<1x16xf32>,
        %get3A_330 = vector.shape_cast %get3A_329 : vector<1x16xf32> to vector<16xf32>
        %mul3A_331 = arith.mulf %get3A_330, %get3A_216 : vector<16xf32>
        %swap3A_332 = arith.index_cast %scan3A_212 : i32 to index
        %swap3A_333 = arith.constant 80 : index
        %swap3A_334 = tpu.vector_load %arg18[%swap3A_332, %swap3A_333] {strides = array<i32>} : memref<80x128xf32, #tpu.memory_space<vmem>>, vector<1x16xf32>,
        %swap3A_335 = vector.shape_cast %swap3A_334 : vector<1x16xf32> to vector<16xf32>
        %swap3A_336 = vector.shape_cast %mul3A_331 : vector<16xf32> to vector<1x16xf32>
        tpu.vector_store %arg18[%swap3A_332, %swap3A_333], %swap3A_336 {strides = array<i32>} : memref<80x128xf32, #tpu.memory_space<vmem>>, vector<1x16xf32>,
        %get3A_337 = arith.index_cast %scan3A_212 : i32 to index
        %get3A_338 = arith.constant 96 : index
        %get3A_339 = tpu.vector_load %arg19[%get3A_337, %get3A_338] {strides = array<i32>} : memref<80x128xf32, #tpu.memory_space<vmem>>, vector<1x16xf32>,
        %get3A_340 = vector.shape_cast %get3A_339 : vector<1x16xf32> to vector<16xf32>
        %mul3A_341 = arith.mulf %get3A_340, %get3A_216 : vector<16xf32>
        %swap3A_342 = arith.index_cast %scan3A_212 : i32 to index
        %swap3A_343 = arith.constant 96 : index
        %swap3A_344 = tpu.vector_load %arg17[%swap3A_342, %swap3A_343] {strides = array<i32>} : memref<80x128xf32, #tpu.memory_space<vmem>>, vector<1x16xf32>,
        %swap3A_345 = vector.shape_cast %swap3A_344 : vector<1x16xf32> to vector<16xf32>
        %swap3A_346 = vector.shape_cast %mul3A_341 : vector<16xf32> to vector<1x16xf32>
        tpu.vector_store %arg17[%swap3A_342, %swap3A_343], %swap3A_346 {strides = array<i32>} : memref<80x128xf32, #tpu.memory_space<vmem>>, vector<1x16xf32>,
        %get3A_347 = arith.index_cast %scan3A_212 : i32 to index
        %get3A_348 = arith.constant 96 : index
        %get3A_349 = tpu.vector_load %arg18[%get3A_347, %get3A_348] {strides = array<i32>} : memref<80x128xf32, #tpu.memory_space<vmem>>, vector<1x16xf32>,
        %get3A_350 = vector.shape_cast %get3A_349 : vector<1x16xf32> to vector<16xf32>
        %mul3A_351 = arith.mulf %get3A_350, %get3A_216 : vector<16xf32>
        %swap3A_352 = arith.index_cast %scan3A_212 : i32 to index
        %swap3A_353 = arith.constant 96 : index
        %swap3A_354 = tpu.vector_load %arg18[%swap3A_352, %swap3A_353] {strides = array<i32>} : memref<80x128xf32, #tpu.memory_space<vmem>>, vector<1x16xf32>,
        %swap3A_355 = vector.shape_cast %swap3A_354 : vector<1x16xf32> to vector<16xf32>
        %swap3A_356 = vector.shape_cast %mul3A_351 : vector<16xf32> to vector<1x16xf32>
        tpu.vector_store %arg18[%swap3A_352, %swap3A_353], %swap3A_356 {strides = array<i32>} : memref<80x128xf32, #tpu.memory_space<vmem>>, vector<1x16xf32>,
        %get3A_357 = arith.index_cast %scan3A_212 : i32 to index
        %get3A_358 = arith.constant 112 : index
        %get3A_359 = tpu.vector_load %arg19[%get3A_357, %get3A_358] {strides = array<i32>} : memref<80x128xf32, #tpu.memory_space<vmem>>, vector<1x16xf32>,
        %get3A_360 = vector.shape_cast %get3A_359 : vector<1x16xf32> to vector<16xf32>
        %mul3A_361 = arith.mulf %get3A_360, %get3A_216 : vector<16xf32>
        %swap3A_362 = arith.index_cast %scan3A_212 : i32 to index
        %swap3A_363 = arith.constant 112 : index
        %swap3A_364 = tpu.vector_load %arg17[%swap3A_362, %swap3A_363] {strides = array<i32>} : memref<80x128xf32, #tpu.memory_space<vmem>>, vector<1x16xf32>,
        %swap3A_365 = vector.shape_cast %swap3A_364 : vector<1x16xf32> to vector<16xf32>
        %swap3A_366 = vector.shape_cast %mul3A_361 : vector<16xf32> to vector<1x16xf32>
        tpu.vector_store %arg17[%swap3A_362, %swap3A_363], %swap3A_366 {strides = array<i32>} : memref<80x128xf32, #tpu.memory_space<vmem>>, vector<1x16xf32>,
        %get3A_367 = arith.index_cast %scan3A_212 : i32 to index
        %get3A_368 = arith.constant 112 : index
        %get3A_369 = tpu.vector_load %arg18[%get3A_367, %get3A_368] {strides = array<i32>} : memref<80x128xf32, #tpu.memory_space<vmem>>, vector<1x16xf32>,
        %get3A_370 = vector.shape_cast %get3A_369 : vector<1x16xf32> to vector<16xf32>
        %mul3A_371 = arith.mulf %get3A_370, %get3A_216 : vector<16xf32>
        %swap3A_372 = arith.index_cast %scan3A_212 : i32 to index
        %swap3A_373 = arith.constant 112 : index
        %swap3A_374 = tpu.vector_load %arg18[%swap3A_372, %swap3A_373] {strides = array<i32>} : memref<80x128xf32, #tpu.memory_space<vmem>>, vector<1x16xf32>,
        %swap3A_375 = vector.shape_cast %swap3A_374 : vector<1x16xf32> to vector<16xf32>
        %swap3A_376 = vector.shape_cast %mul3A_371 : vector<16xf32> to vector<1x16xf32>
        tpu.vector_store %arg18[%swap3A_372, %swap3A_373], %swap3A_376 {strides = array<i32>} : memref<80x128xf32, #tpu.memory_space<vmem>>, vector<1x16xf32>,
      }
      %scan3A_211 = arith.constant 80 : i32
      "tpu.region"() ({
        %run_scoped3A = tpu.sem_alloc : memref<!tpu.dma_semaphore, #tpu.memory_space<semaphore_mem>>
        %dma_start3A_212 = arith.constant 0 : i32
        %dma_start3A_213 = arith.constant 0 : i32
        %dma_start3A_214 = tpu.memref_slice %arg21[%dma_start3A_212, %dma_start3A_213] : memref<10627x128xf32, #tpu.memory_space<vmem_shared>> -> memref<10627x128xf32, #tpu.memory_space<vmem_shared>>
        tpu.enqueue_indirect_dma source(%arg17 : memref<80x128xf32, #tpu.memory_space<vmem>>) target(%dma_start3A_214 : memref<10627x128xf32, #tpu.memory_space<vmem_shared>>) offsets(%arg14 : memref<80xi32, #tpu.memory_space<vmem>>) semaphore(%run_scoped3A : memref<!tpu.dma_semaphore, #tpu.memory_space<semaphore_mem>>) {add = true}
        %dma_wait3A_215 = arith.constant 0 : i32
        %dma_wait3A_216 = arith.constant 0 : i32
        %dma_wait3A_217 = tpu.memref_slice %arg21[%dma_wait3A_215, %dma_wait3A_216] : memref<10627x128xf32, #tpu.memory_space<vmem_shared>> -> memref<10627x128xf32, #tpu.memory_space<vmem_shared>>
        tpu.wait_indirect_dma semaphore(%run_scoped3A : memref<!tpu.dma_semaphore, #tpu.memory_space<semaphore_mem>>) src(%arg17 : memref<80x128xf32, #tpu.memory_space<vmem>>) dst(%dma_wait3A_217 : memref<10627x128xf32, #tpu.memory_space<vmem_shared>>)
        tpu.yield
      }) : () -> ()
      "tpu.region"() ({
        %run_scoped3A = tpu.sem_alloc : memref<!tpu.dma_semaphore, #tpu.memory_space<semaphore_mem>>
        %dma_start3A_212 = arith.constant 0 : i32
        %dma_start3A_213 = arith.constant 0 : i32
        %dma_start3A_214 = tpu.memref_slice %arg21[%dma_start3A_212, %dma_start3A_213] : memref<10627x128xf32, #tpu.memory_space<vmem_shared>> -> memref<10627x128xf32, #tpu.memory_space<vmem_shared>>
        tpu.enqueue_indirect_dma source(%arg18 : memref<80x128xf32, #tpu.memory_space<vmem>>) target(%dma_start3A_214 : memref<10627x128xf32, #tpu.memory_space<vmem_shared>>) offsets(%arg15 : memref<80xi32, #tpu.memory_space<vmem>>) semaphore(%run_scoped3A : memref<!tpu.dma_semaphore, #tpu.memory_space<semaphore_mem>>) {add = true}
        %dma_wait3A_215 = arith.constant 0 : i32
        %dma_wait3A_216 = arith.constant 0 : i32
        %dma_wait3A_217 = tpu.memref_slice %arg21[%dma_wait3A_215, %dma_wait3A_216] : memref<10627x128xf32, #tpu.memory_space<vmem_shared>> -> memref<10627x128xf32, #tpu.memory_space<vmem_shared>>
        tpu.wait_indirect_dma semaphore(%run_scoped3A : memref<!tpu.dma_semaphore, #tpu.memory_space<semaphore_mem>>) src(%arg18 : memref<80x128xf32, #tpu.memory_space<vmem>>) dst(%dma_wait3A_217 : memref<10627x128xf32, #tpu.memory_space<vmem_shared>>)
        tpu.yield
      }) : () -> ()
    }
    %scan3A_7 = arith.constant 125 : i32
    %barrier3A_8 = arith.constant 0 : index
    tpu.barrier barrier_id(%barrier3A_8)
    %eq3A_9 = arith.constant 0 : i32
    %eq3A_10 = arith.cmpi eq, %arg1, %eq3A_9 : i32
    %convert_element_type3A_11 = arith.extui %eq3A_10 : i1 to i32
    %cond3A_12 = arith.constant 0 : i32
    %cond3A_13 = arith.cmpi ne, %convert_element_type3A_11, %cond3A_12 : i32
    scf.if %cond3A_13 {
      "tpu.region"() ({
        %run_scoped3A = tpu.sem_alloc : memref<!tpu.dma_semaphore, #tpu.memory_space<semaphore_mem>>
        %dma_start3A = arith.constant 0 : i32
        %dma_start3A_14 = arith.constant 0 : i32
        %dma_start3A_15 = tpu.memref_slice %arg10[%arg0, %dma_start3A, %dma_start3A_14] : memref<2x10627x128xf32, #tpu.memory_space<hbm>> -> memref<1x10627x128xf32, #tpu.memory_space<hbm>>
        %dma_start3A_16 = tpu.memref_squeeze %dma_start3A_15 : memref<1x10627x128xf32, #tpu.memory_space<hbm>> -> memref<10627x128xf32, #tpu.memory_space<hbm>>
        tpu.enqueue_dma source(%arg21 : memref<10627x128xf32, #tpu.memory_space<vmem_shared>>) target(%dma_start3A_16 : memref<10627x128xf32, #tpu.memory_space<hbm>>) target_semaphore(%run_scoped3A : memref<!tpu.dma_semaphore, #tpu.memory_space<semaphore_mem>>)
        %dma_wait3A = arith.constant 0 : i32
        %dma_wait3A_17 = arith.constant 0 : i32
        %dma_wait3A_18 = tpu.memref_slice %arg10[%arg0, %dma_wait3A, %dma_wait3A_17] : memref<2x10627x128xf32, #tpu.memory_space<hbm>> -> memref<1x10627x128xf32, #tpu.memory_space<hbm>>
        %dma_wait3A_19 = tpu.memref_squeeze %dma_wait3A_18 : memref<1x10627x128xf32, #tpu.memory_space<hbm>> -> memref<10627x128xf32, #tpu.memory_space<hbm>>
        tpu.wait_dma2 semaphore(%run_scoped3A : memref<!tpu.dma_semaphore, #tpu.memory_space<semaphore_mem>>) src(%arg21 : memref<10627x128xf32, #tpu.memory_space<vmem_shared>>) dst(%dma_wait3A_19 : memref<10627x128xf32, #tpu.memory_space<hbm>>)
        tpu.yield
      }) : () -> ()
    } else {
    }
    return
  }
}

#map = affine_map<(d0, d1) -> (0)>
#map1 = affine_map<(d0, d1) -> (0, 0)>
#map2 = affine_map<(d0, d1) -> (0, 0, 0)>
module attributes {stable_mosaic.version = 14 : i64} {
  func.func @_sc_body(%arg0: i32, %arg1: i32, %arg2: memref<320000xi32, #tpu.memory_space<hbm>>, %arg3: memref<320000xi32, #tpu.memory_space<hbm>>, %arg4: memref<320000xi32, #tpu.memory_space<hbm>>, %arg5: memref<10000x128xf32, #tpu.memory_space<hbm>>, %arg6: memref<10000x128xf32, #tpu.memory_space<hbm>>, %arg7: memref<10000x128xf32, #tpu.memory_space<hbm>>, %arg8: memref<16x128xf32, #tpu.memory_space<hbm>>, %arg9: memref<10627x128xf32, #tpu.memory_space<hbm>>, %arg10: memref<2x10627x128xf32, #tpu.memory_space<hbm>>, %arg11: memref<80xi32, #tpu.memory_space<vmem>>, %arg12: memref<80xi32, #tpu.memory_space<vmem>>, %arg13: memref<80xi32, #tpu.memory_space<vmem>>, %arg14: memref<80xi32, #tpu.memory_space<vmem>>, %arg15: memref<80xi32, #tpu.memory_space<vmem>>, %arg16: memref<80xi32, #tpu.memory_space<vmem>>, %arg17: memref<80x128xf32, #tpu.memory_space<vmem>>, %arg18: memref<80x128xf32, #tpu.memory_space<vmem>>, %arg19: memref<80x128xf32, #tpu.memory_space<vmem>>, %arg20: memref<80x16xf32, #tpu.memory_space<vmem>>, %arg21: memref<10627x128xf32, #tpu.memory_space<vmem_shared>>, %arg22: memref<!tpu.dma_semaphore, #tpu.memory_space<semaphore_mem>>) attributes {dimension_semantics = [#tpu.dimension_semantics<core_parallel>, #tpu.dimension_semantics<subcore_parallel>], iteration_bounds = array<i64: 2, 16>, scalar_prefetch = 0 : i64, scratch_operands = 12 : i64, tpu.core_type = #tpu.core_type<sc_vector_subcore>, window_params = [{transform_indices = #map}, {transform_indices = #map}, {transform_indices = #map}, {transform_indices = #map1}, {transform_indices = #map1}, {transform_indices = #map1}, {transform_indices = #map1}, {transform_indices = #map1}, {transform_indices = #map2}]} {
    %mul3A = arith.constant 2 : i32
    %mul3A_0 = arith.muli %arg1, %mul3A : i32
    %add3A = arith.addi %mul3A_0, %arg0 : i32
    %eq3A = arith.constant 0 : i32
    %eq3A_1 = arith.cmpi eq, %arg1, %eq3A : i32
    %convert_element_type3A = arith.extui %eq3A_1 : i1 to i32
    %cond3A = arith.constant 0 : i32
    %cond3A_2 = arith.cmpi ne, %convert_element_type3A, %cond3A : i32
    scf.if %cond3A_2 {
      "tpu.region"() ({
        %run_scoped3A = tpu.sem_alloc : memref<!tpu.dma_semaphore, #tpu.memory_space<semaphore_mem>>
        tpu.enqueue_dma source(%arg9 : memref<10627x128xf32, #tpu.memory_space<hbm>>) target(%arg21 : memref<10627x128xf32, #tpu.memory_space<vmem_shared>>) target_semaphore(%run_scoped3A : memref<!tpu.dma_semaphore, #tpu.memory_space<semaphore_mem>>)
        tpu.wait_dma2 semaphore(%run_scoped3A : memref<!tpu.dma_semaphore, #tpu.memory_space<semaphore_mem>>) src(%arg9 : memref<10627x128xf32, #tpu.memory_space<hbm>>) dst(%arg21 : memref<10627x128xf32, #tpu.memory_space<vmem_shared>>)
        tpu.yield
      }) : () -> ()
    } else {
    }
    %barrier3A = arith.constant 0 : index
    tpu.barrier barrier_id(%barrier3A)
    %scan3A = arith.constant 0 : i32
    %scan3A_3 = arith.constant 0 : i32
    %scan3A_4 = arith.constant 125 : i32
    %scan3A_5 = arith.addi %scan3A_3, %scan3A_4 : i32
    %scan3A_6 = arith.constant 1 : i32
    scf.for %scan3A_14 = %scan3A_3 to %scan3A_5 step %scan3A_6  : i32 {
      %mul3A_15 = arith.constant 10000 : i32
      %mul3A_16 = arith.muli %add3A, %mul3A_15 : i32
      %mul3A_17 = arith.constant 80 : i32
      %mul3A_18 = arith.muli %scan3A_14, %mul3A_17 : i32
      %add3A_19 = arith.addi %mul3A_16, %mul3A_18 : i32
      "tpu.region"() ({
        %run_scoped3A = tpu.sem_alloc : memref<!tpu.dma_semaphore, #tpu.memory_space<semaphore_mem>>
        %dma_start3A_212 = tpu.memref_slice %arg2[%add3A_19] : memref<320000xi32, #tpu.memory_space<hbm>> -> memref<80xi32, #tpu.memory_space<hbm>>
        %dma_start3A_213 = tpu.memref_slice %arg2[%add3A_19] : memref<320000xi32, #tpu.memory_space<hbm>> -> memref<80xi32, #tpu.memory_space<hbm>>
        tpu.enqueue_dma source(%dma_start3A_213 : memref<80xi32, #tpu.memory_space<hbm>>) target(%arg11 : memref<80xi32, #tpu.memory_space<vmem>>) target_semaphore(%run_scoped3A : memref<!tpu.dma_semaphore, #tpu.memory_space<semaphore_mem>>)
        %dma_wait3A_214 = tpu.memref_slice %arg2[%add3A_19] : memref<320000xi32, #tpu.memory_space<hbm>> -> memref<80xi32, #tpu.memory_space<hbm>>
        %dma_wait3A_215 = tpu.memref_slice %arg2[%add3A_19] : memref<320000xi32, #tpu.memory_space<hbm>> -> memref<80xi32, #tpu.memory_space<hbm>>
        tpu.wait_dma2 semaphore(%run_scoped3A : memref<!tpu.dma_semaphore, #tpu.memory_space<semaphore_mem>>) src(%dma_wait3A_215 : memref<80xi32, #tpu.memory_space<hbm>>) dst(%arg11 : memref<80xi32, #tpu.memory_space<vmem>>)
        tpu.yield
      }) : () -> ()
      "tpu.region"() ({
        %run_scoped3A = tpu.sem_alloc : memref<!tpu.dma_semaphore, #tpu.memory_space<semaphore_mem>>
        %dma_start3A_212 = tpu.memref_slice %arg3[%add3A_19] : memref<320000xi32, #tpu.memory_space<hbm>> -> memref<80xi32, #tpu.memory_space<hbm>>
        %dma_start3A_213 = tpu.memref_slice %arg3[%add3A_19] : memref<320000xi32, #tpu.memory_space<hbm>> -> memref<80xi32, #tpu.memory_space<hbm>>
        tpu.enqueue_dma source(%dma_start3A_213 : memref<80xi32, #tpu.memory_space<hbm>>) target(%arg12 : memref<80xi32, #tpu.memory_space<vmem>>) target_semaphore(%run_scoped3A : memref<!tpu.dma_semaphore, #tpu.memory_space<semaphore_mem>>)
        %dma_wait3A_214 = tpu.memref_slice %arg3[%add3A_19] : memref<320000xi32, #tpu.memory_space<hbm>> -> memref<80xi32, #tpu.memory_space<hbm>>
        %dma_wait3A_215 = tpu.memref_slice %arg3[%add3A_19] : memref<320000xi32, #tpu.memory_space<hbm>> -> memref<80xi32, #tpu.memory_space<hbm>>
        tpu.wait_dma2 semaphore(%run_scoped3A : memref<!tpu.dma_semaphore, #tpu.memory_space<semaphore_mem>>) src(%dma_wait3A_215 : memref<80xi32, #tpu.memory_space<hbm>>) dst(%arg12 : memref<80xi32, #tpu.memory_space<vmem>>)
        tpu.yield
      }) : () -> ()
      "tpu.region"() ({
        %run_scoped3A = tpu.sem_alloc : memref<!tpu.dma_semaphore, #tpu.memory_space<semaphore_mem>>
        %dma_start3A_212 = tpu.memref_slice %arg4[%add3A_19] : memref<320000xi32, #tpu.memory_space<hbm>> -> memref<80xi32, #tpu.memory_space<hbm>>
        %dma_start3A_213 = tpu.memref_slice %arg4[%add3A_19] : memref<320000xi32, #tpu.memory_space<hbm>> -> memref<80xi32, #tpu.memory_space<hbm>>
        tpu.enqueue_dma source(%dma_start3A_213 : memref<80xi32, #tpu.memory_space<hbm>>) target(%arg13 : memref<80xi32, #tpu.memory_space<vmem>>) target_semaphore(%run_scoped3A : memref<!tpu.dma_semaphore, #tpu.memory_space<semaphore_mem>>)
        %dma_wait3A_214 = tpu.memref_slice %arg4[%add3A_19] : memref<320000xi32, #tpu.memory_space<hbm>> -> memref<80xi32, #tpu.memory_space<hbm>>
        %dma_wait3A_215 = tpu.memref_slice %arg4[%add3A_19] : memref<320000xi32, #tpu.memory_space<hbm>> -> memref<80xi32, #tpu.memory_space<hbm>>
        tpu.wait_dma2 semaphore(%run_scoped3A : memref<!tpu.dma_semaphore, #tpu.memory_space<semaphore_mem>>) src(%dma_wait3A_215 : memref<80xi32, #tpu.memory_space<hbm>>) dst(%arg13 : memref<80xi32, #tpu.memory_space<vmem>>)
        tpu.yield
      }) : () -> ()
      %dma_start3A = arith.constant 0 : i32
      %dma_start3A_20 = arith.constant 0 : i32
      %dma_start3A_21 = tpu.memref_slice %arg5[%dma_start3A, %dma_start3A_20] : memref<10000x128xf32, #tpu.memory_space<hbm>> -> memref<10000x128xf32, #tpu.memory_space<hbm>>
      tpu.enqueue_indirect_dma source(%dma_start3A_21 : memref<10000x128xf32, #tpu.memory_space<hbm>>) target(%arg17 : memref<80x128xf32, #tpu.memory_space<vmem>>) offsets(%arg11 : memref<80xi32, #tpu.memory_space<vmem>>) semaphore(%arg22 : memref<!tpu.dma_semaphore, #tpu.memory_space<semaphore_mem>>)
      %dma_wait3A = arith.constant 0 : i32
      %dma_wait3A_22 = arith.constant 0 : i32
      %dma_wait3A_23 = tpu.memref_slice %arg5[%dma_wait3A, %dma_wait3A_22] : memref<10000x128xf32, #tpu.memory_space<hbm>> -> memref<10000x128xf32, #tpu.memory_space<hbm>>
      tpu.wait_indirect_dma semaphore(%arg22 : memref<!tpu.dma_semaphore, #tpu.memory_space<semaphore_mem>>) src(%dma_wait3A_23 : memref<10000x128xf32, #tpu.memory_space<hbm>>) dst(%arg17 : memref<80x128xf32, #tpu.memory_space<vmem>>)
      %dma_start3A_24 = arith.constant 0 : i32
      %dma_start3A_25 = arith.constant 0 : i32
      %dma_start3A_26 = tpu.memref_slice %arg6[%dma_start3A_24, %dma_start3A_25] : memref<10000x128xf32, #tpu.memory_space<hbm>> -> memref<10000x128xf32, #tpu.memory_space<hbm>>
      tpu.enqueue_indirect_dma source(%dma_start3A_26 : memref<10000x128xf32, #tpu.memory_space<hbm>>) target(%arg18 : memref<80x128xf32, #tpu.memory_space<vmem>>) offsets(%arg12 : memref<80xi32, #tpu.memory_space<vmem>>) semaphore(%arg22 : memref<!tpu.dma_semaphore, #tpu.memory_space<semaphore_mem>>)
      %dma_wait3A_27 = arith.constant 0 : i32
      %dma_wait3A_28 = arith.constant 0 : i32
      %dma_wait3A_29 = tpu.memref_slice %arg6[%dma_wait3A_27, %dma_wait3A_28] : memref<10000x128xf32, #tpu.memory_space<hbm>> -> memref<10000x128xf32, #tpu.memory_space<hbm>>
      tpu.wait_indirect_dma semaphore(%arg22 : memref<!tpu.dma_semaphore, #tpu.memory_space<semaphore_mem>>) src(%dma_wait3A_29 : memref<10000x128xf32, #tpu.memory_space<hbm>>) dst(%arg18 : memref<80x128xf32, #tpu.memory_space<vmem>>)
      %dma_start3A_30 = arith.constant 0 : i32
      %dma_start3A_31 = arith.constant 0 : i32
      %dma_start3A_32 = tpu.memref_slice %arg7[%dma_start3A_30, %dma_start3A_31] : memref<10000x128xf32, #tpu.memory_space<hbm>> -> memref<10000x128xf32, #tpu.memory_space<hbm>>
      tpu.enqueue_indirect_dma source(%dma_start3A_32 : memref<10000x128xf32, #tpu.memory_space<hbm>>) target(%arg19 : memref<80x128xf32, #tpu.memory_space<vmem>>) offsets(%arg11 : memref<80xi32, #tpu.memory_space<vmem>>) semaphore(%arg22 : memref<!tpu.dma_semaphore, #tpu.memory_space<semaphore_mem>>)
      %dma_wait3A_33 = arith.constant 0 : i32
      %dma_wait3A_34 = arith.constant 0 : i32
      %dma_wait3A_35 = tpu.memref_slice %arg7[%dma_wait3A_33, %dma_wait3A_34] : memref<10000x128xf32, #tpu.memory_space<hbm>> -> memref<10000x128xf32, #tpu.memory_space<hbm>>
      tpu.wait_indirect_dma semaphore(%arg22 : memref<!tpu.dma_semaphore, #tpu.memory_space<semaphore_mem>>) src(%dma_wait3A_35 : memref<10000x128xf32, #tpu.memory_space<hbm>>) dst(%arg19 : memref<80x128xf32, #tpu.memory_space<vmem>>)
      %get3A = arith.constant 0 : index
      %get3A_36 = tpu.vector_load %arg13[%get3A] {strides = array<i32>} : memref<80xi32, #tpu.memory_space<vmem>>, vector<16xi32>,
      %get3A_37 = vector.shape_cast %get3A_36 : vector<16xi32> to vector<16xi32>
      %eq3A_38 = arith.constant 0 : i32
      %eq3A_39 = vector.broadcast %eq3A_38 : i32 to vector<16xi32>
      %eq3A_40 = arith.cmpi eq, %get3A_37, %eq3A_39 : vector<16xi32>
      %get3A_41 = arith.constant 0 : index
      %get3A_42 = tpu.vector_load %arg12[%get3A_41] {strides = array<i32>} : memref<80xi32, #tpu.memory_space<vmem>>, vector<16xi32>,
      %get3A_43 = vector.shape_cast %get3A_42 : vector<16xi32> to vector<16xi32>
      %jit3A = arith.constant 10000 : i32
      %broadcast_in_dim3A = vector.broadcast %jit3A : i32 to vector<16xi32>
      %select_n3A = arith.select %eq3A_40, %get3A_43, %broadcast_in_dim3A : vector<16xi1>, vector<16xi32>
      %swap3A = arith.constant 0 : index
      %swap3A_44 = tpu.vector_load %arg14[%swap3A] {strides = array<i32>} : memref<80xi32, #tpu.memory_space<vmem>>, vector<16xi32>,
      %swap3A_45 = vector.shape_cast %swap3A_44 : vector<16xi32> to vector<16xi32>
      %swap3A_46 = vector.shape_cast %select_n3A : vector<16xi32> to vector<16xi32>
      tpu.vector_store %arg14[%swap3A], %swap3A_46 {strides = array<i32>} : memref<80xi32, #tpu.memory_space<vmem>>, vector<16xi32>,
      %shift_right_logical3A = arith.constant 4 : i32
      %shift_right_logical3A_47 = vector.broadcast %shift_right_logical3A : i32 to vector<16xi32>
      %shift_right_logical3A_48 = arith.shrui %select_n3A, %shift_right_logical3A_47 : vector<16xi32>
      %add3A_49 = arith.constant 10001 : i32
      %add3A_50 = vector.broadcast %add3A_49 : i32 to vector<16xi32>
      %add3A_51 = arith.addi %add3A_50, %shift_right_logical3A_48 : vector<16xi32>
      %swap3A_52 = arith.constant 0 : index
      %swap3A_53 = tpu.vector_load %arg15[%swap3A_52] {strides = array<i32>} : memref<80xi32, #tpu.memory_space<vmem>>, vector<16xi32>,
      %swap3A_54 = vector.shape_cast %swap3A_53 : vector<16xi32> to vector<16xi32>
      %swap3A_55 = vector.shape_cast %add3A_51 : vector<16xi32> to vector<16xi32>
      tpu.vector_store %arg15[%swap3A_52], %swap3A_55 {strides = array<i32>} : memref<80xi32, #tpu.memory_space<vmem>>, vector<16xi32>,
      %and3A = arith.constant 15 : i32
      %and3A_56 = vector.broadcast %and3A : i32 to vector<16xi32>
      %and3A_57 = arith.andi %select_n3A, %and3A_56 : vector<16xi32>
      %swap3A_58 = arith.constant 0 : index
      %swap3A_59 = tpu.vector_load %arg16[%swap3A_58] {strides = array<i32>} : memref<80xi32, #tpu.memory_space<vmem>>, vector<16xi32>,
      %swap3A_60 = vector.shape_cast %swap3A_59 : vector<16xi32> to vector<16xi32>
      %swap3A_61 = vector.shape_cast %and3A_57 : vector<16xi32> to vector<16xi32>
      tpu.vector_store %arg16[%swap3A_58], %swap3A_61 {strides = array<i32>} : memref<80xi32, #tpu.memory_space<vmem>>, vector<16xi32>,
      %get3A_62 = arith.constant 16 : index
      %get3A_63 = tpu.vector_load %arg13[%get3A_62] {strides = array<i32>} : memref<80xi32, #tpu.memory_space<vmem>>, vector<16xi32>,
      %get3A_64 = vector.shape_cast %get3A_63 : vector<16xi32> to vector<16xi32>
      %eq3A_65 = arith.constant 0 : i32
      %eq3A_66 = vector.broadcast %eq3A_65 : i32 to vector<16xi32>
      %eq3A_67 = arith.cmpi eq, %get3A_64, %eq3A_66 : vector<16xi32>
      %get3A_68 = arith.constant 16 : index
      %get3A_69 = tpu.vector_load %arg12[%get3A_68] {strides = array<i32>} : memref<80xi32, #tpu.memory_space<vmem>>, vector<16xi32>,
      %get3A_70 = vector.shape_cast %get3A_69 : vector<16xi32> to vector<16xi32>
      %jit3A_71 = arith.constant 10000 : i32
      %broadcast_in_dim3A_72 = vector.broadcast %jit3A_71 : i32 to vector<16xi32>
      %select_n3A_73 = arith.select %eq3A_67, %get3A_70, %broadcast_in_dim3A_72 : vector<16xi1>, vector<16xi32>
      %swap3A_74 = arith.constant 16 : index
      %swap3A_75 = tpu.vector_load %arg14[%swap3A_74] {strides = array<i32>} : memref<80xi32, #tpu.memory_space<vmem>>, vector<16xi32>,
      %swap3A_76 = vector.shape_cast %swap3A_75 : vector<16xi32> to vector<16xi32>
      %swap3A_77 = vector.shape_cast %select_n3A_73 : vector<16xi32> to vector<16xi32>
      tpu.vector_store %arg14[%swap3A_74], %swap3A_77 {strides = array<i32>} : memref<80xi32, #tpu.memory_space<vmem>>, vector<16xi32>,
      %shift_right_logical3A_78 = arith.constant 4 : i32
      %shift_right_logical3A_79 = vector.broadcast %shift_right_logical3A_78 : i32 to vector<16xi32>
      %shift_right_logical3A_80 = arith.shrui %select_n3A_73, %shift_right_logical3A_79 : vector<16xi32>
      %add3A_81 = arith.constant 10001 : i32
      %add3A_82 = vector.broadcast %add3A_81 : i32 to vector<16xi32>
      %add3A_83 = arith.addi %add3A_82, %shift_right_logical3A_80 : vector<16xi32>
      %swap3A_84 = arith.constant 16 : index
      %swap3A_85 = tpu.vector_load %arg15[%swap3A_84] {strides = array<i32>} : memref<80xi32, #tpu.memory_space<vmem>>, vector<16xi32>,
      %swap3A_86 = vector.shape_cast %swap3A_85 : vector<16xi32> to vector<16xi32>
      %swap3A_87 = vector.shape_cast %add3A_83 : vector<16xi32> to vector<16xi32>
      tpu.vector_store %arg15[%swap3A_84], %swap3A_87 {strides = array<i32>} : memref<80xi32, #tpu.memory_space<vmem>>, vector<16xi32>,
      %and3A_88 = arith.constant 15 : i32
      %and3A_89 = vector.broadcast %and3A_88 : i32 to vector<16xi32>
      %and3A_90 = arith.andi %select_n3A_73, %and3A_89 : vector<16xi32>
      %swap3A_91 = arith.constant 16 : index
      %swap3A_92 = tpu.vector_load %arg16[%swap3A_91] {strides = array<i32>} : memref<80xi32, #tpu.memory_space<vmem>>, vector<16xi32>,
      %swap3A_93 = vector.shape_cast %swap3A_92 : vector<16xi32> to vector<16xi32>
      %swap3A_94 = vector.shape_cast %and3A_90 : vector<16xi32> to vector<16xi32>
      tpu.vector_store %arg16[%swap3A_91], %swap3A_94 {strides = array<i32>} : memref<80xi32, #tpu.memory_space<vmem>>, vector<16xi32>,
      %get3A_95 = arith.constant 32 : index
      %get3A_96 = tpu.vector_load %arg13[%get3A_95] {strides = array<i32>} : memref<80xi32, #tpu.memory_space<vmem>>, vector<16xi32>,
      %get3A_97 = vector.shape_cast %get3A_96 : vector<16xi32> to vector<16xi32>
      %eq3A_98 = arith.constant 0 : i32
      %eq3A_99 = vector.broadcast %eq3A_98 : i32 to vector<16xi32>
      %eq3A_100 = arith.cmpi eq, %get3A_97, %eq3A_99 : vector<16xi32>
      %get3A_101 = arith.constant 32 : index
      %get3A_102 = tpu.vector_load %arg12[%get3A_101] {strides = array<i32>} : memref<80xi32, #tpu.memory_space<vmem>>, vector<16xi32>,
      %get3A_103 = vector.shape_cast %get3A_102 : vector<16xi32> to vector<16xi32>
      %jit3A_104 = arith.constant 10000 : i32
      %broadcast_in_dim3A_105 = vector.broadcast %jit3A_104 : i32 to vector<16xi32>
      %select_n3A_106 = arith.select %eq3A_100, %get3A_103, %broadcast_in_dim3A_105 : vector<16xi1>, vector<16xi32>
      %swap3A_107 = arith.constant 32 : index
      %swap3A_108 = tpu.vector_load %arg14[%swap3A_107] {strides = array<i32>} : memref<80xi32, #tpu.memory_space<vmem>>, vector<16xi32>,
      %swap3A_109 = vector.shape_cast %swap3A_108 : vector<16xi32> to vector<16xi32>
      %swap3A_110 = vector.shape_cast %select_n3A_106 : vector<16xi32> to vector<16xi32>
      tpu.vector_store %arg14[%swap3A_107], %swap3A_110 {strides = array<i32>} : memref<80xi32, #tpu.memory_space<vmem>>, vector<16xi32>,
      %shift_right_logical3A_111 = arith.constant 4 : i32
      %shift_right_logical3A_112 = vector.broadcast %shift_right_logical3A_111 : i32 to vector<16xi32>
      %shift_right_logical3A_113 = arith.shrui %select_n3A_106, %shift_right_logical3A_112 : vector<16xi32>
      %add3A_114 = arith.constant 10001 : i32
      %add3A_115 = vector.broadcast %add3A_114 : i32 to vector<16xi32>
      %add3A_116 = arith.addi %add3A_115, %shift_right_logical3A_113 : vector<16xi32>
      %swap3A_117 = arith.constant 32 : index
      %swap3A_118 = tpu.vector_load %arg15[%swap3A_117] {strides = array<i32>} : memref<80xi32, #tpu.memory_space<vmem>>, vector<16xi32>,
      %swap3A_119 = vector.shape_cast %swap3A_118 : vector<16xi32> to vector<16xi32>
      %swap3A_120 = vector.shape_cast %add3A_116 : vector<16xi32> to vector<16xi32>
      tpu.vector_store %arg15[%swap3A_117], %swap3A_120 {strides = array<i32>} : memref<80xi32, #tpu.memory_space<vmem>>, vector<16xi32>,
      %and3A_121 = arith.constant 15 : i32
      %and3A_122 = vector.broadcast %and3A_121 : i32 to vector<16xi32>
      %and3A_123 = arith.andi %select_n3A_106, %and3A_122 : vector<16xi32>
      %swap3A_124 = arith.constant 32 : index
      %swap3A_125 = tpu.vector_load %arg16[%swap3A_124] {strides = array<i32>} : memref<80xi32, #tpu.memory_space<vmem>>, vector<16xi32>,
      %swap3A_126 = vector.shape_cast %swap3A_125 : vector<16xi32> to vector<16xi32>
      %swap3A_127 = vector.shape_cast %and3A_123 : vector<16xi32> to vector<16xi32>
      tpu.vector_store %arg16[%swap3A_124], %swap3A_127 {strides = array<i32>} : memref<80xi32, #tpu.memory_space<vmem>>, vector<16xi32>,
      %get3A_128 = arith.constant 48 : index
      %get3A_129 = tpu.vector_load %arg13[%get3A_128] {strides = array<i32>} : memref<80xi32, #tpu.memory_space<vmem>>, vector<16xi32>,
      %get3A_130 = vector.shape_cast %get3A_129 : vector<16xi32> to vector<16xi32>
      %eq3A_131 = arith.constant 0 : i32
      %eq3A_132 = vector.broadcast %eq3A_131 : i32 to vector<16xi32>
      %eq3A_133 = arith.cmpi eq, %get3A_130, %eq3A_132 : vector<16xi32>
      %get3A_134 = arith.constant 48 : index
      %get3A_135 = tpu.vector_load %arg12[%get3A_134] {strides = array<i32>} : memref<80xi32, #tpu.memory_space<vmem>>, vector<16xi32>,
      %get3A_136 = vector.shape_cast %get3A_135 : vector<16xi32> to vector<16xi32>
      %jit3A_137 = arith.constant 10000 : i32
      %broadcast_in_dim3A_138 = vector.broadcast %jit3A_137 : i32 to vector<16xi32>
      %select_n3A_139 = arith.select %eq3A_133, %get3A_136, %broadcast_in_dim3A_138 : vector<16xi1>, vector<16xi32>
      %swap3A_140 = arith.constant 48 : index
      %swap3A_141 = tpu.vector_load %arg14[%swap3A_140] {strides = array<i32>} : memref<80xi32, #tpu.memory_space<vmem>>, vector<16xi32>,
      %swap3A_142 = vector.shape_cast %swap3A_141 : vector<16xi32> to vector<16xi32>
      %swap3A_143 = vector.shape_cast %select_n3A_139 : vector<16xi32> to vector<16xi32>
      tpu.vector_store %arg14[%swap3A_140], %swap3A_143 {strides = array<i32>} : memref<80xi32, #tpu.memory_space<vmem>>, vector<16xi32>,
      %shift_right_logical3A_144 = arith.constant 4 : i32
      %shift_right_logical3A_145 = vector.broadcast %shift_right_logical3A_144 : i32 to vector<16xi32>
      %shift_right_logical3A_146 = arith.shrui %select_n3A_139, %shift_right_logical3A_145 : vector<16xi32>
      %add3A_147 = arith.constant 10001 : i32
      %add3A_148 = vector.broadcast %add3A_147 : i32 to vector<16xi32>
      %add3A_149 = arith.addi %add3A_148, %shift_right_logical3A_146 : vector<16xi32>
      %swap3A_150 = arith.constant 48 : index
      %swap3A_151 = tpu.vector_load %arg15[%swap3A_150] {strides = array<i32>} : memref<80xi32, #tpu.memory_space<vmem>>, vector<16xi32>,
      %swap3A_152 = vector.shape_cast %swap3A_151 : vector<16xi32> to vector<16xi32>
      %swap3A_153 = vector.shape_cast %add3A_149 : vector<16xi32> to vector<16xi32>
      tpu.vector_store %arg15[%swap3A_150], %swap3A_153 {strides = array<i32>} : memref<80xi32, #tpu.memory_space<vmem>>, vector<16xi32>,
      %and3A_154 = arith.constant 15 : i32
      %and3A_155 = vector.broadcast %and3A_154 : i32 to vector<16xi32>
      %and3A_156 = arith.andi %select_n3A_139, %and3A_155 : vector<16xi32>
      %swap3A_157 = arith.constant 48 : index
      %swap3A_158 = tpu.vector_load %arg16[%swap3A_157] {strides = array<i32>} : memref<80xi32, #tpu.memory_space<vmem>>, vector<16xi32>,
      %swap3A_159 = vector.shape_cast %swap3A_158 : vector<16xi32> to vector<16xi32>
      %swap3A_160 = vector.shape_cast %and3A_156 : vector<16xi32> to vector<16xi32>
      tpu.vector_store %arg16[%swap3A_157], %swap3A_160 {strides = array<i32>} : memref<80xi32, #tpu.memory_space<vmem>>, vector<16xi32>,
      %get3A_161 = arith.constant 64 : index
      %get3A_162 = tpu.vector_load %arg13[%get3A_161] {strides = array<i32>} : memref<80xi32, #tpu.memory_space<vmem>>, vector<16xi32>,
      %get3A_163 = vector.shape_cast %get3A_162 : vector<16xi32> to vector<16xi32>
      %eq3A_164 = arith.constant 0 : i32
      %eq3A_165 = vector.broadcast %eq3A_164 : i32 to vector<16xi32>
      %eq3A_166 = arith.cmpi eq, %get3A_163, %eq3A_165 : vector<16xi32>
      %get3A_167 = arith.constant 64 : index
      %get3A_168 = tpu.vector_load %arg12[%get3A_167] {strides = array<i32>} : memref<80xi32, #tpu.memory_space<vmem>>, vector<16xi32>,
      %get3A_169 = vector.shape_cast %get3A_168 : vector<16xi32> to vector<16xi32>
      %jit3A_170 = arith.constant 10000 : i32
      %broadcast_in_dim3A_171 = vector.broadcast %jit3A_170 : i32 to vector<16xi32>
      %select_n3A_172 = arith.select %eq3A_166, %get3A_169, %broadcast_in_dim3A_171 : vector<16xi1>, vector<16xi32>
      %swap3A_173 = arith.constant 64 : index
      %swap3A_174 = tpu.vector_load %arg14[%swap3A_173] {strides = array<i32>} : memref<80xi32, #tpu.memory_space<vmem>>, vector<16xi32>,
      %swap3A_175 = vector.shape_cast %swap3A_174 : vector<16xi32> to vector<16xi32>
      %swap3A_176 = vector.shape_cast %select_n3A_172 : vector<16xi32> to vector<16xi32>
      tpu.vector_store %arg14[%swap3A_173], %swap3A_176 {strides = array<i32>} : memref<80xi32, #tpu.memory_space<vmem>>, vector<16xi32>,
      %shift_right_logical3A_177 = arith.constant 4 : i32
      %shift_right_logical3A_178 = vector.broadcast %shift_right_logical3A_177 : i32 to vector<16xi32>
      %shift_right_logical3A_179 = arith.shrui %select_n3A_172, %shift_right_logical3A_178 : vector<16xi32>
      %add3A_180 = arith.constant 10001 : i32
      %add3A_181 = vector.broadcast %add3A_180 : i32 to vector<16xi32>
      %add3A_182 = arith.addi %add3A_181, %shift_right_logical3A_179 : vector<16xi32>
      %swap3A_183 = arith.constant 64 : index
      %swap3A_184 = tpu.vector_load %arg15[%swap3A_183] {strides = array<i32>} : memref<80xi32, #tpu.memory_space<vmem>>, vector<16xi32>,
      %swap3A_185 = vector.shape_cast %swap3A_184 : vector<16xi32> to vector<16xi32>
      %swap3A_186 = vector.shape_cast %add3A_182 : vector<16xi32> to vector<16xi32>
      tpu.vector_store %arg15[%swap3A_183], %swap3A_186 {strides = array<i32>} : memref<80xi32, #tpu.memory_space<vmem>>, vector<16xi32>,
      %and3A_187 = arith.constant 15 : i32
      %and3A_188 = vector.broadcast %and3A_187 : i32 to vector<16xi32>
      %and3A_189 = arith.andi %select_n3A_172, %and3A_188 : vector<16xi32>
      %swap3A_190 = arith.constant 64 : index
      %swap3A_191 = tpu.vector_load %arg16[%swap3A_190] {strides = array<i32>} : memref<80xi32, #tpu.memory_space<vmem>>, vector<16xi32>,
      %swap3A_192 = vector.shape_cast %swap3A_191 : vector<16xi32> to vector<16xi32>
      %swap3A_193 = vector.shape_cast %and3A_189 : vector<16xi32> to vector<16xi32>
      tpu.vector_store %arg16[%swap3A_190], %swap3A_193 {strides = array<i32>} : memref<80xi32, #tpu.memory_space<vmem>>, vector<16xi32>,
      %scan3A_194 = arith.constant 0 : i32
      %scan3A_195 = arith.constant 0 : i32
      %scan3A_196 = arith.constant 80 : i32
      %scan3A_197 = arith.addi %scan3A_195, %scan3A_196 : i32
      %scan3A_198 = arith.constant 1 : i32
      scf.for %scan3A_212 = %scan3A_195 to %scan3A_197 step %scan3A_198  : i32 {
        %get3A_213 = arith.index_cast %scan3A_212 : i32 to index
        %get3A_214 = arith.constant 0 : index
        %get3A_215 = tpu.vector_load %arg17[%get3A_213, %get3A_214] {strides = array<i32>} : memref<80x128xf32, #tpu.memory_space<vmem>>, vector<1x16xf32>,
        %get3A_216 = vector.shape_cast %get3A_215 : vector<1x16xf32> to vector<16xf32>
        %get3A_217 = arith.index_cast %scan3A_212 : i32 to index
        %get3A_218 = arith.constant 0 : index
        %get3A_219 = tpu.vector_load %arg18[%get3A_217, %get3A_218] {strides = array<i32>} : memref<80x128xf32, #tpu.memory_space<vmem>>, vector<1x16xf32>,
        %get3A_220 = vector.shape_cast %get3A_219 : vector<1x16xf32> to vector<16xf32>
        %add3A_221 = arith.addf %get3A_216, %get3A_220 : vector<16xf32>
        %gt3A = arith.constant 0.000000e+00 : f32
        %gt3A_222 = vector.broadcast %gt3A : f32 to vector<16xf32>
        %gt3A_223 = arith.cmpf ogt, %add3A_221, %gt3A_222 : vector<16xf32>
        %mul3A_224 = arith.constant 2.000000e-01 : f32
        %mul3A_225 = vector.broadcast %mul3A_224 : f32 to vector<16xf32>
        %mul3A_226 = arith.mulf %add3A_221, %mul3A_225 : vector<16xf32>
        %select_n3A_227 = arith.select %gt3A_223, %add3A_221, %mul3A_226 : vector<16xi1>, vector<16xf32>
        %exp3A = math.exp %select_n3A_227 : vector<16xf32>
        %swap3A_228 = arith.index_cast %scan3A_212 : i32 to index
        %swap3A_229 = arith.constant 0 : index
        %swap3A_230 = tpu.vector_load %arg20[%swap3A_228, %swap3A_229] {strides = array<i32>} : memref<80x16xf32, #tpu.memory_space<vmem>>, vector<1x16xf32>,
        %swap3A_231 = vector.shape_cast %swap3A_230 : vector<1x16xf32> to vector<16xf32>
        %swap3A_232 = vector.shape_cast %exp3A : vector<16xf32> to vector<1x16xf32>
        tpu.vector_store %arg20[%swap3A_228, %swap3A_229], %swap3A_232 {strides = array<i32>} : memref<80x16xf32, #tpu.memory_space<vmem>>, vector<1x16xf32>,
      }
      %scan3A_199 = arith.constant 80 : i32
      %dma_start3A_200 = arith.constant 0 : i32
      %dma_start3A_201 = arith.constant 0 : i32
      %dma_start3A_202 = tpu.memref_slice %arg8[%dma_start3A_200, %dma_start3A_201] : memref<16x128xf32, #tpu.memory_space<hbm>> -> memref<16x128xf32, #tpu.memory_space<hbm>>
      tpu.enqueue_indirect_dma source(%dma_start3A_202 : memref<16x128xf32, #tpu.memory_space<hbm>>) target(%arg18 : memref<80x128xf32, #tpu.memory_space<vmem>>) offsets(%arg16 : memref<80xi32, #tpu.memory_space<vmem>>) semaphore(%arg22 : memref<!tpu.dma_semaphore, #tpu.memory_space<semaphore_mem>>)
      %dma_wait3A_203 = arith.constant 0 : i32
      %dma_wait3A_204 = arith.constant 0 : i32
      %dma_wait3A_205 = tpu.memref_slice %arg8[%dma_wait3A_203, %dma_wait3A_204] : memref<16x128xf32, #tpu.memory_space<hbm>> -> memref<16x128xf32, #tpu.memory_space<hbm>>
      tpu.wait_indirect_dma semaphore(%arg22 : memref<!tpu.dma_semaphore, #tpu.memory_space<semaphore_mem>>) src(%dma_wait3A_205 : memref<16x128xf32, #tpu.memory_space<hbm>>) dst(%arg18 : memref<80x128xf32, #tpu.memory_space<vmem>>)
      %scan3A_206 = arith.constant 0 : i32
      %scan3A_207 = arith.constant 0 : i32
      %scan3A_208 = arith.constant 80 : i32
      %scan3A_209 = arith.addi %scan3A_207, %scan3A_208 : i32
      %scan3A_210 = arith.constant 1 : i32
      scf.for %scan3A_212 = %scan3A_207 to %scan3A_209 step %scan3A_210  : i32 {
        %get3A_213 = arith.index_cast %scan3A_212 : i32 to index
        %get3A_214 = arith.constant 0 : index
        %get3A_215 = tpu.vector_load %arg20[%get3A_213, %get3A_214] {strides = array<i32>} : memref<80x16xf32, #tpu.memory_space<vmem>>, vector<1x16xf32>,
        %get3A_216 = vector.shape_cast %get3A_215 : vector<1x16xf32> to vector<16xf32>
        %get3A_217 = arith.index_cast %scan3A_212 : i32 to index
        %get3A_218 = arith.constant 0 : index
        %get3A_219 = tpu.vector_load %arg19[%get3A_217, %get3A_218] {strides = array<i32>} : memref<80x128xf32, #tpu.memory_space<vmem>>, vector<1x16xf32>,
        %get3A_220 = vector.shape_cast %get3A_219 : vector<1x16xf32> to vector<16xf32>
        %mul3A_221 = arith.mulf %get3A_220, %get3A_216 : vector<16xf32>
        %swap3A_222 = arith.index_cast %scan3A_212 : i32 to index
        %swap3A_223 = arith.constant 0 : index
        %swap3A_224 = tpu.vector_load %arg17[%swap3A_222, %swap3A_223] {strides = array<i32>} : memref<80x128xf32, #tpu.memory_space<vmem>>, vector<1x16xf32>,
        %swap3A_225 = vector.shape_cast %swap3A_224 : vector<1x16xf32> to vector<16xf32>
        %swap3A_226 = vector.shape_cast %mul3A_221 : vector<16xf32> to vector<1x16xf32>
        tpu.vector_store %arg17[%swap3A_222, %swap3A_223], %swap3A_226 {strides = array<i32>} : memref<80x128xf32, #tpu.memory_space<vmem>>, vector<1x16xf32>,
        %get3A_227 = arith.index_cast %scan3A_212 : i32 to index
        %get3A_228 = arith.constant 0 : index
        %get3A_229 = tpu.vector_load %arg18[%get3A_227, %get3A_228] {strides = array<i32>} : memref<80x128xf32, #tpu.memory_space<vmem>>, vector<1x16xf32>,
        %get3A_230 = vector.shape_cast %get3A_229 : vector<1x16xf32> to vector<16xf32>
        %mul3A_231 = arith.mulf %get3A_230, %get3A_216 : vector<16xf32>
        %swap3A_232 = arith.index_cast %scan3A_212 : i32 to index
        %swap3A_233 = arith.constant 0 : index
        %swap3A_234 = tpu.vector_load %arg18[%swap3A_232, %swap3A_233] {strides = array<i32>} : memref<80x128xf32, #tpu.memory_space<vmem>>, vector<1x16xf32>,
        %swap3A_235 = vector.shape_cast %swap3A_234 : vector<1x16xf32> to vector<16xf32>
        %swap3A_236 = vector.shape_cast %mul3A_231 : vector<16xf32> to vector<1x16xf32>
        tpu.vector_store %arg18[%swap3A_232, %swap3A_233], %swap3A_236 {strides = array<i32>} : memref<80x128xf32, #tpu.memory_space<vmem>>, vector<1x16xf32>,
        %get3A_237 = arith.index_cast %scan3A_212 : i32 to index
        %get3A_238 = arith.constant 16 : index
        %get3A_239 = tpu.vector_load %arg19[%get3A_237, %get3A_238] {strides = array<i32>} : memref<80x128xf32, #tpu.memory_space<vmem>>, vector<1x16xf32>,
        %get3A_240 = vector.shape_cast %get3A_239 : vector<1x16xf32> to vector<16xf32>
        %mul3A_241 = arith.mulf %get3A_240, %get3A_216 : vector<16xf32>
        %swap3A_242 = arith.index_cast %scan3A_212 : i32 to index
        %swap3A_243 = arith.constant 16 : index
        %swap3A_244 = tpu.vector_load %arg17[%swap3A_242, %swap3A_243] {strides = array<i32>} : memref<80x128xf32, #tpu.memory_space<vmem>>, vector<1x16xf32>,
        %swap3A_245 = vector.shape_cast %swap3A_244 : vector<1x16xf32> to vector<16xf32>
        %swap3A_246 = vector.shape_cast %mul3A_241 : vector<16xf32> to vector<1x16xf32>
        tpu.vector_store %arg17[%swap3A_242, %swap3A_243], %swap3A_246 {strides = array<i32>} : memref<80x128xf32, #tpu.memory_space<vmem>>, vector<1x16xf32>,
        %get3A_247 = arith.index_cast %scan3A_212 : i32 to index
        %get3A_248 = arith.constant 16 : index
        %get3A_249 = tpu.vector_load %arg18[%get3A_247, %get3A_248] {strides = array<i32>} : memref<80x128xf32, #tpu.memory_space<vmem>>, vector<1x16xf32>,
        %get3A_250 = vector.shape_cast %get3A_249 : vector<1x16xf32> to vector<16xf32>
        %mul3A_251 = arith.mulf %get3A_250, %get3A_216 : vector<16xf32>
        %swap3A_252 = arith.index_cast %scan3A_212 : i32 to index
        %swap3A_253 = arith.constant 16 : index
        %swap3A_254 = tpu.vector_load %arg18[%swap3A_252, %swap3A_253] {strides = array<i32>} : memref<80x128xf32, #tpu.memory_space<vmem>>, vector<1x16xf32>,
        %swap3A_255 = vector.shape_cast %swap3A_254 : vector<1x16xf32> to vector<16xf32>
        %swap3A_256 = vector.shape_cast %mul3A_251 : vector<16xf32> to vector<1x16xf32>
        tpu.vector_store %arg18[%swap3A_252, %swap3A_253], %swap3A_256 {strides = array<i32>} : memref<80x128xf32, #tpu.memory_space<vmem>>, vector<1x16xf32>,
        %get3A_257 = arith.index_cast %scan3A_212 : i32 to index
        %get3A_258 = arith.constant 32 : index
        %get3A_259 = tpu.vector_load %arg19[%get3A_257, %get3A_258] {strides = array<i32>} : memref<80x128xf32, #tpu.memory_space<vmem>>, vector<1x16xf32>,
        %get3A_260 = vector.shape_cast %get3A_259 : vector<1x16xf32> to vector<16xf32>
        %mul3A_261 = arith.mulf %get3A_260, %get3A_216 : vector<16xf32>
        %swap3A_262 = arith.index_cast %scan3A_212 : i32 to index
        %swap3A_263 = arith.constant 32 : index
        %swap3A_264 = tpu.vector_load %arg17[%swap3A_262, %swap3A_263] {strides = array<i32>} : memref<80x128xf32, #tpu.memory_space<vmem>>, vector<1x16xf32>,
        %swap3A_265 = vector.shape_cast %swap3A_264 : vector<1x16xf32> to vector<16xf32>
        %swap3A_266 = vector.shape_cast %mul3A_261 : vector<16xf32> to vector<1x16xf32>
        tpu.vector_store %arg17[%swap3A_262, %swap3A_263], %swap3A_266 {strides = array<i32>} : memref<80x128xf32, #tpu.memory_space<vmem>>, vector<1x16xf32>,
        %get3A_267 = arith.index_cast %scan3A_212 : i32 to index
        %get3A_268 = arith.constant 32 : index
        %get3A_269 = tpu.vector_load %arg18[%get3A_267, %get3A_268] {strides = array<i32>} : memref<80x128xf32, #tpu.memory_space<vmem>>, vector<1x16xf32>,
        %get3A_270 = vector.shape_cast %get3A_269 : vector<1x16xf32> to vector<16xf32>
        %mul3A_271 = arith.mulf %get3A_270, %get3A_216 : vector<16xf32>
        %swap3A_272 = arith.index_cast %scan3A_212 : i32 to index
        %swap3A_273 = arith.constant 32 : index
        %swap3A_274 = tpu.vector_load %arg18[%swap3A_272, %swap3A_273] {strides = array<i32>} : memref<80x128xf32, #tpu.memory_space<vmem>>, vector<1x16xf32>,
        %swap3A_275 = vector.shape_cast %swap3A_274 : vector<1x16xf32> to vector<16xf32>
        %swap3A_276 = vector.shape_cast %mul3A_271 : vector<16xf32> to vector<1x16xf32>
        tpu.vector_store %arg18[%swap3A_272, %swap3A_273], %swap3A_276 {strides = array<i32>} : memref<80x128xf32, #tpu.memory_space<vmem>>, vector<1x16xf32>,
        %get3A_277 = arith.index_cast %scan3A_212 : i32 to index
        %get3A_278 = arith.constant 48 : index
        %get3A_279 = tpu.vector_load %arg19[%get3A_277, %get3A_278] {strides = array<i32>} : memref<80x128xf32, #tpu.memory_space<vmem>>, vector<1x16xf32>,
        %get3A_280 = vector.shape_cast %get3A_279 : vector<1x16xf32> to vector<16xf32>
        %mul3A_281 = arith.mulf %get3A_280, %get3A_216 : vector<16xf32>
        %swap3A_282 = arith.index_cast %scan3A_212 : i32 to index
        %swap3A_283 = arith.constant 48 : index
        %swap3A_284 = tpu.vector_load %arg17[%swap3A_282, %swap3A_283] {strides = array<i32>} : memref<80x128xf32, #tpu.memory_space<vmem>>, vector<1x16xf32>,
        %swap3A_285 = vector.shape_cast %swap3A_284 : vector<1x16xf32> to vector<16xf32>
        %swap3A_286 = vector.shape_cast %mul3A_281 : vector<16xf32> to vector<1x16xf32>
        tpu.vector_store %arg17[%swap3A_282, %swap3A_283], %swap3A_286 {strides = array<i32>} : memref<80x128xf32, #tpu.memory_space<vmem>>, vector<1x16xf32>,
        %get3A_287 = arith.index_cast %scan3A_212 : i32 to index
        %get3A_288 = arith.constant 48 : index
        %get3A_289 = tpu.vector_load %arg18[%get3A_287, %get3A_288] {strides = array<i32>} : memref<80x128xf32, #tpu.memory_space<vmem>>, vector<1x16xf32>,
        %get3A_290 = vector.shape_cast %get3A_289 : vector<1x16xf32> to vector<16xf32>
        %mul3A_291 = arith.mulf %get3A_290, %get3A_216 : vector<16xf32>
        %swap3A_292 = arith.index_cast %scan3A_212 : i32 to index
        %swap3A_293 = arith.constant 48 : index
        %swap3A_294 = tpu.vector_load %arg18[%swap3A_292, %swap3A_293] {strides = array<i32>} : memref<80x128xf32, #tpu.memory_space<vmem>>, vector<1x16xf32>,
        %swap3A_295 = vector.shape_cast %swap3A_294 : vector<1x16xf32> to vector<16xf32>
        %swap3A_296 = vector.shape_cast %mul3A_291 : vector<16xf32> to vector<1x16xf32>
        tpu.vector_store %arg18[%swap3A_292, %swap3A_293], %swap3A_296 {strides = array<i32>} : memref<80x128xf32, #tpu.memory_space<vmem>>, vector<1x16xf32>,
        %get3A_297 = arith.index_cast %scan3A_212 : i32 to index
        %get3A_298 = arith.constant 64 : index
        %get3A_299 = tpu.vector_load %arg19[%get3A_297, %get3A_298] {strides = array<i32>} : memref<80x128xf32, #tpu.memory_space<vmem>>, vector<1x16xf32>,
        %get3A_300 = vector.shape_cast %get3A_299 : vector<1x16xf32> to vector<16xf32>
        %mul3A_301 = arith.mulf %get3A_300, %get3A_216 : vector<16xf32>
        %swap3A_302 = arith.index_cast %scan3A_212 : i32 to index
        %swap3A_303 = arith.constant 64 : index
        %swap3A_304 = tpu.vector_load %arg17[%swap3A_302, %swap3A_303] {strides = array<i32>} : memref<80x128xf32, #tpu.memory_space<vmem>>, vector<1x16xf32>,
        %swap3A_305 = vector.shape_cast %swap3A_304 : vector<1x16xf32> to vector<16xf32>
        %swap3A_306 = vector.shape_cast %mul3A_301 : vector<16xf32> to vector<1x16xf32>
        tpu.vector_store %arg17[%swap3A_302, %swap3A_303], %swap3A_306 {strides = array<i32>} : memref<80x128xf32, #tpu.memory_space<vmem>>, vector<1x16xf32>,
        %get3A_307 = arith.index_cast %scan3A_212 : i32 to index
        %get3A_308 = arith.constant 64 : index
        %get3A_309 = tpu.vector_load %arg18[%get3A_307, %get3A_308] {strides = array<i32>} : memref<80x128xf32, #tpu.memory_space<vmem>>, vector<1x16xf32>,
        %get3A_310 = vector.shape_cast %get3A_309 : vector<1x16xf32> to vector<16xf32>
        %mul3A_311 = arith.mulf %get3A_310, %get3A_216 : vector<16xf32>
        %swap3A_312 = arith.index_cast %scan3A_212 : i32 to index
        %swap3A_313 = arith.constant 64 : index
        %swap3A_314 = tpu.vector_load %arg18[%swap3A_312, %swap3A_313] {strides = array<i32>} : memref<80x128xf32, #tpu.memory_space<vmem>>, vector<1x16xf32>,
        %swap3A_315 = vector.shape_cast %swap3A_314 : vector<1x16xf32> to vector<16xf32>
        %swap3A_316 = vector.shape_cast %mul3A_311 : vector<16xf32> to vector<1x16xf32>
        tpu.vector_store %arg18[%swap3A_312, %swap3A_313], %swap3A_316 {strides = array<i32>} : memref<80x128xf32, #tpu.memory_space<vmem>>, vector<1x16xf32>,
        %get3A_317 = arith.index_cast %scan3A_212 : i32 to index
        %get3A_318 = arith.constant 80 : index
        %get3A_319 = tpu.vector_load %arg19[%get3A_317, %get3A_318] {strides = array<i32>} : memref<80x128xf32, #tpu.memory_space<vmem>>, vector<1x16xf32>,
        %get3A_320 = vector.shape_cast %get3A_319 : vector<1x16xf32> to vector<16xf32>
        %mul3A_321 = arith.mulf %get3A_320, %get3A_216 : vector<16xf32>
        %swap3A_322 = arith.index_cast %scan3A_212 : i32 to index
        %swap3A_323 = arith.constant 80 : index
        %swap3A_324 = tpu.vector_load %arg17[%swap3A_322, %swap3A_323] {strides = array<i32>} : memref<80x128xf32, #tpu.memory_space<vmem>>, vector<1x16xf32>,
        %swap3A_325 = vector.shape_cast %swap3A_324 : vector<1x16xf32> to vector<16xf32>
        %swap3A_326 = vector.shape_cast %mul3A_321 : vector<16xf32> to vector<1x16xf32>
        tpu.vector_store %arg17[%swap3A_322, %swap3A_323], %swap3A_326 {strides = array<i32>} : memref<80x128xf32, #tpu.memory_space<vmem>>, vector<1x16xf32>,
        %get3A_327 = arith.index_cast %scan3A_212 : i32 to index
        %get3A_328 = arith.constant 80 : index
        %get3A_329 = tpu.vector_load %arg18[%get3A_327, %get3A_328] {strides = array<i32>} : memref<80x128xf32, #tpu.memory_space<vmem>>, vector<1x16xf32>,
        %get3A_330 = vector.shape_cast %get3A_329 : vector<1x16xf32> to vector<16xf32>
        %mul3A_331 = arith.mulf %get3A_330, %get3A_216 : vector<16xf32>
        %swap3A_332 = arith.index_cast %scan3A_212 : i32 to index
        %swap3A_333 = arith.constant 80 : index
        %swap3A_334 = tpu.vector_load %arg18[%swap3A_332, %swap3A_333] {strides = array<i32>} : memref<80x128xf32, #tpu.memory_space<vmem>>, vector<1x16xf32>,
        %swap3A_335 = vector.shape_cast %swap3A_334 : vector<1x16xf32> to vector<16xf32>
        %swap3A_336 = vector.shape_cast %mul3A_331 : vector<16xf32> to vector<1x16xf32>
        tpu.vector_store %arg18[%swap3A_332, %swap3A_333], %swap3A_336 {strides = array<i32>} : memref<80x128xf32, #tpu.memory_space<vmem>>, vector<1x16xf32>,
        %get3A_337 = arith.index_cast %scan3A_212 : i32 to index
        %get3A_338 = arith.constant 96 : index
        %get3A_339 = tpu.vector_load %arg19[%get3A_337, %get3A_338] {strides = array<i32>} : memref<80x128xf32, #tpu.memory_space<vmem>>, vector<1x16xf32>,
        %get3A_340 = vector.shape_cast %get3A_339 : vector<1x16xf32> to vector<16xf32>
        %mul3A_341 = arith.mulf %get3A_340, %get3A_216 : vector<16xf32>
        %swap3A_342 = arith.index_cast %scan3A_212 : i32 to index
        %swap3A_343 = arith.constant 96 : index
        %swap3A_344 = tpu.vector_load %arg17[%swap3A_342, %swap3A_343] {strides = array<i32>} : memref<80x128xf32, #tpu.memory_space<vmem>>, vector<1x16xf32>,
        %swap3A_345 = vector.shape_cast %swap3A_344 : vector<1x16xf32> to vector<16xf32>
        %swap3A_346 = vector.shape_cast %mul3A_341 : vector<16xf32> to vector<1x16xf32>
        tpu.vector_store %arg17[%swap3A_342, %swap3A_343], %swap3A_346 {strides = array<i32>} : memref<80x128xf32, #tpu.memory_space<vmem>>, vector<1x16xf32>,
        %get3A_347 = arith.index_cast %scan3A_212 : i32 to index
        %get3A_348 = arith.constant 96 : index
        %get3A_349 = tpu.vector_load %arg18[%get3A_347, %get3A_348] {strides = array<i32>} : memref<80x128xf32, #tpu.memory_space<vmem>>, vector<1x16xf32>,
        %get3A_350 = vector.shape_cast %get3A_349 : vector<1x16xf32> to vector<16xf32>
        %mul3A_351 = arith.mulf %get3A_350, %get3A_216 : vector<16xf32>
        %swap3A_352 = arith.index_cast %scan3A_212 : i32 to index
        %swap3A_353 = arith.constant 96 : index
        %swap3A_354 = tpu.vector_load %arg18[%swap3A_352, %swap3A_353] {strides = array<i32>} : memref<80x128xf32, #tpu.memory_space<vmem>>, vector<1x16xf32>,
        %swap3A_355 = vector.shape_cast %swap3A_354 : vector<1x16xf32> to vector<16xf32>
        %swap3A_356 = vector.shape_cast %mul3A_351 : vector<16xf32> to vector<1x16xf32>
        tpu.vector_store %arg18[%swap3A_352, %swap3A_353], %swap3A_356 {strides = array<i32>} : memref<80x128xf32, #tpu.memory_space<vmem>>, vector<1x16xf32>,
        %get3A_357 = arith.index_cast %scan3A_212 : i32 to index
        %get3A_358 = arith.constant 112 : index
        %get3A_359 = tpu.vector_load %arg19[%get3A_357, %get3A_358] {strides = array<i32>} : memref<80x128xf32, #tpu.memory_space<vmem>>, vector<1x16xf32>,
        %get3A_360 = vector.shape_cast %get3A_359 : vector<1x16xf32> to vector<16xf32>
        %mul3A_361 = arith.mulf %get3A_360, %get3A_216 : vector<16xf32>
        %swap3A_362 = arith.index_cast %scan3A_212 : i32 to index
        %swap3A_363 = arith.constant 112 : index
        %swap3A_364 = tpu.vector_load %arg17[%swap3A_362, %swap3A_363] {strides = array<i32>} : memref<80x128xf32, #tpu.memory_space<vmem>>, vector<1x16xf32>,
        %swap3A_365 = vector.shape_cast %swap3A_364 : vector<1x16xf32> to vector<16xf32>
        %swap3A_366 = vector.shape_cast %mul3A_361 : vector<16xf32> to vector<1x16xf32>
        tpu.vector_store %arg17[%swap3A_362, %swap3A_363], %swap3A_366 {strides = array<i32>} : memref<80x128xf32, #tpu.memory_space<vmem>>, vector<1x16xf32>,
        %get3A_367 = arith.index_cast %scan3A_212 : i32 to index
        %get3A_368 = arith.constant 112 : index
        %get3A_369 = tpu.vector_load %arg18[%get3A_367, %get3A_368] {strides = array<i32>} : memref<80x128xf32, #tpu.memory_space<vmem>>, vector<1x16xf32>,
        %get3A_370 = vector.shape_cast %get3A_369 : vector<1x16xf32> to vector<16xf32>
        %mul3A_371 = arith.mulf %get3A_370, %get3A_216 : vector<16xf32>
        %swap3A_372 = arith.index_cast %scan3A_212 : i32 to index
        %swap3A_373 = arith.constant 112 : index
        %swap3A_374 = tpu.vector_load %arg18[%swap3A_372, %swap3A_373] {strides = array<i32>} : memref<80x128xf32, #tpu.memory_space<vmem>>, vector<1x16xf32>,
        %swap3A_375 = vector.shape_cast %swap3A_374 : vector<1x16xf32> to vector<16xf32>
        %swap3A_376 = vector.shape_cast %mul3A_371 : vector<16xf32> to vector<1x16xf32>
        tpu.vector_store %arg18[%swap3A_372, %swap3A_373], %swap3A_376 {strides = array<i32>} : memref<80x128xf32, #tpu.memory_space<vmem>>, vector<1x16xf32>,
      }
      %scan3A_211 = arith.constant 80 : i32
      "tpu.region"() ({
        %run_scoped3A = tpu.sem_alloc : memref<!tpu.dma_semaphore, #tpu.memory_space<semaphore_mem>>
        %dma_start3A_212 = arith.constant 0 : i32
        %dma_start3A_213 = arith.constant 0 : i32
        %dma_start3A_214 = tpu.memref_slice %arg21[%dma_start3A_212, %dma_start3A_213] : memref<10627x128xf32, #tpu.memory_space<vmem_shared>> -> memref<10627x128xf32, #tpu.memory_space<vmem_shared>>
        tpu.enqueue_indirect_dma source(%arg17 : memref<80x128xf32, #tpu.memory_space<vmem>>) target(%dma_start3A_214 : memref<10627x128xf32, #tpu.memory_space<vmem_shared>>) offsets(%arg14 : memref<80xi32, #tpu.memory_space<vmem>>) semaphore(%run_scoped3A : memref<!tpu.dma_semaphore, #tpu.memory_space<semaphore_mem>>) {add = true}
        %dma_wait3A_215 = arith.constant 0 : i32
        %dma_wait3A_216 = arith.constant 0 : i32
        %dma_wait3A_217 = tpu.memref_slice %arg21[%dma_wait3A_215, %dma_wait3A_216] : memref<10627x128xf32, #tpu.memory_space<vmem_shared>> -> memref<10627x128xf32, #tpu.memory_space<vmem_shared>>
        tpu.wait_indirect_dma semaphore(%run_scoped3A : memref<!tpu.dma_semaphore, #tpu.memory_space<semaphore_mem>>) src(%arg17 : memref<80x128xf32, #tpu.memory_space<vmem>>) dst(%dma_wait3A_217 : memref<10627x128xf32, #tpu.memory_space<vmem_shared>>)
        tpu.yield
      }) : () -> ()
      "tpu.region"() ({
        %run_scoped3A = tpu.sem_alloc : memref<!tpu.dma_semaphore, #tpu.memory_space<semaphore_mem>>
        %dma_start3A_212 = arith.constant 0 : i32
        %dma_start3A_213 = arith.constant 0 : i32
        %dma_start3A_214 = tpu.memref_slice %arg21[%dma_start3A_212, %dma_start3A_213] : memref<10627x128xf32, #tpu.memory_space<vmem_shared>> -> memref<10627x128xf32, #tpu.memory_space<vmem_shared>>
        tpu.enqueue_indirect_dma source(%arg18 : memref<80x128xf32, #tpu.memory_space<vmem>>) target(%dma_start3A_214 : memref<10627x128xf32, #tpu.memory_space<vmem_shared>>) offsets(%arg15 : memref<80xi32, #tpu.memory_space<vmem>>) semaphore(%run_scoped3A : memref<!tpu.dma_semaphore, #tpu.memory_space<semaphore_mem>>) {add = true}
        %dma_wait3A_215 = arith.constant 0 : i32
        %dma_wait3A_216 = arith.constant 0 : i32
        %dma_wait3A_217 = tpu.memref_slice %arg21[%dma_wait3A_215, %dma_wait3A_216] : memref<10627x128xf32, #tpu.memory_space<vmem_shared>> -> memref<10627x128xf32, #tpu.memory_space<vmem_shared>>
        tpu.wait_indirect_dma semaphore(%run_scoped3A : memref<!tpu.dma_semaphore, #tpu.memory_space<semaphore_mem>>) src(%arg18 : memref<80x128xf32, #tpu.memory_space<vmem>>) dst(%dma_wait3A_217 : memref<10627x128xf32, #tpu.memory_space<vmem_shared>>)
        tpu.yield
      }) : () -> ()
    }
    %scan3A_7 = arith.constant 125 : i32
    %barrier3A_8 = arith.constant 0 : index
    tpu.barrier barrier_id(%barrier3A_8)
    %eq3A_9 = arith.constant 0 : i32
    %eq3A_10 = arith.cmpi eq, %arg1, %eq3A_9 : i32
    %convert_element_type3A_11 = arith.extui %eq3A_10 : i1 to i32
    %cond3A_12 = arith.constant 0 : i32
    %cond3A_13 = arith.cmpi ne, %convert_element_type3A_11, %cond3A_12 : i32
    scf.if %cond3A_13 {
      "tpu.region"() ({
        %run_scoped3A = tpu.sem_alloc : memref<!tpu.dma_semaphore, #tpu.memory_space<semaphore_mem>>
        %dma_start3A = arith.constant 0 : i32
        %dma_start3A_14 = arith.constant 0 : i32
        %dma_start3A_15 = tpu.memref_slice %arg10[%arg0, %dma_start3A, %dma_start3A_14] : memref<2x10627x128xf32, #tpu.memory_space<hbm>> -> memref<1x10627x128xf32, #tpu.memory_space<hbm>>
        %dma_start3A_16 = tpu.memref_squeeze %dma_start3A_15 : memref<1x10627x128xf32, #tpu.memory_space<hbm>> -> memref<10627x128xf32, #tpu.memory_space<hbm>>
        tpu.enqueue_dma source(%arg21 : memref<10627x128xf32, #tpu.memory_space<vmem_shared>>) target(%dma_start3A_16 : memref<10627x128xf32, #tpu.memory_space<hbm>>) target_semaphore(%run_scoped3A : memref<!tpu.dma_semaphore, #tpu.memory_space<semaphore_mem>>)
        %dma_wait3A = arith.constant 0 : i32
        %dma_wait3A_17 = arith.constant 0 : i32
        %dma_wait3A_18 = tpu.memref_slice %arg10[%arg0, %dma_wait3A, %dma_wait3A_17] : memref<2x10627x128xf32, #tpu.memory_space<hbm>> -> memref<1x10627x128xf32, #tpu.memory_space<hbm>>
        %dma_wait3A_19 = tpu.memref_squeeze %dma_wait3A_18 : memref<1x10627x128xf32, #tpu.memory_space<hbm>> -> memref<10627x128xf32, #tpu.memory_space<hbm>>
        tpu.wait_dma2 semaphore(%run_scoped3A : memref<!tpu.dma_semaphore, #tpu.memory_space<semaphore_mem>>) src(%arg21 : memref<10627x128xf32, #tpu.memory_space<vmem_shared>>) dst(%dma_wait3A_19 : memref<10627x128xf32, #tpu.memory_space<hbm>>)
        tpu.yield
      }) : () -> ()
    } else {
    }
    return
  }
}

module attributes {stable_mosaic.version = 14 : i64} {
  func.func @_prep_body(%arg0: i32, %arg1: memref<1000x128xf32, #tpu.memory_space<vmem>>, %arg2: memref<4x128x128xf32, #tpu.memory_space<vmem>>, %arg3: memref<4x128x128xf32, #tpu.memory_space<vmem>>, %arg4: memref<4x128x128xf32, #tpu.memory_space<vmem>>, %arg5: memref<4x1000x128xf32, #tpu.memory_space<vmem>>, %arg6: memref<4x1000x128xf32, #tpu.memory_space<vmem>>, %arg7: memref<4x1000x128xf32, #tpu.memory_space<vmem>>) attributes {dimension_semantics = [#tpu.dimension_semantics<arbitrary>], iteration_bounds = array<i64: 10>, scalar_prefetch = 0 : i64, scratch_operands = 0 : i64, tpu.core_type = #tpu.core_type<tc>, window_params = [{transform_indices = @transform_0, window_bounds = array<i64: 1000, 128>}, {pipeline_mode = #tpu.pipeline_mode<synchronous>, transform_indices = @transform_1, window_bounds = array<i64: 4, 128, 128>}, {pipeline_mode = #tpu.pipeline_mode<synchronous>, transform_indices = @transform_2, window_bounds = array<i64: 4, 128, 128>}, {pipeline_mode = #tpu.pipeline_mode<synchronous>, transform_indices = @transform_3, window_bounds = array<i64: 4, 128, 128>}, {transform_indices = @transform_4, window_bounds = array<i64: 4, 1000, 128>}, {transform_indices = @transform_5, window_bounds = array<i64: 4, 1000, 128>}, {transform_indices = @transform_6, window_bounds = array<i64: 4, 1000, 128>}]} {
    %get3A = arith.constant 0 : index
    %get3A_0 = arith.constant 0 : index
    %get3A_1 = vector.load %arg1[%get3A, %get3A_0] : memref<1000x128xf32, #tpu.memory_space<vmem>>, vector<1000x128xf32>
    %get3A_2 = arith.constant 0 : index
    %get3A_3 = arith.constant 0 : index
    %get3A_4 = arith.constant 0 : index
    %get3A_5 = vector.load %arg2[%get3A_2, %get3A_3, %get3A_4] : memref<4x128x128xf32, #tpu.memory_space<vmem>>, vector<1x128x128xf32>
    %get3A_6 = vector.shape_cast %get3A_5 : vector<1x128x128xf32> to vector<128x128xf32>
    %dot_general3A = arith.constant dense<0.000000e+00> : vector<1000x128xf32>
    %dot_general3A_7 = tpu.matmul %get3A_1, %get3A_6, %dot_general3A {dimension_numbers = #tpu.dot_dimension_numbers<[1], [0], [0], [1], [0, 0, 1, 1], [], []>, transpose_lhs_hint = false} : vector<1000x128xf32>, vector<128x128xf32>, vector<1000x128xf32> -> vector<1000x128xf32>
    %swap3A = arith.constant 0 : index
    %swap3A_8 = arith.constant 0 : index
    %swap3A_9 = arith.constant 0 : index
    %swap3A_10 = vector.load %arg5[%swap3A, %swap3A_8, %swap3A_9] : memref<4x1000x128xf32, #tpu.memory_space<vmem>>, vector<1x1000x128xf32>
    %swap3A_11 = vector.shape_cast %swap3A_10 : vector<1x1000x128xf32> to vector<1000x128xf32>
    %swap3A_12 = vector.shape_cast %dot_general3A_7 : vector<1000x128xf32> to vector<1x1000x128xf32>
    tpu.vector_store %arg5[%swap3A, %swap3A_8, %swap3A_9], %swap3A_12 {strides = array<i32>} : memref<4x1000x128xf32, #tpu.memory_space<vmem>>, vector<1x1000x128xf32>,
    %get3A_13 = arith.constant 0 : index
    %get3A_14 = arith.constant 0 : index
    %get3A_15 = arith.constant 0 : index
    %get3A_16 = vector.load %arg3[%get3A_13, %get3A_14, %get3A_15] : memref<4x128x128xf32, #tpu.memory_space<vmem>>, vector<1x128x128xf32>
    %get3A_17 = vector.shape_cast %get3A_16 : vector<1x128x128xf32> to vector<128x128xf32>
    %dot_general3A_18 = arith.constant dense<0.000000e+00> : vector<1000x128xf32>
    %dot_general3A_19 = tpu.matmul %dot_general3A_7, %get3A_17, %dot_general3A_18 {dimension_numbers = #tpu.dot_dimension_numbers<[1], [0], [0], [1], [0, 0, 1, 1], [], []>, transpose_lhs_hint = false} : vector<1000x128xf32>, vector<128x128xf32>, vector<1000x128xf32> -> vector<1000x128xf32>
    %swap3A_20 = arith.constant 0 : index
    %swap3A_21 = arith.constant 0 : index
    %swap3A_22 = arith.constant 0 : index
    %swap3A_23 = vector.load %arg6[%swap3A_20, %swap3A_21, %swap3A_22] : memref<4x1000x128xf32, #tpu.memory_space<vmem>>, vector<1x1000x128xf32>
    %swap3A_24 = vector.shape_cast %swap3A_23 : vector<1x1000x128xf32> to vector<1000x128xf32>
    %swap3A_25 = vector.shape_cast %dot_general3A_19 : vector<1000x128xf32> to vector<1x1000x128xf32>
    tpu.vector_store %arg6[%swap3A_20, %swap3A_21, %swap3A_22], %swap3A_25 {strides = array<i32>} : memref<4x1000x128xf32, #tpu.memory_space<vmem>>, vector<1x1000x128xf32>,
    %get3A_26 = arith.constant 0 : index
    %get3A_27 = arith.constant 0 : index
    %get3A_28 = arith.constant 0 : index
    %get3A_29 = vector.load %arg4[%get3A_26, %get3A_27, %get3A_28] : memref<4x128x128xf32, #tpu.memory_space<vmem>>, vector<1x128x128xf32>
    %get3A_30 = vector.shape_cast %get3A_29 : vector<1x128x128xf32> to vector<128x128xf32>
    %dot_general3A_31 = arith.constant dense<0.000000e+00> : vector<1000x128xf32>
    %dot_general3A_32 = tpu.matmul %dot_general3A_7, %get3A_30, %dot_general3A_31 {dimension_numbers = #tpu.dot_dimension_numbers<[1], [0], [0], [1], [0, 0, 1, 1], [], []>, transpose_lhs_hint = false} : vector<1000x128xf32>, vector<128x128xf32>, vector<1000x128xf32> -> vector<1000x128xf32>
    %swap3A_33 = arith.constant 0 : index
    %swap3A_34 = arith.constant 0 : index
    %swap3A_35 = arith.constant 0 : index
    %swap3A_36 = vector.load %arg7[%swap3A_33, %swap3A_34, %swap3A_35] : memref<4x1000x128xf32, #tpu.memory_space<vmem>>, vector<1x1000x128xf32>
    %swap3A_37 = vector.shape_cast %swap3A_36 : vector<1x1000x128xf32> to vector<1000x128xf32>
    %swap3A_38 = vector.shape_cast %dot_general3A_32 : vector<1000x128xf32> to vector<1x1000x128xf32>
    tpu.vector_store %arg7[%swap3A_33, %swap3A_34, %swap3A_35], %swap3A_38 {strides = array<i32>} : memref<4x1000x128xf32, #tpu.memory_space<vmem>>, vector<1x1000x128xf32>,
    %get3A_39 = arith.constant 1 : index
    %get3A_40 = arith.constant 0 : index
    %get3A_41 = arith.constant 0 : index
    %get3A_42 = vector.load %arg2[%get3A_39, %get3A_40, %get3A_41] : memref<4x128x128xf32, #tpu.memory_space<vmem>>, vector<1x128x128xf32>
    %get3A_43 = vector.shape_cast %get3A_42 : vector<1x128x128xf32> to vector<128x128xf32>
    %dot_general3A_44 = arith.constant dense<0.000000e+00> : vector<1000x128xf32>
    %dot_general3A_45 = tpu.matmul %get3A_1, %get3A_43, %dot_general3A_44 {dimension_numbers = #tpu.dot_dimension_numbers<[1], [0], [0], [1], [0, 0, 1, 1], [], []>, transpose_lhs_hint = false} : vector<1000x128xf32>, vector<128x128xf32>, vector<1000x128xf32> -> vector<1000x128xf32>
    %swap3A_46 = arith.constant 1 : index
    %swap3A_47 = arith.constant 0 : index
    %swap3A_48 = arith.constant 0 : index
    %swap3A_49 = vector.load %arg5[%swap3A_46, %swap3A_47, %swap3A_48] : memref<4x1000x128xf32, #tpu.memory_space<vmem>>, vector<1x1000x128xf32>
    %swap3A_50 = vector.shape_cast %swap3A_49 : vector<1x1000x128xf32> to vector<1000x128xf32>
    %swap3A_51 = vector.shape_cast %dot_general3A_45 : vector<1000x128xf32> to vector<1x1000x128xf32>
    tpu.vector_store %arg5[%swap3A_46, %swap3A_47, %swap3A_48], %swap3A_51 {strides = array<i32>} : memref<4x1000x128xf32, #tpu.memory_space<vmem>>, vector<1x1000x128xf32>,
    %get3A_52 = arith.constant 1 : index
    %get3A_53 = arith.constant 0 : index
    %get3A_54 = arith.constant 0 : index
    %get3A_55 = vector.load %arg3[%get3A_52, %get3A_53, %get3A_54] : memref<4x128x128xf32, #tpu.memory_space<vmem>>, vector<1x128x128xf32>
    %get3A_56 = vector.shape_cast %get3A_55 : vector<1x128x128xf32> to vector<128x128xf32>
    %dot_general3A_57 = arith.constant dense<0.000000e+00> : vector<1000x128xf32>
    %dot_general3A_58 = tpu.matmul %dot_general3A_45, %get3A_56, %dot_general3A_57 {dimension_numbers = #tpu.dot_dimension_numbers<[1], [0], [0], [1], [0, 0, 1, 1], [], []>, transpose_lhs_hint = false} : vector<1000x128xf32>, vector<128x128xf32>, vector<1000x128xf32> -> vector<1000x128xf32>
    %swap3A_59 = arith.constant 1 : index
    %swap3A_60 = arith.constant 0 : index
    %swap3A_61 = arith.constant 0 : index
    %swap3A_62 = vector.load %arg6[%swap3A_59, %swap3A_60, %swap3A_61] : memref<4x1000x128xf32, #tpu.memory_space<vmem>>, vector<1x1000x128xf32>
    %swap3A_63 = vector.shape_cast %swap3A_62 : vector<1x1000x128xf32> to vector<1000x128xf32>
    %swap3A_64 = vector.shape_cast %dot_general3A_58 : vector<1000x128xf32> to vector<1x1000x128xf32>
    tpu.vector_store %arg6[%swap3A_59, %swap3A_60, %swap3A_61], %swap3A_64 {strides = array<i32>} : memref<4x1000x128xf32, #tpu.memory_space<vmem>>, vector<1x1000x128xf32>,
    %get3A_65 = arith.constant 1 : index
    %get3A_66 = arith.constant 0 : index
    %get3A_67 = arith.constant 0 : index
    %get3A_68 = vector.load %arg4[%get3A_65, %get3A_66, %get3A_67] : memref<4x128x128xf32, #tpu.memory_space<vmem>>, vector<1x128x128xf32>
    %get3A_69 = vector.shape_cast %get3A_68 : vector<1x128x128xf32> to vector<128x128xf32>
    %dot_general3A_70 = arith.constant dense<0.000000e+00> : vector<1000x128xf32>
    %dot_general3A_71 = tpu.matmul %dot_general3A_45, %get3A_69, %dot_general3A_70 {dimension_numbers = #tpu.dot_dimension_numbers<[1], [0], [0], [1], [0, 0, 1, 1], [], []>, transpose_lhs_hint = false} : vector<1000x128xf32>, vector<128x128xf32>, vector<1000x128xf32> -> vector<1000x128xf32>
    %swap3A_72 = arith.constant 1 : index
    %swap3A_73 = arith.constant 0 : index
    %swap3A_74 = arith.constant 0 : index
    %swap3A_75 = vector.load %arg7[%swap3A_72, %swap3A_73, %swap3A_74] : memref<4x1000x128xf32, #tpu.memory_space<vmem>>, vector<1x1000x128xf32>
    %swap3A_76 = vector.shape_cast %swap3A_75 : vector<1x1000x128xf32> to vector<1000x128xf32>
    %swap3A_77 = vector.shape_cast %dot_general3A_71 : vector<1000x128xf32> to vector<1x1000x128xf32>
    tpu.vector_store %arg7[%swap3A_72, %swap3A_73, %swap3A_74], %swap3A_77 {strides = array<i32>} : memref<4x1000x128xf32, #tpu.memory_space<vmem>>, vector<1x1000x128xf32>,
    %get3A_78 = arith.constant 2 : index
    %get3A_79 = arith.constant 0 : index
    %get3A_80 = arith.constant 0 : index
    %get3A_81 = vector.load %arg2[%get3A_78, %get3A_79, %get3A_80] : memref<4x128x128xf32, #tpu.memory_space<vmem>>, vector<1x128x128xf32>
    %get3A_82 = vector.shape_cast %get3A_81 : vector<1x128x128xf32> to vector<128x128xf32>
    %dot_general3A_83 = arith.constant dense<0.000000e+00> : vector<1000x128xf32>
    %dot_general3A_84 = tpu.matmul %get3A_1, %get3A_82, %dot_general3A_83 {dimension_numbers = #tpu.dot_dimension_numbers<[1], [0], [0], [1], [0, 0, 1, 1], [], []>, transpose_lhs_hint = false} : vector<1000x128xf32>, vector<128x128xf32>, vector<1000x128xf32> -> vector<1000x128xf32>
    %swap3A_85 = arith.constant 2 : index
    %swap3A_86 = arith.constant 0 : index
    %swap3A_87 = arith.constant 0 : index
    %swap3A_88 = vector.load %arg5[%swap3A_85, %swap3A_86, %swap3A_87] : memref<4x1000x128xf32, #tpu.memory_space<vmem>>, vector<1x1000x128xf32>
    %swap3A_89 = vector.shape_cast %swap3A_88 : vector<1x1000x128xf32> to vector<1000x128xf32>
    %swap3A_90 = vector.shape_cast %dot_general3A_84 : vector<1000x128xf32> to vector<1x1000x128xf32>
    tpu.vector_store %arg5[%swap3A_85, %swap3A_86, %swap3A_87], %swap3A_90 {strides = array<i32>} : memref<4x1000x128xf32, #tpu.memory_space<vmem>>, vector<1x1000x128xf32>,
    %get3A_91 = arith.constant 2 : index
    %get3A_92 = arith.constant 0 : index
    %get3A_93 = arith.constant 0 : index
    %get3A_94 = vector.load %arg3[%get3A_91, %get3A_92, %get3A_93] : memref<4x128x128xf32, #tpu.memory_space<vmem>>, vector<1x128x128xf32>
    %get3A_95 = vector.shape_cast %get3A_94 : vector<1x128x128xf32> to vector<128x128xf32>
    %dot_general3A_96 = arith.constant dense<0.000000e+00> : vector<1000x128xf32>
    %dot_general3A_97 = tpu.matmul %dot_general3A_84, %get3A_95, %dot_general3A_96 {dimension_numbers = #tpu.dot_dimension_numbers<[1], [0], [0], [1], [0, 0, 1, 1], [], []>, transpose_lhs_hint = false} : vector<1000x128xf32>, vector<128x128xf32>, vector<1000x128xf32> -> vector<1000x128xf32>
    %swap3A_98 = arith.constant 2 : index
    %swap3A_99 = arith.constant 0 : index
    %swap3A_100 = arith.constant 0 : index
    %swap3A_101 = vector.load %arg6[%swap3A_98, %swap3A_99, %swap3A_100] : memref<4x1000x128xf32, #tpu.memory_space<vmem>>, vector<1x1000x128xf32>
    %swap3A_102 = vector.shape_cast %swap3A_101 : vector<1x1000x128xf32> to vector<1000x128xf32>
    %swap3A_103 = vector.shape_cast %dot_general3A_97 : vector<1000x128xf32> to vector<1x1000x128xf32>
    tpu.vector_store %arg6[%swap3A_98, %swap3A_99, %swap3A_100], %swap3A_103 {strides = array<i32>} : memref<4x1000x128xf32, #tpu.memory_space<vmem>>, vector<1x1000x128xf32>,
    %get3A_104 = arith.constant 2 : index
    %get3A_105 = arith.constant 0 : index
    %get3A_106 = arith.constant 0 : index
    %get3A_107 = vector.load %arg4[%get3A_104, %get3A_105, %get3A_106] : memref<4x128x128xf32, #tpu.memory_space<vmem>>, vector<1x128x128xf32>
    %get3A_108 = vector.shape_cast %get3A_107 : vector<1x128x128xf32> to vector<128x128xf32>
    %dot_general3A_109 = arith.constant dense<0.000000e+00> : vector<1000x128xf32>
    %dot_general3A_110 = tpu.matmul %dot_general3A_84, %get3A_108, %dot_general3A_109 {dimension_numbers = #tpu.dot_dimension_numbers<[1], [0], [0], [1], [0, 0, 1, 1], [], []>, transpose_lhs_hint = false} : vector<1000x128xf32>, vector<128x128xf32>, vector<1000x128xf32> -> vector<1000x128xf32>
    %swap3A_111 = arith.constant 2 : index
    %swap3A_112 = arith.constant 0 : index
    %swap3A_113 = arith.constant 0 : index
    %swap3A_114 = vector.load %arg7[%swap3A_111, %swap3A_112, %swap3A_113] : memref<4x1000x128xf32, #tpu.memory_space<vmem>>, vector<1x1000x128xf32>
    %swap3A_115 = vector.shape_cast %swap3A_114 : vector<1x1000x128xf32> to vector<1000x128xf32>
    %swap3A_116 = vector.shape_cast %dot_general3A_110 : vector<1000x128xf32> to vector<1x1000x128xf32>
    tpu.vector_store %arg7[%swap3A_111, %swap3A_112, %swap3A_113], %swap3A_116 {strides = array<i32>} : memref<4x1000x128xf32, #tpu.memory_space<vmem>>, vector<1x1000x128xf32>,
    %get3A_117 = arith.constant 3 : index
    %get3A_118 = arith.constant 0 : index
    %get3A_119 = arith.constant 0 : index
    %get3A_120 = vector.load %arg2[%get3A_117, %get3A_118, %get3A_119] : memref<4x128x128xf32, #tpu.memory_space<vmem>>, vector<1x128x128xf32>
    %get3A_121 = vector.shape_cast %get3A_120 : vector<1x128x128xf32> to vector<128x128xf32>
    %dot_general3A_122 = arith.constant dense<0.000000e+00> : vector<1000x128xf32>
    %dot_general3A_123 = tpu.matmul %get3A_1, %get3A_121, %dot_general3A_122 {dimension_numbers = #tpu.dot_dimension_numbers<[1], [0], [0], [1], [0, 0, 1, 1], [], []>, transpose_lhs_hint = false} : vector<1000x128xf32>, vector<128x128xf32>, vector<1000x128xf32> -> vector<1000x128xf32>
    %swap3A_124 = arith.constant 3 : index
    %swap3A_125 = arith.constant 0 : index
    %swap3A_126 = arith.constant 0 : index
    %swap3A_127 = vector.load %arg5[%swap3A_124, %swap3A_125, %swap3A_126] : memref<4x1000x128xf32, #tpu.memory_space<vmem>>, vector<1x1000x128xf32>
    %swap3A_128 = vector.shape_cast %swap3A_127 : vector<1x1000x128xf32> to vector<1000x128xf32>
    %swap3A_129 = vector.shape_cast %dot_general3A_123 : vector<1000x128xf32> to vector<1x1000x128xf32>
    tpu.vector_store %arg5[%swap3A_124, %swap3A_125, %swap3A_126], %swap3A_129 {strides = array<i32>} : memref<4x1000x128xf32, #tpu.memory_space<vmem>>, vector<1x1000x128xf32>,
    %get3A_130 = arith.constant 3 : index
    %get3A_131 = arith.constant 0 : index
    %get3A_132 = arith.constant 0 : index
    %get3A_133 = vector.load %arg3[%get3A_130, %get3A_131, %get3A_132] : memref<4x128x128xf32, #tpu.memory_space<vmem>>, vector<1x128x128xf32>
    %get3A_134 = vector.shape_cast %get3A_133 : vector<1x128x128xf32> to vector<128x128xf32>
    %dot_general3A_135 = arith.constant dense<0.000000e+00> : vector<1000x128xf32>
    %dot_general3A_136 = tpu.matmul %dot_general3A_123, %get3A_134, %dot_general3A_135 {dimension_numbers = #tpu.dot_dimension_numbers<[1], [0], [0], [1], [0, 0, 1, 1], [], []>, transpose_lhs_hint = false} : vector<1000x128xf32>, vector<128x128xf32>, vector<1000x128xf32> -> vector<1000x128xf32>
    %swap3A_137 = arith.constant 3 : index
    %swap3A_138 = arith.constant 0 : index
    %swap3A_139 = arith.constant 0 : index
    %swap3A_140 = vector.load %arg6[%swap3A_137, %swap3A_138, %swap3A_139] : memref<4x1000x128xf32, #tpu.memory_space<vmem>>, vector<1x1000x128xf32>
    %swap3A_141 = vector.shape_cast %swap3A_140 : vector<1x1000x128xf32> to vector<1000x128xf32>
    %swap3A_142 = vector.shape_cast %dot_general3A_136 : vector<1000x128xf32> to vector<1x1000x128xf32>
    tpu.vector_store %arg6[%swap3A_137, %swap3A_138, %swap3A_139], %swap3A_142 {strides = array<i32>} : memref<4x1000x128xf32, #tpu.memory_space<vmem>>, vector<1x1000x128xf32>,
    %get3A_143 = arith.constant 3 : index
    %get3A_144 = arith.constant 0 : index
    %get3A_145 = arith.constant 0 : index
    %get3A_146 = vector.load %arg4[%get3A_143, %get3A_144, %get3A_145] : memref<4x128x128xf32, #tpu.memory_space<vmem>>, vector<1x128x128xf32>
    %get3A_147 = vector.shape_cast %get3A_146 : vector<1x128x128xf32> to vector<128x128xf32>
    %dot_general3A_148 = arith.constant dense<0.000000e+00> : vector<1000x128xf32>
    %dot_general3A_149 = tpu.matmul %dot_general3A_123, %get3A_147, %dot_general3A_148 {dimension_numbers = #tpu.dot_dimension_numbers<[1], [0], [0], [1], [0, 0, 1, 1], [], []>, transpose_lhs_hint = false} : vector<1000x128xf32>, vector<128x128xf32>, vector<1000x128xf32> -> vector<1000x128xf32>
    %swap3A_150 = arith.constant 3 : index
    %swap3A_151 = arith.constant 0 : index
    %swap3A_152 = arith.constant 0 : index
    %swap3A_153 = vector.load %arg7[%swap3A_150, %swap3A_151, %swap3A_152] : memref<4x1000x128xf32, #tpu.memory_space<vmem>>, vector<1x1000x128xf32>
    %swap3A_154 = vector.shape_cast %swap3A_153 : vector<1x1000x128xf32> to vector<1000x128xf32>
    %swap3A_155 = vector.shape_cast %dot_general3A_149 : vector<1000x128xf32> to vector<1x1000x128xf32>
    tpu.vector_store %arg7[%swap3A_150, %swap3A_151, %swap3A_152], %swap3A_155 {strides = array<i32>} : memref<4x1000x128xf32, #tpu.memory_space<vmem>>, vector<1x1000x128xf32>,
    return
  }
  func.func @transform_0(%arg0: i32) -> (i32, i32) {
    %c0_i32 = arith.constant 0 : i32
    %c0_i32_0 = arith.constant 0 : i32
    return %arg0, %c0_i32 : i32, i32
  }
  func.func @transform_1(%arg0: i32) -> (i32, i32, i32) {
    %c0_i32 = arith.constant 0 : i32
    %c0_i32_0 = arith.constant 0 : i32
    %c0_i32_1 = arith.constant 0 : i32
    %c0_i32_2 = arith.constant 0 : i32
    return %c0_i32, %c0_i32_0, %c0_i32_1 : i32, i32, i32
  }
  func.func @transform_2(%arg0: i32) -> (i32, i32, i32) {
    %c0_i32 = arith.constant 0 : i32
    %c0_i32_0 = arith.constant 0 : i32
    %c0_i32_1 = arith.constant 0 : i32
    %c0_i32_2 = arith.constant 0 : i32
    return %c0_i32, %c0_i32_0, %c0_i32_1 : i32, i32, i32
  }
  func.func @transform_3(%arg0: i32) -> (i32, i32, i32) {
    %c0_i32 = arith.constant 0 : i32
    %c0_i32_0 = arith.constant 0 : i32
    %c0_i32_1 = arith.constant 0 : i32
    %c0_i32_2 = arith.constant 0 : i32
    return %c0_i32, %c0_i32_0, %c0_i32_1 : i32, i32, i32
  }
  func.func @transform_4(%arg0: i32) -> (i32, i32, i32) {
    %c0_i32 = arith.constant 0 : i32
    %c0_i32_0 = arith.constant 0 : i32
    %c0_i32_1 = arith.constant 0 : i32
    return %c0_i32, %arg0, %c0_i32_0 : i32, i32, i32
  }
  func.func @transform_5(%arg0: i32) -> (i32, i32, i32) {
    %c0_i32 = arith.constant 0 : i32
    %c0_i32_0 = arith.constant 0 : i32
    %c0_i32_1 = arith.constant 0 : i32
    return %c0_i32, %arg0, %c0_i32_0 : i32, i32, i32
  }
  func.func @transform_6(%arg0: i32) -> (i32, i32, i32) {
    %c0_i32 = arith.constant 0 : i32
    %c0_i32_0 = arith.constant 0 : i32
    %c0_i32_1 = arith.constant 0 : i32
    return %c0_i32, %arg0, %c0_i32_0 : i32, i32, i32
  }
}

module attributes {stable_mosaic.version = 14 : i64} {
  func.func @_combine_body(%arg0: i32, %arg1: memref<1000x128xf32, #tpu.memory_space<vmem>>, %arg2: memref<1000x128xf32, #tpu.memory_space<vmem>>, %arg3: memref<1000x128xf32, #tpu.memory_space<vmem>>, %arg4: memref<1000x128xf32, #tpu.memory_space<vmem>>, %arg5: memref<1000x128xf32, #tpu.memory_space<vmem>>, %arg6: memref<1000x128xf32, #tpu.memory_space<vmem>>, %arg7: memref<1000x128xf32, #tpu.memory_space<vmem>>, %arg8: memref<1000x128xf32, #tpu.memory_space<vmem>>, %arg9: memref<2x1000x8xf32, #tpu.memory_space<vmem>>, %arg10: memref<2x1000x8xf32, #tpu.memory_space<vmem>>, %arg11: memref<2x1000x8xf32, #tpu.memory_space<vmem>>, %arg12: memref<2x1000x8xf32, #tpu.memory_space<vmem>>, %arg13: memref<4x1000x128xf32, #tpu.memory_space<vmem>>, %arg14: memref<4x1000x128xf32, #tpu.memory_space<vmem>>, %arg15: memref<4x1000x128xf32, #tpu.memory_space<vmem>>, %arg16: memref<2500x128xi32, #tpu.memory_space<vmem>>, %arg17: memref<8x128xf32, #tpu.memory_space<vmem>>, %arg18: memref<128x128xf32, #tpu.memory_space<vmem>>, %arg19: memref<128x256xf32, #tpu.memory_space<vmem>>, %arg20: memref<1x256xf32, #tpu.memory_space<vmem>>, %arg21: memref<1x256xf32, #tpu.memory_space<vmem>>, %arg22: memref<4x128xf32, #tpu.memory_space<vmem>>, %arg23: memref<1000x128xf32, #tpu.memory_space<vmem>>) attributes {dimension_semantics = [#tpu.dimension_semantics<arbitrary>], iteration_bounds = array<i64: 10>, scalar_prefetch = 0 : i64, scratch_operands = 0 : i64, tpu.core_type = #tpu.core_type<tc>, window_params = [{transform_indices = @transform_0, window_bounds = array<i64: 1000, 128>}, {transform_indices = @transform_1, window_bounds = array<i64: 1000, 128>}, {transform_indices = @transform_2, window_bounds = array<i64: 1000, 128>}, {transform_indices = @transform_3, window_bounds = array<i64: 1000, 128>}, {transform_indices = @transform_4, window_bounds = array<i64: 1000, 128>}, {transform_indices = @transform_5, window_bounds = array<i64: 1000, 128>}, {transform_indices = @transform_6, window_bounds = array<i64: 1000, 128>}, {transform_indices = @transform_7, window_bounds = array<i64: 1000, 128>}, {transform_indices = @transform_8, window_bounds = array<i64: 2, 1000, 8>}, {transform_indices = @transform_9, window_bounds = array<i64: 2, 1000, 8>}, {transform_indices = @transform_10, window_bounds = array<i64: 2, 1000, 8>}, {transform_indices = @transform_11, window_bounds = array<i64: 2, 1000, 8>}, {transform_indices = @transform_12, window_bounds = array<i64: 4, 1000, 128>}, {transform_indices = @transform_13, window_bounds = array<i64: 4, 1000, 128>}, {transform_indices = @transform_14, window_bounds = array<i64: 4, 1000, 128>}, {pipeline_mode = #tpu.pipeline_mode<synchronous>, transform_indices = @transform_15, window_bounds = array<i64: 2500, 128>}, {pipeline_mode = #tpu.pipeline_mode<synchronous>, transform_indices = @transform_16, window_bounds = array<i64: 8, 128>}, {pipeline_mode = #tpu.pipeline_mode<synchronous>, transform_indices = @transform_17, window_bounds = array<i64: 128, 128>}, {pipeline_mode = #tpu.pipeline_mode<synchronous>, transform_indices = @transform_18, window_bounds = array<i64: 128, 256>}, {pipeline_mode = #tpu.pipeline_mode<synchronous>, transform_indices = @transform_19, window_bounds = array<i64: 1, 256>}, {pipeline_mode = #tpu.pipeline_mode<synchronous>, transform_indices = @transform_20, window_bounds = array<i64: 1, 256>}, {pipeline_mode = #tpu.pipeline_mode<synchronous>, transform_indices = @transform_21, window_bounds = array<i64: 4, 128>}, {transform_indices = @transform_22, window_bounds = array<i64: 1000, 128>}]} {
    %get3A = arith.constant 0 : index
    %get3A_0 = arith.constant 0 : index
    %get3A_1 = vector.load %arg16[%get3A, %get3A_0] : memref<2500x128xi32, #tpu.memory_space<vmem>>, vector<2500x128xi32>
    %get3A_2 = arith.constant 0 : index
    %get3A_3 = arith.constant 0 : index
    %get3A_4 = vector.load %arg17[%get3A_2, %get3A_3] : memref<8x128xf32, #tpu.memory_space<vmem>>, vector<8x128xf32>
    %get3A_5 = arith.constant 0 : index
    %get3A_6 = arith.constant 0 : index
    %get3A_7 = vector.load %arg1[%get3A_5, %get3A_6] : memref<1000x128xf32, #tpu.memory_space<vmem>>, vector<1000x128xf32>
    %get3A_8 = arith.constant 0 : index
    %get3A_9 = arith.constant 0 : index
    %get3A_10 = vector.load %arg5[%get3A_8, %get3A_9] : memref<1000x128xf32, #tpu.memory_space<vmem>>, vector<1000x128xf32>
    %add3A = arith.addf %get3A_7, %get3A_10 : vector<1000x128xf32>
    %get3A_11 = arith.constant 0 : index
    %get3A_12 = arith.constant 0 : index
    %get3A_13 = arith.constant 0 : index
    %get3A_14 = vector.load %arg9[%get3A_11, %get3A_12, %get3A_13] : memref<2x1000x8xf32, #tpu.memory_space<vmem>>, vector<2x1000x8xf32>
    %reduce_sum3A = arith.constant dense<0.000000e+00> : vector<1000x8xf32>
    %reduce_sum3A_15 = vector.multi_reduction <add>, %get3A_14, %reduce_sum3A [0] : vector<2x1000x8xf32> to vector<1000x8xf32>
    %get3A_16 = arith.constant 0 : index
    %get3A_17 = arith.constant 0 : index
    %get3A_18 = arith.constant 0 : index
    %get3A_19 = vector.load %arg14[%get3A_16, %get3A_17, %get3A_18] : memref<4x1000x128xf32, #tpu.memory_space<vmem>>, vector<1x1000x128xf32>
    %get3A_20 = vector.shape_cast %get3A_19 : vector<1x1000x128xf32> to vector<1000x128xf32>
    %slice3A = vector.extract_strided_slice %get3A_20 {offsets = [0, 0], sizes = [1000, 16], strides = [1, 1]} : vector<1000x128xf32> to vector<1000x16xf32>
    %get3A_21 = arith.constant 0 : index
    %get3A_22 = arith.constant 0 : index
    %get3A_23 = arith.constant 0 : index
    %get3A_24 = vector.load %arg15[%get3A_21, %get3A_22, %get3A_23] : memref<4x1000x128xf32, #tpu.memory_space<vmem>>, vector<1x1000x128xf32>
    %get3A_25 = vector.shape_cast %get3A_24 : vector<1x1000x128xf32> to vector<1000x128xf32>
    %slice3A_26 = vector.extract_strided_slice %get3A_25 {offsets = [0, 0], sizes = [1000, 16], strides = [1, 1]} : vector<1000x128xf32> to vector<1000x16xf32>
    %add3A_27 = arith.addf %slice3A, %slice3A_26 : vector<1000x16xf32>
    %gt3A = arith.constant 0.000000e+00 : f32
    %gt3A_28 = vector.broadcast %gt3A : f32 to vector<1000x16xf32>
    %gt3A_29 = arith.cmpf ogt, %add3A_27, %gt3A_28 : vector<1000x16xf32>
    %mul3A = arith.constant 2.000000e-01 : f32
    %mul3A_30 = vector.broadcast %mul3A : f32 to vector<1000x16xf32>
    %mul3A_31 = arith.mulf %add3A_27, %mul3A_30 : vector<1000x16xf32>
    %select_n3A = arith.select %gt3A_29, %add3A_27, %mul3A_31 : vector<1000x16xi1>, vector<1000x16xf32>
    %exp3A = math.exp %select_n3A : vector<1000x16xf32>
    %slice3A_32 = vector.extract_strided_slice %exp3A {offsets = [0, 0], sizes = [1000, 8], strides = [1, 1]} : vector<1000x16xf32> to vector<1000x8xf32>
    %dot_general3A = arith.constant dense<0.000000e+00> : vector<1000x128xf32>
    %dot_general3A_33 = tpu.matmul %slice3A_32, %get3A_4, %dot_general3A {dimension_numbers = #tpu.dot_dimension_numbers<[1], [0], [0], [1], [0, 0, 1, 1], [], []>, transpose_lhs_hint = false} : vector<1000x8xf32>, vector<8x128xf32>, vector<1000x128xf32> -> vector<1000x128xf32>
    %add3A_34 = arith.addf %reduce_sum3A_15, %slice3A_32 : vector<1000x8xf32>
    %dot_general3A_35 = arith.constant dense<0.000000e+00> : vector<1000x128xf32>
    %dot_general3A_36 = tpu.matmul %add3A_34, %get3A_4, %dot_general3A_35 {dimension_numbers = #tpu.dot_dimension_numbers<[1], [0], [0], [1], [0, 0, 1, 1], [], []>, transpose_lhs_hint = false} : vector<1000x8xf32>, vector<8x128xf32>, vector<1000x128xf32> -> vector<1000x128xf32>
    %get3A_37 = arith.constant 0 : index
    %get3A_38 = arith.constant 0 : index
    %get3A_39 = arith.constant 0 : index
    %get3A_40 = vector.load %arg13[%get3A_37, %get3A_38, %get3A_39] : memref<4x1000x128xf32, #tpu.memory_space<vmem>>, vector<1x1000x128xf32>
    %get3A_41 = vector.shape_cast %get3A_40 : vector<1x1000x128xf32> to vector<1000x128xf32>
    %mul3A_42 = arith.mulf %dot_general3A_33, %get3A_41 : vector<1000x128xf32>
    %add3A_43 = arith.addf %add3A, %mul3A_42 : vector<1000x128xf32>
    %add3A_44 = arith.constant 1.000000e-16 : f32
    %add3A_45 = vector.broadcast %add3A_44 : f32 to vector<1000x128xf32>
    %add3A_46 = arith.addf %dot_general3A_36, %add3A_45 : vector<1000x128xf32>
    %div3A = arith.divf %add3A_43, %add3A_46 : vector<1000x128xf32>
    %get3A_47 = arith.constant 0 : index
    %get3A_48 = arith.constant 0 : index
    %get3A_49 = vector.load %arg18[%get3A_47, %get3A_48] : memref<128x128xf32, #tpu.memory_space<vmem>>, vector<128x128xf32>
    %dot_general3A_50 = arith.constant dense<0.000000e+00> : vector<1000x128xf32>
    %dot_general3A_51 = tpu.matmul %div3A, %get3A_49, %dot_general3A_50 {dimension_numbers = #tpu.dot_dimension_numbers<[1], [0], [0], [1], [0, 0, 1, 1], [], []>, transpose_lhs_hint = false} : vector<1000x128xf32>, vector<128x128xf32>, vector<1000x128xf32> -> vector<1000x128xf32>
    %get3A_52 = arith.constant 0 : index
    %get3A_53 = arith.constant 0 : index
    %get3A_54 = vector.load %arg22[%get3A_52, %get3A_53] : memref<4x128xf32, #tpu.memory_space<vmem>>, vector<1x128xf32>
    %get3A_55 = vector.shape_cast %get3A_54 : vector<1x128xf32> to vector<128xf32>
    %broadcast_in_dim3A = vector.shape_cast %get3A_55 : vector<128xf32> to vector<1x128xf32>
    %add3A_56 = vector.broadcast %broadcast_in_dim3A : vector<1x128xf32> to vector<1000x128xf32>
    %add3A_57 = arith.addf %dot_general3A_51, %add3A_56 : vector<1000x128xf32>
    %eq3A = arith.constant 0 : i32
    %eq3A_58 = vector.broadcast %eq3A : i32 to vector<2500x128xi32>
    %eq3A_59 = arith.cmpi eq, %get3A_1, %eq3A_58 : vector<2500x128xi32>
    %jit3A = arith.constant 1 : i32
    %jit3A_60 = arith.constant 0 : i32
    %broadcast_in_dim3A_61 = vector.broadcast %jit3A : i32 to vector<2500x128xi32>
    %broadcast_in_dim3A_62 = vector.broadcast %jit3A_60 : i32 to vector<2500x128xi32>
    %select_n3A_63 = arith.select %eq3A_59, %broadcast_in_dim3A_61, %broadcast_in_dim3A_62 : vector<2500x128xi1>, vector<2500x128xi32>
    %reduce_sum3A_64 = vector.shape_cast %select_n3A_63 : vector<2500x128xi32> to vector<1x2500x128xi32>
    %reduce_sum3A_65 = arith.constant dense<0> : vector<1xi32>
    %reduce_sum3A_66 = vector.multi_reduction <add>, %reduce_sum3A_64, %reduce_sum3A_65 [1, 2] : vector<1x2500x128xi32> to vector<1xi32>
    %reduce_sum3A_67 = vector.shape_cast %reduce_sum3A_66 : vector<1xi32> to vector<1x1x1xi32>
    %reduce_sum3A_68 = vector.extract %reduce_sum3A_67[0, 0, 0] : i32 from vector<1x1x1xi32>
    %gt3A_69 = arith.constant 0 : i32
    %gt3A_70 = arith.cmpi sgt, %reduce_sum3A_68, %gt3A_69 : i32
    %jit3A_71 = arith.constant 0.000000e+00 : f32
    %broadcast_in_dim3A_72 = vector.broadcast %jit3A_71 : f32 to vector<1000x128xf32>
    %select_n3A_73 = arith.select %gt3A_70, %add3A_57, %broadcast_in_dim3A_72 : vector<1000x128xf32>
    %get3A_74 = arith.constant 0 : index
    %get3A_75 = arith.constant 0 : index
    %get3A_76 = vector.load %arg19[%get3A_74, %get3A_75] : memref<128x256xf32, #tpu.memory_space<vmem>>, vector<128x256xf32>
    %dot_general3A_77 = arith.constant dense<0.000000e+00> : vector<1000x256xf32>
    %dot_general3A_78 = tpu.matmul %select_n3A_73, %get3A_76, %dot_general3A_77 {dimension_numbers = #tpu.dot_dimension_numbers<[1], [0], [0], [1], [0, 0, 1, 1], [], []>, transpose_lhs_hint = false} : vector<1000x128xf32>, vector<128x256xf32>, vector<1000x256xf32> -> vector<1000x256xf32>
    %get3A_79 = arith.constant 0 : index
    %get3A_80 = arith.constant 0 : index
    %get3A_81 = vector.load %arg20[%get3A_79, %get3A_80] : memref<1x256xf32, #tpu.memory_space<vmem>>, vector<1x256xf32>
    %add3A_82 = vector.broadcast %get3A_81 : vector<1x256xf32> to vector<1000x256xf32>
    %add3A_83 = arith.addf %dot_general3A_78, %add3A_82 : vector<1000x256xf32>
    %tanh3A = math.tanh %add3A_83 : vector<1000x256xf32>
    %get3A_84 = arith.constant 0 : index
    %get3A_85 = arith.constant 0 : index
    %get3A_86 = vector.load %arg21[%get3A_84, %get3A_85] : memref<1x256xf32, #tpu.memory_space<vmem>>, vector<1x256xf32>
    %mul3A_87 = vector.broadcast %get3A_86 : vector<1x256xf32> to vector<1000x256xf32>
    %mul3A_88 = arith.mulf %tanh3A, %mul3A_87 : vector<1000x256xf32>
    %reduce_sum3A_89 = arith.constant dense<0.000000e+00> : vector<1000xf32>
    %reduce_sum3A_90 = vector.multi_reduction <add>, %mul3A_88, %reduce_sum3A_89 [1] : vector<1000x256xf32> to vector<1000xf32>
    %broadcast_in_dim3A_91 = vector.shape_cast %reduce_sum3A_90 : vector<1000xf32> to vector<1000x1xf32>
    %get3A_92 = arith.constant 0 : index
    %get3A_93 = arith.constant 0 : index
    %get3A_94 = vector.load %arg2[%get3A_92, %get3A_93] : memref<1000x128xf32, #tpu.memory_space<vmem>>, vector<1000x128xf32>
    %get3A_95 = arith.constant 0 : index
    %get3A_96 = arith.constant 0 : index
    %get3A_97 = vector.load %arg6[%get3A_95, %get3A_96] : memref<1000x128xf32, #tpu.memory_space<vmem>>, vector<1000x128xf32>
    %add3A_98 = arith.addf %get3A_94, %get3A_97 : vector<1000x128xf32>
    %get3A_99 = arith.constant 0 : index
    %get3A_100 = arith.constant 0 : index
    %get3A_101 = arith.constant 0 : index
    %get3A_102 = vector.load %arg10[%get3A_99, %get3A_100, %get3A_101] : memref<2x1000x8xf32, #tpu.memory_space<vmem>>, vector<2x1000x8xf32>
    %reduce_sum3A_103 = arith.constant dense<0.000000e+00> : vector<1000x8xf32>
    %reduce_sum3A_104 = vector.multi_reduction <add>, %get3A_102, %reduce_sum3A_103 [0] : vector<2x1000x8xf32> to vector<1000x8xf32>
    %get3A_105 = arith.constant 1 : index
    %get3A_106 = arith.constant 0 : index
    %get3A_107 = arith.constant 0 : index
    %get3A_108 = vector.load %arg14[%get3A_105, %get3A_106, %get3A_107] : memref<4x1000x128xf32, #tpu.memory_space<vmem>>, vector<1x1000x128xf32>
    %get3A_109 = vector.shape_cast %get3A_108 : vector<1x1000x128xf32> to vector<1000x128xf32>
    %slice3A_110 = vector.extract_strided_slice %get3A_109 {offsets = [0, 0], sizes = [1000, 16], strides = [1, 1]} : vector<1000x128xf32> to vector<1000x16xf32>
    %get3A_111 = arith.constant 1 : index
    %get3A_112 = arith.constant 0 : index
    %get3A_113 = arith.constant 0 : index
    %get3A_114 = vector.load %arg15[%get3A_111, %get3A_112, %get3A_113] : memref<4x1000x128xf32, #tpu.memory_space<vmem>>, vector<1x1000x128xf32>
    %get3A_115 = vector.shape_cast %get3A_114 : vector<1x1000x128xf32> to vector<1000x128xf32>
    %slice3A_116 = vector.extract_strided_slice %get3A_115 {offsets = [0, 0], sizes = [1000, 16], strides = [1, 1]} : vector<1000x128xf32> to vector<1000x16xf32>
    %add3A_117 = arith.addf %slice3A_110, %slice3A_116 : vector<1000x16xf32>
    %gt3A_118 = arith.constant 0.000000e+00 : f32
    %gt3A_119 = vector.broadcast %gt3A_118 : f32 to vector<1000x16xf32>
    %gt3A_120 = arith.cmpf ogt, %add3A_117, %gt3A_119 : vector<1000x16xf32>
    %mul3A_121 = arith.constant 2.000000e-01 : f32
    %mul3A_122 = vector.broadcast %mul3A_121 : f32 to vector<1000x16xf32>
    %mul3A_123 = arith.mulf %add3A_117, %mul3A_122 : vector<1000x16xf32>
    %select_n3A_124 = arith.select %gt3A_120, %add3A_117, %mul3A_123 : vector<1000x16xi1>, vector<1000x16xf32>
    %exp3A_125 = math.exp %select_n3A_124 : vector<1000x16xf32>
    %slice3A_126 = vector.extract_strided_slice %exp3A_125 {offsets = [0, 0], sizes = [1000, 8], strides = [1, 1]} : vector<1000x16xf32> to vector<1000x8xf32>
    %dot_general3A_127 = arith.constant dense<0.000000e+00> : vector<1000x128xf32>
    %dot_general3A_128 = tpu.matmul %slice3A_126, %get3A_4, %dot_general3A_127 {dimension_numbers = #tpu.dot_dimension_numbers<[1], [0], [0], [1], [0, 0, 1, 1], [], []>, transpose_lhs_hint = false} : vector<1000x8xf32>, vector<8x128xf32>, vector<1000x128xf32> -> vector<1000x128xf32>
    %add3A_129 = arith.addf %reduce_sum3A_104, %slice3A_126 : vector<1000x8xf32>
    %dot_general3A_130 = arith.constant dense<0.000000e+00> : vector<1000x128xf32>
    %dot_general3A_131 = tpu.matmul %add3A_129, %get3A_4, %dot_general3A_130 {dimension_numbers = #tpu.dot_dimension_numbers<[1], [0], [0], [1], [0, 0, 1, 1], [], []>, transpose_lhs_hint = false} : vector<1000x8xf32>, vector<8x128xf32>, vector<1000x128xf32> -> vector<1000x128xf32>
    %get3A_132 = arith.constant 1 : index
    %get3A_133 = arith.constant 0 : index
    %get3A_134 = arith.constant 0 : index
    %get3A_135 = vector.load %arg13[%get3A_132, %get3A_133, %get3A_134] : memref<4x1000x128xf32, #tpu.memory_space<vmem>>, vector<1x1000x128xf32>
    %get3A_136 = vector.shape_cast %get3A_135 : vector<1x1000x128xf32> to vector<1000x128xf32>
    %mul3A_137 = arith.mulf %dot_general3A_128, %get3A_136 : vector<1000x128xf32>
    %add3A_138 = arith.addf %add3A_98, %mul3A_137 : vector<1000x128xf32>
    %add3A_139 = arith.constant 1.000000e-16 : f32
    %add3A_140 = vector.broadcast %add3A_139 : f32 to vector<1000x128xf32>
    %add3A_141 = arith.addf %dot_general3A_131, %add3A_140 : vector<1000x128xf32>
    %div3A_142 = arith.divf %add3A_138, %add3A_141 : vector<1000x128xf32>
    %get3A_143 = arith.constant 0 : index
    %get3A_144 = arith.constant 0 : index
    %get3A_145 = vector.load %arg18[%get3A_143, %get3A_144] : memref<128x128xf32, #tpu.memory_space<vmem>>, vector<128x128xf32>
    %dot_general3A_146 = arith.constant dense<0.000000e+00> : vector<1000x128xf32>
    %dot_general3A_147 = tpu.matmul %div3A_142, %get3A_145, %dot_general3A_146 {dimension_numbers = #tpu.dot_dimension_numbers<[1], [0], [0], [1], [0, 0, 1, 1], [], []>, transpose_lhs_hint = false} : vector<1000x128xf32>, vector<128x128xf32>, vector<1000x128xf32> -> vector<1000x128xf32>
    %get3A_148 = arith.constant 1 : index
    %get3A_149 = arith.constant 0 : index
    %get3A_150 = vector.load %arg22[%get3A_148, %get3A_149] : memref<4x128xf32, #tpu.memory_space<vmem>>, vector<1x128xf32>
    %get3A_151 = vector.shape_cast %get3A_150 : vector<1x128xf32> to vector<128xf32>
    %broadcast_in_dim3A_152 = vector.shape_cast %get3A_151 : vector<128xf32> to vector<1x128xf32>
    %add3A_153 = vector.broadcast %broadcast_in_dim3A_152 : vector<1x128xf32> to vector<1000x128xf32>
    %add3A_154 = arith.addf %dot_general3A_147, %add3A_153 : vector<1000x128xf32>
    %eq3A_155 = arith.constant 1 : i32
    %eq3A_156 = vector.broadcast %eq3A_155 : i32 to vector<2500x128xi32>
    %eq3A_157 = arith.cmpi eq, %get3A_1, %eq3A_156 : vector<2500x128xi32>
    %jit3A_158 = arith.constant 1 : i32
    %jit3A_159 = arith.constant 0 : i32
    %broadcast_in_dim3A_160 = vector.broadcast %jit3A_158 : i32 to vector<2500x128xi32>
    %broadcast_in_dim3A_161 = vector.broadcast %jit3A_159 : i32 to vector<2500x128xi32>
    %select_n3A_162 = arith.select %eq3A_157, %broadcast_in_dim3A_160, %broadcast_in_dim3A_161 : vector<2500x128xi1>, vector<2500x128xi32>
    %reduce_sum3A_163 = vector.shape_cast %select_n3A_162 : vector<2500x128xi32> to vector<1x2500x128xi32>
    %reduce_sum3A_164 = arith.constant dense<0> : vector<1xi32>
    %reduce_sum3A_165 = vector.multi_reduction <add>, %reduce_sum3A_163, %reduce_sum3A_164 [1, 2] : vector<1x2500x128xi32> to vector<1xi32>
    %reduce_sum3A_166 = vector.shape_cast %reduce_sum3A_165 : vector<1xi32> to vector<1x1x1xi32>
    %reduce_sum3A_167 = vector.extract %reduce_sum3A_166[0, 0, 0] : i32 from vector<1x1x1xi32>
    %gt3A_168 = arith.constant 0 : i32
    %gt3A_169 = arith.cmpi sgt, %reduce_sum3A_167, %gt3A_168 : i32
    %jit3A_170 = arith.constant 0.000000e+00 : f32
    %broadcast_in_dim3A_171 = vector.broadcast %jit3A_170 : f32 to vector<1000x128xf32>
    %select_n3A_172 = arith.select %gt3A_169, %add3A_154, %broadcast_in_dim3A_171 : vector<1000x128xf32>
    %get3A_173 = arith.constant 0 : index
    %get3A_174 = arith.constant 0 : index
    %get3A_175 = vector.load %arg19[%get3A_173, %get3A_174] : memref<128x256xf32, #tpu.memory_space<vmem>>, vector<128x256xf32>
    %dot_general3A_176 = arith.constant dense<0.000000e+00> : vector<1000x256xf32>
    %dot_general3A_177 = tpu.matmul %select_n3A_172, %get3A_175, %dot_general3A_176 {dimension_numbers = #tpu.dot_dimension_numbers<[1], [0], [0], [1], [0, 0, 1, 1], [], []>, transpose_lhs_hint = false} : vector<1000x128xf32>, vector<128x256xf32>, vector<1000x256xf32> -> vector<1000x256xf32>
    %get3A_178 = arith.constant 0 : index
    %get3A_179 = arith.constant 0 : index
    %get3A_180 = vector.load %arg20[%get3A_178, %get3A_179] : memref<1x256xf32, #tpu.memory_space<vmem>>, vector<1x256xf32>
    %add3A_181 = vector.broadcast %get3A_180 : vector<1x256xf32> to vector<1000x256xf32>
    %add3A_182 = arith.addf %dot_general3A_177, %add3A_181 : vector<1000x256xf32>
    %tanh3A_183 = math.tanh %add3A_182 : vector<1000x256xf32>
    %get3A_184 = arith.constant 0 : index
    %get3A_185 = arith.constant 0 : index
    %get3A_186 = vector.load %arg21[%get3A_184, %get3A_185] : memref<1x256xf32, #tpu.memory_space<vmem>>, vector<1x256xf32>
    %mul3A_187 = vector.broadcast %get3A_186 : vector<1x256xf32> to vector<1000x256xf32>
    %mul3A_188 = arith.mulf %tanh3A_183, %mul3A_187 : vector<1000x256xf32>
    %reduce_sum3A_189 = arith.constant dense<0.000000e+00> : vector<1000xf32>
    %reduce_sum3A_190 = vector.multi_reduction <add>, %mul3A_188, %reduce_sum3A_189 [1] : vector<1000x256xf32> to vector<1000xf32>
    %broadcast_in_dim3A_191 = vector.shape_cast %reduce_sum3A_190 : vector<1000xf32> to vector<1000x1xf32>
    %get3A_192 = arith.constant 0 : index
    %get3A_193 = arith.constant 0 : index
    %get3A_194 = vector.load %arg3[%get3A_192, %get3A_193] : memref<1000x128xf32, #tpu.memory_space<vmem>>, vector<1000x128xf32>
    %get3A_195 = arith.constant 0 : index
    %get3A_196 = arith.constant 0 : index
    %get3A_197 = vector.load %arg7[%get3A_195, %get3A_196] : memref<1000x128xf32, #tpu.memory_space<vmem>>, vector<1000x128xf32>
    %add3A_198 = arith.addf %get3A_194, %get3A_197 : vector<1000x128xf32>
    %get3A_199 = arith.constant 0 : index
    %get3A_200 = arith.constant 0 : index
    %get3A_201 = arith.constant 0 : index
    %get3A_202 = vector.load %arg11[%get3A_199, %get3A_200, %get3A_201] : memref<2x1000x8xf32, #tpu.memory_space<vmem>>, vector<2x1000x8xf32>
    %reduce_sum3A_203 = arith.constant dense<0.000000e+00> : vector<1000x8xf32>
    %reduce_sum3A_204 = vector.multi_reduction <add>, %get3A_202, %reduce_sum3A_203 [0] : vector<2x1000x8xf32> to vector<1000x8xf32>
    %get3A_205 = arith.constant 2 : index
    %get3A_206 = arith.constant 0 : index
    %get3A_207 = arith.constant 0 : index
    %get3A_208 = vector.load %arg14[%get3A_205, %get3A_206, %get3A_207] : memref<4x1000x128xf32, #tpu.memory_space<vmem>>, vector<1x1000x128xf32>
    %get3A_209 = vector.shape_cast %get3A_208 : vector<1x1000x128xf32> to vector<1000x128xf32>
    %slice3A_210 = vector.extract_strided_slice %get3A_209 {offsets = [0, 0], sizes = [1000, 16], strides = [1, 1]} : vector<1000x128xf32> to vector<1000x16xf32>
    %get3A_211 = arith.constant 2 : index
    %get3A_212 = arith.constant 0 : index
    %get3A_213 = arith.constant 0 : index
    %get3A_214 = vector.load %arg15[%get3A_211, %get3A_212, %get3A_213] : memref<4x1000x128xf32, #tpu.memory_space<vmem>>, vector<1x1000x128xf32>
    %get3A_215 = vector.shape_cast %get3A_214 : vector<1x1000x128xf32> to vector<1000x128xf32>
    %slice3A_216 = vector.extract_strided_slice %get3A_215 {offsets = [0, 0], sizes = [1000, 16], strides = [1, 1]} : vector<1000x128xf32> to vector<1000x16xf32>
    %add3A_217 = arith.addf %slice3A_210, %slice3A_216 : vector<1000x16xf32>
    %gt3A_218 = arith.constant 0.000000e+00 : f32
    %gt3A_219 = vector.broadcast %gt3A_218 : f32 to vector<1000x16xf32>
    %gt3A_220 = arith.cmpf ogt, %add3A_217, %gt3A_219 : vector<1000x16xf32>
    %mul3A_221 = arith.constant 2.000000e-01 : f32
    %mul3A_222 = vector.broadcast %mul3A_221 : f32 to vector<1000x16xf32>
    %mul3A_223 = arith.mulf %add3A_217, %mul3A_222 : vector<1000x16xf32>
    %select_n3A_224 = arith.select %gt3A_220, %add3A_217, %mul3A_223 : vector<1000x16xi1>, vector<1000x16xf32>
    %exp3A_225 = math.exp %select_n3A_224 : vector<1000x16xf32>
    %slice3A_226 = vector.extract_strided_slice %exp3A_225 {offsets = [0, 0], sizes = [1000, 8], strides = [1, 1]} : vector<1000x16xf32> to vector<1000x8xf32>
    %dot_general3A_227 = arith.constant dense<0.000000e+00> : vector<1000x128xf32>
    %dot_general3A_228 = tpu.matmul %slice3A_226, %get3A_4, %dot_general3A_227 {dimension_numbers = #tpu.dot_dimension_numbers<[1], [0], [0], [1], [0, 0, 1, 1], [], []>, transpose_lhs_hint = false} : vector<1000x8xf32>, vector<8x128xf32>, vector<1000x128xf32> -> vector<1000x128xf32>
    %add3A_229 = arith.addf %reduce_sum3A_204, %slice3A_226 : vector<1000x8xf32>
    %dot_general3A_230 = arith.constant dense<0.000000e+00> : vector<1000x128xf32>
    %dot_general3A_231 = tpu.matmul %add3A_229, %get3A_4, %dot_general3A_230 {dimension_numbers = #tpu.dot_dimension_numbers<[1], [0], [0], [1], [0, 0, 1, 1], [], []>, transpose_lhs_hint = false} : vector<1000x8xf32>, vector<8x128xf32>, vector<1000x128xf32> -> vector<1000x128xf32>
    %get3A_232 = arith.constant 2 : index
    %get3A_233 = arith.constant 0 : index
    %get3A_234 = arith.constant 0 : index
    %get3A_235 = vector.load %arg13[%get3A_232, %get3A_233, %get3A_234] : memref<4x1000x128xf32, #tpu.memory_space<vmem>>, vector<1x1000x128xf32>
    %get3A_236 = vector.shape_cast %get3A_235 : vector<1x1000x128xf32> to vector<1000x128xf32>
    %mul3A_237 = arith.mulf %dot_general3A_228, %get3A_236 : vector<1000x128xf32>
    %add3A_238 = arith.addf %add3A_198, %mul3A_237 : vector<1000x128xf32>
    %add3A_239 = arith.constant 1.000000e-16 : f32
    %add3A_240 = vector.broadcast %add3A_239 : f32 to vector<1000x128xf32>
    %add3A_241 = arith.addf %dot_general3A_231, %add3A_240 : vector<1000x128xf32>
    %div3A_242 = arith.divf %add3A_238, %add3A_241 : vector<1000x128xf32>
    %get3A_243 = arith.constant 0 : index
    %get3A_244 = arith.constant 0 : index
    %get3A_245 = vector.load %arg18[%get3A_243, %get3A_244] : memref<128x128xf32, #tpu.memory_space<vmem>>, vector<128x128xf32>
    %dot_general3A_246 = arith.constant dense<0.000000e+00> : vector<1000x128xf32>
    %dot_general3A_247 = tpu.matmul %div3A_242, %get3A_245, %dot_general3A_246 {dimension_numbers = #tpu.dot_dimension_numbers<[1], [0], [0], [1], [0, 0, 1, 1], [], []>, transpose_lhs_hint = false} : vector<1000x128xf32>, vector<128x128xf32>, vector<1000x128xf32> -> vector<1000x128xf32>
    %get3A_248 = arith.constant 2 : index
    %get3A_249 = arith.constant 0 : index
    %get3A_250 = vector.load %arg22[%get3A_248, %get3A_249] : memref<4x128xf32, #tpu.memory_space<vmem>>, vector<1x128xf32>
    %get3A_251 = vector.shape_cast %get3A_250 : vector<1x128xf32> to vector<128xf32>
    %broadcast_in_dim3A_252 = vector.shape_cast %get3A_251 : vector<128xf32> to vector<1x128xf32>
    %add3A_253 = vector.broadcast %broadcast_in_dim3A_252 : vector<1x128xf32> to vector<1000x128xf32>
    %add3A_254 = arith.addf %dot_general3A_247, %add3A_253 : vector<1000x128xf32>
    %eq3A_255 = arith.constant 2 : i32
    %eq3A_256 = vector.broadcast %eq3A_255 : i32 to vector<2500x128xi32>
    %eq3A_257 = arith.cmpi eq, %get3A_1, %eq3A_256 : vector<2500x128xi32>
    %jit3A_258 = arith.constant 1 : i32
    %jit3A_259 = arith.constant 0 : i32
    %broadcast_in_dim3A_260 = vector.broadcast %jit3A_258 : i32 to vector<2500x128xi32>
    %broadcast_in_dim3A_261 = vector.broadcast %jit3A_259 : i32 to vector<2500x128xi32>
    %select_n3A_262 = arith.select %eq3A_257, %broadcast_in_dim3A_260, %broadcast_in_dim3A_261 : vector<2500x128xi1>, vector<2500x128xi32>
    %reduce_sum3A_263 = vector.shape_cast %select_n3A_262 : vector<2500x128xi32> to vector<1x2500x128xi32>
    %reduce_sum3A_264 = arith.constant dense<0> : vector<1xi32>
    %reduce_sum3A_265 = vector.multi_reduction <add>, %reduce_sum3A_263, %reduce_sum3A_264 [1, 2] : vector<1x2500x128xi32> to vector<1xi32>
    %reduce_sum3A_266 = vector.shape_cast %reduce_sum3A_265 : vector<1xi32> to vector<1x1x1xi32>
    %reduce_sum3A_267 = vector.extract %reduce_sum3A_266[0, 0, 0] : i32 from vector<1x1x1xi32>
    %gt3A_268 = arith.constant 0 : i32
    %gt3A_269 = arith.cmpi sgt, %reduce_sum3A_267, %gt3A_268 : i32
    %jit3A_270 = arith.constant 0.000000e+00 : f32
    %broadcast_in_dim3A_271 = vector.broadcast %jit3A_270 : f32 to vector<1000x128xf32>
    %select_n3A_272 = arith.select %gt3A_269, %add3A_254, %broadcast_in_dim3A_271 : vector<1000x128xf32>
    %get3A_273 = arith.constant 0 : index
    %get3A_274 = arith.constant 0 : index
    %get3A_275 = vector.load %arg19[%get3A_273, %get3A_274] : memref<128x256xf32, #tpu.memory_space<vmem>>, vector<128x256xf32>
    %dot_general3A_276 = arith.constant dense<0.000000e+00> : vector<1000x256xf32>
    %dot_general3A_277 = tpu.matmul %select_n3A_272, %get3A_275, %dot_general3A_276 {dimension_numbers = #tpu.dot_dimension_numbers<[1], [0], [0], [1], [0, 0, 1, 1], [], []>, transpose_lhs_hint = false} : vector<1000x128xf32>, vector<128x256xf32>, vector<1000x256xf32> -> vector<1000x256xf32>
    %get3A_278 = arith.constant 0 : index
    %get3A_279 = arith.constant 0 : index
    %get3A_280 = vector.load %arg20[%get3A_278, %get3A_279] : memref<1x256xf32, #tpu.memory_space<vmem>>, vector<1x256xf32>
    %add3A_281 = vector.broadcast %get3A_280 : vector<1x256xf32> to vector<1000x256xf32>
    %add3A_282 = arith.addf %dot_general3A_277, %add3A_281 : vector<1000x256xf32>
    %tanh3A_283 = math.tanh %add3A_282 : vector<1000x256xf32>
    %get3A_284 = arith.constant 0 : index
    %get3A_285 = arith.constant 0 : index
    %get3A_286 = vector.load %arg21[%get3A_284, %get3A_285] : memref<1x256xf32, #tpu.memory_space<vmem>>, vector<1x256xf32>
    %mul3A_287 = vector.broadcast %get3A_286 : vector<1x256xf32> to vector<1000x256xf32>
    %mul3A_288 = arith.mulf %tanh3A_283, %mul3A_287 : vector<1000x256xf32>
    %reduce_sum3A_289 = arith.constant dense<0.000000e+00> : vector<1000xf32>
    %reduce_sum3A_290 = vector.multi_reduction <add>, %mul3A_288, %reduce_sum3A_289 [1] : vector<1000x256xf32> to vector<1000xf32>
    %broadcast_in_dim3A_291 = vector.shape_cast %reduce_sum3A_290 : vector<1000xf32> to vector<1000x1xf32>
    %get3A_292 = arith.constant 0 : index
    %get3A_293 = arith.constant 0 : index
    %get3A_294 = vector.load %arg4[%get3A_292, %get3A_293] : memref<1000x128xf32, #tpu.memory_space<vmem>>, vector<1000x128xf32>
    %get3A_295 = arith.constant 0 : index
    %get3A_296 = arith.constant 0 : index
    %get3A_297 = vector.load %arg8[%get3A_295, %get3A_296] : memref<1000x128xf32, #tpu.memory_space<vmem>>, vector<1000x128xf32>
    %add3A_298 = arith.addf %get3A_294, %get3A_297 : vector<1000x128xf32>
    %get3A_299 = arith.constant 0 : index
    %get3A_300 = arith.constant 0 : index
    %get3A_301 = arith.constant 0 : index
    %get3A_302 = vector.load %arg12[%get3A_299, %get3A_300, %get3A_301] : memref<2x1000x8xf32, #tpu.memory_space<vmem>>, vector<2x1000x8xf32>
    %reduce_sum3A_303 = arith.constant dense<0.000000e+00> : vector<1000x8xf32>
    %reduce_sum3A_304 = vector.multi_reduction <add>, %get3A_302, %reduce_sum3A_303 [0] : vector<2x1000x8xf32> to vector<1000x8xf32>
    %get3A_305 = arith.constant 3 : index
    %get3A_306 = arith.constant 0 : index
    %get3A_307 = arith.constant 0 : index
    %get3A_308 = vector.load %arg14[%get3A_305, %get3A_306, %get3A_307] : memref<4x1000x128xf32, #tpu.memory_space<vmem>>, vector<1x1000x128xf32>
    %get3A_309 = vector.shape_cast %get3A_308 : vector<1x1000x128xf32> to vector<1000x128xf32>
    %slice3A_310 = vector.extract_strided_slice %get3A_309 {offsets = [0, 0], sizes = [1000, 16], strides = [1, 1]} : vector<1000x128xf32> to vector<1000x16xf32>
    %get3A_311 = arith.constant 3 : index
    %get3A_312 = arith.constant 0 : index
    %get3A_313 = arith.constant 0 : index
    %get3A_314 = vector.load %arg15[%get3A_311, %get3A_312, %get3A_313] : memref<4x1000x128xf32, #tpu.memory_space<vmem>>, vector<1x1000x128xf32>
    %get3A_315 = vector.shape_cast %get3A_314 : vector<1x1000x128xf32> to vector<1000x128xf32>
    %slice3A_316 = vector.extract_strided_slice %get3A_315 {offsets = [0, 0], sizes = [1000, 16], strides = [1, 1]} : vector<1000x128xf32> to vector<1000x16xf32>
    %add3A_317 = arith.addf %slice3A_310, %slice3A_316 : vector<1000x16xf32>
    %gt3A_318 = arith.constant 0.000000e+00 : f32
    %gt3A_319 = vector.broadcast %gt3A_318 : f32 to vector<1000x16xf32>
    %gt3A_320 = arith.cmpf ogt, %add3A_317, %gt3A_319 : vector<1000x16xf32>
    %mul3A_321 = arith.constant 2.000000e-01 : f32
    %mul3A_322 = vector.broadcast %mul3A_321 : f32 to vector<1000x16xf32>
    %mul3A_323 = arith.mulf %add3A_317, %mul3A_322 : vector<1000x16xf32>
    %select_n3A_324 = arith.select %gt3A_320, %add3A_317, %mul3A_323 : vector<1000x16xi1>, vector<1000x16xf32>
    %exp3A_325 = math.exp %select_n3A_324 : vector<1000x16xf32>
    %slice3A_326 = vector.extract_strided_slice %exp3A_325 {offsets = [0, 0], sizes = [1000, 8], strides = [1, 1]} : vector<1000x16xf32> to vector<1000x8xf32>
    %dot_general3A_327 = arith.constant dense<0.000000e+00> : vector<1000x128xf32>
    %dot_general3A_328 = tpu.matmul %slice3A_326, %get3A_4, %dot_general3A_327 {dimension_numbers = #tpu.dot_dimension_numbers<[1], [0], [0], [1], [0, 0, 1, 1], [], []>, transpose_lhs_hint = false} : vector<1000x8xf32>, vector<8x128xf32>, vector<1000x128xf32> -> vector<1000x128xf32>
    %add3A_329 = arith.addf %reduce_sum3A_304, %slice3A_326 : vector<1000x8xf32>
    %dot_general3A_330 = arith.constant dense<0.000000e+00> : vector<1000x128xf32>
    %dot_general3A_331 = tpu.matmul %add3A_329, %get3A_4, %dot_general3A_330 {dimension_numbers = #tpu.dot_dimension_numbers<[1], [0], [0], [1], [0, 0, 1, 1], [], []>, transpose_lhs_hint = false} : vector<1000x8xf32>, vector<8x128xf32>, vector<1000x128xf32> -> vector<1000x128xf32>
    %get3A_332 = arith.constant 3 : index
    %get3A_333 = arith.constant 0 : index
    %get3A_334 = arith.constant 0 : index
    %get3A_335 = vector.load %arg13[%get3A_332, %get3A_333, %get3A_334] : memref<4x1000x128xf32, #tpu.memory_space<vmem>>, vector<1x1000x128xf32>
    %get3A_336 = vector.shape_cast %get3A_335 : vector<1x1000x128xf32> to vector<1000x128xf32>
    %mul3A_337 = arith.mulf %dot_general3A_328, %get3A_336 : vector<1000x128xf32>
    %add3A_338 = arith.addf %add3A_298, %mul3A_337 : vector<1000x128xf32>
    %add3A_339 = arith.constant 1.000000e-16 : f32
    %add3A_340 = vector.broadcast %add3A_339 : f32 to vector<1000x128xf32>
    %add3A_341 = arith.addf %dot_general3A_331, %add3A_340 : vector<1000x128xf32>
    %div3A_342 = arith.divf %add3A_338, %add3A_341 : vector<1000x128xf32>
    %get3A_343 = arith.constant 0 : index
    %get3A_344 = arith.constant 0 : index
    %get3A_345 = vector.load %arg18[%get3A_343, %get3A_344] : memref<128x128xf32, #tpu.memory_space<vmem>>, vector<128x128xf32>
    %dot_general3A_346 = arith.constant dense<0.000000e+00> : vector<1000x128xf32>
    %dot_general3A_347 = tpu.matmul %div3A_342, %get3A_345, %dot_general3A_346 {dimension_numbers = #tpu.dot_dimension_numbers<[1], [0], [0], [1], [0, 0, 1, 1], [], []>, transpose_lhs_hint = false} : vector<1000x128xf32>, vector<128x128xf32>, vector<1000x128xf32> -> vector<1000x128xf32>
    %get3A_348 = arith.constant 3 : index
    %get3A_349 = arith.constant 0 : index
    %get3A_350 = vector.load %arg22[%get3A_348, %get3A_349] : memref<4x128xf32, #tpu.memory_space<vmem>>, vector<1x128xf32>
    %get3A_351 = vector.shape_cast %get3A_350 : vector<1x128xf32> to vector<128xf32>
    %broadcast_in_dim3A_352 = vector.shape_cast %get3A_351 : vector<128xf32> to vector<1x128xf32>
    %add3A_353 = vector.broadcast %broadcast_in_dim3A_352 : vector<1x128xf32> to vector<1000x128xf32>
    %add3A_354 = arith.addf %dot_general3A_347, %add3A_353 : vector<1000x128xf32>
    %eq3A_355 = arith.constant 3 : i32
    %eq3A_356 = vector.broadcast %eq3A_355 : i32 to vector<2500x128xi32>
    %eq3A_357 = arith.cmpi eq, %get3A_1, %eq3A_356 : vector<2500x128xi32>
    %jit3A_358 = arith.constant 1 : i32
    %jit3A_359 = arith.constant 0 : i32
    %broadcast_in_dim3A_360 = vector.broadcast %jit3A_358 : i32 to vector<2500x128xi32>
    %broadcast_in_dim3A_361 = vector.broadcast %jit3A_359 : i32 to vector<2500x128xi32>
    %select_n3A_362 = arith.select %eq3A_357, %broadcast_in_dim3A_360, %broadcast_in_dim3A_361 : vector<2500x128xi1>, vector<2500x128xi32>
    %reduce_sum3A_363 = vector.shape_cast %select_n3A_362 : vector<2500x128xi32> to vector<1x2500x128xi32>
    %reduce_sum3A_364 = arith.constant dense<0> : vector<1xi32>
    %reduce_sum3A_365 = vector.multi_reduction <add>, %reduce_sum3A_363, %reduce_sum3A_364 [1, 2] : vector<1x2500x128xi32> to vector<1xi32>
    %reduce_sum3A_366 = vector.shape_cast %reduce_sum3A_365 : vector<1xi32> to vector<1x1x1xi32>
    %reduce_sum3A_367 = vector.extract %reduce_sum3A_366[0, 0, 0] : i32 from vector<1x1x1xi32>
    %gt3A_368 = arith.constant 0 : i32
    %gt3A_369 = arith.cmpi sgt, %reduce_sum3A_367, %gt3A_368 : i32
    %jit3A_370 = arith.constant 0.000000e+00 : f32
    %broadcast_in_dim3A_371 = vector.broadcast %jit3A_370 : f32 to vector<1000x128xf32>
    %select_n3A_372 = arith.select %gt3A_369, %add3A_354, %broadcast_in_dim3A_371 : vector<1000x128xf32>
    %get3A_373 = arith.constant 0 : index
    %get3A_374 = arith.constant 0 : index
    %get3A_375 = vector.load %arg19[%get3A_373, %get3A_374] : memref<128x256xf32, #tpu.memory_space<vmem>>, vector<128x256xf32>
    %dot_general3A_376 = arith.constant dense<0.000000e+00> : vector<1000x256xf32>
    %dot_general3A_377 = tpu.matmul %select_n3A_372, %get3A_375, %dot_general3A_376 {dimension_numbers = #tpu.dot_dimension_numbers<[1], [0], [0], [1], [0, 0, 1, 1], [], []>, transpose_lhs_hint = false} : vector<1000x128xf32>, vector<128x256xf32>, vector<1000x256xf32> -> vector<1000x256xf32>
    %get3A_378 = arith.constant 0 : index
    %get3A_379 = arith.constant 0 : index
    %get3A_380 = vector.load %arg20[%get3A_378, %get3A_379] : memref<1x256xf32, #tpu.memory_space<vmem>>, vector<1x256xf32>
    %add3A_381 = vector.broadcast %get3A_380 : vector<1x256xf32> to vector<1000x256xf32>
    %add3A_382 = arith.addf %dot_general3A_377, %add3A_381 : vector<1000x256xf32>
    %tanh3A_383 = math.tanh %add3A_382 : vector<1000x256xf32>
    %get3A_384 = arith.constant 0 : index
    %get3A_385 = arith.constant 0 : index
    %get3A_386 = vector.load %arg21[%get3A_384, %get3A_385] : memref<1x256xf32, #tpu.memory_space<vmem>>, vector<1x256xf32>
    %mul3A_387 = vector.broadcast %get3A_386 : vector<1x256xf32> to vector<1000x256xf32>
    %mul3A_388 = arith.mulf %tanh3A_383, %mul3A_387 : vector<1000x256xf32>
    %reduce_sum3A_389 = arith.constant dense<0.000000e+00> : vector<1000xf32>
    %reduce_sum3A_390 = vector.multi_reduction <add>, %mul3A_388, %reduce_sum3A_389 [1] : vector<1000x256xf32> to vector<1000xf32>
    %broadcast_in_dim3A_391 = vector.shape_cast %reduce_sum3A_390 : vector<1000xf32> to vector<1000x1xf32>
    %max3A = arith.maximumf %broadcast_in_dim3A_91, %broadcast_in_dim3A_191 : vector<1000x1xf32>
    %max3A_392 = arith.maximumf %broadcast_in_dim3A_291, %broadcast_in_dim3A_391 : vector<1000x1xf32>
    %max3A_393 = arith.maximumf %max3A, %max3A_392 : vector<1000x1xf32>
    %sub3A = arith.subf %broadcast_in_dim3A_91, %max3A_393 : vector<1000x1xf32>
    %exp3A_394 = math.exp %sub3A : vector<1000x1xf32>
    %sub3A_395 = arith.subf %broadcast_in_dim3A_191, %max3A_393 : vector<1000x1xf32>
    %exp3A_396 = math.exp %sub3A_395 : vector<1000x1xf32>
    %sub3A_397 = arith.subf %broadcast_in_dim3A_291, %max3A_393 : vector<1000x1xf32>
    %exp3A_398 = math.exp %sub3A_397 : vector<1000x1xf32>
    %sub3A_399 = arith.subf %broadcast_in_dim3A_391, %max3A_393 : vector<1000x1xf32>
    %exp3A_400 = math.exp %sub3A_399 : vector<1000x1xf32>
    %add3A_401 = arith.addf %exp3A_394, %exp3A_396 : vector<1000x1xf32>
    %add3A_402 = arith.addf %add3A_401, %exp3A_398 : vector<1000x1xf32>
    %add3A_403 = arith.addf %add3A_402, %exp3A_400 : vector<1000x1xf32>
    %mul3A_404 = vector.broadcast %exp3A_394 : vector<1000x1xf32> to vector<1000x128xf32>
    %mul3A_405 = arith.mulf %mul3A_404, %select_n3A_73 : vector<1000x128xf32>
    %mul3A_406 = vector.broadcast %exp3A_396 : vector<1000x1xf32> to vector<1000x128xf32>
    %mul3A_407 = arith.mulf %mul3A_406, %select_n3A_172 : vector<1000x128xf32>
    %add3A_408 = arith.addf %mul3A_405, %mul3A_407 : vector<1000x128xf32>
    %mul3A_409 = vector.broadcast %exp3A_398 : vector<1000x1xf32> to vector<1000x128xf32>
    %mul3A_410 = arith.mulf %mul3A_409, %select_n3A_272 : vector<1000x128xf32>
    %add3A_411 = arith.addf %add3A_408, %mul3A_410 : vector<1000x128xf32>
    %mul3A_412 = vector.broadcast %exp3A_400 : vector<1000x1xf32> to vector<1000x128xf32>
    %mul3A_413 = arith.mulf %mul3A_412, %select_n3A_372 : vector<1000x128xf32>
    %add3A_414 = arith.addf %add3A_411, %mul3A_413 : vector<1000x128xf32>
    %div3A_415 = vector.broadcast %add3A_403 : vector<1000x1xf32> to vector<1000x128xf32>
    %div3A_416 = arith.divf %add3A_414, %div3A_415 : vector<1000x128xf32>
    %swap3A = arith.constant 0 : index
    %swap3A_417 = arith.constant 0 : index
    %swap3A_418 = vector.load %arg23[%swap3A, %swap3A_417] : memref<1000x128xf32, #tpu.memory_space<vmem>>, vector<1000x128xf32>
    tpu.vector_store %arg23[%swap3A, %swap3A_417], %div3A_416 {strides = array<i32>} : memref<1000x128xf32, #tpu.memory_space<vmem>>, vector<1000x128xf32>,
    return
  }
  func.func @transform_0(%arg0: i32) -> (i32, i32) {
    %c0_i32 = arith.constant 0 : i32
    %c0_i32_0 = arith.constant 0 : i32
    return %arg0, %c0_i32 : i32, i32
  }
  func.func @transform_1(%arg0: i32) -> (i32, i32) {
    %c0_i32 = arith.constant 0 : i32
    %c0_i32_0 = arith.constant 0 : i32
    return %arg0, %c0_i32 : i32, i32
  }
  func.func @transform_2(%arg0: i32) -> (i32, i32) {
    %c0_i32 = arith.constant 0 : i32
    %c0_i32_0 = arith.constant 0 : i32
    return %arg0, %c0_i32 : i32, i32
  }
  func.func @transform_3(%arg0: i32) -> (i32, i32) {
    %c0_i32 = arith.constant 0 : i32
    %c0_i32_0 = arith.constant 0 : i32
    return %arg0, %c0_i32 : i32, i32
  }
  func.func @transform_4(%arg0: i32) -> (i32, i32) {
    %c0_i32 = arith.constant 0 : i32
    %c0_i32_0 = arith.constant 0 : i32
    return %arg0, %c0_i32 : i32, i32
  }
  func.func @transform_5(%arg0: i32) -> (i32, i32) {
    %c0_i32 = arith.constant 0 : i32
    %c0_i32_0 = arith.constant 0 : i32
    return %arg0, %c0_i32 : i32, i32
  }
  func.func @transform_6(%arg0: i32) -> (i32, i32) {
    %c0_i32 = arith.constant 0 : i32
    %c0_i32_0 = arith.constant 0 : i32
    return %arg0, %c0_i32 : i32, i32
  }
  func.func @transform_7(%arg0: i32) -> (i32, i32) {
    %c0_i32 = arith.constant 0 : i32
    %c0_i32_0 = arith.constant 0 : i32
    return %arg0, %c0_i32 : i32, i32
  }
  func.func @transform_8(%arg0: i32) -> (i32, i32, i32) {
    %c0_i32 = arith.constant 0 : i32
    %c0_i32_0 = arith.constant 0 : i32
    %c0_i32_1 = arith.constant 0 : i32
    return %c0_i32, %arg0, %c0_i32_0 : i32, i32, i32
  }
  func.func @transform_9(%arg0: i32) -> (i32, i32, i32) {
    %c0_i32 = arith.constant 0 : i32
    %c0_i32_0 = arith.constant 0 : i32
    %c0_i32_1 = arith.constant 0 : i32
    return %c0_i32, %arg0, %c0_i32_0 : i32, i32, i32
  }
  func.func @transform_10(%arg0: i32) -> (i32, i32, i32) {
    %c0_i32 = arith.constant 0 : i32
    %c0_i32_0 = arith.constant 0 : i32
    %c0_i32_1 = arith.constant 0 : i32
    return %c0_i32, %arg0, %c0_i32_0 : i32, i32, i32
  }
  func.func @transform_11(%arg0: i32) -> (i32, i32, i32) {
    %c0_i32 = arith.constant 0 : i32
    %c0_i32_0 = arith.constant 0 : i32
    %c0_i32_1 = arith.constant 0 : i32
    return %c0_i32, %arg0, %c0_i32_0 : i32, i32, i32
  }
  func.func @transform_12(%arg0: i32) -> (i32, i32, i32) {
    %c0_i32 = arith.constant 0 : i32
    %c0_i32_0 = arith.constant 0 : i32
    %c0_i32_1 = arith.constant 0 : i32
    return %c0_i32, %arg0, %c0_i32_0 : i32, i32, i32
  }
  func.func @transform_13(%arg0: i32) -> (i32, i32, i32) {
    %c0_i32 = arith.constant 0 : i32
    %c0_i32_0 = arith.constant 0 : i32
    %c0_i32_1 = arith.constant 0 : i32
    return %c0_i32, %arg0, %c0_i32_0 : i32, i32, i32
  }
  func.func @transform_14(%arg0: i32) -> (i32, i32, i32) {
    %c0_i32 = arith.constant 0 : i32
    %c0_i32_0 = arith.constant 0 : i32
    %c0_i32_1 = arith.constant 0 : i32
    return %c0_i32, %arg0, %c0_i32_0 : i32, i32, i32
  }
  func.func @transform_15(%arg0: i32) -> (i32, i32) {
    %c0_i32 = arith.constant 0 : i32
    %c0_i32_0 = arith.constant 0 : i32
    %c0_i32_1 = arith.constant 0 : i32
    return %c0_i32, %c0_i32_0 : i32, i32
  }
  func.func @transform_16(%arg0: i32) -> (i32, i32) {
    %c0_i32 = arith.constant 0 : i32
    %c0_i32_0 = arith.constant 0 : i32
    %c0_i32_1 = arith.constant 0 : i32
    return %c0_i32, %c0_i32_0 : i32, i32
  }
  func.func @transform_17(%arg0: i32) -> (i32, i32) {
    %c0_i32 = arith.constant 0 : i32
    %c0_i32_0 = arith.constant 0 : i32
    %c0_i32_1 = arith.constant 0 : i32
    return %c0_i32, %c0_i32_0 : i32, i32
  }
  func.func @transform_18(%arg0: i32) -> (i32, i32) {
    %c0_i32 = arith.constant 0 : i32
    %c0_i32_0 = arith.constant 0 : i32
    %c0_i32_1 = arith.constant 0 : i32
    return %c0_i32, %c0_i32_0 : i32, i32
  }
  func.func @transform_19(%arg0: i32) -> (i32, i32) {
    %c0_i32 = arith.constant 0 : i32
    %c0_i32_0 = arith.constant 0 : i32
    %c0_i32_1 = arith.constant 0 : i32
    return %c0_i32, %c0_i32_0 : i32, i32
  }
  func.func @transform_20(%arg0: i32) -> (i32, i32) {
    %c0_i32 = arith.constant 0 : i32
    %c0_i32_0 = arith.constant 0 : i32
    %c0_i32_1 = arith.constant 0 : i32
    return %c0_i32, %c0_i32_0 : i32, i32
  }
  func.func @transform_21(%arg0: i32) -> (i32, i32) {
    %c0_i32 = arith.constant 0 : i32
    %c0_i32_0 = arith.constant 0 : i32
    %c0_i32_1 = arith.constant 0 : i32
    return %c0_i32, %c0_i32_0 : i32, i32
  }
  func.func @transform_22(%arg0: i32) -> (i32, i32) {
    %c0_i32 = arith.constant 0 : i32
    %c0_i32_0 = arith.constant 0 : i32
    return %arg0, %c0_i32 : i32, i32
  }
}

</mosaic_0001>

<sc_bundles>
// kernel: kernel.11.cloned.1.call-start
scs
__scs_entry_jumppad:
0x0: {  	(pc) =	sbr.rel $0x88, $3  }
0x1: {  	(tag) =	ssettag $0x0;
	lr =	simm.s32 $0x1  }
0x2: {  	[smem:$0x3F97] =	sst lr;
	_ =	strace $0xD0000000  }
0x3: {  	_ = 	snop  }
0x4: {  	_ = 	snop  }
0x5: {  	_ = 	snop  }
0x6: {  	_ = 	snop  }
0x7: {  	_ = 	snop  }
__scs_overlays_trampoline_lowered:
0x8: {  	[smem:$0x3FA6] =	sst s0  }
0x9: {  	[smem:$0x3FA7] =	sst s1  }
0xa: {  	[smem:$0x3FA8] =	sst s2  }
0xb: {  	[smem:$0x3FA9] =	sst s3  }
0xc: {  	[smem:$0x3FAA] =	sst s4  }
0xd: {  	[smem:$0x3FAB] =	sst s5  }
0xe: {  	[smem:$0x3FAC] =	sst s6  }
0xf: {  	[smem:$0x3FAD] =	sst s7  }
0x10: {  	[smem:$0x3FAE] =	sst s8  }
0x11: {  	[smem:$0x3FAF] =	sst s9;
	s0 =	simm.s32 @!p0 $0x0  }
0x12: {  	s1 =	sld [smem:$0x3F95];
	s0 =	simm.s32 @p0 $0x1  }
0x13: {  	[smem:$0x3FB0] =	sst s0;
	s0 =	simm.s32 @!p1 $0x0  }
0x14: {  	s2 =	sld [smem:$0x3F94];
	s0 =	simm.s32 @p1 $0x1  }
0x15: {  	[smem:$0x3FB1] =	sst s0;
	s0 =	simm.s32 @!p2 $0x0  }
0x16: {  	s3 =	sld [smem:$0x3FDB];
	s0 =	simm.s32 @p2 $0x1  }
0x17: {  	s4 =	simm.s32 $0x1BF5;
	[smem:$0x3FB3] =	sst s0  }
0x18: {  	s0 =	sld [smem:$0x3F96];
	_ =	swait.ge [sflag:s4], $0x0  }
0x19: {  	s7 =	sld [smem:$0x3F97]  }
0x1a: {  	s8 =	sadd.s32 $0xFFFFE003, lr  }
0x1b: {  	s9 =	sadd.s32 $0xFFFFFEF7, lr;
	s5 =	simm.s32 $0xFFFFFFFF;
	p2 =	slt.u32 s8, $0xFFFFF086  }
0x1c: {  	p1 =	slt.u32 s9, $0xF7A;
	s5 =	simm.s32 @!p2 $0x0  }
0x1d: {  	s5 =	simm.s32 @p1 $0x1;
	p0 =	seq.s32 s7, s2  }
0x1e: {  	s7 =	smul.u32 @!p0 $0xF7A, s2;
	p2 =	seq.s32 @!p0 s5, $0x0  }
0x1f: {  	s9 =	smul.u32 $0xF7A, s1;
	s8 =	simm.s32 @!p0 $0x1BF5;
	p2 =	por !p2, p0  }
0x20: {  	[sflag:s8] =	ssyncset.s32 @!p0 $0xFFFFF086;
	s6 =	sadd.s32 @!p0 s3, s7;
	s7 =	simm.s32 @!p0 $0x108  }
0x21: {  	s3 =	sadd.s32 s3, s9;
	s6 =	sadd.s32 @!p0 $0x88, s6;
	s7 =	simm.s32 @p2 $0x1082  }
0x22: {  	[simem:s7], [sflag:s8] =	dma.local @!p0 [hbm:s6], $0xF7A  }
0x23: {  	s9 =	sor.u32 $0xD0000000, s2;
	s6 =	simm.s32 $0x108;
	_ =	swait.ge @!p0 [sflag:s8], $0x0  }
0x24: {  	s3 =	sadd.s32 $0x88, s3;
	s6 =	simm.s32 @!p1 $0x1082;
	[sflag:s4] =	ssyncset.s32 $0xFFFFF086  }
0x25: {  	[simem:s6], [sflag:s4] =	dma.local [hbm:s3], $0xF7A  }
0x26: {  	[smem:$0x3F97] =	sst s1;
	(tag) =	ssettag s2;
	_ =	strace s9  }
0x27: {  	s1 =	sld [smem:$0x3FA7]  }
0x28: {  	s2 =	sld [smem:$0x3FA8]  }
0x29: {  	s4 =	sld [smem:$0x3FAA]  }
0x2a: {  	p0 =	seq.s32 s5, $0x0;
	s5 =	sld [smem:$0x3FAB]  }
0x2b: {  	s6 =	sld [smem:$0x3FAC]  }
0x2c: {  	s7 =	sld [smem:$0x3FAD]  }
0x2d: {  	s3 =	simm.s32 $0x108;
	s8 =	sld [smem:$0x3FAE]  }
0x2e: {  	s3 =	simm.s32 @!p0 $0x1082;
	s9 =	sld [smem:$0x3FAF]  }
0x2f: {  	lr =	sadd.s32 s0, s3;
	s0 =	sld [smem:$0x3FA6]  }
0x30: {  	s3 =	sld [smem:$0x3FA9]  }
0x31: {  	[smem:$0x3FB2] =	sst s10  }
0x32: {  	s10 =	sld [smem:$0x3FB0];
	_ =	sdelay $0x3  }
0x33: {  	p0 =	seq.s32 s10, $0x1;
	s10 =	sld [smem:$0x3FB2];
	_ =	sdelay $0x3  }
0x34: {  	[smem:$0x3FB2] =	sst s10  }
0x35: {  	s10 =	sld [smem:$0x3FB1];
	_ =	sdelay $0x3  }
0x36: {  	p1 =	seq.s32 s10, $0x1;
	s10 =	sld [smem:$0x3FB2];
	_ =	sdelay $0x3  }
0x37: {  	[smem:$0x3FB2] =	sst s10  }
0x38: {  	s10 =	sld [smem:$0x3FB3]  }
0x39: {  	_ = 	snop;
	(pc) =	sbr.ind lr, $3  }
0x3a: {  	_ = 	snop  }
0x3b: {  	_ = 	snop  }
0x3c: {  	p2 =	seq.s32 s10, $0x1;
	s10 =	sld [smem:$0x3FB2]  }
0x3d: {  	_ =	shalt  }
0x3e: {  	_ =	shalt  }
0x3f: {  	_ =	shalt  }
0x40: {  	_ =	shalt  }
0x41: {  	_ =	shalt  }
0x42: {  	_ =	shalt  }
0x43: {  	_ =	shalt  }
0x44: {  	_ =	shalt  }
0x45: {  	_ =	shalt  }
0x46: {  	_ =	shalt  }
0x47: {  	_ =	shalt  }
0x48: {  	_ =	shalt  }
0x49: {  	_ =	shalt  }
0x4a: {  	_ =	shalt  }
0x4b: {  	_ =	shalt  }
0x4c: {  	_ =	shalt  }
0x4d: {  	_ =	shalt  }
0x4e: {  	_ =	shalt  }
0x4f: {  	_ =	shalt  }
0x50: {  	_ =	shalt  }
0x51: {  	_ =	shalt  }
0x52: {  	_ =	shalt  }
0x53: {  	_ =	shalt  }
0x54: {  	_ =	shalt  }
0x55: {  	_ =	shalt  }
0x56: {  	_ =	shalt  }
0x57: {  	_ =	shalt  }
0x58: {  	_ =	shalt  }
0x59: {  	_ =	shalt  }
0x5a: {  	_ =	shalt  }
0x5b: {  	_ =	shalt  }
0x5c: {  	_ =	shalt  }
0x5d: {  	_ =	shalt  }
0x5e: {  	_ =	shalt  }
0x5f: {  	_ =	shalt  }
0x60: {  	_ =	shalt  }
0x61: {  	_ =	shalt  }
0x62: {  	_ =	shalt  }
0x63: {  	_ =	shalt  }
0x64: {  	_ =	shalt  }
0x65: {  	_ =	shalt  }
0x66: {  	_ =	shalt  }
0x67: {  	_ =	shalt  }
0x68: {  	_ =	shalt  }
0x69: {  	_ =	shalt  }
0x6a: {  	_ =	shalt  }
0x6b: {  	_ =	shalt  }
0x6c: {  	_ =	shalt  }
0x6d: {  	_ =	shalt  }
0x6e: {  	_ =	shalt  }
0x6f: {  	_ =	shalt  }
0x70: {  	_ =	shalt  }
0x71: {  	_ =	shalt  }
0x72: {  	_ =	shalt  }
0x73: {  	_ =	shalt  }
0x74: {  	_ =	shalt  }
0x75: {  	_ =	shalt  }
0x76: {  	_ =	shalt  }
0x77: {  	_ =	shalt  }
0x78: {  	_ =	shalt  }
0x79: {  	_ =	shalt  }
0x7a: {  	_ =	shalt  }
0x7b: {  	_ =	shalt  }
0x7c: {  	_ =	shalt  }
0x7d: {  	_ =	shalt  }
0x7e: {  	_ =	shalt  }
0x7f: {  	_ =	shalt  }
0x80: {  	_ =	shalt  }
0x81: {  	_ =	shalt  }
0x82: {  	_ =	shalt  }
0x83: {  	_ =	shalt  }
0x84: {  	_ =	shalt  }
0x85: {  	_ =	shalt  }
0x86: {  	_ =	shalt  }
0x87: {  	_ =	shalt  }
.Lfunc_end0:
.L_simem_size_0:
called_computation.1_lowered:
.L_overlay_start_0:
0x88: {  	s2 =	sld [smem:$0x3FD9]  }
0x89: {  	s3 =	sld [smem:$0x3FFE];
	_ =	sdelay $0x1  }
0x8a: {  	s1 =	srdreg.scid  }
0x8b: {  	s0 =	sand.u32 $0x1, s1  }
0x8c: {  	s17 =	sshll.u32 s0, $0xA;
	s2 =	sadd.s32 s3, s2  }
0x8d: {  	s2 =	sadd.s32 s2, s17  }
0x8e: {  	[smem:$0x3FBE] =	sst s2  }
0x8f: {  	_ = 	snop  }
0x90: {  	s18 =	sld [smem:$0x3FC7];
	(tm) =	ssettm $0x1  }
0x91: {  	s19 =	sld [smem:$0x3FFB];
	_ =	sdelay $0x3  }
0x92: {  	_ =	strace s19  }
0x93: {  	s2 =	sld [smem:$0x3FFC];
	_ =	sdelay $0x3  }
0x94: {  	_ =	strace s2  }
0x95: {  	s2 =	sld [smem:$0x3FFD];
	_ =	sdelay $0x3  }
0x96: {  	_ =	strace s2  }
0x97: {  	_ =	strace $0x8FFFFFFF  }
0x98: {  	s20 =	sld [smem:$0x3FDB];
	_ =	sdelay $0x1  }
0x99: {  	s4 =	simm.s32 $_scs_section_size  }
0x9a: {  	s5 =	simm.s32 $_size__tile_overlayer_lowered;
	s6 =	simm.s32 $_tile_overlayer_lowered  }
0x9b: {  	s7 =	simm.s32 $0x1BFF;
	s21 =	sshll.u32 s6, $0x1;
	s4 =	sadd.s32 s4, s20  }
0x9c: {  	s22 =	simm.s32 $0x0;
	s5 =	sshll.u32 s5, $0x1;
	s6 =	sadd.s32 s21, s4  }
0x9d: {  	[timem:s22], [sflag:s7] =	dma.local [hbm:s6], s5  }
0x9e: {  	_ =	swait.ge [sflag:s7], s5  }
0x9f: {  	s5 =	ssub.s32 $0x0, s5;
	[sflag:s7] =	ssyncset.done $0x0  }
0xa0: {  	[sflag:s7] =	ssyncadd.s32 s5;
	_ =	sdelay $0x1  }
0xa1: {  	s23 =	simm.s32 $0x1B8B  }
0xa2: {  	_ =	swait.ge [sflag:s23], $0x1  }
0xa3: {  	[sflag:s23] =	ssyncset.done $0x0  }
0xa4: {  	[sflag:s23] =	ssyncadd.s32 $0xFFFFFFFF  }
0xa5: {  	s5 =	sld [smem:$0x0]  }
0xa6: {  	s6 =	sand.u32 $0xFFFFFFFE, s1  }
0xa7: {  	p0 =	sne.s32 s1, s6  }
0xa8: {  	s6 =	sshll.u32 @p0 s6, $0xE  }
0xa9: {  	s6 =	sadd.s32 @p0 $0x11B8D, s6;
	s7 =	sshll.u32 @p0 s5, $0x11  }
0xaa: {  	s6 =	sor.u32 @p0 s7, s6  }
0xab: {  	[sflag:s6] =	ssyncadd.remote.s32 @p0 $0x1;
	_ =	sdelay $0x1  }
0xac: {  	s6 =	simm.s32 @p0 $0x1B8D  }
0xad: {  	_ =	swait.eq @p0 [sflag:s6], $0x1  }
0xae: {  	[sflag:s6] =	ssyncadd.s32 @p0 $0xFFFFFFFF  }
0xaf: {  	s7 =	sshll.u32 @!p0 s1, $0xE  }
0xb0: {  	s7 =	sor.u32 @!p0 $0x4000, s7;
	s6 =	simm.s32 @!p0 $0x1B8D  }
0xb1: {  	s5 =	sshll.u32 @!p0 s5, $0x11;
	s7 =	sadd.s32 @!p0 $0x11B8D, s7;
	_ =	swait.eq @!p0 [sflag:s6], $0x1  }
0xb2: {  	s5 =	sor.u32 @!p0 s5, s7;
	[sflag:s6] =	ssyncadd.s32 @!p0 $0xFFFFFFFF  }
0xb3: {  	s25 =	simm.s32 $0x1B8E;
	s24 =	sld [smem:$0x3FFE];
	[sflag:s5] =	ssyncadd.remote.s32 @!p0 $0x1  }
0xb4: {  	s26 =	simm.s32 $execute0_lowered;
	[smem:$0x3FD2] =	sst s25  }
0xb5: {  	s6 =	sshll.u32 s26, $0x1;
	_ =	strace $0x8000004C;
	[dreg:$0x1] =	wrdreg $0xFFFFFFFF  }
0xb6: {  	s28 =	simm.s32 $_size_execute0_lowered;
	s4 =	sadd.s32 s4, s6;
	[dreg:$0x0] =	wrdreg $0x0  }
0xb7: {  	s6 =	sshll.u32 s28, $0x1;
	[dreg:$0x2] =	wrdreg s4  }
0xb8: {  	[dreg:$0x3] =	wrdreg s6  }
0xb9: {  	[dreg:$0x4] =	wrdreg $0xC0  }
0xba: {  	_ =	task [dreg:s22], $0x5FFFF  }
0xbb: {  	[dreg:$0x1] =	wrdreg $0xFFFFFFFF  }
0xbc: {  	[dreg:$0x0] =	wrdreg $0x60  }
0xbd: {  	[dreg:$0x2] =	wrdreg s24  }
0xbe: {  	[dreg:$0x3] =	wrdreg s18  }
0xbf: {  	[dreg:$0x4] =	wrdreg $0xA3000  }
0xc0: {  	[dreg:$0x5] =	wrdreg $0xA  }
0xc1: {  	_ =	task.clear_ibuf [dreg:s22], $0x6FFFF;
	_ =	strace $0x9000004C  }
0xc2: {  	s29 =	simm.s32 $0xA;
	_ =	strace $0x8000004E  }
0xc3: {  	_ =	swait.ge [sflag:s29], $0x1  }
0xc4: {  	[sflag:s29] =	ssyncadd.s32 $0xFFFFFFFF  }
0xc5: {  	_ =	strace $0x9000004E  }
0xc6: {  	_ =	sfence  }
0xc7: {  	s30 =	sld [smem:$0x0];
	_ =	sdelay $0x2  }
0xc8: {  	s31 =	sshll.u32 s1, $0xD;
	s1 =	sshrl.u32 s1, $0x2  }
0xc9: {  	s4 =	sand.u32 $0x4000, s31;
	s1 =	sadd.s32 s1, s30  }
0xca: {  	s0 =	sor.u32 s4, s0;
	s1 =	sshll.u32 s1, $0x11  }
0xcb: {  	s0 =	sor.u32 s1, s0  }
0xcc: {  	s0 =	sadd.s32 $0x8F2B, s0  }
0xcd: {  	[sflag:s0] =	ssyncadd.remote.s32 $0x1  }
0xce: {  	_ =	sfence.sel $0xFFFF  }
0xcf: {  	[dreg:$0x0] =	wrdreg $0xFFFFFFFF;
	(pc) =	sbr.abs _section_cstart, $3  }
0xd0: {  	[dreg:$0x1] =	wrdreg $0xFFFFFFFF  }
0xd1: {  	_ =	task.clear_ibuf [dreg:s22], $0x2FFFF;
	_ =	strace $0x9FFFFFFF  }
0xd2: {  	(tm) =	ssettm $0x7FFFFFFF  }
0xd3: {  	_ =	shalt  }
tec
execute0_lowered:
.L_overlay_start_1:
0x0: {  	(tag) =	ssettag $0x1  }
0x1: {  	s0 =	rddreg [dreg:$0x0]  }
0x2: {  	s1 =	rddreg [dreg:$0x1]  }
0x3: {  	s2 =	rddreg [dreg:$0x2];
	s3 =	simm.s32 $0x0  }
0x4: {  	s10 =	srdreg.scid;
	s14 =	stileid.u32;
	s17 =	simm.s32 $0x100  }
0x5: {  	s18 =	simm.s32 $0x50;
	s19 =	simm.s32 $0x300;
	s20 =	simm.s32 $0x1  }
0x6: {  	s21 =	simm.s32 $0x2B00;
	s22 =	simm.s32 $0x5300;
	s23 =	simm.s32 $0x280  }
0x7: {  	s24 =	simm.s32 $0x180;
	s25 =	simm.s32 $0x200;
	[smem:$0x7FF] =	sst s3  }
0x8: {  	s4 =	sadd.s32 $0xF800, s0;
	s5 =	sadd.s32 $0x5A00, s0;
	s6 =	sadd.s32 $0x215400, s0  }
0x9: {  	s7 =	sadd.s32 $0x327200, s0;
	s8 =	sadd.s32 $0x300000, s0;
	s9 =	sadd.s32 $0x5800, s0  }
0xa: {  	s11 =	sand.u32 $0x1, s10;
	s15 =	sshll.u32 s14, $0x1;
	s31 =	sadd.s32 $0x39C800, s0  }
0xb: {  	p0 =	sne.s32 s14, $0x0;
	_ =	strace $0x8000004D;
	s12 =	smul.u32 $0x29880, s11  }
0xc: {  	s13 =	ssub.s32 $0x2, s11;
	[dreg:$0x4] =	wrdreg s31;
	s11 =	sor.u32 s11, s15  }
0xd: {  	s14 =	sshrl.u32 @!p0 s2, $0x3;
	s15 =	simm.s32 $0x2;
	s16 =	sshrl.u32 s13, $0x1  }
0xe: {  	s11 =	smul.u32 $0x2710, s11;
	s0 =	sadd.s32 s12, s0;
	s13 =	ssub.s32 s13, s16  }
0xf: {  	s16 =	simm.s32 $0x80;
	s12 =	sadd.s32 $0x46C600, s0;
	s13 =	smax.u32 s13, $0x1  }
.LBB2_1:
0x10: {  	s0 =	simm.s32 @!p0 $0x1C02;
	s10 =	rddreg [dreg:$0x4]  }
0x11: {  	[spmem:s14], [sflag:s0] =	dma.local @!p0 [hbm:s10], $0x29830  }
0x12: {  	s0 =	simm.s32 @!p0 $0x2  }
0x13: {  	_ =	swait.ge @!p0 [sflag:s0], $0x29830  }
0x14: {  	[sflag:s0] =	ssyncset.done @!p0 $0x0  }
0x15: {  	[sflag:s0] =	ssyncadd.s32 @!p0 $0xFFFD67D0  }
0x16: {  	s26 =	simm.s32 $0x0;
	[bflag:$0x0] =	sbarrier.arrive $0xFFFF  }
.LBB2_2:
0x17: {  	s0 =	smul.u32 $0x50, s26;
	_ =	sdelay $0x1  }
0x18: {  	s0 =	sadd.s32 s11, s0  }
0x19: {  	s0 =	sshrl.u32 s0, $0x3  }
0x1a: {  	s29 =	simm.s32 $0x0;
	s28 =	sadd.s32 s4, s0  }
0x1b: {  	[tilespmem:s29], [sflag:$0x2] =	stream.linear.gather [hbm4b:s28+s29], $0x50, $0x38;
	[tilespmem:$0x1EF18] =	vst v63  }
0x1c: {  	_ =	swait.ge [sflag:s15], $0x50  }
0x1d: {  	[sflag:s15] =	ssyncset.done $0x0  }
0x1e: {  	s28 =	sadd.s32 s5, s0;
	[sflag:s15] =	ssyncadd.s32 $0xFFFFFFB0  }
0x1f: {  	[tilespmem:s16], [sflag:$0x2] =	stream.linear.gather [hbm4b:s28+s29], $0x50, $0x38;
	[tilespmem:$0x1EF18] =	vst v63  }
0x20: {  	_ =	swait.ge [sflag:s15], $0x50  }
0x21: {  	[sflag:s15] =	ssyncset.done $0x0  }
0x22: {  	s0 =	sadd.s32 s1, s0;
	[sflag:s15] =	ssyncadd.s32 $0xFFFFFFB0  }
0x23: {  	[tilespmem:s17], [sflag:$0x2] =	stream.linear.gather [hbm4b:s0+s29], $0x50, $0x38;
	[tilespmem:$0x1EF18] =	vst v63  }
0x24: {  	_ =	swait.ge [sflag:s15], $0x50  }
0x25: {  	[sflag:s15] =	ssyncset.done $0x0  }
0x26: {  	[sflag:s15] =	ssyncadd.s32 $0xFFFFFFB0  }
0x27: {  	[tilespmem:s19], [sflag:$0x1] =	stream.indirect.gather [hbm4b:s6+s18], $0x80, s29, s18, $0xb8;
	[tilespmem:$0x1EF18] =	vst v63  }
0x28: {  	_ =	swait.ge [sflag:s20], $0x2800  }
0x29: {  	[sflag:s20] =	ssyncset.done $0x0  }
0x2a: {  	[sflag:s20] =	ssyncadd.s32 $0xFFFFD800  }
0x2b: {  	[tilespmem:s21], [sflag:$0x1] =	stream.indirect.gather [hbm4b:s7+s18], $0x80, s16, s18, $0xb8;
	[tilespmem:$0x1EF18] =	vst v63  }
0x2c: {  	_ =	swait.ge [sflag:s20], $0x2800  }
0x2d: {  	[sflag:s20] =	ssyncset.done $0x0  }
0x2e: {  	[sflag:s20] =	ssyncadd.s32 $0xFFFFD800  }
0x2f: {  	[tilespmem:s22], [sflag:$0x1] =	stream.indirect.gather [hbm4b:s8+s18], $0x80, s29, s18, $0xb8;
	[tilespmem:$0x1EF18] =	vst v63  }
0x30: {  	_ =	swait.ge [sflag:s20], $0x2800  }
0x31: {  	[sflag:s20] =	ssyncset.done $0x0  }
0x32: {  	[sflag:s20] =	ssyncadd.s32 $0xFFFFD800  }
0x33: {  	v0 =	vld [tilespmem:$0x100]  }
0x34: {  	v1 =	vld [tilespmem:$0x80]  }
0x35: {  	v2 =	vld [tilespmem:$0x110]  }
0x36: {  	v3 =	vld [tilespmem:$0x90];
	_ =	sdelay $0x1  }
0x37: {  	vm0 =	veq.s32 v0, $0x1;
	v0 =	vld [tilespmem:$0x120]  }
0x38: {  	v4 =	vld [tilespmem:$0xA0]  }
0x39: {  	vm9 =	veq.s32 v2, $0x1;
	v1 =	vnsel vm0, $0x2710, v1  }
0x3a: {  	v2 =	vnsel vm9, $0x2710, v3;
	[tilespmem:$0x180] =	vst v1  }
0x3b: {  	v3 =	vld [tilespmem:$0x130];
	v5 =	vshrl.u32 v1, $0x4;
	v1 =	vand.u32 $0xF, v1;
	[tilespmem:$0x190] =	vst v2  }
0x3c: {  	v5 =	vadd.s32 $0x2711, v5;
	[tilespmem:$0x280] =	vst v1;
	v1 =	vshrl.u32 v2, $0x4;
	vm10 =	veq.s32 v0, $0x1;
	v0 =	vld [tilespmem:$0xB0]  }
0x3d: {  	[tilespmem:$0x200] =	vst v5;
	v1 =	vadd.s32 $0x2711, v1;
	v4 =	vnsel vm10, $0x2710, v4  }
0x3e: {  	v5 =	vld [tilespmem:$0x140];
	[tilespmem:$0x210] =	vst v1;
	v1 =	vand.u32 $0xF, v2;
	v2 =	vshrl.u32 v4, $0x4  }
0x3f: {  	[tilespmem:$0x290] =	vst v1;
	v1 =	vadd.s32 $0x2711, v2;
	v2 =	vld [tilespmem:$0xC0]  }
0x40: {  	vm11 =	veq.s32 v3, $0x1;
	[tilespmem:$0x1A0] =	vst v4  }
0x41: {  	[tilespmem:$0x220] =	vst v1;
	v1 =	vand.u32 $0xF, v4;
	v0 =	vnsel vm11, $0x2710, v0  }
0x42: {  	[tilespmem:$0x2A0] =	vst v1;
	v1 =	vshrl.u32 v0, $0x4  }
0x43: {  	vm12 =	veq.s32 v5, $0x1;
	[tilespmem:$0x1B0] =	vst v0;
	v1 =	vadd.s32 $0x2711, v1  }
0x44: {  	v0 =	vand.u32 $0xF, v0;
	[tilespmem:$0x230] =	vst v1;
	v1 =	vnsel vm12, $0x2710, v2  }
0x45: {  	[tilespmem:$0x2B0] =	vst v0;
	v0 =	vshrl.u32 v1, $0x4  }
0x46: {  	[tilespmem:$0x1C0] =	vst v1;
	v0 =	vadd.s32 $0x2711, v0  }
0x47: {  	[tilespmem:$0x240] =	vst v0;
	v0 =	vand.u32 $0xF, v1  }
0x48: {  	s28 =	simm.s32 $0x0;
	[tilespmem:$0x2C0] =	vst v0  }
0x49: {  	v0 =	vld [tilespmem:s28+$0x300]  }
0x4a: {  	v1 =	vld [tilespmem:s28+$0x2B00];
	_ =	sdelay $0x4  }
0x4b: {  	v0 =	vadd.f32 v1, v0;
	_ =	sdelay $0x1  }
0x4c: {  	s29 =	simm.s32 $0x80;
	v1 =	vmul.f32 $2.000000030e-01, v0  }
0x4d: {  	v2 =	vld [tilespmem:s29+$0x300];
	vm13 =	vgt.f32 v0, $0.0e+00  }
0x4e: {  	v3 =	vld [tilespmem:s29+$0x2B00];
	v0 =	vsel vm13, v0, v1  }
0x4f: {  	s30 =	simm.s32 $0x100;
	v0 =	vmul.f32 $1.442695020e+00, v0  }
0x50: {  	v1 =	vld [tilespmem:s30+$0x300]  }
0x51: {  	(erf) = vpow2.f32 v0;
	v0 =	vld [tilespmem:s30+$0x2B00];
	_ =	sdelay $0x1  }
0x52: {  	v2 =	vadd.f32 v3, v2;
	_ =	sdelay $0x1  }
0x53: {  	v3 =	vmul.f32 $2.000000030e-01, v2  }
0x54: {  	vm14 =	vgt.f32 v2, $0.0e+00;
	v4 =	vadd.f32 v0, v1  }
0x55: {  	v0 =	vsel vm14, v2, v3  }
0x56: {  	s31 =	simm.s32 $0x180;
	v1 =	vmul.f32 $1.442695020e+00, v0;
	v2 =	vmul.f32 $2.000000030e-01, v4  }
0x57: {  	v0 =	vld [tilespmem:s31+$0x300]  }
0x58: {  	(erf) = vpow2.f32 v1;
	v1 =	vld [tilespmem:s31+$0x2B00]  }
0x59: {  	vm15 =	vgt.f32 v4, $0.0e+00  }
0x5a: {  	s0 =	simm.s32 $0x800;
	v3 =	vsel vm15, v4, v2;
	v2 =	vpop (erf)  }
.LBB2_3:
0x5b: {  	s10 =	sshra.s32 s0, $0x2  }
0x5c: {  	v3 =	vmul.f32 $1.442695020e+00, v3;
	[tilespmem:s28+$0x7B00] =	vst v2;
	s28 =	smov.u32 s29;
	s29 =	smov.u32 s30;
	p1 =	sne.s32 s0, $0x9E00  }
.Ltmp0:
0x5d: {  	s0 =	sadd.s32 $0x200, s0;
	v2 =	vadd.f32 v1, v0;
	v0 =	vld [tilespmem:s10+$0x300];
	(pc) =	sbr.rel @p1 .LBB2_3-.Ltmp0, $4  }
0x5e: {  	s30 =	smov.u32 s31;
	s31 =	smov.u32 s10;
	v1 =	vld [tilespmem:s10+$0x2B00];
	(erf) = vpow2.f32 v3  }
0x5f: {  	v3 =	vmul.f32 $2.000000030e-01, v2  }
0x60: {  	vm0 =	vgt.f32 v2, $0.0e+00  }
0x61: {  	v3 =	vsel vm0, v2, v3;
	v2 =	vpop (erf)  }
0x62: {  	_ = 	snop  }
0x63: {  	v0 =	vadd.f32 v1, v0;
	_ =	sdelay $0x1  }
0x64: {  	v1 =	vmul.f32 $2.000000030e-01, v0  }
0x65: {  	vm0 =	vgt.f32 v0, $0.0e+00  }
0x66: {  	v3 =	vmul.f32 $1.442695020e+00, v3;
	v0 =	vsel vm0, v0, v1  }
0x67: {  	v0 =	vmul.f32 $1.442695020e+00, v0  }
0x68: {  	(erf) = vpow2.f32 v3  }
0x69: {  	(erf) = vpow2.f32 v0;
	_ =	sdelay $0x6  }
0x6a: {  	[tilespmem:s28+$0x7B00] =	vst v2;
	v0 =	vpop (erf)  }
0x6b: {  	[tilespmem:s29+$0x7B00] =	vst v0;
	v0 =	vpop (erf)  }
0x6c: {  	[tilespmem:s30+$0x7B00] =	vst v0;
	v0 =	vpop (erf)  }
0x6d: {  	[tilespmem:s31+$0x7B00] =	vst v0  }
0x6e: {  	[tilespmem:s21], [sflag:$0x1] =	stream.indirect.gather [hbm4b:s9+s18], $0x80, s23, s18, $0xb8;
	[tilespmem:$0x1EF18] =	vst v63  }
0x6f: {  	_ =	swait.ge [sflag:s20], $0x2800  }
0x70: {  	[sflag:s20] =	ssyncset.done $0x0  }
0x71: {  	s28 =	simm.s32 $0x0;
	[sflag:s20] =	ssyncadd.s32 $0xFFFFD800  }
0x72: {  	v0 =	vld [tilespmem:s28+$0x7B00]  }
0x73: {  	v3 =	vld [tilespmem:s28+$0x2B00]  }
0x74: {  	v6 =	vld [tilespmem:s28+$0x2B10]  }
0x75: {  	v5 =	vld [tilespmem:s28+$0x2B20]  }
0x76: {  	v4 =	vld [tilespmem:s28+$0x2B30]  }
0x77: {  	v2 =	vld [tilespmem:s28+$0x2B40]  }
0x78: {  	v1 =	vld [tilespmem:s28+$0x2B50];
	v7 =	vmul.f32 v3, v0  }
0x79: {  	s29 =	simm.s32 $0x200;
	v6 =	vmul.f32 v6, v0;
	v3 =	vld [tilespmem:s28+$0x2B60]  }
.LBB2_5:
0x7a: {  	p1 =	sne.s32 s29, $0x9E00;
	[tilespmem:s28+$0x2B00] =	vst v7;
	v5 =	vmul.f32 v5, v0;
	v7 =	vld [tilespmem:s28+$0x2B70]  }
0x7b: {  	v8 =	vld [tilespmem:s28+$0x5300];
	[tilespmem:s28+$0x2B10] =	vst v6;
	v4 =	vmul.f32 v4, v0  }
0x7c: {  	v6 =	vld [tilespmem:s28+$0x5310];
	[tilespmem:s28+$0x2B20] =	vst v5;
	v2 =	vmul.f32 v2, v0  }
0x7d: {  	v5 =	vld [tilespmem:s28+$0x5320];
	[tilespmem:s28+$0x2B30] =	vst v4;
	v1 =	vmul.f32 v1, v0  }
0x7e: {  	v4 =	vld [tilespmem:s28+$0x5330];
	[tilespmem:s28+$0x2B40] =	vst v2;
	v2 =	vmul.f32 v3, v0  }
0x7f: {  	v3 =	vld [tilespmem:s28+$0x5340];
	[tilespmem:s28+$0x2B50] =	vst v1;
	v1 =	vmul.f32 v7, v0  }
0x80: {  	v7 =	vmul.f32 v8, v0;
	v8 =	vld [tilespmem:s28+$0x5350];
	[tilespmem:s28+$0x2B60] =	vst v2  }
0x81: {  	v2 =	vmul.f32 v6, v0;
	v6 =	vld [tilespmem:s28+$0x5360];
	[tilespmem:s28+$0x2B70] =	vst v1  }
0x82: {  	s0 =	sshra.s32 s29, $0x2;
	[tilespmem:s28+$0x300] =	vst v7;
	v1 =	vmul.f32 v5, v0;
	v7 =	vld [tilespmem:s28+$0x5370]  }
0x83: {  	v9 =	vld [tilespmem:s0+$0x7B00];
	[tilespmem:s28+$0x310] =	vst v2;
	v2 =	vmul.f32 v4, v0  }
0x84: {  	v10 =	vld [tilespmem:s0+$0x2B00];
	[tilespmem:s28+$0x320] =	vst v1;
	v1 =	vmul.f32 v3, v0  }
0x85: {  	v3 =	vld [tilespmem:s0+$0x2B10];
	[tilespmem:s28+$0x330] =	vst v2;
	v2 =	vmul.f32 v8, v0  }
.Ltmp1:
0x86: {  	v5 =	vld [tilespmem:s0+$0x2B20];
	[tilespmem:s28+$0x340] =	vst v1;
	v1 =	vmul.f32 v6, v0;
	(pc) =	sbr.rel @p1 .LBB2_5-.Ltmp1, $4  }
0x87: {  	v4 =	vld [tilespmem:s0+$0x2B30];
	[tilespmem:s28+$0x350] =	vst v2;
	v6 =	vmul.f32 v7, v0  }
0x88: {  	v2 =	vld [tilespmem:s0+$0x2B40];
	[tilespmem:s28+$0x360] =	vst v1;
	v0 =	vmov v9  }
0x89: {  	v7 =	vmul.f32 v10, v0;
	v1 =	vld [tilespmem:s0+$0x2B50];
	[tilespmem:s28+$0x370] =	vst v6;
	s28 =	smov.u32 s0  }
0x8a: {  	s29 =	sadd.s32 $0x200, s29;
	v6 =	vmul.f32 v3, v0;
	v3 =	vld [tilespmem:s28+$0x2B60]  }
0x8b: {  	[tilespmem:s28+$0x2B00] =	vst v7;
	v52 =	vld [tilespmem:s28+$0x2B70];
	v5 =	vmul.f32 v5, v0  }
0x8c: {  	v8 =	vld [tilespmem:s28+$0x5300];
	[tilespmem:s28+$0x2B10] =	vst v6;
	v4 =	vmul.f32 v4, v0  }
0x8d: {  	v53 =	vld [tilespmem:s28+$0x5310];
	[tilespmem:s28+$0x2B20] =	vst v5;
	v2 =	vmul.f32 v2, v0  }
0x8e: {  	v54 =	vld [tilespmem:s28+$0x5320];
	[tilespmem:s28+$0x2B30] =	vst v4;
	v1 =	vmul.f32 v1, v0  }
0x8f: {  	v55 =	vld [tilespmem:s28+$0x5330];
	[tilespmem:s28+$0x2B40] =	vst v2;
	v3 =	vmul.f32 v3, v0  }
0x90: {  	v56 =	vld [tilespmem:s28+$0x5340];
	[tilespmem:s28+$0x2B50] =	vst v1;
	v7 =	vmul.f32 v52, v0  }
0x91: {  	v57 =	vld [tilespmem:s28+$0x5350];
	v58 =	vmul.f32 v8, v0;
	[tilespmem:s28+$0x2B60] =	vst v3  }
0x92: {  	v59 =	vld [tilespmem:s28+$0x5360];
	v6 =	vmul.f32 v53, v0;
	[tilespmem:s28+$0x2B70] =	vst v7  }
0x93: {  	v61 =	vld [tilespmem:s28+$0x5370];
	v60 =	vmul.f32 v54, v0;
	[tilespmem:s28+$0x300] =	vst v58  }
0x94: {  	v4 =	vmul.f32 v55, v0;
	[tilespmem:s28+$0x310] =	vst v6  }
0x95: {  	v2 =	vmul.f32 v56, v0;
	[tilespmem:s28+$0x320] =	vst v60  }
0x96: {  	v1 =	vmul.f32 v57, v0;
	[tilespmem:s28+$0x330] =	vst v4  }
0x97: {  	v62 =	vmul.f32 v59, v0;
	[tilespmem:s28+$0x340] =	vst v2  }
0x98: {  	v63 =	vmul.f32 v61, v0;
	[tilespmem:s28+$0x350] =	vst v1  }
0x99: {  	[tilespmem:s28+$0x360] =	vst v62  }
0x9a: {  	[tilespmem:s28+$0x370] =	vst v63  }
0x9b: {  	[spmem:s2] =	stream.indirect.scatter.add.f32 [tilespmem:s19], [sflag:$0x2], $0x80, s24, s18, $0xb8;
	[tilespmem:$0x1EF18] =	vst v63  }
0x9c: {  	s26 =	sadd.s32 $0x1, s26;
	_ =	swait.ge [sflag:s15], $0x2800  }
0x9d: {  	p1 =	sne.s32 s26, $0x7D;
	[sflag:s15] =	ssyncset.done $0x0  }
.Ltmp2:
0x9e: {  	[sflag:s15] =	ssyncadd.s32 $0xFFFFD800;
	(pc) =	sbr.rel @p1 .LBB2_2-.Ltmp2, $4  }
0x9f: {  	[spmem:s2] =	stream.indirect.scatter.add.f32 [tilespmem:s21], [sflag:$0x2], $0x80, s25, s18, $0xb8;
	[tilespmem:$0x1EF18] =	vst v63  }
0xa0: {  	_ =	swait.ge [sflag:s15], $0x2800  }
0xa1: {  	[sflag:s15] =	ssyncset.done $0x0  }
0xa2: {  	[sflag:s15] =	ssyncadd.s32 $0xFFFFD800  }
0xa3: {  	[bflag:$0x0] =	sbarrier.arrive $0xFFFF;
	s0 =	simm.s32 @!p0 $0x1C02;
	s3 =	sadd.s32 $0x1, s3  }
0xa4: {  	[hbm:s12], [sflag:s0] =	dma.local @!p0 [spmem:s14], $0x29830  }
0xa5: {  	p1 =	sne.s32 s3, s13  }
.Ltmp3:
0xa6: {  	_ = 	snop;
	(pc) =	sbr.rel @p1 .LBB2_1-.Ltmp3, $4  }
0xa7: {  	s0 =	simm.s32 @!p0 $0x2  }
0xa8: {  	_ =	swait.ge @!p0 [sflag:s0], $0x29830  }
0xa9: {  	[sflag:s0] =	ssyncset.done @!p0 $0x0  }
0xaa: {  	[sflag:s0] =	ssyncadd.s32 @!p0 $0xFFFD67D0  }
0xab: {  	_ =	sfence.sel $0x180000  }
0xac: {  	[bflag:$0x0] =	sbarrier.arrive $0xFFFF  }
0xad: {  	_ =	strace $0x9000004D  }
0xae: {  	[bflag:$0x2] =	sbarrier.arrive $0xFFFF  }
0xaf: {  	s0 =	rddreg [dreg:$0x3]  }
0xb0: {  	s0 =	sadd.s32 @!p0 $0x100000, s0  }
0xb1: {  	[sflag:s0] =	ssyncadd.tile.s32 @!p0 $0x1;
	_ =	shalt  }
.Lfunc_end2:
_tile_overlayer_lowered:
.L_overlay_start_2:
0xb2: {  	(tag) =	ssettag $0x2  }
0xb3: {  	s0 =	rddreg [dreg:$0x0];
	s2 =	stileid.u32  }
0xb4: {  	s1 =	rddreg [dreg:$0x1];
	p0 =	sne.s32 s2, $0x0  }
0xb5: {  	s3 =	rddreg [dreg:$0x2];
	[bflag:$0x3] =	sbarrier.arrive $0xFFFF;
	s2 =	simm.s32 @!p0 $0x1C02  }
0xb6: {  	[timem:s3], [sflag:s2] =	dma.local @!p0 [hbm:s0], s1  }
0xb7: {  	s0 =	simm.s32 @!p0 $0x2  }
0xb8: {  	_ =	swait.ge @!p0 [sflag:s0], s1  }
0xb9: {  	s1 =	ssub.s32 @!p0 $0x0, s1;
	[sflag:s0] =	ssyncset.done @!p0 $0x0  }
0xba: {  	[sflag:s0] =	ssyncadd.s32 @!p0 s1  }
0xbb: {  	[bflag:$0x3] =	sbarrier.arrive $0xFFFF  }
0xbc: {  	_ =	shalt  }

// kernel: kernel.14.cloned.1.call-start
scs
__scs_entry_jumppad:
0x0: {  	(pc) =	sbr.rel $0x88, $3  }
0x1: {  	(tag) =	ssettag $0x0;
	lr =	simm.s32 $0x1  }
0x2: {  	[smem:$0x3F97] =	sst lr;
	_ =	strace $0xD0000000  }
0x3: {  	_ = 	snop  }
0x4: {  	_ = 	snop  }
0x5: {  	_ = 	snop  }
0x6: {  	_ = 	snop  }
0x7: {  	_ = 	snop  }
__scs_overlays_trampoline_lowered:
0x8: {  	[smem:$0x3FA6] =	sst s0  }
0x9: {  	[smem:$0x3FA7] =	sst s1  }
0xa: {  	[smem:$0x3FA8] =	sst s2  }
0xb: {  	[smem:$0x3FA9] =	sst s3  }
0xc: {  	[smem:$0x3FAA] =	sst s4  }
0xd: {  	[smem:$0x3FAB] =	sst s5  }
0xe: {  	[smem:$0x3FAC] =	sst s6  }
0xf: {  	[smem:$0x3FAD] =	sst s7  }
0x10: {  	[smem:$0x3FAE] =	sst s8  }
0x11: {  	[smem:$0x3FAF] =	sst s9;
	s0 =	simm.s32 @!p0 $0x0  }
0x12: {  	s1 =	sld [smem:$0x3F95];
	s0 =	simm.s32 @p0 $0x1  }
0x13: {  	[smem:$0x3FB0] =	sst s0;
	s0 =	simm.s32 @!p1 $0x0  }
0x14: {  	s2 =	sld [smem:$0x3F94];
	s0 =	simm.s32 @p1 $0x1  }
0x15: {  	[smem:$0x3FB1] =	sst s0;
	s0 =	simm.s32 @!p2 $0x0  }
0x16: {  	s3 =	sld [smem:$0x3FDB];
	s0 =	simm.s32 @p2 $0x1  }
0x17: {  	s4 =	simm.s32 $0x1BF5;
	[smem:$0x3FB3] =	sst s0  }
0x18: {  	s0 =	sld [smem:$0x3F96];
	_ =	swait.ge [sflag:s4], $0x0  }
0x19: {  	s7 =	sld [smem:$0x3F97]  }
0x1a: {  	s8 =	sadd.s32 $0xFFFFE003, lr  }
0x1b: {  	s9 =	sadd.s32 $0xFFFFFEF7, lr;
	s5 =	simm.s32 $0xFFFFFFFF;
	p2 =	slt.u32 s8, $0xFFFFF086  }
0x1c: {  	p1 =	slt.u32 s9, $0xF7A;
	s5 =	simm.s32 @!p2 $0x0  }
0x1d: {  	s5 =	simm.s32 @p1 $0x1;
	p0 =	seq.s32 s7, s2  }
0x1e: {  	s7 =	smul.u32 @!p0 $0xF7A, s2;
	p2 =	seq.s32 @!p0 s5, $0x0  }
0x1f: {  	s9 =	smul.u32 $0xF7A, s1;
	s8 =	simm.s32 @!p0 $0x1BF5;
	p2 =	por !p2, p0  }
0x20: {  	[sflag:s8] =	ssyncset.s32 @!p0 $0xFFFFF086;
	s6 =	sadd.s32 @!p0 s3, s7;
	s7 =	simm.s32 @!p0 $0x108  }
0x21: {  	s3 =	sadd.s32 s3, s9;
	s6 =	sadd.s32 @!p0 $0x88, s6;
	s7 =	simm.s32 @p2 $0x1082  }
0x22: {  	[simem:s7], [sflag:s8] =	dma.local @!p0 [hbm:s6], $0xF7A  }
0x23: {  	s9 =	sor.u32 $0xD0000000, s2;
	s6 =	simm.s32 $0x108;
	_ =	swait.ge @!p0 [sflag:s8], $0x0  }
0x24: {  	s3 =	sadd.s32 $0x88, s3;
	s6 =	simm.s32 @!p1 $0x1082;
	[sflag:s4] =	ssyncset.s32 $0xFFFFF086  }
0x25: {  	[simem:s6], [sflag:s4] =	dma.local [hbm:s3], $0xF7A  }
0x26: {  	[smem:$0x3F97] =	sst s1;
	(tag) =	ssettag s2;
	_ =	strace s9  }
0x27: {  	s1 =	sld [smem:$0x3FA7]  }
0x28: {  	s2 =	sld [smem:$0x3FA8]  }
0x29: {  	s4 =	sld [smem:$0x3FAA]  }
0x2a: {  	p0 =	seq.s32 s5, $0x0;
	s5 =	sld [smem:$0x3FAB]  }
0x2b: {  	s6 =	sld [smem:$0x3FAC]  }
0x2c: {  	s7 =	sld [smem:$0x3FAD]  }
0x2d: {  	s3 =	simm.s32 $0x108;
	s8 =	sld [smem:$0x3FAE]  }
0x2e: {  	s3 =	simm.s32 @!p0 $0x1082;
	s9 =	sld [smem:$0x3FAF]  }
0x2f: {  	lr =	sadd.s32 s0, s3;
	s0 =	sld [smem:$0x3FA6]  }
0x30: {  	s3 =	sld [smem:$0x3FA9]  }
0x31: {  	[smem:$0x3FB2] =	sst s10  }
0x32: {  	s10 =	sld [smem:$0x3FB0];
	_ =	sdelay $0x3  }
0x33: {  	p0 =	seq.s32 s10, $0x1;
	s10 =	sld [smem:$0x3FB2];
	_ =	sdelay $0x3  }
0x34: {  	[smem:$0x3FB2] =	sst s10  }
0x35: {  	s10 =	sld [smem:$0x3FB1];
	_ =	sdelay $0x3  }
0x36: {  	p1 =	seq.s32 s10, $0x1;
	s10 =	sld [smem:$0x3FB2];
	_ =	sdelay $0x3  }
0x37: {  	[smem:$0x3FB2] =	sst s10  }
0x38: {  	s10 =	sld [smem:$0x3FB3]  }
0x39: {  	_ = 	snop;
	(pc) =	sbr.ind lr, $3  }
0x3a: {  	_ = 	snop  }
0x3b: {  	_ = 	snop  }
0x3c: {  	p2 =	seq.s32 s10, $0x1;
	s10 =	sld [smem:$0x3FB2]  }
0x3d: {  	_ =	shalt  }
0x3e: {  	_ =	shalt  }
0x3f: {  	_ =	shalt  }
0x40: {  	_ =	shalt  }
0x41: {  	_ =	shalt  }
0x42: {  	_ =	shalt  }
0x43: {  	_ =	shalt  }
0x44: {  	_ =	shalt  }
0x45: {  	_ =	shalt  }
0x46: {  	_ =	shalt  }
0x47: {  	_ =	shalt  }
0x48: {  	_ =	shalt  }
0x49: {  	_ =	shalt  }
0x4a: {  	_ =	shalt  }
0x4b: {  	_ =	shalt  }
0x4c: {  	_ =	shalt  }
0x4d: {  	_ =	shalt  }
0x4e: {  	_ =	shalt  }
0x4f: {  	_ =	shalt  }
0x50: {  	_ =	shalt  }
0x51: {  	_ =	shalt  }
0x52: {  	_ =	shalt  }
0x53: {  	_ =	shalt  }
0x54: {  	_ =	shalt  }
0x55: {  	_ =	shalt  }
0x56: {  	_ =	shalt  }
0x57: {  	_ =	shalt  }
0x58: {  	_ =	shalt  }
0x59: {  	_ =	shalt  }
0x5a: {  	_ =	shalt  }
0x5b: {  	_ =	shalt  }
0x5c: {  	_ =	shalt  }
0x5d: {  	_ =	shalt  }
0x5e: {  	_ =	shalt  }
0x5f: {  	_ =	shalt  }
0x60: {  	_ =	shalt  }
0x61: {  	_ =	shalt  }
0x62: {  	_ =	shalt  }
0x63: {  	_ =	shalt  }
0x64: {  	_ =	shalt  }
0x65: {  	_ =	shalt  }
0x66: {  	_ =	shalt  }
0x67: {  	_ =	shalt  }
0x68: {  	_ =	shalt  }
0x69: {  	_ =	shalt  }
0x6a: {  	_ =	shalt  }
0x6b: {  	_ =	shalt  }
0x6c: {  	_ =	shalt  }
0x6d: {  	_ =	shalt  }
0x6e: {  	_ =	shalt  }
0x6f: {  	_ =	shalt  }
0x70: {  	_ =	shalt  }
0x71: {  	_ =	shalt  }
0x72: {  	_ =	shalt  }
0x73: {  	_ =	shalt  }
0x74: {  	_ =	shalt  }
0x75: {  	_ =	shalt  }
0x76: {  	_ =	shalt  }
0x77: {  	_ =	shalt  }
0x78: {  	_ =	shalt  }
0x79: {  	_ =	shalt  }
0x7a: {  	_ =	shalt  }
0x7b: {  	_ =	shalt  }
0x7c: {  	_ =	shalt  }
0x7d: {  	_ =	shalt  }
0x7e: {  	_ =	shalt  }
0x7f: {  	_ =	shalt  }
0x80: {  	_ =	shalt  }
0x81: {  	_ =	shalt  }
0x82: {  	_ =	shalt  }
0x83: {  	_ =	shalt  }
0x84: {  	_ =	shalt  }
0x85: {  	_ =	shalt  }
0x86: {  	_ =	shalt  }
0x87: {  	_ =	shalt  }
.Lfunc_end0:
.L_simem_size_0:
called_computation.2_lowered:
.L_overlay_start_0:
0x88: {  	s2 =	sld [smem:$0x3FD9]  }
0x89: {  	s3 =	sld [smem:$0x3FFE];
	_ =	sdelay $0x1  }
0x8a: {  	s1 =	srdreg.scid  }
0x8b: {  	s0 =	sand.u32 $0x1, s1  }
0x8c: {  	s17 =	sshll.u32 s0, $0xA;
	s2 =	sadd.s32 s3, s2  }
0x8d: {  	s2 =	sadd.s32 s2, s17  }
0x8e: {  	[smem:$0x3FBE] =	sst s2  }
0x8f: {  	_ = 	snop  }
0x90: {  	s18 =	sld [smem:$0x3FC7];
	(tm) =	ssettm $0x1  }
0x91: {  	s19 =	sld [smem:$0x3FFB];
	_ =	sdelay $0x3  }
0x92: {  	_ =	strace s19  }
0x93: {  	s2 =	sld [smem:$0x3FFC];
	_ =	sdelay $0x3  }
0x94: {  	_ =	strace s2  }
0x95: {  	s2 =	sld [smem:$0x3FFD];
	_ =	sdelay $0x3  }
0x96: {  	_ =	strace s2  }
0x97: {  	_ =	strace $0x8FFFFFFF  }
0x98: {  	s20 =	sld [smem:$0x3FDB];
	_ =	sdelay $0x1  }
0x99: {  	s4 =	simm.s32 $_scs_section_size  }
0x9a: {  	s5 =	simm.s32 $_size__tile_overlayer_lowered;
	s6 =	simm.s32 $_tile_overlayer_lowered  }
0x9b: {  	s7 =	simm.s32 $0x1BFF;
	s21 =	sshll.u32 s6, $0x1;
	s4 =	sadd.s32 s4, s20  }
0x9c: {  	s22 =	simm.s32 $0x0;
	s5 =	sshll.u32 s5, $0x1;
	s6 =	sadd.s32 s21, s4  }
0x9d: {  	[timem:s22], [sflag:s7] =	dma.local [hbm:s6], s5  }
0x9e: {  	_ =	swait.ge [sflag:s7], s5  }
0x9f: {  	s5 =	ssub.s32 $0x0, s5;
	[sflag:s7] =	ssyncset.done $0x0  }
0xa0: {  	[sflag:s7] =	ssyncadd.s32 s5;
	_ =	sdelay $0x1  }
0xa1: {  	s23 =	simm.s32 $0x1B8B  }
0xa2: {  	_ =	swait.ge [sflag:s23], $0x1  }
0xa3: {  	[sflag:s23] =	ssyncset.done $0x0  }
0xa4: {  	[sflag:s23] =	ssyncadd.s32 $0xFFFFFFFF  }
0xa5: {  	s5 =	sld [smem:$0x0]  }
0xa6: {  	s6 =	sand.u32 $0xFFFFFFFE, s1  }
0xa7: {  	p0 =	sne.s32 s1, s6  }
0xa8: {  	s6 =	sshll.u32 @p0 s6, $0xE  }
0xa9: {  	s6 =	sadd.s32 @p0 $0x11B8D, s6;
	s7 =	sshll.u32 @p0 s5, $0x11  }
0xaa: {  	s6 =	sor.u32 @p0 s7, s6  }
0xab: {  	[sflag:s6] =	ssyncadd.remote.s32 @p0 $0x1;
	_ =	sdelay $0x1  }
0xac: {  	s6 =	simm.s32 @p0 $0x1B8D  }
0xad: {  	_ =	swait.eq @p0 [sflag:s6], $0x1  }
0xae: {  	[sflag:s6] =	ssyncadd.s32 @p0 $0xFFFFFFFF  }
0xaf: {  	s7 =	sshll.u32 @!p0 s1, $0xE  }
0xb0: {  	s7 =	sor.u32 @!p0 $0x4000, s7;
	s6 =	simm.s32 @!p0 $0x1B8D  }
0xb1: {  	s5 =	sshll.u32 @!p0 s5, $0x11;
	s7 =	sadd.s32 @!p0 $0x11B8D, s7;
	_ =	swait.eq @!p0 [sflag:s6], $0x1  }
0xb2: {  	s5 =	sor.u32 @!p0 s5, s7;
	[sflag:s6] =	ssyncadd.s32 @!p0 $0xFFFFFFFF  }
0xb3: {  	s25 =	simm.s32 $0x1B8E;
	s24 =	sld [smem:$0x3FFE];
	[sflag:s5] =	ssyncadd.remote.s32 @!p0 $0x1  }
0xb4: {  	s26 =	simm.s32 $execute0_lowered;
	[smem:$0x3FD2] =	sst s25  }
0xb5: {  	s6 =	sshll.u32 s26, $0x1;
	_ =	strace $0x80000049;
	[dreg:$0x1] =	wrdreg $0xFFFFFFFF  }
0xb6: {  	s28 =	simm.s32 $_size_execute0_lowered;
	s4 =	sadd.s32 s4, s6;
	[dreg:$0x0] =	wrdreg $0x0  }
0xb7: {  	s6 =	sshll.u32 s28, $0x1;
	[dreg:$0x2] =	wrdreg s4  }
0xb8: {  	[dreg:$0x3] =	wrdreg s6  }
0xb9: {  	[dreg:$0x4] =	wrdreg $0xC0  }
0xba: {  	_ =	task [dreg:s22], $0x5FFFF  }
0xbb: {  	[dreg:$0x1] =	wrdreg $0xFFFFFFFF  }
0xbc: {  	[dreg:$0x0] =	wrdreg $0x60  }
0xbd: {  	[dreg:$0x2] =	wrdreg s24  }
0xbe: {  	[dreg:$0x3] =	wrdreg s18  }
0xbf: {  	[dreg:$0x4] =	wrdreg $0xA3000  }
0xc0: {  	[dreg:$0x5] =	wrdreg $0xB  }
0xc1: {  	_ =	task.clear_ibuf [dreg:s22], $0x6FFFF;
	_ =	strace $0x90000049  }
0xc2: {  	s29 =	simm.s32 $0xB;
	_ =	strace $0x8000004B  }
0xc3: {  	_ =	swait.ge [sflag:s29], $0x1  }
0xc4: {  	[sflag:s29] =	ssyncadd.s32 $0xFFFFFFFF  }
0xc5: {  	_ =	strace $0x9000004B  }
0xc6: {  	_ =	sfence  }
0xc7: {  	s30 =	sld [smem:$0x0];
	_ =	sdelay $0x2  }
0xc8: {  	s31 =	sshll.u32 s1, $0xD;
	s1 =	sshrl.u32 s1, $0x2  }
0xc9: {  	s4 =	sand.u32 $0x4000, s31;
	s1 =	sadd.s32 s1, s30  }
0xca: {  	s0 =	sor.u32 s4, s0;
	s1 =	sshll.u32 s1, $0x11  }
0xcb: {  	s0 =	sor.u32 s1, s0  }
0xcc: {  	s0 =	sadd.s32 $0x8F2B, s0  }
0xcd: {  	[sflag:s0] =	ssyncadd.remote.s32 $0x1  }
0xce: {  	_ =	sfence.sel $0xFFFF  }
0xcf: {  	[dreg:$0x0] =	wrdreg $0xFFFFFFFF;
	(pc) =	sbr.abs _section_cstart, $3  }
0xd0: {  	[dreg:$0x1] =	wrdreg $0xFFFFFFFF  }
0xd1: {  	_ =	task.clear_ibuf [dreg:s22], $0x2FFFF;
	_ =	strace $0x9FFFFFFF  }
0xd2: {  	(tm) =	ssettm $0x7FFFFFFF  }
0xd3: {  	_ =	shalt  }
tec
execute0_lowered:
.L_overlay_start_1:
0x0: {  	(tag) =	ssettag $0x1  }
0x1: {  	s0 =	rddreg [dreg:$0x0]  }
0x2: {  	s1 =	rddreg [dreg:$0x1]  }
0x3: {  	s2 =	rddreg [dreg:$0x2];
	s3 =	simm.s32 $0x0  }
0x4: {  	s10 =	srdreg.scid;
	s14 =	stileid.u32;
	s17 =	simm.s32 $0x100  }
0x5: {  	s18 =	simm.s32 $0x50;
	s19 =	simm.s32 $0x300;
	s21 =	simm.s32 $0x2B00  }
0x6: {  	s22 =	simm.s32 $0x5300;
	s23 =	simm.s32 $0x280;
	s24 =	simm.s32 $0x180  }
0x7: {  	s25 =	simm.s32 $0x200;
	[smem:$0x7FF] =	sst s3;
	s4 =	sadd.s32 $0xF800, s0  }
0x8: {  	s20 =	simm.s32 $0x1;
	s6 =	sadd.s32 $0x1EE200, s0;
	s7 =	sadd.s32 $0x2D8E00, s0  }
0x9: {  	s5 =	sadd.s32 $0x5A00, s0;
	s8 =	sadd.s32 $0x2B1C00, s0;
	s9 =	sadd.s32 $0x5800, s0  }
0xa: {  	s11 =	sand.u32 $0x1, s10;
	s15 =	sshll.u32 s14, $0x1;
	s31 =	sadd.s32 $0x39C800, s0  }
0xb: {  	p0 =	sne.s32 s14, $0x0;
	_ =	strace $0x8000004A;
	s12 =	smul.u32 $0x29880, s11  }
0xc: {  	s13 =	ssub.s32 $0x2, s11;
	[dreg:$0x4] =	wrdreg s31;
	s11 =	sor.u32 s11, s15  }
0xd: {  	s14 =	sshrl.u32 @!p0 s2, $0x3;
	s15 =	simm.s32 $0x2;
	s16 =	sshrl.u32 s13, $0x1  }
0xe: {  	s11 =	smul.u32 $0x2710, s11;
	s0 =	sadd.s32 s12, s0;
	s13 =	ssub.s32 s13, s16  }
0xf: {  	s16 =	simm.s32 $0x80;
	s12 =	sadd.s32 $0x419400, s0;
	s13 =	smax.u32 s13, $0x1  }
.LBB2_1:
0x10: {  	s0 =	simm.s32 @!p0 $0x1C02;
	s10 =	rddreg [dreg:$0x4]  }
0x11: {  	[spmem:s14], [sflag:s0] =	dma.local @!p0 [hbm:s10], $0x29830  }
0x12: {  	s0 =	simm.s32 @!p0 $0x2  }
0x13: {  	_ =	swait.ge @!p0 [sflag:s0], $0x29830  }
0x14: {  	[sflag:s0] =	ssyncset.done @!p0 $0x0  }
0x15: {  	[sflag:s0] =	ssyncadd.s32 @!p0 $0xFFFD67D0  }
0x16: {  	s26 =	simm.s32 $0x0;
	[bflag:$0x0] =	sbarrier.arrive $0xFFFF  }
.LBB2_2:
0x17: {  	s0 =	smul.u32 $0x50, s26;
	_ =	sdelay $0x1  }
0x18: {  	s0 =	sadd.s32 s11, s0  }
0x19: {  	s0 =	sshrl.u32 s0, $0x3  }
0x1a: {  	s29 =	simm.s32 $0x0;
	s28 =	sadd.s32 s4, s0  }
0x1b: {  	[tilespmem:s29], [sflag:$0x2] =	stream.linear.gather [hbm4b:s28+s29], $0x50, $0x38;
	[tilespmem:$0x1EF18] =	vst v63  }
0x1c: {  	_ =	swait.ge [sflag:s15], $0x50  }
0x1d: {  	[sflag:s15] =	ssyncset.done $0x0  }
0x1e: {  	s28 =	sadd.s32 s5, s0;
	[sflag:s15] =	ssyncadd.s32 $0xFFFFFFB0  }
0x1f: {  	[tilespmem:s16], [sflag:$0x2] =	stream.linear.gather [hbm4b:s28+s29], $0x50, $0x38;
	[tilespmem:$0x1EF18] =	vst v63  }
0x20: {  	_ =	swait.ge [sflag:s15], $0x50  }
0x21: {  	[sflag:s15] =	ssyncset.done $0x0  }
0x22: {  	s0 =	sadd.s32 s1, s0;
	[sflag:s15] =	ssyncadd.s32 $0xFFFFFFB0  }
0x23: {  	[tilespmem:s17], [sflag:$0x2] =	stream.linear.gather [hbm4b:s0+s29], $0x50, $0x38;
	[tilespmem:$0x1EF18] =	vst v63  }
0x24: {  	_ =	swait.ge [sflag:s15], $0x50  }
0x25: {  	[sflag:s15] =	ssyncset.done $0x0  }
0x26: {  	[sflag:s15] =	ssyncadd.s32 $0xFFFFFFB0  }
0x27: {  	[tilespmem:s19], [sflag:$0x1] =	stream.indirect.gather [hbm4b:s6+s18], $0x80, s29, s18, $0xb8;
	[tilespmem:$0x1EF18] =	vst v63  }
0x28: {  	_ =	swait.ge [sflag:s20], $0x2800  }
0x29: {  	[sflag:s20] =	ssyncset.done $0x0  }
0x2a: {  	[sflag:s20] =	ssyncadd.s32 $0xFFFFD800  }
0x2b: {  	[tilespmem:s21], [sflag:$0x1] =	stream.indirect.gather [hbm4b:s7+s18], $0x80, s16, s18, $0xb8;
	[tilespmem:$0x1EF18] =	vst v63  }
0x2c: {  	_ =	swait.ge [sflag:s20], $0x2800  }
0x2d: {  	[sflag:s20] =	ssyncset.done $0x0  }
0x2e: {  	[sflag:s20] =	ssyncadd.s32 $0xFFFFD800  }
0x2f: {  	[tilespmem:s22], [sflag:$0x1] =	stream.indirect.gather [hbm4b:s8+s18], $0x80, s29, s18, $0xb8;
	[tilespmem:$0x1EF18] =	vst v63  }
0x30: {  	_ =	swait.ge [sflag:s20], $0x2800  }
0x31: {  	[sflag:s20] =	ssyncset.done $0x0  }
0x32: {  	[sflag:s20] =	ssyncadd.s32 $0xFFFFD800  }
0x33: {  	v0 =	vld [tilespmem:$0x100]  }
0x34: {  	v1 =	vld [tilespmem:$0x80]  }
0x35: {  	v2 =	vld [tilespmem:$0x110]  }
0x36: {  	v3 =	vld [tilespmem:$0x90];
	_ =	sdelay $0x1  }
0x37: {  	vm0 =	veq.s32 v0, $0x2;
	v0 =	vld [tilespmem:$0x120]  }
0x38: {  	v4 =	vld [tilespmem:$0xA0]  }
0x39: {  	vm9 =	veq.s32 v2, $0x2;
	v1 =	vnsel vm0, $0x2710, v1  }
0x3a: {  	v2 =	vnsel vm9, $0x2710, v3;
	[tilespmem:$0x180] =	vst v1  }
0x3b: {  	v3 =	vld [tilespmem:$0x130];
	v5 =	vshrl.u32 v1, $0x4;
	v1 =	vand.u32 $0xF, v1;
	[tilespmem:$0x190] =	vst v2  }
0x3c: {  	v5 =	vadd.s32 $0x2711, v5;
	[tilespmem:$0x280] =	vst v1;
	v1 =	vshrl.u32 v2, $0x4;
	vm10 =	veq.s32 v0, $0x2;
	v0 =	vld [tilespmem:$0xB0]  }
0x3d: {  	[tilespmem:$0x200] =	vst v5;
	v1 =	vadd.s32 $0x2711, v1;
	v4 =	vnsel vm10, $0x2710, v4  }
0x3e: {  	v5 =	vld [tilespmem:$0x140];
	[tilespmem:$0x210] =	vst v1;
	v1 =	vand.u32 $0xF, v2;
	v2 =	vshrl.u32 v4, $0x4  }
0x3f: {  	[tilespmem:$0x290] =	vst v1;
	v1 =	vadd.s32 $0x2711, v2;
	v2 =	vld [tilespmem:$0xC0]  }
0x40: {  	vm11 =	veq.s32 v3, $0x2;
	[tilespmem:$0x1A0] =	vst v4  }
0x41: {  	[tilespmem:$0x220] =	vst v1;
	v1 =	vand.u32 $0xF, v4;
	v0 =	vnsel vm11, $0x2710, v0  }
0x42: {  	[tilespmem:$0x2A0] =	vst v1;
	v1 =	vshrl.u32 v0, $0x4  }
0x43: {  	vm12 =	veq.s32 v5, $0x2;
	[tilespmem:$0x1B0] =	vst v0;
	v1 =	vadd.s32 $0x2711, v1  }
0x44: {  	v0 =	vand.u32 $0xF, v0;
	[tilespmem:$0x230] =	vst v1;
	v1 =	vnsel vm12, $0x2710, v2  }
0x45: {  	[tilespmem:$0x2B0] =	vst v0;
	v0 =	vshrl.u32 v1, $0x4  }
0x46: {  	[tilespmem:$0x1C0] =	vst v1;
	v0 =	vadd.s32 $0x2711, v0  }
0x47: {  	[tilespmem:$0x240] =	vst v0;
	v0 =	vand.u32 $0xF, v1  }
0x48: {  	s28 =	simm.s32 $0x0;
	[tilespmem:$0x2C0] =	vst v0  }
0x49: {  	v0 =	vld [tilespmem:s28+$0x300]  }
0x4a: {  	v1 =	vld [tilespmem:s28+$0x2B00];
	_ =	sdelay $0x4  }
0x4b: {  	v0 =	vadd.f32 v1, v0;
	_ =	sdelay $0x1  }
0x4c: {  	s29 =	simm.s32 $0x80;
	v1 =	vmul.f32 $2.000000030e-01, v0  }
0x4d: {  	v2 =	vld [tilespmem:s29+$0x300];
	vm13 =	vgt.f32 v0, $0.0e+00  }
0x4e: {  	v3 =	vld [tilespmem:s29+$0x2B00];
	v0 =	vsel vm13, v0, v1  }
0x4f: {  	s30 =	simm.s32 $0x100;
	v0 =	vmul.f32 $1.442695020e+00, v0  }
0x50: {  	v1 =	vld [tilespmem:s30+$0x300]  }
0x51: {  	(erf) = vpow2.f32 v0;
	v0 =	vld [tilespmem:s30+$0x2B00];
	_ =	sdelay $0x1  }
0x52: {  	v2 =	vadd.f32 v3, v2;
	_ =	sdelay $0x1  }
0x53: {  	v3 =	vmul.f32 $2.000000030e-01, v2  }
0x54: {  	vm14 =	vgt.f32 v2, $0.0e+00;
	v4 =	vadd.f32 v0, v1  }
0x55: {  	v0 =	vsel vm14, v2, v3  }
0x56: {  	s31 =	simm.s32 $0x180;
	v1 =	vmul.f32 $1.442695020e+00, v0;
	v2 =	vmul.f32 $2.000000030e-01, v4  }
0x57: {  	v0 =	vld [tilespmem:s31+$0x300]  }
0x58: {  	(erf) = vpow2.f32 v1;
	v1 =	vld [tilespmem:s31+$0x2B00]  }
0x59: {  	vm15 =	vgt.f32 v4, $0.0e+00  }
0x5a: {  	s0 =	simm.s32 $0x800;
	v3 =	vsel vm15, v4, v2;
	v2 =	vpop (erf)  }
.LBB2_3:
0x5b: {  	s10 =	sshra.s32 s0, $0x2  }
0x5c: {  	v3 =	vmul.f32 $1.442695020e+00, v3;
	[tilespmem:s28+$0x7B00] =	vst v2;
	s28 =	smov.u32 s29;
	s29 =	smov.u32 s30;
	p1 =	sne.s32 s0, $0x9E00  }
.Ltmp0:
0x5d: {  	s0 =	sadd.s32 $0x200, s0;
	v2 =	vadd.f32 v1, v0;
	v0 =	vld [tilespmem:s10+$0x300];
	(pc) =	sbr.rel @p1 .LBB2_3-.Ltmp0, $4  }
0x5e: {  	s30 =	smov.u32 s31;
	s31 =	smov.u32 s10;
	v1 =	vld [tilespmem:s10+$0x2B00];
	(erf) = vpow2.f32 v3  }
0x5f: {  	v3 =	vmul.f32 $2.000000030e-01, v2  }
0x60: {  	vm0 =	vgt.f32 v2, $0.0e+00  }
0x61: {  	v3 =	vsel vm0, v2, v3;
	v2 =	vpop (erf)  }
0x62: {  	_ = 	snop  }
0x63: {  	v0 =	vadd.f32 v1, v0;
	_ =	sdelay $0x1  }
0x64: {  	v1 =	vmul.f32 $2.000000030e-01, v0  }
0x65: {  	vm0 =	vgt.f32 v0, $0.0e+00  }
0x66: {  	v3 =	vmul.f32 $1.442695020e+00, v3;
	v0 =	vsel vm0, v0, v1  }
0x67: {  	v0 =	vmul.f32 $1.442695020e+00, v0  }
0x68: {  	(erf) = vpow2.f32 v3  }
0x69: {  	(erf) = vpow2.f32 v0;
	_ =	sdelay $0x6  }
0x6a: {  	[tilespmem:s28+$0x7B00] =	vst v2;
	v0 =	vpop (erf)  }
0x6b: {  	[tilespmem:s29+$0x7B00] =	vst v0;
	v0 =	vpop (erf)  }
0x6c: {  	[tilespmem:s30+$0x7B00] =	vst v0;
	v0 =	vpop (erf)  }
0x6d: {  	[tilespmem:s31+$0x7B00] =	vst v0  }
0x6e: {  	[tilespmem:s21], [sflag:$0x1] =	stream.indirect.gather [hbm4b:s9+s18], $0x80, s23, s18, $0xb8;
	[tilespmem:$0x1EF18] =	vst v63  }
0x6f: {  	_ =	swait.ge [sflag:s20], $0x2800  }
0x70: {  	[sflag:s20] =	ssyncset.done $0x0  }
0x71: {  	s28 =	simm.s32 $0x0;
	[sflag:s20] =	ssyncadd.s32 $0xFFFFD800  }
0x72: {  	v0 =	vld [tilespmem:s28+$0x7B00]  }
0x73: {  	v3 =	vld [tilespmem:s28+$0x2B00]  }
0x74: {  	v6 =	vld [tilespmem:s28+$0x2B10]  }
0x75: {  	v5 =	vld [tilespmem:s28+$0x2B20]  }
0x76: {  	v4 =	vld [tilespmem:s28+$0x2B30]  }
0x77: {  	v2 =	vld [tilespmem:s28+$0x2B40]  }
0x78: {  	v1 =	vld [tilespmem:s28+$0x2B50];
	v7 =	vmul.f32 v3, v0  }
0x79: {  	s29 =	simm.s32 $0x200;
	v6 =	vmul.f32 v6, v0;
	v3 =	vld [tilespmem:s28+$0x2B60]  }
.LBB2_5:
0x7a: {  	p1 =	sne.s32 s29, $0x9E00;
	[tilespmem:s28+$0x2B00] =	vst v7;
	v5 =	vmul.f32 v5, v0;
	v7 =	vld [tilespmem:s28+$0x2B70]  }
0x7b: {  	v8 =	vld [tilespmem:s28+$0x5300];
	[tilespmem:s28+$0x2B10] =	vst v6;
	v4 =	vmul.f32 v4, v0  }
0x7c: {  	v6 =	vld [tilespmem:s28+$0x5310];
	[tilespmem:s28+$0x2B20] =	vst v5;
	v2 =	vmul.f32 v2, v0  }
0x7d: {  	v5 =	vld [tilespmem:s28+$0x5320];
	[tilespmem:s28+$0x2B30] =	vst v4;
	v1 =	vmul.f32 v1, v0  }
0x7e: {  	v4 =	vld [tilespmem:s28+$0x5330];
	[tilespmem:s28+$0x2B40] =	vst v2;
	v2 =	vmul.f32 v3, v0  }
0x7f: {  	v3 =	vld [tilespmem:s28+$0x5340];
	[tilespmem:s28+$0x2B50] =	vst v1;
	v1 =	vmul.f32 v7, v0  }
0x80: {  	v7 =	vmul.f32 v8, v0;
	v8 =	vld [tilespmem:s28+$0x5350];
	[tilespmem:s28+$0x2B60] =	vst v2  }
0x81: {  	v2 =	vmul.f32 v6, v0;
	v6 =	vld [tilespmem:s28+$0x5360];
	[tilespmem:s28+$0x2B70] =	vst v1  }
0x82: {  	s0 =	sshra.s32 s29, $0x2;
	[tilespmem:s28+$0x300] =	vst v7;
	v1 =	vmul.f32 v5, v0;
	v7 =	vld [tilespmem:s28+$0x5370]  }
0x83: {  	v9 =	vld [tilespmem:s0+$0x7B00];
	[tilespmem:s28+$0x310] =	vst v2;
	v2 =	vmul.f32 v4, v0  }
0x84: {  	v10 =	vld [tilespmem:s0+$0x2B00];
	[tilespmem:s28+$0x320] =	vst v1;
	v1 =	vmul.f32 v3, v0  }
0x85: {  	v3 =	vld [tilespmem:s0+$0x2B10];
	[tilespmem:s28+$0x330] =	vst v2;
	v2 =	vmul.f32 v8, v0  }
.Ltmp1:
0x86: {  	v5 =	vld [tilespmem:s0+$0x2B20];
	[tilespmem:s28+$0x340] =	vst v1;
	v1 =	vmul.f32 v6, v0;
	(pc) =	sbr.rel @p1 .LBB2_5-.Ltmp1, $4  }
0x87: {  	v4 =	vld [tilespmem:s0+$0x2B30];
	[tilespmem:s28+$0x350] =	vst v2;
	v6 =	vmul.f32 v7, v0  }
0x88: {  	v2 =	vld [tilespmem:s0+$0x2B40];
	[tilespmem:s28+$0x360] =	vst v1;
	v0 =	vmov v9  }
0x89: {  	v7 =	vmul.f32 v10, v0;
	v1 =	vld [tilespmem:s0+$0x2B50];
	[tilespmem:s28+$0x370] =	vst v6;
	s28 =	smov.u32 s0  }
0x8a: {  	s29 =	sadd.s32 $0x200, s29;
	v6 =	vmul.f32 v3, v0;
	v3 =	vld [tilespmem:s28+$0x2B60]  }
0x8b: {  	[tilespmem:s28+$0x2B00] =	vst v7;
	v52 =	vld [tilespmem:s28+$0x2B70];
	v5 =	vmul.f32 v5, v0  }
0x8c: {  	v8 =	vld [tilespmem:s28+$0x5300];
	[tilespmem:s28+$0x2B10] =	vst v6;
	v4 =	vmul.f32 v4, v0  }
0x8d: {  	v53 =	vld [tilespmem:s28+$0x5310];
	[tilespmem:s28+$0x2B20] =	vst v5;
	v2 =	vmul.f32 v2, v0  }
0x8e: {  	v54 =	vld [tilespmem:s28+$0x5320];
	[tilespmem:s28+$0x2B30] =	vst v4;
	v1 =	vmul.f32 v1, v0  }
0x8f: {  	v55 =	vld [tilespmem:s28+$0x5330];
	[tilespmem:s28+$0x2B40] =	vst v2;
	v3 =	vmul.f32 v3, v0  }
0x90: {  	v56 =	vld [tilespmem:s28+$0x5340];
	[tilespmem:s28+$0x2B50] =	vst v1;
	v7 =	vmul.f32 v52, v0  }
0x91: {  	v57 =	vld [tilespmem:s28+$0x5350];
	v58 =	vmul.f32 v8, v0;
	[tilespmem:s28+$0x2B60] =	vst v3  }
0x92: {  	v59 =	vld [tilespmem:s28+$0x5360];
	v6 =	vmul.f32 v53, v0;
	[tilespmem:s28+$0x2B70] =	vst v7  }
0x93: {  	v61 =	vld [tilespmem:s28+$0x5370];
	v60 =	vmul.f32 v54, v0;
	[tilespmem:s28+$0x300] =	vst v58  }
0x94: {  	v4 =	vmul.f32 v55, v0;
	[tilespmem:s28+$0x310] =	vst v6  }
0x95: {  	v2 =	vmul.f32 v56, v0;
	[tilespmem:s28+$0x320] =	vst v60  }
0x96: {  	v1 =	vmul.f32 v57, v0;
	[tilespmem:s28+$0x330] =	vst v4  }
0x97: {  	v62 =	vmul.f32 v59, v0;
	[tilespmem:s28+$0x340] =	vst v2  }
0x98: {  	v63 =	vmul.f32 v61, v0;
	[tilespmem:s28+$0x350] =	vst v1  }
0x99: {  	[tilespmem:s28+$0x360] =	vst v62  }
0x9a: {  	[tilespmem:s28+$0x370] =	vst v63  }
0x9b: {  	[spmem:s2] =	stream.indirect.scatter.add.f32 [tilespmem:s19], [sflag:$0x2], $0x80, s24, s18, $0xb8;
	[tilespmem:$0x1EF18] =	vst v63  }
0x9c: {  	s26 =	sadd.s32 $0x1, s26;
	_ =	swait.ge [sflag:s15], $0x2800  }
0x9d: {  	p1 =	sne.s32 s26, $0x7D;
	[sflag:s15] =	ssyncset.done $0x0  }
.Ltmp2:
0x9e: {  	[sflag:s15] =	ssyncadd.s32 $0xFFFFD800;
	(pc) =	sbr.rel @p1 .LBB2_2-.Ltmp2, $4  }
0x9f: {  	[spmem:s2] =	stream.indirect.scatter.add.f32 [tilespmem:s21], [sflag:$0x2], $0x80, s25, s18, $0xb8;
	[tilespmem:$0x1EF18] =	vst v63  }
0xa0: {  	_ =	swait.ge [sflag:s15], $0x2800  }
0xa1: {  	[sflag:s15] =	ssyncset.done $0x0  }
0xa2: {  	[sflag:s15] =	ssyncadd.s32 $0xFFFFD800  }
0xa3: {  	[bflag:$0x0] =	sbarrier.arrive $0xFFFF;
	s0 =	simm.s32 @!p0 $0x1C02;
	s3 =	sadd.s32 $0x1, s3  }
0xa4: {  	[hbm:s12], [sflag:s0] =	dma.local @!p0 [spmem:s14], $0x29830  }
0xa5: {  	p1 =	sne.s32 s3, s13  }
.Ltmp3:
0xa6: {  	_ = 	snop;
	(pc) =	sbr.rel @p1 .LBB2_1-.Ltmp3, $4  }
0xa7: {  	s0 =	simm.s32 @!p0 $0x2  }
0xa8: {  	_ =	swait.ge @!p0 [sflag:s0], $0x29830  }
0xa9: {  	[sflag:s0] =	ssyncset.done @!p0 $0x0  }
0xaa: {  	[sflag:s0] =	ssyncadd.s32 @!p0 $0xFFFD67D0  }
0xab: {  	_ =	sfence.sel $0x180000  }
0xac: {  	[bflag:$0x0] =	sbarrier.arrive $0xFFFF  }
0xad: {  	_ =	strace $0x9000004A  }
0xae: {  	[bflag:$0x2] =	sbarrier.arrive $0xFFFF  }
0xaf: {  	s0 =	rddreg [dreg:$0x3]  }
0xb0: {  	s0 =	sadd.s32 @!p0 $0x100000, s0  }
0xb1: {  	[sflag:s0] =	ssyncadd.tile.s32 @!p0 $0x1;
	_ =	shalt  }
.Lfunc_end2:
_tile_overlayer_lowered:
.L_overlay_start_2:
0xb2: {  	(tag) =	ssettag $0x2  }
0xb3: {  	s0 =	rddreg [dreg:$0x0];
	s2 =	stileid.u32  }
0xb4: {  	s1 =	rddreg [dreg:$0x1];
	p0 =	sne.s32 s2, $0x0  }
0xb5: {  	s3 =	rddreg [dreg:$0x2];
	[bflag:$0x3] =	sbarrier.arrive $0xFFFF;
	s2 =	simm.s32 @!p0 $0x1C02  }
0xb6: {  	[timem:s3], [sflag:s2] =	dma.local @!p0 [hbm:s0], s1  }
0xb7: {  	s0 =	simm.s32 @!p0 $0x2  }
0xb8: {  	_ =	swait.ge @!p0 [sflag:s0], s1  }
0xb9: {  	s1 =	ssub.s32 @!p0 $0x0, s1;
	[sflag:s0] =	ssyncset.done @!p0 $0x0  }
0xba: {  	[sflag:s0] =	ssyncadd.s32 @!p0 s1  }
0xbb: {  	[bflag:$0x3] =	sbarrier.arrive $0xFFFF  }
0xbc: {  	_ =	shalt  }

// kernel: kernel.17.cloned.1.call-start
scs
__scs_entry_jumppad:
0x0: {  	(pc) =	sbr.rel $0x88, $3  }
0x1: {  	(tag) =	ssettag $0x0;
	lr =	simm.s32 $0x1  }
0x2: {  	[smem:$0x3F97] =	sst lr;
	_ =	strace $0xD0000000  }
0x3: {  	_ = 	snop  }
0x4: {  	_ = 	snop  }
0x5: {  	_ = 	snop  }
0x6: {  	_ = 	snop  }
0x7: {  	_ = 	snop  }
__scs_overlays_trampoline_lowered:
0x8: {  	[smem:$0x3FA6] =	sst s0  }
0x9: {  	[smem:$0x3FA7] =	sst s1  }
0xa: {  	[smem:$0x3FA8] =	sst s2  }
0xb: {  	[smem:$0x3FA9] =	sst s3  }
0xc: {  	[smem:$0x3FAA] =	sst s4  }
0xd: {  	[smem:$0x3FAB] =	sst s5  }
0xe: {  	[smem:$0x3FAC] =	sst s6  }
0xf: {  	[smem:$0x3FAD] =	sst s7  }
0x10: {  	[smem:$0x3FAE] =	sst s8  }
0x11: {  	[smem:$0x3FAF] =	sst s9;
	s0 =	simm.s32 @!p0 $0x0  }
0x12: {  	s1 =	sld [smem:$0x3F95];
	s0 =	simm.s32 @p0 $0x1  }
0x13: {  	[smem:$0x3FB0] =	sst s0;
	s0 =	simm.s32 @!p1 $0x0  }
0x14: {  	s2 =	sld [smem:$0x3F94];
	s0 =	simm.s32 @p1 $0x1  }
0x15: {  	[smem:$0x3FB1] =	sst s0;
	s0 =	simm.s32 @!p2 $0x0  }
0x16: {  	s3 =	sld [smem:$0x3FDB];
	s0 =	simm.s32 @p2 $0x1  }
0x17: {  	s4 =	simm.s32 $0x1BF5;
	[smem:$0x3FB3] =	sst s0  }
0x18: {  	s0 =	sld [smem:$0x3F96];
	_ =	swait.ge [sflag:s4], $0x0  }
0x19: {  	s7 =	sld [smem:$0x3F97]  }
0x1a: {  	s8 =	sadd.s32 $0xFFFFE003, lr  }
0x1b: {  	s9 =	sadd.s32 $0xFFFFFEF7, lr;
	s5 =	simm.s32 $0xFFFFFFFF;
	p2 =	slt.u32 s8, $0xFFFFF086  }
0x1c: {  	p1 =	slt.u32 s9, $0xF7A;
	s5 =	simm.s32 @!p2 $0x0  }
0x1d: {  	s5 =	simm.s32 @p1 $0x1;
	p0 =	seq.s32 s7, s2  }
0x1e: {  	s7 =	smul.u32 @!p0 $0xF7A, s2;
	p2 =	seq.s32 @!p0 s5, $0x0  }
0x1f: {  	s9 =	smul.u32 $0xF7A, s1;
	s8 =	simm.s32 @!p0 $0x1BF5;
	p2 =	por !p2, p0  }
0x20: {  	[sflag:s8] =	ssyncset.s32 @!p0 $0xFFFFF086;
	s6 =	sadd.s32 @!p0 s3, s7;
	s7 =	simm.s32 @!p0 $0x108  }
0x21: {  	s3 =	sadd.s32 s3, s9;
	s6 =	sadd.s32 @!p0 $0x88, s6;
	s7 =	simm.s32 @p2 $0x1082  }
0x22: {  	[simem:s7], [sflag:s8] =	dma.local @!p0 [hbm:s6], $0xF7A  }
0x23: {  	s9 =	sor.u32 $0xD0000000, s2;
	s6 =	simm.s32 $0x108;
	_ =	swait.ge @!p0 [sflag:s8], $0x0  }
0x24: {  	s3 =	sadd.s32 $0x88, s3;
	s6 =	simm.s32 @!p1 $0x1082;
	[sflag:s4] =	ssyncset.s32 $0xFFFFF086  }
0x25: {  	[simem:s6], [sflag:s4] =	dma.local [hbm:s3], $0xF7A  }
0x26: {  	[smem:$0x3F97] =	sst s1;
	(tag) =	ssettag s2;
	_ =	strace s9  }
0x27: {  	s1 =	sld [smem:$0x3FA7]  }
0x28: {  	s2 =	sld [smem:$0x3FA8]  }
0x29: {  	s4 =	sld [smem:$0x3FAA]  }
0x2a: {  	p0 =	seq.s32 s5, $0x0;
	s5 =	sld [smem:$0x3FAB]  }
0x2b: {  	s6 =	sld [smem:$0x3FAC]  }
0x2c: {  	s7 =	sld [smem:$0x3FAD]  }
0x2d: {  	s3 =	simm.s32 $0x108;
	s8 =	sld [smem:$0x3FAE]  }
0x2e: {  	s3 =	simm.s32 @!p0 $0x1082;
	s9 =	sld [smem:$0x3FAF]  }
0x2f: {  	lr =	sadd.s32 s0, s3;
	s0 =	sld [smem:$0x3FA6]  }
0x30: {  	s3 =	sld [smem:$0x3FA9]  }
0x31: {  	[smem:$0x3FB2] =	sst s10  }
0x32: {  	s10 =	sld [smem:$0x3FB0];
	_ =	sdelay $0x3  }
0x33: {  	p0 =	seq.s32 s10, $0x1;
	s10 =	sld [smem:$0x3FB2];
	_ =	sdelay $0x3  }
0x34: {  	[smem:$0x3FB2] =	sst s10  }
0x35: {  	s10 =	sld [smem:$0x3FB1];
	_ =	sdelay $0x3  }
0x36: {  	p1 =	seq.s32 s10, $0x1;
	s10 =	sld [smem:$0x3FB2];
	_ =	sdelay $0x3  }
0x37: {  	[smem:$0x3FB2] =	sst s10  }
0x38: {  	s10 =	sld [smem:$0x3FB3]  }
0x39: {  	_ = 	snop;
	(pc) =	sbr.ind lr, $3  }
0x3a: {  	_ = 	snop  }
0x3b: {  	_ = 	snop  }
0x3c: {  	p2 =	seq.s32 s10, $0x1;
	s10 =	sld [smem:$0x3FB2]  }
0x3d: {  	_ =	shalt  }
0x3e: {  	_ =	shalt  }
0x3f: {  	_ =	shalt  }
0x40: {  	_ =	shalt  }
0x41: {  	_ =	shalt  }
0x42: {  	_ =	shalt  }
0x43: {  	_ =	shalt  }
0x44: {  	_ =	shalt  }
0x45: {  	_ =	shalt  }
0x46: {  	_ =	shalt  }
0x47: {  	_ =	shalt  }
0x48: {  	_ =	shalt  }
0x49: {  	_ =	shalt  }
0x4a: {  	_ =	shalt  }
0x4b: {  	_ =	shalt  }
0x4c: {  	_ =	shalt  }
0x4d: {  	_ =	shalt  }
0x4e: {  	_ =	shalt  }
0x4f: {  	_ =	shalt  }
0x50: {  	_ =	shalt  }
0x51: {  	_ =	shalt  }
0x52: {  	_ =	shalt  }
0x53: {  	_ =	shalt  }
0x54: {  	_ =	shalt  }
0x55: {  	_ =	shalt  }
0x56: {  	_ =	shalt  }
0x57: {  	_ =	shalt  }
0x58: {  	_ =	shalt  }
0x59: {  	_ =	shalt  }
0x5a: {  	_ =	shalt  }
0x5b: {  	_ =	shalt  }
0x5c: {  	_ =	shalt  }
0x5d: {  	_ =	shalt  }
0x5e: {  	_ =	shalt  }
0x5f: {  	_ =	shalt  }
0x60: {  	_ =	shalt  }
0x61: {  	_ =	shalt  }
0x62: {  	_ =	shalt  }
0x63: {  	_ =	shalt  }
0x64: {  	_ =	shalt  }
0x65: {  	_ =	shalt  }
0x66: {  	_ =	shalt  }
0x67: {  	_ =	shalt  }
0x68: {  	_ =	shalt  }
0x69: {  	_ =	shalt  }
0x6a: {  	_ =	shalt  }
0x6b: {  	_ =	shalt  }
0x6c: {  	_ =	shalt  }
0x6d: {  	_ =	shalt  }
0x6e: {  	_ =	shalt  }
0x6f: {  	_ =	shalt  }
0x70: {  	_ =	shalt  }
0x71: {  	_ =	shalt  }
0x72: {  	_ =	shalt  }
0x73: {  	_ =	shalt  }
0x74: {  	_ =	shalt  }
0x75: {  	_ =	shalt  }
0x76: {  	_ =	shalt  }
0x77: {  	_ =	shalt  }
0x78: {  	_ =	shalt  }
0x79: {  	_ =	shalt  }
0x7a: {  	_ =	shalt  }
0x7b: {  	_ =	shalt  }
0x7c: {  	_ =	shalt  }
0x7d: {  	_ =	shalt  }
0x7e: {  	_ =	shalt  }
0x7f: {  	_ =	shalt  }
0x80: {  	_ =	shalt  }
0x81: {  	_ =	shalt  }
0x82: {  	_ =	shalt  }
0x83: {  	_ =	shalt  }
0x84: {  	_ =	shalt  }
0x85: {  	_ =	shalt  }
0x86: {  	_ =	shalt  }
0x87: {  	_ =	shalt  }
.Lfunc_end0:
.L_simem_size_0:
called_computation.3_lowered:
.L_overlay_start_0:
0x88: {  	s2 =	sld [smem:$0x3FD9]  }
0x89: {  	s3 =	sld [smem:$0x3FFE];
	_ =	sdelay $0x1  }
0x8a: {  	s1 =	srdreg.scid  }
0x8b: {  	s0 =	sand.u32 $0x1, s1  }
0x8c: {  	s17 =	sshll.u32 s0, $0xA;
	s2 =	sadd.s32 s3, s2  }
0x8d: {  	s2 =	sadd.s32 s2, s17  }
0x8e: {  	[smem:$0x3FBE] =	sst s2  }
0x8f: {  	_ = 	snop  }
0x90: {  	s2 =	sld [smem:$0x3FC7]  }
0x91: {  	s18 =	sld [smem:$0x3FD0];
	(tm) =	ssettm $0x1  }
0x92: {  	s4 =	sld [smem:$0x3FFB];
	_ =	sdelay $0x3  }
0x93: {  	_ =	strace s4  }
0x94: {  	s4 =	sld [smem:$0x3FFC];
	_ =	sdelay $0x3  }
0x95: {  	_ =	strace s4  }
0x96: {  	s4 =	sld [smem:$0x3FFD];
	_ =	sdelay $0x3  }
0x97: {  	_ =	strace s4  }
0x98: {  	_ =	strace $0x8FFFFFFF  }
0x99: {  	s19 =	sld [smem:$0x3FDB];
	_ =	sdelay $0x1  }
0x9a: {  	s5 =	simm.s32 $_scs_section_size  }
0x9b: {  	s6 =	simm.s32 $_size__tile_overlayer_lowered;
	s7 =	simm.s32 $_tile_overlayer_lowered  }
0x9c: {  	s22 =	simm.s32 $0x1BFF;
	s21 =	sshll.u32 s7, $0x1;
	s4 =	sadd.s32 s5, s19  }
0x9d: {  	s8 =	simm.s32 $0x0;
	s20 =	sshll.u32 s6, $0x1;
	s6 =	sadd.s32 s21, s4  }
0x9e: {  	[timem:s8], [sflag:s22] =	dma.local [hbm:s6], s20  }
0x9f: {  	_ =	swait.ge [sflag:s22], s20  }
0xa0: {  	s5 =	ssub.s32 $0x0, s20;
	[sflag:s22] =	ssyncset.done $0x0  }
0xa1: {  	[sflag:s22] =	ssyncadd.s32 s5;
	_ =	sdelay $0x1  }
0xa2: {  	s23 =	simm.s32 $0x1B8B  }
0xa3: {  	_ =	swait.ge [sflag:s23], $0x1  }
0xa4: {  	[sflag:s23] =	ssyncset.done $0x0  }
0xa5: {  	s25 =	simm.s32 $0x1B8E;
	s24 =	sld [smem:$0x3FFE];
	[sflag:s23] =	ssyncadd.s32 $0xFFFFFFFF  }
0xa6: {  	s26 =	simm.s32 $execute0_lowered;
	[smem:$0x3FD2] =	sst s25  }
0xa7: {  	s6 =	sshll.u32 s26, $0x1;
	_ =	strace $0x80000046;
	[dreg:$0x1] =	wrdreg $0xFFFFFFFF  }
0xa8: {  	s28 =	simm.s32 $_size_execute0_lowered;
	s4 =	sadd.s32 s4, s6;
	[dreg:$0x0] =	wrdreg $0x0  }
0xa9: {  	s6 =	sshll.u32 s28, $0x1;
	[dreg:$0x2] =	wrdreg s4  }
0xaa: {  	[dreg:$0x3] =	wrdreg s6  }
0xab: {  	[dreg:$0x4] =	wrdreg $0xC0  }
0xac: {  	_ =	task [dreg:s8], $0x5FFFF  }
0xad: {  	[dreg:$0x1] =	wrdreg $0xFFFFFFFF  }
0xae: {  	[dreg:$0x0] =	wrdreg $0x60  }
0xaf: {  	[dreg:$0x2] =	wrdreg s24  }
0xb0: {  	[dreg:$0x3] =	wrdreg s2  }
0xb1: {  	[dreg:$0x4] =	wrdreg s18  }
0xb2: {  	[dreg:$0x5] =	wrdreg $0xA3000  }
0xb3: {  	[dreg:$0x6] =	wrdreg $0xC  }
0xb4: {  	_ =	task.clear_ibuf [dreg:s8], $0x7FFFF;
	_ =	strace $0x90000046  }
0xb5: {  	s29 =	simm.s32 $0xC;
	_ =	strace $0x80000048  }
0xb6: {  	_ =	swait.ge [sflag:s29], $0x1  }
0xb7: {  	[sflag:s29] =	ssyncadd.s32 $0xFFFFFFFF  }
0xb8: {  	_ =	strace $0x90000048  }
0xb9: {  	_ =	sfence  }
0xba: {  	s30 =	sld [smem:$0x0];
	_ =	sdelay $0x2  }
0xbb: {  	s31 =	sshll.u32 s1, $0xD;
	s1 =	sshrl.u32 s1, $0x2  }
0xbc: {  	s3 =	sand.u32 $0x4000, s31;
	s1 =	sadd.s32 s1, s30  }
0xbd: {  	s0 =	sor.u32 s3, s0;
	s1 =	sshll.u32 s1, $0x11  }
0xbe: {  	s0 =	sor.u32 s1, s0  }
0xbf: {  	s0 =	sadd.s32 $0x8F2B, s0  }
0xc0: {  	[sflag:s0] =	ssyncadd.remote.s32 $0x1  }
0xc1: {  	_ =	sfence.sel $0xFFFF  }
0xc2: {  	[dreg:$0x0] =	wrdreg $0xFFFFFFFF;
	(pc) =	sbr.abs _section_cstart, $3  }
0xc3: {  	[dreg:$0x1] =	wrdreg $0xFFFFFFFF  }
0xc4: {  	_ =	task.clear_ibuf [dreg:s8], $0x2FFFF;
	_ =	strace $0x9FFFFFFF  }
0xc5: {  	(tm) =	ssettm $0x7FFFFFFF  }
tec
execute0_lowered:
.L_overlay_start_1:
0x0: {  	(tag) =	ssettag $0x1  }
0x1: {  	s0 =	rddreg [dreg:$0x0]  }
0x2: {  	s1 =	rddreg [dreg:$0x1]  }
0x3: {  	s2 =	rddreg [dreg:$0x2]  }
0x4: {  	s3 =	rddreg [dreg:$0x3]  }
0x5: {  	s4 =	simm.s32 $0x0;
	s10 =	srdreg.scid;
	s14 =	stileid.u32  }
0x6: {  	s17 =	simm.s32 $0x100;
	s18 =	simm.s32 $0x50;
	s19 =	simm.s32 $0x300  }
0x7: {  	s20 =	simm.s32 $0x1;
	s21 =	simm.s32 $0x2B00;
	s22 =	simm.s32 $0x5300  }
0x8: {  	s23 =	simm.s32 $0x280;
	s24 =	simm.s32 $0x180;
	s25 =	simm.s32 $0x200  }
0x9: {  	[smem:$0x7FF] =	sst s4;
	s5 =	sadd.s32 $0xF800, s0;
	s7 =	sadd.s32 $0x28AA00, s0  }
0xa: {  	s6 =	sadd.s32 $0x5A00, s0;
	s8 =	sadd.s32 $0x263800, s0;
	s9 =	sadd.s32 $0x5800, s0  }
0xb: {  	s11 =	sand.u32 $0x1, s10;
	s15 =	sshll.u32 s14, $0x1;
	s31 =	sadd.s32 $0x39C800, s0  }
0xc: {  	p0 =	sne.s32 s14, $0x0;
	_ =	strace $0x80000047;
	s12 =	smul.u32 $0x29880, s11  }
0xd: {  	s13 =	ssub.s32 $0x2, s11;
	[dreg:$0x5] =	wrdreg s31;
	s11 =	sor.u32 s11, s15  }
0xe: {  	s14 =	sshrl.u32 @!p0 s3, $0x3;
	s15 =	simm.s32 $0x2;
	s16 =	sshrl.u32 s13, $0x1  }
0xf: {  	s11 =	smul.u32 $0x2710, s11;
	s0 =	sadd.s32 s12, s0;
	s13 =	ssub.s32 s13, s16  }
0x10: {  	s16 =	simm.s32 $0x80;
	s12 =	sadd.s32 $0x3C6200, s0;
	s13 =	smax.u32 s13, $0x1  }
.LBB2_1:
0x11: {  	s0 =	simm.s32 @!p0 $0x1C02;
	s10 =	rddreg [dreg:$0x5]  }
0x12: {  	[spmem:s14], [sflag:s0] =	dma.local @!p0 [hbm:s10], $0x29830  }
0x13: {  	s0 =	simm.s32 @!p0 $0x2  }
0x14: {  	_ =	swait.ge @!p0 [sflag:s0], $0x29830  }
0x15: {  	[sflag:s0] =	ssyncset.done @!p0 $0x0  }
0x16: {  	[sflag:s0] =	ssyncadd.s32 @!p0 $0xFFFD67D0  }
0x17: {  	s26 =	simm.s32 $0x0;
	[bflag:$0x0] =	sbarrier.arrive $0xFFFF  }
.LBB2_2:
0x18: {  	s0 =	smul.u32 $0x50, s26;
	_ =	sdelay $0x1  }
0x19: {  	s0 =	sadd.s32 s11, s0  }
0x1a: {  	s0 =	sshrl.u32 s0, $0x3  }
0x1b: {  	s29 =	simm.s32 $0x0;
	s28 =	sadd.s32 s5, s0  }
0x1c: {  	[tilespmem:s29], [sflag:$0x2] =	stream.linear.gather [hbm4b:s28+s29], $0x50, $0x38;
	[tilespmem:$0x1EF18] =	vst v63  }
0x1d: {  	_ =	swait.ge [sflag:s15], $0x50  }
0x1e: {  	[sflag:s15] =	ssyncset.done $0x0  }
0x1f: {  	s28 =	sadd.s32 s6, s0;
	[sflag:s15] =	ssyncadd.s32 $0xFFFFFFB0  }
0x20: {  	[tilespmem:s16], [sflag:$0x2] =	stream.linear.gather [hbm4b:s28+s29], $0x50, $0x38;
	[tilespmem:$0x1EF18] =	vst v63  }
0x21: {  	_ =	swait.ge [sflag:s15], $0x50  }
0x22: {  	[sflag:s15] =	ssyncset.done $0x0  }
0x23: {  	s0 =	sadd.s32 s1, s0;
	[sflag:s15] =	ssyncadd.s32 $0xFFFFFFB0  }
0x24: {  	[tilespmem:s17], [sflag:$0x2] =	stream.linear.gather [hbm4b:s0+s29], $0x50, $0x38;
	[tilespmem:$0x1EF18] =	vst v63  }
0x25: {  	_ =	swait.ge [sflag:s15], $0x50  }
0x26: {  	[sflag:s15] =	ssyncset.done $0x0  }
0x27: {  	[sflag:s15] =	ssyncadd.s32 $0xFFFFFFB0  }
0x28: {  	[tilespmem:s19], [sflag:$0x1] =	stream.indirect.gather [hbm4b:s2+s18], $0x80, s29, s18, $0xb8;
	[tilespmem:$0x1EF18] =	vst v63  }
0x29: {  	_ =	swait.ge [sflag:s20], $0x2800  }
0x2a: {  	[sflag:s20] =	ssyncset.done $0x0  }
0x2b: {  	[sflag:s20] =	ssyncadd.s32 $0xFFFFD800  }
0x2c: {  	[tilespmem:s21], [sflag:$0x1] =	stream.indirect.gather [hbm4b:s7+s18], $0x80, s16, s18, $0xb8;
	[tilespmem:$0x1EF18] =	vst v63  }
0x2d: {  	_ =	swait.ge [sflag:s20], $0x2800  }
0x2e: {  	[sflag:s20] =	ssyncset.done $0x0  }
0x2f: {  	[sflag:s20] =	ssyncadd.s32 $0xFFFFD800  }
0x30: {  	[tilespmem:s22], [sflag:$0x1] =	stream.indirect.gather [hbm4b:s8+s18], $0x80, s29, s18, $0xb8;
	[tilespmem:$0x1EF18] =	vst v63  }
0x31: {  	_ =	swait.ge [sflag:s20], $0x2800  }
0x32: {  	[sflag:s20] =	ssyncset.done $0x0  }
0x33: {  	[sflag:s20] =	ssyncadd.s32 $0xFFFFD800  }
0x34: {  	v0 =	vld [tilespmem:$0x100]  }
0x35: {  	v1 =	vld [tilespmem:$0x80]  }
0x36: {  	v2 =	vld [tilespmem:$0x110]  }
0x37: {  	v3 =	vld [tilespmem:$0x90];
	_ =	sdelay $0x1  }
0x38: {  	vm0 =	veq.s32 v0, $0x3;
	v0 =	vld [tilespmem:$0x120]  }
0x39: {  	v4 =	vld [tilespmem:$0xA0]  }
0x3a: {  	vm9 =	veq.s32 v2, $0x3;
	v1 =	vnsel vm0, $0x2710, v1  }
0x3b: {  	v2 =	vnsel vm9, $0x2710, v3;
	[tilespmem:$0x180] =	vst v1  }
0x3c: {  	v3 =	vld [tilespmem:$0x130];
	v5 =	vshrl.u32 v1, $0x4;
	v1 =	vand.u32 $0xF, v1;
	[tilespmem:$0x190] =	vst v2  }
0x3d: {  	v5 =	vadd.s32 $0x2711, v5;
	[tilespmem:$0x280] =	vst v1;
	v1 =	vshrl.u32 v2, $0x4;
	vm10 =	veq.s32 v0, $0x3;
	v0 =	vld [tilespmem:$0xB0]  }
0x3e: {  	[tilespmem:$0x200] =	vst v5;
	v1 =	vadd.s32 $0x2711, v1;
	v4 =	vnsel vm10, $0x2710, v4  }
0x3f: {  	v5 =	vld [tilespmem:$0x140];
	[tilespmem:$0x210] =	vst v1;
	v1 =	vand.u32 $0xF, v2;
	v2 =	vshrl.u32 v4, $0x4  }
0x40: {  	[tilespmem:$0x290] =	vst v1;
	v1 =	vadd.s32 $0x2711, v2;
	v2 =	vld [tilespmem:$0xC0]  }
0x41: {  	vm11 =	veq.s32 v3, $0x3;
	[tilespmem:$0x1A0] =	vst v4  }
0x42: {  	[tilespmem:$0x220] =	vst v1;
	v1 =	vand.u32 $0xF, v4;
	v0 =	vnsel vm11, $0x2710, v0  }
0x43: {  	[tilespmem:$0x2A0] =	vst v1;
	v1 =	vshrl.u32 v0, $0x4  }
0x44: {  	vm12 =	veq.s32 v5, $0x3;
	[tilespmem:$0x1B0] =	vst v0;
	v1 =	vadd.s32 $0x2711, v1  }
0x45: {  	v0 =	vand.u32 $0xF, v0;
	[tilespmem:$0x230] =	vst v1;
	v1 =	vnsel vm12, $0x2710, v2  }
0x46: {  	[tilespmem:$0x2B0] =	vst v0;
	v0 =	vshrl.u32 v1, $0x4  }
0x47: {  	[tilespmem:$0x1C0] =	vst v1;
	v0 =	vadd.s32 $0x2711, v0  }
0x48: {  	[tilespmem:$0x240] =	vst v0;
	v0 =	vand.u32 $0xF, v1  }
0x49: {  	s28 =	simm.s32 $0x0;
	[tilespmem:$0x2C0] =	vst v0  }
0x4a: {  	v0 =	vld [tilespmem:s28+$0x300]  }
0x4b: {  	v1 =	vld [tilespmem:s28+$0x2B00];
	_ =	sdelay $0x4  }
0x4c: {  	v0 =	vadd.f32 v1, v0;
	_ =	sdelay $0x1  }
0x4d: {  	s29 =	simm.s32 $0x80;
	v1 =	vmul.f32 $2.000000030e-01, v0  }
0x4e: {  	v2 =	vld [tilespmem:s29+$0x300];
	vm13 =	vgt.f32 v0, $0.0e+00  }
0x4f: {  	v3 =	vld [tilespmem:s29+$0x2B00];
	v0 =	vsel vm13, v0, v1  }
0x50: {  	s30 =	simm.s32 $0x100;
	v0 =	vmul.f32 $1.442695020e+00, v0  }
0x51: {  	v1 =	vld [tilespmem:s30+$0x300]  }
0x52: {  	(erf) = vpow2.f32 v0;
	v0 =	vld [tilespmem:s30+$0x2B00];
	_ =	sdelay $0x1  }
0x53: {  	v2 =	vadd.f32 v3, v2;
	_ =	sdelay $0x1  }
0x54: {  	v3 =	vmul.f32 $2.000000030e-01, v2  }
0x55: {  	vm14 =	vgt.f32 v2, $0.0e+00;
	v4 =	vadd.f32 v0, v1  }
0x56: {  	v0 =	vsel vm14, v2, v3  }
0x57: {  	s31 =	simm.s32 $0x180;
	v1 =	vmul.f32 $1.442695020e+00, v0;
	v2 =	vmul.f32 $2.000000030e-01, v4  }
0x58: {  	v0 =	vld [tilespmem:s31+$0x300]  }
0x59: {  	(erf) = vpow2.f32 v1;
	v1 =	vld [tilespmem:s31+$0x2B00]  }
0x5a: {  	vm15 =	vgt.f32 v4, $0.0e+00  }
0x5b: {  	s0 =	simm.s32 $0x800;
	v3 =	vsel vm15, v4, v2;
	v2 =	vpop (erf)  }
.LBB2_3:
0x5c: {  	s10 =	sshra.s32 s0, $0x2  }
0x5d: {  	v3 =	vmul.f32 $1.442695020e+00, v3;
	[tilespmem:s28+$0x7B00] =	vst v2;
	s28 =	smov.u32 s29;
	s29 =	smov.u32 s30;
	p1 =	sne.s32 s0, $0x9E00  }
.Ltmp0:
0x5e: {  	s0 =	sadd.s32 $0x200, s0;
	v2 =	vadd.f32 v1, v0;
	v0 =	vld [tilespmem:s10+$0x300];
	(pc) =	sbr.rel @p1 .LBB2_3-.Ltmp0, $4  }
0x5f: {  	s30 =	smov.u32 s31;
	s31 =	smov.u32 s10;
	v1 =	vld [tilespmem:s10+$0x2B00];
	(erf) = vpow2.f32 v3  }
0x60: {  	v3 =	vmul.f32 $2.000000030e-01, v2  }
0x61: {  	vm0 =	vgt.f32 v2, $0.0e+00  }
0x62: {  	v3 =	vsel vm0, v2, v3;
	v2 =	vpop (erf)  }
0x63: {  	_ = 	snop  }
0x64: {  	v0 =	vadd.f32 v1, v0;
	_ =	sdelay $0x1  }
0x65: {  	v1 =	vmul.f32 $2.000000030e-01, v0  }
0x66: {  	vm0 =	vgt.f32 v0, $0.0e+00  }
0x67: {  	v3 =	vmul.f32 $1.442695020e+00, v3;
	v0 =	vsel vm0, v0, v1  }
0x68: {  	v0 =	vmul.f32 $1.442695020e+00, v0  }
0x69: {  	(erf) = vpow2.f32 v3  }
0x6a: {  	(erf) = vpow2.f32 v0;
	_ =	sdelay $0x6  }
0x6b: {  	[tilespmem:s28+$0x7B00] =	vst v2;
	v0 =	vpop (erf)  }
0x6c: {  	[tilespmem:s29+$0x7B00] =	vst v0;
	v0 =	vpop (erf)  }
0x6d: {  	[tilespmem:s30+$0x7B00] =	vst v0;
	v0 =	vpop (erf)  }
0x6e: {  	[tilespmem:s31+$0x7B00] =	vst v0  }
0x6f: {  	[tilespmem:s21], [sflag:$0x1] =	stream.indirect.gather [hbm4b:s9+s18], $0x80, s23, s18, $0xb8;
	[tilespmem:$0x1EF18] =	vst v63  }
0x70: {  	_ =	swait.ge [sflag:s20], $0x2800  }
0x71: {  	[sflag:s20] =	ssyncset.done $0x0  }
0x72: {  	s28 =	simm.s32 $0x0;
	[sflag:s20] =	ssyncadd.s32 $0xFFFFD800  }
0x73: {  	v0 =	vld [tilespmem:s28+$0x7B00]  }
0x74: {  	v3 =	vld [tilespmem:s28+$0x2B00]  }
0x75: {  	v6 =	vld [tilespmem:s28+$0x2B10]  }
0x76: {  	v5 =	vld [tilespmem:s28+$0x2B20]  }
0x77: {  	v4 =	vld [tilespmem:s28+$0x2B30]  }
0x78: {  	v2 =	vld [tilespmem:s28+$0x2B40]  }
0x79: {  	v1 =	vld [tilespmem:s28+$0x2B50];
	v7 =	vmul.f32 v3, v0  }
0x7a: {  	s29 =	simm.s32 $0x200;
	v6 =	vmul.f32 v6, v0;
	v3 =	vld [tilespmem:s28+$0x2B60]  }
.LBB2_5:
0x7b: {  	p1 =	sne.s32 s29, $0x9E00;
	[tilespmem:s28+$0x2B00] =	vst v7;
	v5 =	vmul.f32 v5, v0;
	v7 =	vld [tilespmem:s28+$0x2B70]  }
0x7c: {  	v8 =	vld [tilespmem:s28+$0x5300];
	[tilespmem:s28+$0x2B10] =	vst v6;
	v4 =	vmul.f32 v4, v0  }
0x7d: {  	v6 =	vld [tilespmem:s28+$0x5310];
	[tilespmem:s28+$0x2B20] =	vst v5;
	v2 =	vmul.f32 v2, v0  }
0x7e: {  	v5 =	vld [tilespmem:s28+$0x5320];
	[tilespmem:s28+$0x2B30] =	vst v4;
	v1 =	vmul.f32 v1, v0  }
0x7f: {  	v4 =	vld [tilespmem:s28+$0x5330];
	[tilespmem:s28+$0x2B40] =	vst v2;
	v2 =	vmul.f32 v3, v0  }
0x80: {  	v3 =	vld [tilespmem:s28+$0x5340];
	[tilespmem:s28+$0x2B50] =	vst v1;
	v1 =	vmul.f32 v7, v0  }
0x81: {  	v7 =	vmul.f32 v8, v0;
	v8 =	vld [tilespmem:s28+$0x5350];
	[tilespmem:s28+$0x2B60] =	vst v2  }
0x82: {  	v2 =	vmul.f32 v6, v0;
	v6 =	vld [tilespmem:s28+$0x5360];
	[tilespmem:s28+$0x2B70] =	vst v1  }
0x83: {  	s0 =	sshra.s32 s29, $0x2;
	[tilespmem:s28+$0x300] =	vst v7;
	v1 =	vmul.f32 v5, v0;
	v7 =	vld [tilespmem:s28+$0x5370]  }
0x84: {  	v9 =	vld [tilespmem:s0+$0x7B00];
	[tilespmem:s28+$0x310] =	vst v2;
	v2 =	vmul.f32 v4, v0  }
0x85: {  	v10 =	vld [tilespmem:s0+$0x2B00];
	[tilespmem:s28+$0x320] =	vst v1;
	v1 =	vmul.f32 v3, v0  }
0x86: {  	v3 =	vld [tilespmem:s0+$0x2B10];
	[tilespmem:s28+$0x330] =	vst v2;
	v2 =	vmul.f32 v8, v0  }
.Ltmp1:
0x87: {  	v5 =	vld [tilespmem:s0+$0x2B20];
	[tilespmem:s28+$0x340] =	vst v1;
	v1 =	vmul.f32 v6, v0;
	(pc) =	sbr.rel @p1 .LBB2_5-.Ltmp1, $4  }
0x88: {  	v4 =	vld [tilespmem:s0+$0x2B30];
	[tilespmem:s28+$0x350] =	vst v2;
	v6 =	vmul.f32 v7, v0  }
0x89: {  	v2 =	vld [tilespmem:s0+$0x2B40];
	[tilespmem:s28+$0x360] =	vst v1;
	v0 =	vmov v9  }
0x8a: {  	v7 =	vmul.f32 v10, v0;
	v1 =	vld [tilespmem:s0+$0x2B50];
	[tilespmem:s28+$0x370] =	vst v6;
	s28 =	smov.u32 s0  }
0x8b: {  	s29 =	sadd.s32 $0x200, s29;
	v6 =	vmul.f32 v3, v0;
	v3 =	vld [tilespmem:s28+$0x2B60]  }
0x8c: {  	[tilespmem:s28+$0x2B00] =	vst v7;
	v52 =	vld [tilespmem:s28+$0x2B70];
	v5 =	vmul.f32 v5, v0  }
0x8d: {  	v8 =	vld [tilespmem:s28+$0x5300];
	[tilespmem:s28+$0x2B10] =	vst v6;
	v4 =	vmul.f32 v4, v0  }
0x8e: {  	v53 =	vld [tilespmem:s28+$0x5310];
	[tilespmem:s28+$0x2B20] =	vst v5;
	v2 =	vmul.f32 v2, v0  }
0x8f: {  	v54 =	vld [tilespmem:s28+$0x5320];
	[tilespmem:s28+$0x2B30] =	vst v4;
	v1 =	vmul.f32 v1, v0  }
0x90: {  	v55 =	vld [tilespmem:s28+$0x5330];
	[tilespmem:s28+$0x2B40] =	vst v2;
	v3 =	vmul.f32 v3, v0  }
0x91: {  	v56 =	vld [tilespmem:s28+$0x5340];
	[tilespmem:s28+$0x2B50] =	vst v1;
	v7 =	vmul.f32 v52, v0  }
0x92: {  	v57 =	vld [tilespmem:s28+$0x5350];
	v58 =	vmul.f32 v8, v0;
	[tilespmem:s28+$0x2B60] =	vst v3  }
0x93: {  	v59 =	vld [tilespmem:s28+$0x5360];
	v6 =	vmul.f32 v53, v0;
	[tilespmem:s28+$0x2B70] =	vst v7  }
0x94: {  	v61 =	vld [tilespmem:s28+$0x5370];
	v60 =	vmul.f32 v54, v0;
	[tilespmem:s28+$0x300] =	vst v58  }
0x95: {  	v4 =	vmul.f32 v55, v0;
	[tilespmem:s28+$0x310] =	vst v6  }
0x96: {  	v2 =	vmul.f32 v56, v0;
	[tilespmem:s28+$0x320] =	vst v60  }
0x97: {  	v1 =	vmul.f32 v57, v0;
	[tilespmem:s28+$0x330] =	vst v4  }
0x98: {  	v62 =	vmul.f32 v59, v0;
	[tilespmem:s28+$0x340] =	vst v2  }
0x99: {  	v63 =	vmul.f32 v61, v0;
	[tilespmem:s28+$0x350] =	vst v1  }
0x9a: {  	[tilespmem:s28+$0x360] =	vst v62  }
0x9b: {  	[tilespmem:s28+$0x370] =	vst v63  }
0x9c: {  	[spmem:s3] =	stream.indirect.scatter.add.f32 [tilespmem:s19], [sflag:$0x2], $0x80, s24, s18, $0xb8;
	[tilespmem:$0x1EF18] =	vst v63  }
0x9d: {  	s26 =	sadd.s32 $0x1, s26;
	_ =	swait.ge [sflag:s15], $0x2800  }
0x9e: {  	p1 =	sne.s32 s26, $0x7D;
	[sflag:s15] =	ssyncset.done $0x0  }
.Ltmp2:
0x9f: {  	[sflag:s15] =	ssyncadd.s32 $0xFFFFD800;
	(pc) =	sbr.rel @p1 .LBB2_2-.Ltmp2, $4  }
0xa0: {  	[spmem:s3] =	stream.indirect.scatter.add.f32 [tilespmem:s21], [sflag:$0x2], $0x80, s25, s18, $0xb8;
	[tilespmem:$0x1EF18] =	vst v63  }
0xa1: {  	_ =	swait.ge [sflag:s15], $0x2800  }
0xa2: {  	[sflag:s15] =	ssyncset.done $0x0  }
0xa3: {  	[sflag:s15] =	ssyncadd.s32 $0xFFFFD800  }
0xa4: {  	[bflag:$0x0] =	sbarrier.arrive $0xFFFF;
	s0 =	simm.s32 @!p0 $0x1C02;
	s4 =	sadd.s32 $0x1, s4  }
0xa5: {  	[hbm:s12], [sflag:s0] =	dma.local @!p0 [spmem:s14], $0x29830  }
0xa6: {  	p1 =	sne.s32 s4, s13  }
.Ltmp3:
0xa7: {  	_ = 	snop;
	(pc) =	sbr.rel @p1 .LBB2_1-.Ltmp3, $4  }
0xa8: {  	s0 =	simm.s32 @!p0 $0x2  }
0xa9: {  	_ =	swait.ge @!p0 [sflag:s0], $0x29830  }
0xaa: {  	[sflag:s0] =	ssyncset.done @!p0 $0x0  }
0xab: {  	[sflag:s0] =	ssyncadd.s32 @!p0 $0xFFFD67D0  }
0xac: {  	_ =	sfence.sel $0x180000  }
0xad: {  	[bflag:$0x0] =	sbarrier.arrive $0xFFFF  }
0xae: {  	_ =	strace $0x90000047  }
0xaf: {  	[bflag:$0x2] =	sbarrier.arrive $0xFFFF  }
0xb0: {  	s0 =	rddreg [dreg:$0x4]  }
0xb1: {  	s0 =	sadd.s32 @!p0 $0x100000, s0  }
0xb2: {  	[sflag:s0] =	ssyncadd.tile.s32 @!p0 $0x1;
	_ =	shalt  }
.Lfunc_end2:
_tile_overlayer_lowered:
.L_overlay_start_2:
0xb3: {  	(tag) =	ssettag $0x2  }
0xb4: {  	s0 =	rddreg [dreg:$0x0];
	s2 =	stileid.u32  }
0xb5: {  	s1 =	rddreg [dreg:$0x1];
	p0 =	sne.s32 s2, $0x0  }
0xb6: {  	s3 =	rddreg [dreg:$0x2];
	[bflag:$0x3] =	sbarrier.arrive $0xFFFF;
	s2 =	simm.s32 @!p0 $0x1C02  }
0xb7: {  	[timem:s3], [sflag:s2] =	dma.local @!p0 [hbm:s0], s1  }
0xb8: {  	s0 =	simm.s32 @!p0 $0x2  }
0xb9: {  	_ =	swait.ge @!p0 [sflag:s0], s1  }
0xba: {  	s1 =	ssub.s32 @!p0 $0x0, s1;
	[sflag:s0] =	ssyncset.done @!p0 $0x0  }
0xbb: {  	[sflag:s0] =	ssyncadd.s32 @!p0 s1  }
0xbc: {  	[bflag:$0x3] =	sbarrier.arrive $0xFFFF  }
0xbd: {  	_ =	shalt  }

// kernel: kernel.8.cloned.1.call-start
scs
__scs_entry_jumppad:
0x0: {  	(pc) =	sbr.rel $0x88, $3  }
0x1: {  	(tag) =	ssettag $0x0;
	lr =	simm.s32 $0x1  }
0x2: {  	[smem:$0x3F97] =	sst lr;
	_ =	strace $0xD0000000  }
0x3: {  	_ = 	snop  }
0x4: {  	_ = 	snop  }
0x5: {  	_ = 	snop  }
0x6: {  	_ = 	snop  }
0x7: {  	_ = 	snop  }
__scs_overlays_trampoline_lowered:
0x8: {  	[smem:$0x3FA6] =	sst s0  }
0x9: {  	[smem:$0x3FA7] =	sst s1  }
0xa: {  	[smem:$0x3FA8] =	sst s2  }
0xb: {  	[smem:$0x3FA9] =	sst s3  }
0xc: {  	[smem:$0x3FAA] =	sst s4  }
0xd: {  	[smem:$0x3FAB] =	sst s5  }
0xe: {  	[smem:$0x3FAC] =	sst s6  }
0xf: {  	[smem:$0x3FAD] =	sst s7  }
0x10: {  	[smem:$0x3FAE] =	sst s8  }
0x11: {  	[smem:$0x3FAF] =	sst s9;
	s0 =	simm.s32 @!p0 $0x0  }
0x12: {  	s1 =	sld [smem:$0x3F95];
	s0 =	simm.s32 @p0 $0x1  }
0x13: {  	[smem:$0x3FB0] =	sst s0;
	s0 =	simm.s32 @!p1 $0x0  }
0x14: {  	s2 =	sld [smem:$0x3F94];
	s0 =	simm.s32 @p1 $0x1  }
0x15: {  	[smem:$0x3FB1] =	sst s0;
	s0 =	simm.s32 @!p2 $0x0  }
0x16: {  	s3 =	sld [smem:$0x3FDB];
	s0 =	simm.s32 @p2 $0x1  }
0x17: {  	s4 =	simm.s32 $0x1BF5;
	[smem:$0x3FB3] =	sst s0  }
0x18: {  	s0 =	sld [smem:$0x3F96];
	_ =	swait.ge [sflag:s4], $0x0  }
0x19: {  	s7 =	sld [smem:$0x3F97]  }
0x1a: {  	s8 =	sadd.s32 $0xFFFFE003, lr  }
0x1b: {  	s9 =	sadd.s32 $0xFFFFFEF7, lr;
	s5 =	simm.s32 $0xFFFFFFFF;
	p2 =	slt.u32 s8, $0xFFFFF086  }
0x1c: {  	p1 =	slt.u32 s9, $0xF7A;
	s5 =	simm.s32 @!p2 $0x0  }
0x1d: {  	s5 =	simm.s32 @p1 $0x1;
	p0 =	seq.s32 s7, s2  }
0x1e: {  	s7 =	smul.u32 @!p0 $0xF7A, s2;
	p2 =	seq.s32 @!p0 s5, $0x0  }
0x1f: {  	s9 =	smul.u32 $0xF7A, s1;
	s8 =	simm.s32 @!p0 $0x1BF5;
	p2 =	por !p2, p0  }
0x20: {  	[sflag:s8] =	ssyncset.s32 @!p0 $0xFFFFF086;
	s6 =	sadd.s32 @!p0 s3, s7;
	s7 =	simm.s32 @!p0 $0x108  }
0x21: {  	s3 =	sadd.s32 s3, s9;
	s6 =	sadd.s32 @!p0 $0x88, s6;
	s7 =	simm.s32 @p2 $0x1082  }
0x22: {  	[simem:s7], [sflag:s8] =	dma.local @!p0 [hbm:s6], $0xF7A  }
0x23: {  	s9 =	sor.u32 $0xD0000000, s2;
	s6 =	simm.s32 $0x108;
	_ =	swait.ge @!p0 [sflag:s8], $0x0  }
0x24: {  	s3 =	sadd.s32 $0x88, s3;
	s6 =	simm.s32 @!p1 $0x1082;
	[sflag:s4] =	ssyncset.s32 $0xFFFFF086  }
0x25: {  	[simem:s6], [sflag:s4] =	dma.local [hbm:s3], $0xF7A  }
0x26: {  	[smem:$0x3F97] =	sst s1;
	(tag) =	ssettag s2;
	_ =	strace s9  }
0x27: {  	s1 =	sld [smem:$0x3FA7]  }
0x28: {  	s2 =	sld [smem:$0x3FA8]  }
0x29: {  	s4 =	sld [smem:$0x3FAA]  }
0x2a: {  	p0 =	seq.s32 s5, $0x0;
	s5 =	sld [smem:$0x3FAB]  }
0x2b: {  	s6 =	sld [smem:$0x3FAC]  }
0x2c: {  	s7 =	sld [smem:$0x3FAD]  }
0x2d: {  	s3 =	simm.s32 $0x108;
	s8 =	sld [smem:$0x3FAE]  }
0x2e: {  	s3 =	simm.s32 @!p0 $0x1082;
	s9 =	sld [smem:$0x3FAF]  }
0x2f: {  	lr =	sadd.s32 s0, s3;
	s0 =	sld [smem:$0x3FA6]  }
0x30: {  	s3 =	sld [smem:$0x3FA9]  }
0x31: {  	[smem:$0x3FB2] =	sst s10  }
0x32: {  	s10 =	sld [smem:$0x3FB0];
	_ =	sdelay $0x3  }
0x33: {  	p0 =	seq.s32 s10, $0x1;
	s10 =	sld [smem:$0x3FB2];
	_ =	sdelay $0x3  }
0x34: {  	[smem:$0x3FB2] =	sst s10  }
0x35: {  	s10 =	sld [smem:$0x3FB1];
	_ =	sdelay $0x3  }
0x36: {  	p1 =	seq.s32 s10, $0x1;
	s10 =	sld [smem:$0x3FB2];
	_ =	sdelay $0x3  }
0x37: {  	[smem:$0x3FB2] =	sst s10  }
0x38: {  	s10 =	sld [smem:$0x3FB3]  }
0x39: {  	_ = 	snop;
	(pc) =	sbr.ind lr, $3  }
0x3a: {  	_ = 	snop  }
0x3b: {  	_ = 	snop  }
0x3c: {  	p2 =	seq.s32 s10, $0x1;
	s10 =	sld [smem:$0x3FB2]  }
0x3d: {  	_ =	shalt  }
0x3e: {  	_ =	shalt  }
0x3f: {  	_ =	shalt  }
0x40: {  	_ =	shalt  }
0x41: {  	_ =	shalt  }
0x42: {  	_ =	shalt  }
0x43: {  	_ =	shalt  }
0x44: {  	_ =	shalt  }
0x45: {  	_ =	shalt  }
0x46: {  	_ =	shalt  }
0x47: {  	_ =	shalt  }
0x48: {  	_ =	shalt  }
0x49: {  	_ =	shalt  }
0x4a: {  	_ =	shalt  }
0x4b: {  	_ =	shalt  }
0x4c: {  	_ =	shalt  }
0x4d: {  	_ =	shalt  }
0x4e: {  	_ =	shalt  }
0x4f: {  	_ =	shalt  }
0x50: {  	_ =	shalt  }
0x51: {  	_ =	shalt  }
0x52: {  	_ =	shalt  }
0x53: {  	_ =	shalt  }
0x54: {  	_ =	shalt  }
0x55: {  	_ =	shalt  }
0x56: {  	_ =	shalt  }
0x57: {  	_ =	shalt  }
0x58: {  	_ =	shalt  }
0x59: {  	_ =	shalt  }
0x5a: {  	_ =	shalt  }
0x5b: {  	_ =	shalt  }
0x5c: {  	_ =	shalt  }
0x5d: {  	_ =	shalt  }
0x5e: {  	_ =	shalt  }
0x5f: {  	_ =	shalt  }
0x60: {  	_ =	shalt  }
0x61: {  	_ =	shalt  }
0x62: {  	_ =	shalt  }
0x63: {  	_ =	shalt  }
0x64: {  	_ =	shalt  }
0x65: {  	_ =	shalt  }
0x66: {  	_ =	shalt  }
0x67: {  	_ =	shalt  }
0x68: {  	_ =	shalt  }
0x69: {  	_ =	shalt  }
0x6a: {  	_ =	shalt  }
0x6b: {  	_ =	shalt  }
0x6c: {  	_ =	shalt  }
0x6d: {  	_ =	shalt  }
0x6e: {  	_ =	shalt  }
0x6f: {  	_ =	shalt  }
0x70: {  	_ =	shalt  }
0x71: {  	_ =	shalt  }
0x72: {  	_ =	shalt  }
0x73: {  	_ =	shalt  }
0x74: {  	_ =	shalt  }
0x75: {  	_ =	shalt  }
0x76: {  	_ =	shalt  }
0x77: {  	_ =	shalt  }
0x78: {  	_ =	shalt  }
0x79: {  	_ =	shalt  }
0x7a: {  	_ =	shalt  }
0x7b: {  	_ =	shalt  }
0x7c: {  	_ =	shalt  }
0x7d: {  	_ =	shalt  }
0x7e: {  	_ =	shalt  }
0x7f: {  	_ =	shalt  }
0x80: {  	_ =	shalt  }
0x81: {  	_ =	shalt  }
0x82: {  	_ =	shalt  }
0x83: {  	_ =	shalt  }
0x84: {  	_ =	shalt  }
0x85: {  	_ =	shalt  }
0x86: {  	_ =	shalt  }
0x87: {  	_ =	shalt  }
.Lfunc_end0:
.L_simem_size_0:
called_computation_lowered:
.L_overlay_start_0:
0x88: {  	s2 =	sld [smem:$0x3FD9]  }
0x89: {  	s3 =	sld [smem:$0x3FFE];
	_ =	sdelay $0x1  }
0x8a: {  	s1 =	srdreg.scid  }
0x8b: {  	s0 =	sand.u32 $0x1, s1  }
0x8c: {  	s17 =	sshll.u32 s0, $0xA;
	s2 =	sadd.s32 s3, s2  }
0x8d: {  	s2 =	sadd.s32 s2, s17  }
0x8e: {  	[smem:$0x3FBE] =	sst s2  }
0x8f: {  	_ = 	snop  }
0x90: {  	s18 =	sld [smem:$0x3FC7];
	(tm) =	ssettm $0x1  }
0x91: {  	s19 =	sld [smem:$0x3FFB];
	_ =	sdelay $0x3  }
0x92: {  	_ =	strace s19  }
0x93: {  	s2 =	sld [smem:$0x3FFC];
	_ =	sdelay $0x3  }
0x94: {  	_ =	strace s2  }
0x95: {  	s2 =	sld [smem:$0x3FFD];
	_ =	sdelay $0x3  }
0x96: {  	_ =	strace s2  }
0x97: {  	_ =	strace $0x8FFFFFFF  }
0x98: {  	s20 =	sld [smem:$0x3FDB];
	_ =	sdelay $0x1  }
0x99: {  	s4 =	simm.s32 $_scs_section_size  }
0x9a: {  	s5 =	simm.s32 $_size__tile_overlayer_lowered;
	s6 =	simm.s32 $_tile_overlayer_lowered  }
0x9b: {  	s7 =	simm.s32 $0x1BFF;
	s21 =	sshll.u32 s6, $0x1;
	s4 =	sadd.s32 s4, s20  }
0x9c: {  	s22 =	simm.s32 $0x0;
	s5 =	sshll.u32 s5, $0x1;
	s6 =	sadd.s32 s21, s4  }
0x9d: {  	[timem:s22], [sflag:s7] =	dma.local [hbm:s6], s5  }
0x9e: {  	_ =	swait.ge [sflag:s7], s5  }
0x9f: {  	s5 =	ssub.s32 $0x0, s5;
	[sflag:s7] =	ssyncset.done $0x0  }
0xa0: {  	[sflag:s7] =	ssyncadd.s32 s5;
	_ =	sdelay $0x1  }
0xa1: {  	s23 =	simm.s32 $0x1B8B  }
0xa2: {  	_ =	swait.ge [sflag:s23], $0x1  }
0xa3: {  	[sflag:s23] =	ssyncset.done $0x0  }
0xa4: {  	[sflag:s23] =	ssyncadd.s32 $0xFFFFFFFF  }
0xa5: {  	s5 =	sld [smem:$0x0]  }
0xa6: {  	s6 =	sand.u32 $0xFFFFFFFE, s1  }
0xa7: {  	p0 =	sne.s32 s1, s6  }
0xa8: {  	s6 =	sshll.u32 @p0 s6, $0xE  }
0xa9: {  	s6 =	sadd.s32 @p0 $0x11B8D, s6;
	s7 =	sshll.u32 @p0 s5, $0x11  }
0xaa: {  	s6 =	sor.u32 @p0 s7, s6  }
0xab: {  	[sflag:s6] =	ssyncadd.remote.s32 @p0 $0x1;
	_ =	sdelay $0x1  }
0xac: {  	s6 =	simm.s32 @p0 $0x1B8D  }
0xad: {  	_ =	swait.eq @p0 [sflag:s6], $0x1  }
0xae: {  	[sflag:s6] =	ssyncadd.s32 @p0 $0xFFFFFFFF  }
0xaf: {  	s7 =	sshll.u32 @!p0 s1, $0xE  }
0xb0: {  	s7 =	sor.u32 @!p0 $0x4000, s7;
	s6 =	simm.s32 @!p0 $0x1B8D  }
0xb1: {  	s5 =	sshll.u32 @!p0 s5, $0x11;
	s7 =	sadd.s32 @!p0 $0x11B8D, s7;
	_ =	swait.eq @!p0 [sflag:s6], $0x1  }
0xb2: {  	s5 =	sor.u32 @!p0 s5, s7;
	[sflag:s6] =	ssyncadd.s32 @!p0 $0xFFFFFFFF  }
0xb3: {  	s25 =	simm.s32 $0x1B8E;
	s24 =	sld [smem:$0x3FFE];
	[sflag:s5] =	ssyncadd.remote.s32 @!p0 $0x1  }
0xb4: {  	s26 =	simm.s32 $execute0_lowered;
	[smem:$0x3FD2] =	sst s25  }
0xb5: {  	s6 =	sshll.u32 s26, $0x1;
	_ =	strace $0x8000004F;
	[dreg:$0x1] =	wrdreg $0xFFFFFFFF  }
0xb6: {  	s28 =	simm.s32 $_size_execute0_lowered;
	s4 =	sadd.s32 s4, s6;
	[dreg:$0x0] =	wrdreg $0x0  }
0xb7: {  	s6 =	sshll.u32 s28, $0x1;
	[dreg:$0x2] =	wrdreg s4  }
0xb8: {  	[dreg:$0x3] =	wrdreg s6  }
0xb9: {  	[dreg:$0x4] =	wrdreg $0xC0  }
0xba: {  	_ =	task [dreg:s22], $0x5FFFF  }
0xbb: {  	[dreg:$0x1] =	wrdreg $0xFFFFFFFF  }
0xbc: {  	[dreg:$0x0] =	wrdreg $0x60  }
0xbd: {  	[dreg:$0x2] =	wrdreg s24  }
0xbe: {  	[dreg:$0x3] =	wrdreg s18  }
0xbf: {  	[dreg:$0x4] =	wrdreg $0xA3000  }
0xc0: {  	[dreg:$0x5] =	wrdreg $0x9  }
0xc1: {  	_ =	task.clear_ibuf [dreg:s22], $0x6FFFF;
	_ =	strace $0x9000004F  }
0xc2: {  	s29 =	simm.s32 $0x9;
	_ =	strace $0x80000051  }
0xc3: {  	_ =	swait.ge [sflag:s29], $0x1  }
0xc4: {  	[sflag:s29] =	ssyncadd.s32 $0xFFFFFFFF  }
0xc5: {  	_ =	strace $0x90000051  }
0xc6: {  	_ =	sfence  }
0xc7: {  	s30 =	sld [smem:$0x0];
	_ =	sdelay $0x2  }
0xc8: {  	s31 =	sshll.u32 s1, $0xD;
	s1 =	sshrl.u32 s1, $0x2  }
0xc9: {  	s4 =	sand.u32 $0x4000, s31;
	s1 =	sadd.s32 s1, s30  }
0xca: {  	s0 =	sor.u32 s4, s0;
	s1 =	sshll.u32 s1, $0x11  }
0xcb: {  	s0 =	sor.u32 s1, s0  }
0xcc: {  	s0 =	sadd.s32 $0x8F2B, s0  }
0xcd: {  	[sflag:s0] =	ssyncadd.remote.s32 $0x1  }
0xce: {  	_ =	sfence.sel $0xFFFF  }
0xcf: {  	[dreg:$0x0] =	wrdreg $0xFFFFFFFF;
	(pc) =	sbr.abs _section_cstart, $3  }
0xd0: {  	[dreg:$0x1] =	wrdreg $0xFFFFFFFF  }
0xd1: {  	_ =	task.clear_ibuf [dreg:s22], $0x2FFFF;
	_ =	strace $0x9FFFFFFF  }
0xd2: {  	(tm) =	ssettm $0x7FFFFFFF  }
0xd3: {  	_ =	shalt  }
tec
execute0_lowered:
.L_overlay_start_1:
0x0: {  	(tag) =	ssettag $0x1  }
0x1: {  	s0 =	rddreg [dreg:$0x0]  }
0x2: {  	s1 =	rddreg [dreg:$0x1]  }
0x3: {  	s2 =	rddreg [dreg:$0x2];
	s3 =	simm.s32 $0x0  }
0x4: {  	s10 =	srdreg.scid;
	s14 =	stileid.u32;
	s17 =	simm.s32 $0x100  }
0x5: {  	s18 =	simm.s32 $0x50;
	s19 =	simm.s32 $0x300;
	s21 =	simm.s32 $0x2B00  }
0x6: {  	s22 =	simm.s32 $0x5300;
	s23 =	simm.s32 $0x280;
	s24 =	simm.s32 $0x180  }
0x7: {  	s25 =	simm.s32 $0x200;
	[smem:$0x7FF] =	sst s3;
	s4 =	sadd.s32 $0xF800, s0  }
0x8: {  	s20 =	simm.s32 $0x1;
	s6 =	sadd.s32 $0x23C600, s0;
	s7 =	sadd.s32 $0x375600, s0  }
0x9: {  	s5 =	sadd.s32 $0x5A00, s0;
	s8 =	sadd.s32 $0x34E400, s0;
	s9 =	sadd.s32 $0x5800, s0  }
0xa: {  	s11 =	sand.u32 $0x1, s10;
	s15 =	sshll.u32 s14, $0x1;
	s31 =	sadd.s32 $0x39C800, s0  }
0xb: {  	p0 =	sne.s32 s14, $0x0;
	_ =	strace $0x80000050;
	s12 =	smul.u32 $0x29880, s11  }
0xc: {  	s13 =	ssub.s32 $0x2, s11;
	[dreg:$0x4] =	wrdreg s31;
	s11 =	sor.u32 s11, s15  }
0xd: {  	s14 =	sshrl.u32 @!p0 s2, $0x3;
	s15 =	simm.s32 $0x2;
	s16 =	sshrl.u32 s13, $0x1  }
0xe: {  	s11 =	smul.u32 $0x2710, s11;
	s0 =	sadd.s32 s12, s0;
	s13 =	ssub.s32 s13, s16  }
0xf: {  	s16 =	simm.s32 $0x80;
	s12 =	sadd.s32 $0x4BF800, s0;
	s13 =	smax.u32 s13, $0x1  }
.LBB2_1:
0x10: {  	s0 =	simm.s32 @!p0 $0x1C02;
	s10 =	rddreg [dreg:$0x4]  }
0x11: {  	[spmem:s14], [sflag:s0] =	dma.local @!p0 [hbm:s10], $0x29830  }
0x12: {  	s0 =	simm.s32 @!p0 $0x2  }
0x13: {  	_ =	swait.ge @!p0 [sflag:s0], $0x29830  }
0x14: {  	[sflag:s0] =	ssyncset.done @!p0 $0x0  }
0x15: {  	[sflag:s0] =	ssyncadd.s32 @!p0 $0xFFFD67D0  }
0x16: {  	s26 =	simm.s32 $0x0;
	[bflag:$0x0] =	sbarrier.arrive $0xFFFF  }
.LBB2_2:
0x17: {  	s0 =	smul.u32 $0x50, s26;
	_ =	sdelay $0x1  }
0x18: {  	s0 =	sadd.s32 s11, s0  }
0x19: {  	s0 =	sshrl.u32 s0, $0x3  }
0x1a: {  	s29 =	simm.s32 $0x0;
	s28 =	sadd.s32 s4, s0  }
0x1b: {  	[tilespmem:s29], [sflag:$0x2] =	stream.linear.gather [hbm4b:s28+s29], $0x50, $0x38;
	[tilespmem:$0x1EF18] =	vst v63  }
0x1c: {  	_ =	swait.ge [sflag:s15], $0x50  }
0x1d: {  	[sflag:s15] =	ssyncset.done $0x0  }
0x1e: {  	s28 =	sadd.s32 s5, s0;
	[sflag:s15] =	ssyncadd.s32 $0xFFFFFFB0  }
0x1f: {  	[tilespmem:s16], [sflag:$0x2] =	stream.linear.gather [hbm4b:s28+s29], $0x50, $0x38;
	[tilespmem:$0x1EF18] =	vst v63  }
0x20: {  	_ =	swait.ge [sflag:s15], $0x50  }
0x21: {  	[sflag:s15] =	ssyncset.done $0x0  }
0x22: {  	s0 =	sadd.s32 s1, s0;
	[sflag:s15] =	ssyncadd.s32 $0xFFFFFFB0  }
0x23: {  	[tilespmem:s17], [sflag:$0x2] =	stream.linear.gather [hbm4b:s0+s29], $0x50, $0x38;
	[tilespmem:$0x1EF18] =	vst v63  }
0x24: {  	_ =	swait.ge [sflag:s15], $0x50  }
0x25: {  	[sflag:s15] =	ssyncset.done $0x0  }
0x26: {  	[sflag:s15] =	ssyncadd.s32 $0xFFFFFFB0  }
0x27: {  	[tilespmem:s19], [sflag:$0x1] =	stream.indirect.gather [hbm4b:s6+s18], $0x80, s29, s18, $0xb8;
	[tilespmem:$0x1EF18] =	vst v63  }
0x28: {  	_ =	swait.ge [sflag:s20], $0x2800  }
0x29: {  	[sflag:s20] =	ssyncset.done $0x0  }
0x2a: {  	[sflag:s20] =	ssyncadd.s32 $0xFFFFD800  }
0x2b: {  	[tilespmem:s21], [sflag:$0x1] =	stream.indirect.gather [hbm4b:s7+s18], $0x80, s16, s18, $0xb8;
	[tilespmem:$0x1EF18] =	vst v63  }
0x2c: {  	_ =	swait.ge [sflag:s20], $0x2800  }
0x2d: {  	[sflag:s20] =	ssyncset.done $0x0  }
0x2e: {  	[sflag:s20] =	ssyncadd.s32 $0xFFFFD800  }
0x2f: {  	[tilespmem:s22], [sflag:$0x1] =	stream.indirect.gather [hbm4b:s8+s18], $0x80, s29, s18, $0xb8;
	[tilespmem:$0x1EF18] =	vst v63  }
0x30: {  	_ =	swait.ge [sflag:s20], $0x2800  }
0x31: {  	[sflag:s20] =	ssyncset.done $0x0  }
0x32: {  	[sflag:s20] =	ssyncadd.s32 $0xFFFFD800  }
0x33: {  	v0 =	vld [tilespmem:$0x100]  }
0x34: {  	v1 =	vld [tilespmem:$0x80]  }
0x35: {  	v2 =	vld [tilespmem:$0x110]  }
0x36: {  	v3 =	vld [tilespmem:$0x90];
	_ =	sdelay $0x1  }
0x37: {  	vm0 =	veq.s32 v0, $0x0;
	v0 =	vld [tilespmem:$0x120]  }
0x38: {  	v4 =	vld [tilespmem:$0xA0]  }
0x39: {  	vm9 =	veq.s32 v2, $0x0;
	v1 =	vnsel vm0, $0x2710, v1  }
0x3a: {  	v2 =	vnsel vm9, $0x2710, v3;
	[tilespmem:$0x180] =	vst v1  }
0x3b: {  	v3 =	vld [tilespmem:$0x130];
	v5 =	vshrl.u32 v1, $0x4;
	v1 =	vand.u32 $0xF, v1;
	[tilespmem:$0x190] =	vst v2  }
0x3c: {  	v5 =	vadd.s32 $0x2711, v5;
	[tilespmem:$0x280] =	vst v1;
	v1 =	vshrl.u32 v2, $0x4;
	vm10 =	veq.s32 v0, $0x0;
	v0 =	vld [tilespmem:$0xB0]  }
0x3d: {  	[tilespmem:$0x200] =	vst v5;
	v1 =	vadd.s32 $0x2711, v1;
	v4 =	vnsel vm10, $0x2710, v4  }
0x3e: {  	v5 =	vld [tilespmem:$0x140];
	[tilespmem:$0x210] =	vst v1;
	v1 =	vand.u32 $0xF, v2;
	v2 =	vshrl.u32 v4, $0x4  }
0x3f: {  	[tilespmem:$0x290] =	vst v1;
	v1 =	vadd.s32 $0x2711, v2;
	v2 =	vld [tilespmem:$0xC0]  }
0x40: {  	vm11 =	veq.s32 v3, $0x0;
	[tilespmem:$0x1A0] =	vst v4  }
0x41: {  	[tilespmem:$0x220] =	vst v1;
	v1 =	vand.u32 $0xF, v4;
	v0 =	vnsel vm11, $0x2710, v0  }
0x42: {  	[tilespmem:$0x2A0] =	vst v1;
	v1 =	vshrl.u32 v0, $0x4  }
0x43: {  	vm12 =	veq.s32 v5, $0x0;
	[tilespmem:$0x1B0] =	vst v0;
	v1 =	vadd.s32 $0x2711, v1  }
0x44: {  	v0 =	vand.u32 $0xF, v0;
	[tilespmem:$0x230] =	vst v1;
	v1 =	vnsel vm12, $0x2710, v2  }
0x45: {  	[tilespmem:$0x2B0] =	vst v0;
	v0 =	vshrl.u32 v1, $0x4  }
0x46: {  	[tilespmem:$0x1C0] =	vst v1;
	v0 =	vadd.s32 $0x2711, v0  }
0x47: {  	[tilespmem:$0x240] =	vst v0;
	v0 =	vand.u32 $0xF, v1  }
0x48: {  	s28 =	simm.s32 $0x0;
	[tilespmem:$0x2C0] =	vst v0  }
0x49: {  	v0 =	vld [tilespmem:s28+$0x300]  }
0x4a: {  	v1 =	vld [tilespmem:s28+$0x2B00];
	_ =	sdelay $0x4  }
0x4b: {  	v0 =	vadd.f32 v1, v0;
	_ =	sdelay $0x1  }
0x4c: {  	s29 =	simm.s32 $0x80;
	v1 =	vmul.f32 $2.000000030e-01, v0  }
0x4d: {  	v2 =	vld [tilespmem:s29+$0x300];
	vm13 =	vgt.f32 v0, $0.0e+00  }
0x4e: {  	v3 =	vld [tilespmem:s29+$0x2B00];
	v0 =	vsel vm13, v0, v1  }
0x4f: {  	s30 =	simm.s32 $0x100;
	v0 =	vmul.f32 $1.442695020e+00, v0  }
0x50: {  	v1 =	vld [tilespmem:s30+$0x300]  }
0x51: {  	(erf) = vpow2.f32 v0;
	v0 =	vld [tilespmem:s30+$0x2B00];
	_ =	sdelay $0x1  }
0x52: {  	v2 =	vadd.f32 v3, v2;
	_ =	sdelay $0x1  }
0x53: {  	v3 =	vmul.f32 $2.000000030e-01, v2  }
0x54: {  	vm14 =	vgt.f32 v2, $0.0e+00;
	v4 =	vadd.f32 v0, v1  }
0x55: {  	v0 =	vsel vm14, v2, v3  }
0x56: {  	s31 =	simm.s32 $0x180;
	v1 =	vmul.f32 $1.442695020e+00, v0;
	v2 =	vmul.f32 $2.000000030e-01, v4  }
0x57: {  	v0 =	vld [tilespmem:s31+$0x300]  }
0x58: {  	(erf) = vpow2.f32 v1;
	v1 =	vld [tilespmem:s31+$0x2B00]  }
0x59: {  	vm15 =	vgt.f32 v4, $0.0e+00  }
0x5a: {  	s0 =	simm.s32 $0x800;
	v3 =	vsel vm15, v4, v2;
	v2 =	vpop (erf)  }
.LBB2_3:
0x5b: {  	s10 =	sshra.s32 s0, $0x2  }
0x5c: {  	v3 =	vmul.f32 $1.442695020e+00, v3;
	[tilespmem:s28+$0x7B00] =	vst v2;
	s28 =	smov.u32 s29;
	s29 =	smov.u32 s30;
	p1 =	sne.s32 s0, $0x9E00  }
.Ltmp0:
0x5d: {  	s0 =	sadd.s32 $0x200, s0;
	v2 =	vadd.f32 v1, v0;
	v0 =	vld [tilespmem:s10+$0x300];
	(pc) =	sbr.rel @p1 .LBB2_3-.Ltmp0, $4  }
0x5e: {  	s30 =	smov.u32 s31;
	s31 =	smov.u32 s10;
	v1 =	vld [tilespmem:s10+$0x2B00];
	(erf) = vpow2.f32 v3  }
0x5f: {  	v3 =	vmul.f32 $2.000000030e-01, v2  }
0x60: {  	vm0 =	vgt.f32 v2, $0.0e+00  }
0x61: {  	v3 =	vsel vm0, v2, v3;
	v2 =	vpop (erf)  }
0x62: {  	_ = 	snop  }
0x63: {  	v0 =	vadd.f32 v1, v0;
	_ =	sdelay $0x1  }
0x64: {  	v1 =	vmul.f32 $2.000000030e-01, v0  }
0x65: {  	vm0 =	vgt.f32 v0, $0.0e+00  }
0x66: {  	v3 =	vmul.f32 $1.442695020e+00, v3;
	v0 =	vsel vm0, v0, v1  }
0x67: {  	v0 =	vmul.f32 $1.442695020e+00, v0  }
0x68: {  	(erf) = vpow2.f32 v3  }
0x69: {  	(erf) = vpow2.f32 v0;
	_ =	sdelay $0x6  }
0x6a: {  	[tilespmem:s28+$0x7B00] =	vst v2;
	v0 =	vpop (erf)  }
0x6b: {  	[tilespmem:s29+$0x7B00] =	vst v0;
	v0 =	vpop (erf)  }
0x6c: {  	[tilespmem:s30+$0x7B00] =	vst v0;
	v0 =	vpop (erf)  }
0x6d: {  	[tilespmem:s31+$0x7B00] =	vst v0  }
0x6e: {  	[tilespmem:s21], [sflag:$0x1] =	stream.indirect.gather [hbm4b:s9+s18], $0x80, s23, s18, $0xb8;
	[tilespmem:$0x1EF18] =	vst v63  }
0x6f: {  	_ =	swait.ge [sflag:s20], $0x2800  }
0x70: {  	[sflag:s20] =	ssyncset.done $0x0  }
0x71: {  	s28 =	simm.s32 $0x0;
	[sflag:s20] =	ssyncadd.s32 $0xFFFFD800  }
0x72: {  	v0 =	vld [tilespmem:s28+$0x7B00]  }
0x73: {  	v3 =	vld [tilespmem:s28+$0x2B00]  }
0x74: {  	v6 =	vld [tilespmem:s28+$0x2B10]  }
0x75: {  	v5 =	vld [tilespmem:s28+$0x2B20]  }
0x76: {  	v4 =	vld [tilespmem:s28+$0x2B30]  }
0x77: {  	v2 =	vld [tilespmem:s28+$0x2B40]  }
0x78: {  	v1 =	vld [tilespmem:s28+$0x2B50];
	v7 =	vmul.f32 v3, v0  }
0x79: {  	s29 =	simm.s32 $0x200;
	v6 =	vmul.f32 v6, v0;
	v3 =	vld [tilespmem:s28+$0x2B60]  }
.LBB2_5:
0x7a: {  	p1 =	sne.s32 s29, $0x9E00;
	[tilespmem:s28+$0x2B00] =	vst v7;
	v5 =	vmul.f32 v5, v0;
	v7 =	vld [tilespmem:s28+$0x2B70]  }
0x7b: {  	v8 =	vld [tilespmem:s28+$0x5300];
	[tilespmem:s28+$0x2B10] =	vst v6;
	v4 =	vmul.f32 v4, v0  }
0x7c: {  	v6 =	vld [tilespmem:s28+$0x5310];
	[tilespmem:s28+$0x2B20] =	vst v5;
	v2 =	vmul.f32 v2, v0  }
0x7d: {  	v5 =	vld [tilespmem:s28+$0x5320];
	[tilespmem:s28+$0x2B30] =	vst v4;
	v1 =	vmul.f32 v1, v0  }
0x7e: {  	v4 =	vld [tilespmem:s28+$0x5330];
	[tilespmem:s28+$0x2B40] =	vst v2;
	v2 =	vmul.f32 v3, v0  }
0x7f: {  	v3 =	vld [tilespmem:s28+$0x5340];
	[tilespmem:s28+$0x2B50] =	vst v1;
	v1 =	vmul.f32 v7, v0  }
0x80: {  	v7 =	vmul.f32 v8, v0;
	v8 =	vld [tilespmem:s28+$0x5350];
	[tilespmem:s28+$0x2B60] =	vst v2  }
0x81: {  	v2 =	vmul.f32 v6, v0;
	v6 =	vld [tilespmem:s28+$0x5360];
	[tilespmem:s28+$0x2B70] =	vst v1  }
0x82: {  	s0 =	sshra.s32 s29, $0x2;
	[tilespmem:s28+$0x300] =	vst v7;
	v1 =	vmul.f32 v5, v0;
	v7 =	vld [tilespmem:s28+$0x5370]  }
0x83: {  	v9 =	vld [tilespmem:s0+$0x7B00];
	[tilespmem:s28+$0x310] =	vst v2;
	v2 =	vmul.f32 v4, v0  }
0x84: {  	v10 =	vld [tilespmem:s0+$0x2B00];
	[tilespmem:s28+$0x320] =	vst v1;
	v1 =	vmul.f32 v3, v0  }
0x85: {  	v3 =	vld [tilespmem:s0+$0x2B10];
	[tilespmem:s28+$0x330] =	vst v2;
	v2 =	vmul.f32 v8, v0  }
.Ltmp1:
0x86: {  	v5 =	vld [tilespmem:s0+$0x2B20];
	[tilespmem:s28+$0x340] =	vst v1;
	v1 =	vmul.f32 v6, v0;
	(pc) =	sbr.rel @p1 .LBB2_5-.Ltmp1, $4  }
0x87: {  	v4 =	vld [tilespmem:s0+$0x2B30];
	[tilespmem:s28+$0x350] =	vst v2;
	v6 =	vmul.f32 v7, v0  }
0x88: {  	v2 =	vld [tilespmem:s0+$0x2B40];
	[tilespmem:s28+$0x360] =	vst v1;
	v0 =	vmov v9  }
0x89: {  	v7 =	vmul.f32 v10, v0;
	v1 =	vld [tilespmem:s0+$0x2B50];
	[tilespmem:s28+$0x370] =	vst v6;
	s28 =	smov.u32 s0  }
0x8a: {  	s29 =	sadd.s32 $0x200, s29;
	v6 =	vmul.f32 v3, v0;
	v3 =	vld [tilespmem:s28+$0x2B60]  }
0x8b: {  	[tilespmem:s28+$0x2B00] =	vst v7;
	v52 =	vld [tilespmem:s28+$0x2B70];
	v5 =	vmul.f32 v5, v0  }
0x8c: {  	v8 =	vld [tilespmem:s28+$0x5300];
	[tilespmem:s28+$0x2B10] =	vst v6;
	v4 =	vmul.f32 v4, v0  }
0x8d: {  	v53 =	vld [tilespmem:s28+$0x5310];
	[tilespmem:s28+$0x2B20] =	vst v5;
	v2 =	vmul.f32 v2, v0  }
0x8e: {  	v54 =	vld [tilespmem:s28+$0x5320];
	[tilespmem:s28+$0x2B30] =	vst v4;
	v1 =	vmul.f32 v1, v0  }
0x8f: {  	v55 =	vld [tilespmem:s28+$0x5330];
	[tilespmem:s28+$0x2B40] =	vst v2;
	v3 =	vmul.f32 v3, v0  }
0x90: {  	v56 =	vld [tilespmem:s28+$0x5340];
	[tilespmem:s28+$0x2B50] =	vst v1;
	v7 =	vmul.f32 v52, v0  }
0x91: {  	v57 =	vld [tilespmem:s28+$0x5350];
	v58 =	vmul.f32 v8, v0;
	[tilespmem:s28+$0x2B60] =	vst v3  }
0x92: {  	v59 =	vld [tilespmem:s28+$0x5360];
	v6 =	vmul.f32 v53, v0;
	[tilespmem:s28+$0x2B70] =	vst v7  }
0x93: {  	v61 =	vld [tilespmem:s28+$0x5370];
	v60 =	vmul.f32 v54, v0;
	[tilespmem:s28+$0x300] =	vst v58  }
0x94: {  	v4 =	vmul.f32 v55, v0;
	[tilespmem:s28+$0x310] =	vst v6  }
0x95: {  	v2 =	vmul.f32 v56, v0;
	[tilespmem:s28+$0x320] =	vst v60  }
0x96: {  	v1 =	vmul.f32 v57, v0;
	[tilespmem:s28+$0x330] =	vst v4  }
0x97: {  	v62 =	vmul.f32 v59, v0;
	[tilespmem:s28+$0x340] =	vst v2  }
0x98: {  	v63 =	vmul.f32 v61, v0;
	[tilespmem:s28+$0x350] =	vst v1  }
0x99: {  	[tilespmem:s28+$0x360] =	vst v62  }
0x9a: {  	[tilespmem:s28+$0x370] =	vst v63  }
0x9b: {  	[spmem:s2] =	stream.indirect.scatter.add.f32 [tilespmem:s19], [sflag:$0x2], $0x80, s24, s18, $0xb8;
	[tilespmem:$0x1EF18] =	vst v63  }
0x9c: {  	s26 =	sadd.s32 $0x1, s26;
	_ =	swait.ge [sflag:s15], $0x2800  }
0x9d: {  	p1 =	sne.s32 s26, $0x7D;
	[sflag:s15] =	ssyncset.done $0x0  }
.Ltmp2:
0x9e: {  	[sflag:s15] =	ssyncadd.s32 $0xFFFFD800;
	(pc) =	sbr.rel @p1 .LBB2_2-.Ltmp2, $4  }
0x9f: {  	[spmem:s2] =	stream.indirect.scatter.add.f32 [tilespmem:s21], [sflag:$0x2], $0x80, s25, s18, $0xb8;
	[tilespmem:$0x1EF18] =	vst v63  }
0xa0: {  	_ =	swait.ge [sflag:s15], $0x2800  }
0xa1: {  	[sflag:s15] =	ssyncset.done $0x0  }
0xa2: {  	[sflag:s15] =	ssyncadd.s32 $0xFFFFD800  }
0xa3: {  	[bflag:$0x0] =	sbarrier.arrive $0xFFFF;
	s0 =	simm.s32 @!p0 $0x1C02;
	s3 =	sadd.s32 $0x1, s3  }
0xa4: {  	[hbm:s12], [sflag:s0] =	dma.local @!p0 [spmem:s14], $0x29830  }
0xa5: {  	p1 =	sne.s32 s3, s13  }
.Ltmp3:
0xa6: {  	_ = 	snop;
	(pc) =	sbr.rel @p1 .LBB2_1-.Ltmp3, $4  }
0xa7: {  	s0 =	simm.s32 @!p0 $0x2  }
0xa8: {  	_ =	swait.ge @!p0 [sflag:s0], $0x29830  }
0xa9: {  	[sflag:s0] =	ssyncset.done @!p0 $0x0  }
0xaa: {  	[sflag:s0] =	ssyncadd.s32 @!p0 $0xFFFD67D0  }
0xab: {  	_ =	sfence.sel $0x180000  }
0xac: {  	[bflag:$0x0] =	sbarrier.arrive $0xFFFF  }
0xad: {  	_ =	strace $0x90000050  }
0xae: {  	[bflag:$0x2] =	sbarrier.arrive $0xFFFF  }
0xaf: {  	s0 =	rddreg [dreg:$0x3]  }
0xb0: {  	s0 =	sadd.s32 @!p0 $0x100000, s0  }
0xb1: {  	[sflag:s0] =	ssyncadd.tile.s32 @!p0 $0x1;
	_ =	shalt  }
.Lfunc_end2:
_tile_overlayer_lowered:
.L_overlay_start_2:
0xb2: {  	(tag) =	ssettag $0x2  }
0xb3: {  	s0 =	rddreg [dreg:$0x0];
	s2 =	stileid.u32  }
0xb4: {  	s1 =	rddreg [dreg:$0x1];
	p0 =	sne.s32 s2, $0x0  }
0xb5: {  	s3 =	rddreg [dreg:$0x2];
	[bflag:$0x3] =	sbarrier.arrive $0xFFFF;
	s2 =	simm.s32 @!p0 $0x1C02  }
0xb6: {  	[timem:s3], [sflag:s2] =	dma.local @!p0 [hbm:s0], s1  }
0xb7: {  	s0 =	simm.s32 @!p0 $0x2  }
0xb8: {  	_ =	swait.ge @!p0 [sflag:s0], s1  }
0xb9: {  	s1 =	ssub.s32 @!p0 $0x0, s1;
	[sflag:s0] =	ssyncset.done @!p0 $0x0  }
0xba: {  	[sflag:s0] =	ssyncadd.s32 @!p0 s1  }
0xbb: {  	[bflag:$0x3] =	sbarrier.arrive $0xFFFF  }
0xbc: {  	_ =	shalt  }

</sc_bundles>
